<compile_context>
chip_gen: v7x
topology: tpu7x:2x2x1
jax: 0.10.2.dev20260603
libtpu: 0.0.44.dev20260713+nightly
codegen_flags: <defaults>
</compile_context>

<pallas_src>
import functools

import jax
import jax.numpy as jnp
from jax import lax
from jax.experimental import pallas as pl
from jax.experimental.pallas import tpu as pltpu
from jax.experimental.pallas import tpu_sc as plsc

EPS = 1e-07
NC = 2
NS = 16
LANES = 16
CH = 128


def _sc_edge_pass(n_nodes, d_feat, e_pad):
    half = d_feat // 2
    epw = e_pad // NS
    nchunk = epw // CH
    nacc = n_nodes + LANES
    rpw = (n_nodes // NS) & ~7
    tail = n_nodes - NS * rpw
    ztail = nacc - NS * rpw
    mesh = plsc.VectorSubcoreMesh(core_axis_name="c", subcore_axis_name="s")

    def _chunked(total):
        done = 0
        while done < total:
            step = min(CH, total - done)
            yield done, step
            done += step

    @functools.partial(
        pl.kernel,
        out_type=jax.ShapeDtypeStruct((NC, n_nodes, half), jnp.float32),
        mesh=mesh,
        compiler_params=pltpu.CompilerParams(use_tc_tiling_on_sc=False,
                                             needs_layout_passes=False),
        scratch_types=[
            pltpu.VMEM((nchunk, CH), jnp.int32),
            pltpu.VMEM((nchunk, CH), jnp.int32),
            pltpu.VMEM((CH, half), jnp.float32),
            pltpu.VMEM((CH, half), jnp.float32),
            pltpu.VMEM((CH, d_feat), jnp.bfloat16),
            pltpu.VMEM((CH, d_feat), jnp.bfloat16),
            pltpu.VMEM_SHARED((nacc, d_feat), jnp.bfloat16),
            pltpu.SemaphoreType.DMA,
            pltpu.SemaphoreType.DMA,
            pltpu.SemaphoreType.DMA,
        ],
    )
    def sc_kernel(xr, src, dst, out, idx_big, dst_big,
                  gbuf0, gbuf1, sbuf0, sbuf1, acc, dsem, gsem, ssem):
        c = lax.axis_index("c")
        s = lax.axis_index("s")
        gbuf = (gbuf0, gbuf1)
        sbuf = (sbuf0, sbuf1)
        pk = 2 * LANES

        def zrow(r, _):
            for j in range(d_feat // pk):
                sbuf0[r, pl.ds(j * pk, pk)] = jnp.zeros(
                    (pk,), jnp.bfloat16)
            return 0
        lax.fori_loop(0, CH, zrow, 0)
        zbase = s * rpw
        for off, step in _chunked(rpw):
            pltpu.sync_copy(sbuf0.at[pl.ds(0, step)],
                            acc.at[pl.ds(zbase + off, step)])
        if ztail:
            @pl.when(s == NS - 1)
            def _():
                for off, step in _chunked(ztail):
                    pltpu.sync_copy(
                        sbuf0.at[pl.ds(0, step)],
                        acc.at[pl.ds(NS * rpw + off, step)])
        plsc.subcore_barrier()

        pltpu.sync_copy(src.at[pl.ds(s * nchunk, nchunk)], idx_big)
        pltpu.sync_copy(dst.at[pl.ds(s * nchunk, nchunk)], dst_big)

        def idx_row(r, _):
            vs = [idx_big[r, pl.ds(i * LANES, LANES)]
                  for i in range(CH // LANES)]
            ws = [v * 2 + c for v in vs]
            for i, w in enumerate(ws):
                idx_big[r, pl.ds(i * LANES, LANES)] = w
            return 0
        lax.fori_loop(0, nchunk, idx_row, 0)

        def compute_chunk2(gb, pb):
            def edge_body(e2, _):
                e0 = e2 * 8
                uj = [(u, j) for u in range(8)
                      for j in range(half // LANES)]
                vs = [gbuf[gb][e0 + u, pl.ds(j * LANES, LANES)]
                      for (u, j) in uj]
                gs = [jnp.maximum(v, 0.0) for v in vs]
                exs = [jnp.exp(g) for g in gs]
                gexs = [g * ex for g, ex in zip(gs, exs)]
                pks = [plsc.pack(ex, gex, format=plsc.PackFormat.INTERLEAVED)
                       for ex, gex in zip(exs, gexs)]
                for (u, j), pv in zip(uj, pks):
                    sbuf[pb][e0 + u, pl.ds(j * pk, pk)] = pv
                return 0
            lax.fori_loop(0, CH // 8, edge_body, 0)

        pltpu.async_copy(xr.at[idx_big.at[0]], gbuf0, gsem)
        pltpu.async_copy(xr.at[idx_big.at[1]], gbuf1, gsem)

        def sub_iter(k, a, b):
            pltpu.make_async_copy(xr.at[idx_big.at[k]], gbuf[a],
                                  gsem).wait()
            compute_chunk2(a, a)

            @pl.when(k + 2 < nchunk)
            def _():
                pltpu.async_copy(xr.at[idx_big.at[k + 2]], gbuf[a], gsem)

            @pl.when(k >= 1)
            def _():
                pltpu.make_async_copy(
                    sbuf[b], acc.at[dst_big.at[k - 1]], ssem).wait()
            pltpu.async_copy(sbuf[a], acc.at[dst_big.at[k]], ssem,
                             add=True)

        def loop_body(k2, _):
            sub_iter(k2 * 2, 0, 1)
            sub_iter(k2 * 2 + 1, 1, 0)
            return 0
        lax.fori_loop(0, nchunk // 2, loop_body, 0)
        pltpu.make_async_copy(
            sbuf1, acc.at[dst_big.at[nchunk - 1]], ssem).wait()
        plsc.subcore_barrier()

        def divide_rows(t, step):
            sb, gb = sbuf[t % 2], gbuf[t % 2]

            def rbody(r2, _):
                r0 = r2 * 2
                uj = [(u, j) for u in range(2)
                      for j in range(d_feat // pk)]
                pvs = [sb[r0 + u, pl.ds(j * pk, pk)] for (u, j) in uj]
                egs = [plsc.unpack(pv, format=plsc.PackFormat.INTERLEAVED,
                                   preferred_element_type=jnp.float32)
                       for pv in pvs]
                ms = [gex / (ex + 1e-16) + EPS for ex, gex in egs]
                for (u, j), m in zip(uj, ms):
                    gb[r0 + u, pl.ds(j * LANES, LANES)] = m
                return 0
            lax.fori_loop(0, step // 2, rbody, 0)

        def emit_pipelined(jobs):
            nj = len(jobs)
            b0, s0 = jobs[0]
            pltpu.async_copy(acc.at[pl.ds(b0, s0)],
                             sbuf[0].at[pl.ds(0, s0)], dsem)
            for t, (bt, st) in enumerate(jobs):
                pltpu.make_async_copy(acc.at[pl.ds(bt, st)],
                                      sbuf[t % 2].at[pl.ds(0, st)],
                                      dsem).wait()
                if t + 1 < nj:
                    bn, sn = jobs[t + 1]
                    pltpu.async_copy(acc.at[pl.ds(bn, sn)],
                                     sbuf[(t + 1) % 2].at[pl.ds(0, sn)],
                                     dsem)
                if t >= 2:
                    bo, so = jobs[t - 2]
                    pltpu.make_async_copy(gbuf[t % 2].at[pl.ds(0, so)],
                                          out.at[c, pl.ds(bo, so)],
                                          ssem).wait()
                divide_rows(t, st)
                pltpu.async_copy(gbuf[t % 2].at[pl.ds(0, st)],
                                 out.at[c, pl.ds(bt, st)], ssem)
            for t in range(max(nj - 2, 0), nj):
                bo, so = jobs[t]
                pltpu.make_async_copy(gbuf[t % 2].at[pl.ds(0, so)],
                                      out.at[c, pl.ds(bo, so)],
                                      ssem).wait()

        obase = s * rpw
        emit_pipelined([(obase + off, step) for off, step in _chunked(rpw)])
        if tail:
            @pl.when(s == NS - 1)
            def _():
                emit_pipelined([(NS * rpw + off, step)
                                for off, step in _chunked(tail)])

    return sc_kernel


def _tc_mlp(n_nodes, d_feat, h_feat, blk):
    half = d_feat // 2
    nb = n_nodes // blk
    inv_n = 1.0 / n_nodes

    def body(x_ref, s_ref, w1_ref, b1_ref, gamma_ref, beta_ref, w2_ref,
             b2_ref, o_ref, h1_scr, sums_scr):
        p = pl.program_id(0)
        i = pl.program_id(1)

        @pl.when(p == 0)
        def _():
            m = jnp.concatenate([s_ref[0], s_ref[1]], axis=1)
            h = x_ref[...] + m
            h1 = jnp.dot(h, w1_ref[...],
                         preferred_element_type=jnp.float32) + b1_ref[...]
            h1_scr[pl.ds(i * blk, blk), :] = h1

            @pl.when(i == 0)
            def _():
                sums_scr[...] = jnp.zeros_like(sums_scr)

            upd = jnp.concatenate(
                [jnp.sum(h1, axis=0, keepdims=True),
                 jnp.sum(h1 * h1, axis=0, keepdims=True),
                 jnp.zeros((6, h_feat), jnp.float32)], axis=0)
            sums_scr[...] += upd

        @pl.when(p == 1)
        def _():
            mean = sums_scr[0:1, :] * inv_n
            var = sums_scr[1:2, :] * inv_n - mean * mean
            scale = lax.rsqrt(var + 1e-05) * gamma_ref[...]
            h1 = h1_scr[pl.ds(i * blk, blk), :]
            h1n = (h1 - mean) * scale + beta_ref[...]
            h1n = jnp.maximum(h1n, 0.0)
            o_ref[...] = jnp.dot(
                h1n, w2_ref[...],
                preferred_element_type=jnp.float32) + b2_ref[...]

    return pl.pallas_call(
        body,
        grid=(2, nb),
        in_specs=[
            pl.BlockSpec((blk, d_feat), lambda p, i: (i, 0)),
            pl.BlockSpec((NC, blk, half), lambda p, i: (0, i, 0)),
            pl.BlockSpec((d_feat, h_feat), lambda p, i: (0, 0)),
            pl.BlockSpec((1, h_feat), lambda p, i: (0, 0)),
            pl.BlockSpec((1, h_feat), lambda p, i: (0, 0)),
            pl.BlockSpec((1, h_feat), lambda p, i: (0, 0)),
            pl.BlockSpec((h_feat, d_feat), lambda p, i: (0, 0)),
            pl.BlockSpec((1, d_feat), lambda p, i: (0, 0)),
        ],
        out_specs=pl.BlockSpec((blk, d_feat), lambda p, i: (i, 0)),
        out_shape=jax.ShapeDtypeStruct((n_nodes, d_feat), jnp.float32),
        scratch_shapes=[
            pltpu.VMEM((n_nodes, h_feat), jnp.float32),
            pltpu.VMEM((8, h_feat), jnp.float32),
        ],
    )


def kernel(x, edge_index, W1, b1, gamma, beta, W2, b2):
    n, d = x.shape
    h_feat = W1.shape[1]
    e = edge_index.shape[1]

    e_pad = ((e + 2 * NS * CH - 1) // (2 * NS * CH)) * (2 * NS * CH)
    pad = e_pad - e
    src = edge_index[0]
    dst = edge_index[1]
    if pad:
        src = jnp.concatenate([src, jnp.zeros((pad,), jnp.int32)])
        dst = jnp.concatenate([dst, jnp.full((pad,), n, jnp.int32)])
    xr = x.reshape(2 * n, d // 2)

    s_acc = _sc_edge_pass(n, d, e_pad)(
        xr, src.reshape(e_pad // CH, CH), dst.reshape(e_pad // CH, CH))

    blk = 1000 if n % 1000 == 0 else n // 8
    out = _tc_mlp(n, d, h_feat, blk)(
        x, s_acc, W1, b1.reshape(1, h_feat), gamma.reshape(1, h_feat),
        beta.reshape(1, h_feat), W2, b2.reshape(1, d))
    return out

# --- scband reference (transcript-rebuilt; emitter-appended) ---
"""Pipeline reference for scband-deeper-gcn-7421703488134 (READ-ONLY COPY).

The authoritative reference and input builder live on the scoring server;
editing this copy changes nothing except your own understanding.
"""

import jax, jax.numpy as jnp
import numpy as np

N, E, D, H = 10000, 320000, 128, 256
EPS = 1e-07
T = 1.0

def setup_inputs(seed: int = 0) -> dict:
    key = jax.random.key(seed)
    k1, k2, k3, k4, k5, k6, k7, k8 = jax.random.split(key, 8)
    x = jax.random.normal(k1, (N, D), dtype=jnp.float32)
    edge_index = jax.random.randint(k2, (2, E), 0, N, dtype=jnp.int32)
    # MLP params: channels [D, 2D, D] with batch norm after first linear (last_lin=True)
    W1 = jax.random.normal(k3, (D, H), dtype=jnp.float32) * (1.0 / np.sqrt(D))
    b1 = jnp.zeros((H,), dtype=jnp.float32)
    gamma = jnp.ones((H,), dtype=jnp.float32)
    beta = jnp.zeros((H,), dtype=jnp.float32)
    W2 = jax.random.normal(k4, (H, D), dtype=jnp.float32) * (1.0 / np.sqrt(H))
    b2 = jnp.zeros((D,), dtype=jnp.float32)
    return {"x": x, "edge_index": edge_index, "W1": W1, "b1": b1, "gamma": gamma, "beta": beta, "W2": W2, "b2": b2}

def reference(x, edge_index, W1, b1, gamma, beta, W2, b2):
    src = edge_index[0]
    dst = edge_index[1]
    n = x.shape[0]
    # message: relu(x_j) + eps  (x_j gathered from source nodes)
    msg = jax.nn.relu(jnp.take(x, src, axis=0)) + EPS
    # softmax aggregation over incoming edges per dst node (learn_t=False -> weights are constants)
    scaled = msg * T
    seg_max = jax.ops.segment_max(scaled, dst, num_segments=n)
    seg_max = jnp.where(jnp.isfinite(seg_max), seg_max, jnp.zeros_like(seg_max))
    ex = jnp.exp(scaled - jnp.take(seg_max, dst, axis=0))
    denom = jax.ops.segment_sum(ex, dst, num_segments=n)
    w = ex / (jnp.take(denom, dst, axis=0) + 1e-16)
    w = jax.lax.stop_gradient(w)  # torch computes scatter_softmax under no_grad when learn_t=False
    m = jax.ops.segment_sum(msg * w, dst, num_segments=n)
    # residual + MLP (Lin -> BatchNorm(train) -> ReLU -> Lin)
    h = x + m
    h1 = h @ W1 + b1
    mean = jnp.mean(h1, axis=0)
    var = jnp.var(h1, axis=0)
    h1 = (h1 - mean) / jnp.sqrt(var + 1e-05) * gamma + beta
    h1 = jax.nn.relu(h1)
    out = h1 @ W2 + b2
    return out

if __name__ == "__main__":
    import jax
    _d = setup_inputs()
    print(jax.jit(kernel)(*tuple(_d.values())))

</pallas_src>

<mosaic_0001>
#map = affine_map<(d0, d1) -> (0, 0)>
#map1 = affine_map<(d0, d1) -> (0, 0, 0)>
module attributes {stable_mosaic.version = 14 : i64} {
  func.func @sc_kernel(%arg0: i32, %arg1: i32, %arg2: memref<20000x64xf32, #tpu.memory_space<hbm>>, %arg3: memref<2528x128xi32, #tpu.memory_space<hbm>>, %arg4: memref<2528x128xi32, #tpu.memory_space<hbm>>, %arg5: memref<2x10000x64xf32, #tpu.memory_space<hbm>>, %arg6: memref<158x128xi32, #tpu.memory_space<vmem>>, %arg7: memref<158x128xi32, #tpu.memory_space<vmem>>, %arg8: memref<128x64xf32, #tpu.memory_space<vmem>>, %arg9: memref<128x64xf32, #tpu.memory_space<vmem>>, %arg10: memref<128x128xbf16, #tpu.memory_space<vmem>>, %arg11: memref<128x128xbf16, #tpu.memory_space<vmem>>, %arg12: memref<10016x128xbf16, #tpu.memory_space<vmem_shared>>, %arg13: memref<!tpu.dma_semaphore, #tpu.memory_space<semaphore_mem>>, %arg14: memref<!tpu.dma_semaphore, #tpu.memory_space<semaphore_mem>>, %arg15: memref<!tpu.dma_semaphore, #tpu.memory_space<semaphore_mem>>) attributes {dimension_semantics = [#tpu.dimension_semantics<core_parallel>, #tpu.dimension_semantics<subcore_parallel>], iteration_bounds = array<i64: 2, 16>, scalar_prefetch = 0 : i64, scratch_operands = 10 : i64, tpu.core_type = #tpu.core_type<sc_vector_subcore>, window_params = [{transform_indices = #map}, {transform_indices = #map}, {transform_indices = #map}, {transform_indices = #map1}]} {
    %scan3A = arith.constant 0 : i32
    %scan3A_0 = arith.constant 0 : i32
    %scan3A_1 = arith.constant 128 : i32
    %scan3A_2 = arith.addi %scan3A_0, %scan3A_1 : i32
    %scan3A_3 = arith.constant 1 : i32
    %scan3A_4 = scf.for %scan3A_328 = %scan3A_0 to %scan3A_2 step %scan3A_3 iter_args(%scan3A_329 = %scan3A) -> (i32)  : i32 {
      %broadcast_in_dim3A = arith.constant 0.000000e+00 : bf16
      %broadcast_in_dim3A_330 = vector.broadcast %broadcast_in_dim3A : bf16 to vector<32xbf16>
      %swap3A = arith.index_cast %scan3A_328 : i32 to index
      %swap3A_331 = arith.constant 0 : index
      %swap3A_332 = tpu.vector_load %arg10[%swap3A, %swap3A_331] {strides = array<i32>} : memref<128x128xbf16, #tpu.memory_space<vmem>>, vector<32xbf16>,
      tpu.vector_store %arg10[%swap3A, %swap3A_331], %broadcast_in_dim3A_330 {strides = array<i32>} : memref<128x128xbf16, #tpu.memory_space<vmem>>, vector<32xbf16>,
      %broadcast_in_dim3A_333 = arith.constant 0.000000e+00 : bf16
      %broadcast_in_dim3A_334 = vector.broadcast %broadcast_in_dim3A_333 : bf16 to vector<32xbf16>
      %swap3A_335 = arith.index_cast %scan3A_328 : i32 to index
      %swap3A_336 = arith.constant 32 : index
      %swap3A_337 = tpu.vector_load %arg10[%swap3A_335, %swap3A_336] {strides = array<i32>} : memref<128x128xbf16, #tpu.memory_space<vmem>>, vector<32xbf16>,
      tpu.vector_store %arg10[%swap3A_335, %swap3A_336], %broadcast_in_dim3A_334 {strides = array<i32>} : memref<128x128xbf16, #tpu.memory_space<vmem>>, vector<32xbf16>,
      %broadcast_in_dim3A_338 = arith.constant 0.000000e+00 : bf16
      %broadcast_in_dim3A_339 = vector.broadcast %broadcast_in_dim3A_338 : bf16 to vector<32xbf16>
      %swap3A_340 = arith.index_cast %scan3A_328 : i32 to index
      %swap3A_341 = arith.constant 64 : index
      %swap3A_342 = tpu.vector_load %arg10[%swap3A_340, %swap3A_341] {strides = array<i32>} : memref<128x128xbf16, #tpu.memory_space<vmem>>, vector<32xbf16>,
      tpu.vector_store %arg10[%swap3A_340, %swap3A_341], %broadcast_in_dim3A_339 {strides = array<i32>} : memref<128x128xbf16, #tpu.memory_space<vmem>>, vector<32xbf16>,
      %broadcast_in_dim3A_343 = arith.constant 0.000000e+00 : bf16
      %broadcast_in_dim3A_344 = vector.broadcast %broadcast_in_dim3A_343 : bf16 to vector<32xbf16>
      %swap3A_345 = arith.index_cast %scan3A_328 : i32 to index
      %swap3A_346 = arith.constant 96 : index
      %swap3A_347 = tpu.vector_load %arg10[%swap3A_345, %swap3A_346] {strides = array<i32>} : memref<128x128xbf16, #tpu.memory_space<vmem>>, vector<32xbf16>,
      tpu.vector_store %arg10[%swap3A_345, %swap3A_346], %broadcast_in_dim3A_344 {strides = array<i32>} : memref<128x128xbf16, #tpu.memory_space<vmem>>, vector<32xbf16>,
      %scan3A_348 = arith.constant 0 : i32
      scf.yield %scan3A_348 : i32
    }
    %scan3A_5 = arith.constant 128 : i32
    %mul3A = arith.constant 624 : i32
    %mul3A_6 = arith.muli %arg1, %mul3A : i32
    %add3A = arith.constant 0 : i32
    %add3A_7 = arith.addi %mul3A_6, %add3A : i32
    "tpu.region"() ({
      %run_scoped3A = tpu.sem_alloc : memref<!tpu.dma_semaphore, #tpu.memory_space<semaphore_mem>>
      %dma_start3A_328 = arith.constant 0 : i32
      %dma_start3A_329 = arith.constant 0 : i32
      %dma_start3A_330 = tpu.memref_slice %arg10[%dma_start3A_328, %dma_start3A_329] : memref<128x128xbf16, #tpu.memory_space<vmem>> -> memref<128x128xbf16, #tpu.memory_space<vmem>>
      %dma_start3A_331 = arith.constant 0 : i32
      %dma_start3A_332 = tpu.memref_slice %arg12[%add3A_7, %dma_start3A_331] : memref<10016x128xbf16, #tpu.memory_space<vmem_shared>> -> memref<128x128xbf16, #tpu.memory_space<vmem_shared>>
      %dma_start3A_333 = arith.constant 0 : i32
      %dma_start3A_334 = tpu.memref_slice %arg12[%add3A_7, %dma_start3A_333] : memref<10016x128xbf16, #tpu.memory_space<vmem_shared>> -> memref<128x128xbf16, #tpu.memory_space<vmem_shared>>
      %dma_start3A_335 = arith.constant 0 : i32
      %dma_start3A_336 = arith.constant 0 : i32
      %dma_start3A_337 = tpu.memref_slice %arg10[%dma_start3A_335, %dma_start3A_336] : memref<128x128xbf16, #tpu.memory_space<vmem>> -> memref<128x128xbf16, #tpu.memory_space<vmem>>
      tpu.enqueue_dma source(%dma_start3A_337 : memref<128x128xbf16, #tpu.memory_space<vmem>>) target(%dma_start3A_334 : memref<128x128xbf16, #tpu.memory_space<vmem_shared>>) target_semaphore(%run_scoped3A : memref<!tpu.dma_semaphore, #tpu.memory_space<semaphore_mem>>)
      %dma_wait3A_338 = arith.constant 0 : i32
      %dma_wait3A_339 = arith.constant 0 : i32
      %dma_wait3A_340 = tpu.memref_slice %arg10[%dma_wait3A_338, %dma_wait3A_339] : memref<128x128xbf16, #tpu.memory_space<vmem>> -> memref<128x128xbf16, #tpu.memory_space<vmem>>
      %dma_wait3A_341 = arith.constant 0 : i32
      %dma_wait3A_342 = tpu.memref_slice %arg12[%add3A_7, %dma_wait3A_341] : memref<10016x128xbf16, #tpu.memory_space<vmem_shared>> -> memref<128x128xbf16, #tpu.memory_space<vmem_shared>>
      %dma_wait3A_343 = arith.constant 0 : i32
      %dma_wait3A_344 = tpu.memref_slice %arg12[%add3A_7, %dma_wait3A_343] : memref<10016x128xbf16, #tpu.memory_space<vmem_shared>> -> memref<128x128xbf16, #tpu.memory_space<vmem_shared>>
      %dma_wait3A_345 = arith.constant 0 : i32
      %dma_wait3A_346 = arith.constant 0 : i32
      %dma_wait3A_347 = tpu.memref_slice %arg10[%dma_wait3A_345, %dma_wait3A_346] : memref<128x128xbf16, #tpu.memory_space<vmem>> -> memref<128x128xbf16, #tpu.memory_space<vmem>>
      tpu.wait_dma2 semaphore(%run_scoped3A : memref<!tpu.dma_semaphore, #tpu.memory_space<semaphore_mem>>) src(%dma_wait3A_347 : memref<128x128xbf16, #tpu.memory_space<vmem>>) dst(%dma_wait3A_344 : memref<128x128xbf16, #tpu.memory_space<vmem_shared>>)
      tpu.yield
    }) : () -> ()
    %add3A_8 = arith.constant 128 : i32
    %add3A_9 = arith.addi %mul3A_6, %add3A_8 : i32
    "tpu.region"() ({
      %run_scoped3A = tpu.sem_alloc : memref<!tpu.dma_semaphore, #tpu.memory_space<semaphore_mem>>
      %dma_start3A_328 = arith.constant 0 : i32
      %dma_start3A_329 = arith.constant 0 : i32
      %dma_start3A_330 = tpu.memref_slice %arg10[%dma_start3A_328, %dma_start3A_329] : memref<128x128xbf16, #tpu.memory_space<vmem>> -> memref<128x128xbf16, #tpu.memory_space<vmem>>
      %dma_start3A_331 = arith.constant 0 : i32
      %dma_start3A_332 = tpu.memref_slice %arg12[%add3A_9, %dma_start3A_331] : memref<10016x128xbf16, #tpu.memory_space<vmem_shared>> -> memref<128x128xbf16, #tpu.memory_space<vmem_shared>>
      %dma_start3A_333 = arith.constant 0 : i32
      %dma_start3A_334 = tpu.memref_slice %arg12[%add3A_9, %dma_start3A_333] : memref<10016x128xbf16, #tpu.memory_space<vmem_shared>> -> memref<128x128xbf16, #tpu.memory_space<vmem_shared>>
      %dma_start3A_335 = arith.constant 0 : i32
      %dma_start3A_336 = arith.constant 0 : i32
      %dma_start3A_337 = tpu.memref_slice %arg10[%dma_start3A_335, %dma_start3A_336] : memref<128x128xbf16, #tpu.memory_space<vmem>> -> memref<128x128xbf16, #tpu.memory_space<vmem>>
      tpu.enqueue_dma source(%dma_start3A_337 : memref<128x128xbf16, #tpu.memory_space<vmem>>) target(%dma_start3A_334 : memref<128x128xbf16, #tpu.memory_space<vmem_shared>>) target_semaphore(%run_scoped3A : memref<!tpu.dma_semaphore, #tpu.memory_space<semaphore_mem>>)
      %dma_wait3A_338 = arith.constant 0 : i32
      %dma_wait3A_339 = arith.constant 0 : i32
      %dma_wait3A_340 = tpu.memref_slice %arg10[%dma_wait3A_338, %dma_wait3A_339] : memref<128x128xbf16, #tpu.memory_space<vmem>> -> memref<128x128xbf16, #tpu.memory_space<vmem>>
      %dma_wait3A_341 = arith.constant 0 : i32
      %dma_wait3A_342 = tpu.memref_slice %arg12[%add3A_9, %dma_wait3A_341] : memref<10016x128xbf16, #tpu.memory_space<vmem_shared>> -> memref<128x128xbf16, #tpu.memory_space<vmem_shared>>
      %dma_wait3A_343 = arith.constant 0 : i32
      %dma_wait3A_344 = tpu.memref_slice %arg12[%add3A_9, %dma_wait3A_343] : memref<10016x128xbf16, #tpu.memory_space<vmem_shared>> -> memref<128x128xbf16, #tpu.memory_space<vmem_shared>>
      %dma_wait3A_345 = arith.constant 0 : i32
      %dma_wait3A_346 = arith.constant 0 : i32
      %dma_wait3A_347 = tpu.memref_slice %arg10[%dma_wait3A_345, %dma_wait3A_346] : memref<128x128xbf16, #tpu.memory_space<vmem>> -> memref<128x128xbf16, #tpu.memory_space<vmem>>
      tpu.wait_dma2 semaphore(%run_scoped3A : memref<!tpu.dma_semaphore, #tpu.memory_space<semaphore_mem>>) src(%dma_wait3A_347 : memref<128x128xbf16, #tpu.memory_space<vmem>>) dst(%dma_wait3A_344 : memref<128x128xbf16, #tpu.memory_space<vmem_shared>>)
      tpu.yield
    }) : () -> ()
    %add3A_10 = arith.constant 256 : i32
    %add3A_11 = arith.addi %mul3A_6, %add3A_10 : i32
    "tpu.region"() ({
      %run_scoped3A = tpu.sem_alloc : memref<!tpu.dma_semaphore, #tpu.memory_space<semaphore_mem>>
      %dma_start3A_328 = arith.constant 0 : i32
      %dma_start3A_329 = arith.constant 0 : i32
      %dma_start3A_330 = tpu.memref_slice %arg10[%dma_start3A_328, %dma_start3A_329] : memref<128x128xbf16, #tpu.memory_space<vmem>> -> memref<128x128xbf16, #tpu.memory_space<vmem>>
      %dma_start3A_331 = arith.constant 0 : i32
      %dma_start3A_332 = tpu.memref_slice %arg12[%add3A_11, %dma_start3A_331] : memref<10016x128xbf16, #tpu.memory_space<vmem_shared>> -> memref<128x128xbf16, #tpu.memory_space<vmem_shared>>
      %dma_start3A_333 = arith.constant 0 : i32
      %dma_start3A_334 = tpu.memref_slice %arg12[%add3A_11, %dma_start3A_333] : memref<10016x128xbf16, #tpu.memory_space<vmem_shared>> -> memref<128x128xbf16, #tpu.memory_space<vmem_shared>>
      %dma_start3A_335 = arith.constant 0 : i32
      %dma_start3A_336 = arith.constant 0 : i32
      %dma_start3A_337 = tpu.memref_slice %arg10[%dma_start3A_335, %dma_start3A_336] : memref<128x128xbf16, #tpu.memory_space<vmem>> -> memref<128x128xbf16, #tpu.memory_space<vmem>>
      tpu.enqueue_dma source(%dma_start3A_337 : memref<128x128xbf16, #tpu.memory_space<vmem>>) target(%dma_start3A_334 : memref<128x128xbf16, #tpu.memory_space<vmem_shared>>) target_semaphore(%run_scoped3A : memref<!tpu.dma_semaphore, #tpu.memory_space<semaphore_mem>>)
      %dma_wait3A_338 = arith.constant 0 : i32
      %dma_wait3A_339 = arith.constant 0 : i32
      %dma_wait3A_340 = tpu.memref_slice %arg10[%dma_wait3A_338, %dma_wait3A_339] : memref<128x128xbf16, #tpu.memory_space<vmem>> -> memref<128x128xbf16, #tpu.memory_space<vmem>>
      %dma_wait3A_341 = arith.constant 0 : i32
      %dma_wait3A_342 = tpu.memref_slice %arg12[%add3A_11, %dma_wait3A_341] : memref<10016x128xbf16, #tpu.memory_space<vmem_shared>> -> memref<128x128xbf16, #tpu.memory_space<vmem_shared>>
      %dma_wait3A_343 = arith.constant 0 : i32
      %dma_wait3A_344 = tpu.memref_slice %arg12[%add3A_11, %dma_wait3A_343] : memref<10016x128xbf16, #tpu.memory_space<vmem_shared>> -> memref<128x128xbf16, #tpu.memory_space<vmem_shared>>
      %dma_wait3A_345 = arith.constant 0 : i32
      %dma_wait3A_346 = arith.constant 0 : i32
      %dma_wait3A_347 = tpu.memref_slice %arg10[%dma_wait3A_345, %dma_wait3A_346] : memref<128x128xbf16, #tpu.memory_space<vmem>> -> memref<128x128xbf16, #tpu.memory_space<vmem>>
      tpu.wait_dma2 semaphore(%run_scoped3A : memref<!tpu.dma_semaphore, #tpu.memory_space<semaphore_mem>>) src(%dma_wait3A_347 : memref<128x128xbf16, #tpu.memory_space<vmem>>) dst(%dma_wait3A_344 : memref<128x128xbf16, #tpu.memory_space<vmem_shared>>)
      tpu.yield
    }) : () -> ()
    %add3A_12 = arith.constant 384 : i32
    %add3A_13 = arith.addi %mul3A_6, %add3A_12 : i32
    "tpu.region"() ({
      %run_scoped3A = tpu.sem_alloc : memref<!tpu.dma_semaphore, #tpu.memory_space<semaphore_mem>>
      %dma_start3A_328 = arith.constant 0 : i32
      %dma_start3A_329 = arith.constant 0 : i32
      %dma_start3A_330 = tpu.memref_slice %arg10[%dma_start3A_328, %dma_start3A_329] : memref<128x128xbf16, #tpu.memory_space<vmem>> -> memref<128x128xbf16, #tpu.memory_space<vmem>>
      %dma_start3A_331 = arith.constant 0 : i32
      %dma_start3A_332 = tpu.memref_slice %arg12[%add3A_13, %dma_start3A_331] : memref<10016x128xbf16, #tpu.memory_space<vmem_shared>> -> memref<128x128xbf16, #tpu.memory_space<vmem_shared>>
      %dma_start3A_333 = arith.constant 0 : i32
      %dma_start3A_334 = tpu.memref_slice %arg12[%add3A_13, %dma_start3A_333] : memref<10016x128xbf16, #tpu.memory_space<vmem_shared>> -> memref<128x128xbf16, #tpu.memory_space<vmem_shared>>
      %dma_start3A_335 = arith.constant 0 : i32
      %dma_start3A_336 = arith.constant 0 : i32
      %dma_start3A_337 = tpu.memref_slice %arg10[%dma_start3A_335, %dma_start3A_336] : memref<128x128xbf16, #tpu.memory_space<vmem>> -> memref<128x128xbf16, #tpu.memory_space<vmem>>
      tpu.enqueue_dma source(%dma_start3A_337 : memref<128x128xbf16, #tpu.memory_space<vmem>>) target(%dma_start3A_334 : memref<128x128xbf16, #tpu.memory_space<vmem_shared>>) target_semaphore(%run_scoped3A : memref<!tpu.dma_semaphore, #tpu.memory_space<semaphore_mem>>)
      %dma_wait3A_338 = arith.constant 0 : i32
      %dma_wait3A_339 = arith.constant 0 : i32
      %dma_wait3A_340 = tpu.memref_slice %arg10[%dma_wait3A_338, %dma_wait3A_339] : memref<128x128xbf16, #tpu.memory_space<vmem>> -> memref<128x128xbf16, #tpu.memory_space<vmem>>
      %dma_wait3A_341 = arith.constant 0 : i32
      %dma_wait3A_342 = tpu.memref_slice %arg12[%add3A_13, %dma_wait3A_341] : memref<10016x128xbf16, #tpu.memory_space<vmem_shared>> -> memref<128x128xbf16, #tpu.memory_space<vmem_shared>>
      %dma_wait3A_343 = arith.constant 0 : i32
      %dma_wait3A_344 = tpu.memref_slice %arg12[%add3A_13, %dma_wait3A_343] : memref<10016x128xbf16, #tpu.memory_space<vmem_shared>> -> memref<128x128xbf16, #tpu.memory_space<vmem_shared>>
      %dma_wait3A_345 = arith.constant 0 : i32
      %dma_wait3A_346 = arith.constant 0 : i32
      %dma_wait3A_347 = tpu.memref_slice %arg10[%dma_wait3A_345, %dma_wait3A_346] : memref<128x128xbf16, #tpu.memory_space<vmem>> -> memref<128x128xbf16, #tpu.memory_space<vmem>>
      tpu.wait_dma2 semaphore(%run_scoped3A : memref<!tpu.dma_semaphore, #tpu.memory_space<semaphore_mem>>) src(%dma_wait3A_347 : memref<128x128xbf16, #tpu.memory_space<vmem>>) dst(%dma_wait3A_344 : memref<128x128xbf16, #tpu.memory_space<vmem_shared>>)
      tpu.yield
    }) : () -> ()
    %add3A_14 = arith.constant 512 : i32
    %add3A_15 = arith.addi %mul3A_6, %add3A_14 : i32
    "tpu.region"() ({
      %run_scoped3A = tpu.sem_alloc : memref<!tpu.dma_semaphore, #tpu.memory_space<semaphore_mem>>
      %dma_start3A_328 = arith.constant 0 : i32
      %dma_start3A_329 = arith.constant 0 : i32
      %dma_start3A_330 = tpu.memref_slice %arg10[%dma_start3A_328, %dma_start3A_329] : memref<128x128xbf16, #tpu.memory_space<vmem>> -> memref<112x128xbf16, #tpu.memory_space<vmem>>
      %dma_start3A_331 = arith.constant 0 : i32
      %dma_start3A_332 = tpu.memref_slice %arg12[%add3A_15, %dma_start3A_331] : memref<10016x128xbf16, #tpu.memory_space<vmem_shared>> -> memref<112x128xbf16, #tpu.memory_space<vmem_shared>>
      %dma_start3A_333 = arith.constant 0 : i32
      %dma_start3A_334 = tpu.memref_slice %arg12[%add3A_15, %dma_start3A_333] : memref<10016x128xbf16, #tpu.memory_space<vmem_shared>> -> memref<112x128xbf16, #tpu.memory_space<vmem_shared>>
      %dma_start3A_335 = arith.constant 0 : i32
      %dma_start3A_336 = arith.constant 0 : i32
      %dma_start3A_337 = tpu.memref_slice %arg10[%dma_start3A_335, %dma_start3A_336] : memref<128x128xbf16, #tpu.memory_space<vmem>> -> memref<112x128xbf16, #tpu.memory_space<vmem>>
      tpu.enqueue_dma source(%dma_start3A_337 : memref<112x128xbf16, #tpu.memory_space<vmem>>) target(%dma_start3A_334 : memref<112x128xbf16, #tpu.memory_space<vmem_shared>>) target_semaphore(%run_scoped3A : memref<!tpu.dma_semaphore, #tpu.memory_space<semaphore_mem>>)
      %dma_wait3A_338 = arith.constant 0 : i32
      %dma_wait3A_339 = arith.constant 0 : i32
      %dma_wait3A_340 = tpu.memref_slice %arg10[%dma_wait3A_338, %dma_wait3A_339] : memref<128x128xbf16, #tpu.memory_space<vmem>> -> memref<112x128xbf16, #tpu.memory_space<vmem>>
      %dma_wait3A_341 = arith.constant 0 : i32
      %dma_wait3A_342 = tpu.memref_slice %arg12[%add3A_15, %dma_wait3A_341] : memref<10016x128xbf16, #tpu.memory_space<vmem_shared>> -> memref<112x128xbf16, #tpu.memory_space<vmem_shared>>
      %dma_wait3A_343 = arith.constant 0 : i32
      %dma_wait3A_344 = tpu.memref_slice %arg12[%add3A_15, %dma_wait3A_343] : memref<10016x128xbf16, #tpu.memory_space<vmem_shared>> -> memref<112x128xbf16, #tpu.memory_space<vmem_shared>>
      %dma_wait3A_345 = arith.constant 0 : i32
      %dma_wait3A_346 = arith.constant 0 : i32
      %dma_wait3A_347 = tpu.memref_slice %arg10[%dma_wait3A_345, %dma_wait3A_346] : memref<128x128xbf16, #tpu.memory_space<vmem>> -> memref<112x128xbf16, #tpu.memory_space<vmem>>
      tpu.wait_dma2 semaphore(%run_scoped3A : memref<!tpu.dma_semaphore, #tpu.memory_space<semaphore_mem>>) src(%dma_wait3A_347 : memref<112x128xbf16, #tpu.memory_space<vmem>>) dst(%dma_wait3A_344 : memref<112x128xbf16, #tpu.memory_space<vmem_shared>>)
      tpu.yield
    }) : () -> ()
    %eq3A = arith.constant 15 : i32
    %eq3A_16 = arith.cmpi eq, %arg1, %eq3A : i32
    %convert_element_type3A = arith.extui %eq3A_16 : i1 to i32
    %cond3A = arith.constant 0 : i32
    %cond3A_17 = arith.cmpi ne, %convert_element_type3A, %cond3A : i32
    scf.if %cond3A_17 {
      "tpu.region"() ({
        %run_scoped3A = tpu.sem_alloc : memref<!tpu.dma_semaphore, #tpu.memory_space<semaphore_mem>>
        %dma_start3A_328 = arith.constant 0 : i32
        %dma_start3A_329 = arith.constant 0 : i32
        %dma_start3A_330 = tpu.memref_slice %arg10[%dma_start3A_328, %dma_start3A_329] : memref<128x128xbf16, #tpu.memory_space<vmem>> -> memref<32x128xbf16, #tpu.memory_space<vmem>>
        %dma_start3A_331 = arith.constant 9984 : i32
        %dma_start3A_332 = arith.constant 0 : i32
        %dma_start3A_333 = tpu.memref_slice %arg12[%dma_start3A_331, %dma_start3A_332] : memref<10016x128xbf16, #tpu.memory_space<vmem_shared>> -> memref<32x128xbf16, #tpu.memory_space<vmem_shared>>
        %dma_start3A_334 = arith.constant 9984 : i32
        %dma_start3A_335 = arith.constant 0 : i32
        %dma_start3A_336 = tpu.memref_slice %arg12[%dma_start3A_334, %dma_start3A_335] : memref<10016x128xbf16, #tpu.memory_space<vmem_shared>> -> memref<32x128xbf16, #tpu.memory_space<vmem_shared>>
        %dma_start3A_337 = arith.constant 0 : i32
        %dma_start3A_338 = arith.constant 0 : i32
        %dma_start3A_339 = tpu.memref_slice %arg10[%dma_start3A_337, %dma_start3A_338] : memref<128x128xbf16, #tpu.memory_space<vmem>> -> memref<32x128xbf16, #tpu.memory_space<vmem>>
        tpu.enqueue_dma source(%dma_start3A_339 : memref<32x128xbf16, #tpu.memory_space<vmem>>) target(%dma_start3A_336 : memref<32x128xbf16, #tpu.memory_space<vmem_shared>>) target_semaphore(%run_scoped3A : memref<!tpu.dma_semaphore, #tpu.memory_space<semaphore_mem>>)
        %dma_wait3A_340 = arith.constant 0 : i32
        %dma_wait3A_341 = arith.constant 0 : i32
        %dma_wait3A_342 = tpu.memref_slice %arg10[%dma_wait3A_340, %dma_wait3A_341] : memref<128x128xbf16, #tpu.memory_space<vmem>> -> memref<32x128xbf16, #tpu.memory_space<vmem>>
        %dma_wait3A_343 = arith.constant 9984 : i32
        %dma_wait3A_344 = arith.constant 0 : i32
        %dma_wait3A_345 = tpu.memref_slice %arg12[%dma_wait3A_343, %dma_wait3A_344] : memref<10016x128xbf16, #tpu.memory_space<vmem_shared>> -> memref<32x128xbf16, #tpu.memory_space<vmem_shared>>
        %dma_wait3A_346 = arith.constant 9984 : i32
        %dma_wait3A_347 = arith.constant 0 : i32
        %dma_wait3A_348 = tpu.memref_slice %arg12[%dma_wait3A_346, %dma_wait3A_347] : memref<10016x128xbf16, #tpu.memory_space<vmem_shared>> -> memref<32x128xbf16, #tpu.memory_space<vmem_shared>>
        %dma_wait3A_349 = arith.constant 0 : i32
        %dma_wait3A_350 = arith.constant 0 : i32
        %dma_wait3A_351 = tpu.memref_slice %arg10[%dma_wait3A_349, %dma_wait3A_350] : memref<128x128xbf16, #tpu.memory_space<vmem>> -> memref<32x128xbf16, #tpu.memory_space<vmem>>
        tpu.wait_dma2 semaphore(%run_scoped3A : memref<!tpu.dma_semaphore, #tpu.memory_space<semaphore_mem>>) src(%dma_wait3A_351 : memref<32x128xbf16, #tpu.memory_space<vmem>>) dst(%dma_wait3A_348 : memref<32x128xbf16, #tpu.memory_space<vmem_shared>>)
        tpu.yield
      }) : () -> ()
    } else {
    }
    %barrier3A = arith.constant 0 : index
    tpu.barrier barrier_id(%barrier3A)
    %mul3A_18 = arith.constant 158 : i32
    %mul3A_19 = arith.muli %arg1, %mul3A_18 : i32
    "tpu.region"() ({
      %run_scoped3A = tpu.sem_alloc : memref<!tpu.dma_semaphore, #tpu.memory_space<semaphore_mem>>
      %dma_start3A_328 = arith.constant 0 : i32
      %dma_start3A_329 = tpu.memref_slice %arg3[%mul3A_19, %dma_start3A_328] : memref<2528x128xi32, #tpu.memory_space<hbm>> -> memref<158x128xi32, #tpu.memory_space<hbm>>
      %dma_start3A_330 = arith.constant 0 : i32
      %dma_start3A_331 = tpu.memref_slice %arg3[%mul3A_19, %dma_start3A_330] : memref<2528x128xi32, #tpu.memory_space<hbm>> -> memref<158x128xi32, #tpu.memory_space<hbm>>
      tpu.enqueue_dma source(%dma_start3A_331 : memref<158x128xi32, #tpu.memory_space<hbm>>) target(%arg6 : memref<158x128xi32, #tpu.memory_space<vmem>>) target_semaphore(%run_scoped3A : memref<!tpu.dma_semaphore, #tpu.memory_space<semaphore_mem>>)
      %dma_wait3A_332 = arith.constant 0 : i32
      %dma_wait3A_333 = tpu.memref_slice %arg3[%mul3A_19, %dma_wait3A_332] : memref<2528x128xi32, #tpu.memory_space<hbm>> -> memref<158x128xi32, #tpu.memory_space<hbm>>
      %dma_wait3A_334 = arith.constant 0 : i32
      %dma_wait3A_335 = tpu.memref_slice %arg3[%mul3A_19, %dma_wait3A_334] : memref<2528x128xi32, #tpu.memory_space<hbm>> -> memref<158x128xi32, #tpu.memory_space<hbm>>
      tpu.wait_dma2 semaphore(%run_scoped3A : memref<!tpu.dma_semaphore, #tpu.memory_space<semaphore_mem>>) src(%dma_wait3A_335 : memref<158x128xi32, #tpu.memory_space<hbm>>) dst(%arg6 : memref<158x128xi32, #tpu.memory_space<vmem>>)
      tpu.yield
    }) : () -> ()
    %mul3A_20 = arith.constant 158 : i32
    %mul3A_21 = arith.muli %arg1, %mul3A_20 : i32
    "tpu.region"() ({
      %run_scoped3A = tpu.sem_alloc : memref<!tpu.dma_semaphore, #tpu.memory_space<semaphore_mem>>
      %dma_start3A_328 = arith.constant 0 : i32
      %dma_start3A_329 = tpu.memref_slice %arg4[%mul3A_21, %dma_start3A_328] : memref<2528x128xi32, #tpu.memory_space<hbm>> -> memref<158x128xi32, #tpu.memory_space<hbm>>
      %dma_start3A_330 = arith.constant 0 : i32
      %dma_start3A_331 = tpu.memref_slice %arg4[%mul3A_21, %dma_start3A_330] : memref<2528x128xi32, #tpu.memory_space<hbm>> -> memref<158x128xi32, #tpu.memory_space<hbm>>
      tpu.enqueue_dma source(%dma_start3A_331 : memref<158x128xi32, #tpu.memory_space<hbm>>) target(%arg7 : memref<158x128xi32, #tpu.memory_space<vmem>>) target_semaphore(%run_scoped3A : memref<!tpu.dma_semaphore, #tpu.memory_space<semaphore_mem>>)
      %dma_wait3A_332 = arith.constant 0 : i32
      %dma_wait3A_333 = tpu.memref_slice %arg4[%mul3A_21, %dma_wait3A_332] : memref<2528x128xi32, #tpu.memory_space<hbm>> -> memref<158x128xi32, #tpu.memory_space<hbm>>
      %dma_wait3A_334 = arith.constant 0 : i32
      %dma_wait3A_335 = tpu.memref_slice %arg4[%mul3A_21, %dma_wait3A_334] : memref<2528x128xi32, #tpu.memory_space<hbm>> -> memref<158x128xi32, #tpu.memory_space<hbm>>
      tpu.wait_dma2 semaphore(%run_scoped3A : memref<!tpu.dma_semaphore, #tpu.memory_space<semaphore_mem>>) src(%dma_wait3A_335 : memref<158x128xi32, #tpu.memory_space<hbm>>) dst(%arg7 : memref<158x128xi32, #tpu.memory_space<vmem>>)
      tpu.yield
    }) : () -> ()
    %scan3A_22 = arith.constant 0 : i32
    %scan3A_23 = arith.constant 0 : i32
    %scan3A_24 = arith.constant 158 : i32
    %scan3A_25 = arith.addi %scan3A_23, %scan3A_24 : i32
    %scan3A_26 = arith.constant 1 : i32
    %scan3A_27 = scf.for %scan3A_328 = %scan3A_23 to %scan3A_25 step %scan3A_26 iter_args(%scan3A_329 = %scan3A_22) -> (i32)  : i32 {
      %get3A = arith.index_cast %scan3A_328 : i32 to index
      %get3A_330 = arith.constant 0 : index
      %get3A_331 = tpu.vector_load %arg6[%get3A, %get3A_330] {strides = array<i32>} : memref<158x128xi32, #tpu.memory_space<vmem>>, vector<16xi32>,
      %get3A_332 = arith.index_cast %scan3A_328 : i32 to index
      %get3A_333 = arith.constant 16 : index
      %get3A_334 = tpu.vector_load %arg6[%get3A_332, %get3A_333] {strides = array<i32>} : memref<158x128xi32, #tpu.memory_space<vmem>>, vector<16xi32>,
      %get3A_335 = arith.index_cast %scan3A_328 : i32 to index
      %get3A_336 = arith.constant 32 : index
      %get3A_337 = tpu.vector_load %arg6[%get3A_335, %get3A_336] {strides = array<i32>} : memref<158x128xi32, #tpu.memory_space<vmem>>, vector<16xi32>,
      %get3A_338 = arith.index_cast %scan3A_328 : i32 to index
      %get3A_339 = arith.constant 48 : index
      %get3A_340 = tpu.vector_load %arg6[%get3A_338, %get3A_339] {strides = array<i32>} : memref<158x128xi32, #tpu.memory_space<vmem>>, vector<16xi32>,
      %get3A_341 = arith.index_cast %scan3A_328 : i32 to index
      %get3A_342 = arith.constant 64 : index
      %get3A_343 = tpu.vector_load %arg6[%get3A_341, %get3A_342] {strides = array<i32>} : memref<158x128xi32, #tpu.memory_space<vmem>>, vector<16xi32>,
      %get3A_344 = arith.index_cast %scan3A_328 : i32 to index
      %get3A_345 = arith.constant 80 : index
      %get3A_346 = tpu.vector_load %arg6[%get3A_344, %get3A_345] {strides = array<i32>} : memref<158x128xi32, #tpu.memory_space<vmem>>, vector<16xi32>,
      %get3A_347 = arith.index_cast %scan3A_328 : i32 to index
      %get3A_348 = arith.constant 96 : index
      %get3A_349 = tpu.vector_load %arg6[%get3A_347, %get3A_348] {strides = array<i32>} : memref<158x128xi32, #tpu.memory_space<vmem>>, vector<16xi32>,
      %get3A_350 = arith.index_cast %scan3A_328 : i32 to index
      %get3A_351 = arith.constant 112 : index
      %get3A_352 = tpu.vector_load %arg6[%get3A_350, %get3A_351] {strides = array<i32>} : memref<158x128xi32, #tpu.memory_space<vmem>>, vector<16xi32>,
      %mul3A_353 = arith.constant 2 : i32
      %mul3A_354 = vector.broadcast %mul3A_353 : i32 to vector<16xi32>
      %mul3A_355 = arith.muli %get3A_331, %mul3A_354 : vector<16xi32>
      %add3A_356 = vector.broadcast %arg0 : i32 to vector<16xi32>
      %add3A_357 = arith.addi %mul3A_355, %add3A_356 : vector<16xi32>
      %mul3A_358 = arith.constant 2 : i32
      %mul3A_359 = vector.broadcast %mul3A_358 : i32 to vector<16xi32>
      %mul3A_360 = arith.muli %get3A_334, %mul3A_359 : vector<16xi32>
      %add3A_361 = vector.broadcast %arg0 : i32 to vector<16xi32>
      %add3A_362 = arith.addi %mul3A_360, %add3A_361 : vector<16xi32>
      %mul3A_363 = arith.constant 2 : i32
      %mul3A_364 = vector.broadcast %mul3A_363 : i32 to vector<16xi32>
      %mul3A_365 = arith.muli %get3A_337, %mul3A_364 : vector<16xi32>
      %add3A_366 = vector.broadcast %arg0 : i32 to vector<16xi32>
      %add3A_367 = arith.addi %mul3A_365, %add3A_366 : vector<16xi32>
      %mul3A_368 = arith.constant 2 : i32
      %mul3A_369 = vector.broadcast %mul3A_368 : i32 to vector<16xi32>
      %mul3A_370 = arith.muli %get3A_340, %mul3A_369 : vector<16xi32>
      %add3A_371 = vector.broadcast %arg0 : i32 to vector<16xi32>
      %add3A_372 = arith.addi %mul3A_370, %add3A_371 : vector<16xi32>
      %mul3A_373 = arith.constant 2 : i32
      %mul3A_374 = vector.broadcast %mul3A_373 : i32 to vector<16xi32>
      %mul3A_375 = arith.muli %get3A_343, %mul3A_374 : vector<16xi32>
      %add3A_376 = vector.broadcast %arg0 : i32 to vector<16xi32>
      %add3A_377 = arith.addi %mul3A_375, %add3A_376 : vector<16xi32>
      %mul3A_378 = arith.constant 2 : i32
      %mul3A_379 = vector.broadcast %mul3A_378 : i32 to vector<16xi32>
      %mul3A_380 = arith.muli %get3A_346, %mul3A_379 : vector<16xi32>
      %add3A_381 = vector.broadcast %arg0 : i32 to vector<16xi32>
      %add3A_382 = arith.addi %mul3A_380, %add3A_381 : vector<16xi32>
      %mul3A_383 = arith.constant 2 : i32
      %mul3A_384 = vector.broadcast %mul3A_383 : i32 to vector<16xi32>
      %mul3A_385 = arith.muli %get3A_349, %mul3A_384 : vector<16xi32>
      %add3A_386 = vector.broadcast %arg0 : i32 to vector<16xi32>
      %add3A_387 = arith.addi %mul3A_385, %add3A_386 : vector<16xi32>
      %mul3A_388 = arith.constant 2 : i32
      %mul3A_389 = vector.broadcast %mul3A_388 : i32 to vector<16xi32>
      %mul3A_390 = arith.muli %get3A_352, %mul3A_389 : vector<16xi32>
      %add3A_391 = vector.broadcast %arg0 : i32 to vector<16xi32>
      %add3A_392 = arith.addi %mul3A_390, %add3A_391 : vector<16xi32>
      %swap3A = arith.index_cast %scan3A_328 : i32 to index
      %swap3A_393 = arith.constant 0 : index
      %swap3A_394 = tpu.vector_load %arg6[%swap3A, %swap3A_393] {strides = array<i32>} : memref<158x128xi32, #tpu.memory_space<vmem>>, vector<16xi32>,
      tpu.vector_store %arg6[%swap3A, %swap3A_393], %add3A_357 {strides = array<i32>} : memref<158x128xi32, #tpu.memory_space<vmem>>, vector<16xi32>,
      %swap3A_395 = arith.index_cast %scan3A_328 : i32 to index
      %swap3A_396 = arith.constant 16 : index
      %swap3A_397 = tpu.vector_load %arg6[%swap3A_395, %swap3A_396] {strides = array<i32>} : memref<158x128xi32, #tpu.memory_space<vmem>>, vector<16xi32>,
      tpu.vector_store %arg6[%swap3A_395, %swap3A_396], %add3A_362 {strides = array<i32>} : memref<158x128xi32, #tpu.memory_space<vmem>>, vector<16xi32>,
      %swap3A_398 = arith.index_cast %scan3A_328 : i32 to index
      %swap3A_399 = arith.constant 32 : index
      %swap3A_400 = tpu.vector_load %arg6[%swap3A_398, %swap3A_399] {strides = array<i32>} : memref<158x128xi32, #tpu.memory_space<vmem>>, vector<16xi32>,
      tpu.vector_store %arg6[%swap3A_398, %swap3A_399], %add3A_367 {strides = array<i32>} : memref<158x128xi32, #tpu.memory_space<vmem>>, vector<16xi32>,
      %swap3A_401 = arith.index_cast %scan3A_328 : i32 to index
      %swap3A_402 = arith.constant 48 : index
      %swap3A_403 = tpu.vector_load %arg6[%swap3A_401, %swap3A_402] {strides = array<i32>} : memref<158x128xi32, #tpu.memory_space<vmem>>, vector<16xi32>,
      tpu.vector_store %arg6[%swap3A_401, %swap3A_402], %add3A_372 {strides = array<i32>} : memref<158x128xi32, #tpu.memory_space<vmem>>, vector<16xi32>,
      %swap3A_404 = arith.index_cast %scan3A_328 : i32 to index
      %swap3A_405 = arith.constant 64 : index
      %swap3A_406 = tpu.vector_load %arg6[%swap3A_404, %swap3A_405] {strides = array<i32>} : memref<158x128xi32, #tpu.memory_space<vmem>>, vector<16xi32>,
      tpu.vector_store %arg6[%swap3A_404, %swap3A_405], %add3A_377 {strides = array<i32>} : memref<158x128xi32, #tpu.memory_space<vmem>>, vector<16xi32>,
      %swap3A_407 = arith.index_cast %scan3A_328 : i32 to index
      %swap3A_408 = arith.constant 80 : index
      %swap3A_409 = tpu.vector_load %arg6[%swap3A_407, %swap3A_408] {strides = array<i32>} : memref<158x128xi32, #tpu.memory_space<vmem>>, vector<16xi32>,
      tpu.vector_store %arg6[%swap3A_407, %swap3A_408], %add3A_382 {strides = array<i32>} : memref<158x128xi32, #tpu.memory_space<vmem>>, vector<16xi32>,
      %swap3A_410 = arith.index_cast %scan3A_328 : i32 to index
      %swap3A_411 = arith.constant 96 : index
      %swap3A_412 = tpu.vector_load %arg6[%swap3A_410, %swap3A_411] {strides = array<i32>} : memref<158x128xi32, #tpu.memory_space<vmem>>, vector<16xi32>,
      tpu.vector_store %arg6[%swap3A_410, %swap3A_411], %add3A_387 {strides = array<i32>} : memref<158x128xi32, #tpu.memory_space<vmem>>, vector<16xi32>,
      %swap3A_413 = arith.index_cast %scan3A_328 : i32 to index
      %swap3A_414 = arith.constant 112 : index
      %swap3A_415 = tpu.vector_load %arg6[%swap3A_413, %swap3A_414] {strides = array<i32>} : memref<158x128xi32, #tpu.memory_space<vmem>>, vector<16xi32>,
      tpu.vector_store %arg6[%swap3A_413, %swap3A_414], %add3A_392 {strides = array<i32>} : memref<158x128xi32, #tpu.memory_space<vmem>>, vector<16xi32>,
      %scan3A_416 = arith.constant 0 : i32
      scf.yield %scan3A_416 : i32
    }
    %scan3A_28 = arith.constant 158 : i32
    %dma_start3A = arith.constant 0 : i32
    %dma_start3A_29 = arith.constant 0 : i32
    %dma_start3A_30 = tpu.memref_slice %arg6[%dma_start3A, %dma_start3A_29] : memref<158x128xi32, #tpu.memory_space<vmem>> -> memref<1x128xi32, #tpu.memory_space<vmem>>
    %dma_start3A_31 = tpu.memref_squeeze %dma_start3A_30 : memref<1x128xi32, #tpu.memory_space<vmem>> -> memref<128xi32, #tpu.memory_space<vmem>>
    %dma_start3A_32 = arith.constant 0 : i32
    %dma_start3A_33 = arith.constant 0 : i32
    %dma_start3A_34 = tpu.memref_slice %arg2[%dma_start3A_32, %dma_start3A_33] : memref<20000x64xf32, #tpu.memory_space<hbm>> -> memref<20000x64xf32, #tpu.memory_space<hbm>>
    tpu.enqueue_indirect_dma source(%dma_start3A_34 : memref<20000x64xf32, #tpu.memory_space<hbm>>) target(%arg8 : memref<128x64xf32, #tpu.memory_space<vmem>>) offsets(%dma_start3A_31 : memref<128xi32, #tpu.memory_space<vmem>>) semaphore(%arg14 : memref<!tpu.dma_semaphore, #tpu.memory_space<semaphore_mem>>)
    %dma_start3A_35 = arith.constant 1 : i32
    %dma_start3A_36 = arith.constant 0 : i32
    %dma_start3A_37 = tpu.memref_slice %arg6[%dma_start3A_35, %dma_start3A_36] : memref<158x128xi32, #tpu.memory_space<vmem>> -> memref<1x128xi32, #tpu.memory_space<vmem>>
    %dma_start3A_38 = tpu.memref_squeeze %dma_start3A_37 : memref<1x128xi32, #tpu.memory_space<vmem>> -> memref<128xi32, #tpu.memory_space<vmem>>
    %dma_start3A_39 = arith.constant 0 : i32
    %dma_start3A_40 = arith.constant 0 : i32
    %dma_start3A_41 = tpu.memref_slice %arg2[%dma_start3A_39, %dma_start3A_40] : memref<20000x64xf32, #tpu.memory_space<hbm>> -> memref<20000x64xf32, #tpu.memory_space<hbm>>
    tpu.enqueue_indirect_dma source(%dma_start3A_41 : memref<20000x64xf32, #tpu.memory_space<hbm>>) target(%arg9 : memref<128x64xf32, #tpu.memory_space<vmem>>) offsets(%dma_start3A_38 : memref<128xi32, #tpu.memory_space<vmem>>) semaphore(%arg14 : memref<!tpu.dma_semaphore, #tpu.memory_space<semaphore_mem>>)
    %scan3A_42 = arith.constant 0 : i32
    %scan3A_43 = arith.constant 0 : i32
    %scan3A_44 = arith.constant 79 : i32
    %scan3A_45 = arith.addi %scan3A_43, %scan3A_44 : i32
    %scan3A_46 = arith.constant 1 : i32
    %scan3A_47 = scf.for %scan3A_328 = %scan3A_43 to %scan3A_45 step %scan3A_46 iter_args(%scan3A_329 = %scan3A_42) -> (i32)  : i32 {
      %mul3A_330 = arith.constant 2 : i32
      %mul3A_331 = arith.muli %scan3A_328, %mul3A_330 : i32
      %dma_wait3A_332 = arith.constant 0 : i32
      %dma_wait3A_333 = tpu.memref_slice %arg6[%mul3A_331, %dma_wait3A_332] : memref<158x128xi32, #tpu.memory_space<vmem>> -> memref<1x128xi32, #tpu.memory_space<vmem>>
      %dma_wait3A_334 = tpu.memref_squeeze %dma_wait3A_333 : memref<1x128xi32, #tpu.memory_space<vmem>> -> memref<128xi32, #tpu.memory_space<vmem>>
      %dma_wait3A_335 = arith.constant 0 : i32
      %dma_wait3A_336 = arith.constant 0 : i32
      %dma_wait3A_337 = tpu.memref_slice %arg2[%dma_wait3A_335, %dma_wait3A_336] : memref<20000x64xf32, #tpu.memory_space<hbm>> -> memref<20000x64xf32, #tpu.memory_space<hbm>>
      tpu.wait_indirect_dma semaphore(%arg14 : memref<!tpu.dma_semaphore, #tpu.memory_space<semaphore_mem>>) src(%dma_wait3A_337 : memref<20000x64xf32, #tpu.memory_space<hbm>>) dst(%arg8 : memref<128x64xf32, #tpu.memory_space<vmem>>)
      %scan3A_338 = arith.constant 0 : i32
      %scan3A_339 = arith.constant 0 : i32
      %scan3A_340 = arith.constant 16 : i32
      %scan3A_341 = arith.addi %scan3A_339, %scan3A_340 : i32
      %scan3A_342 = arith.constant 1 : i32
      %scan3A_343 = scf.for %scan3A_397 = %scan3A_339 to %scan3A_341 step %scan3A_342 iter_args(%scan3A_398 = %scan3A_338) -> (i32)  : i32 {
        %mul3A_399 = arith.constant 8 : i32
        %mul3A_400 = arith.muli %scan3A_397, %mul3A_399 : i32
        %add3A_401 = arith.constant 0 : i32
        %add3A_402 = arith.addi %mul3A_400, %add3A_401 : i32
        %get3A = arith.index_cast %add3A_402 : i32 to index
        %get3A_403 = arith.constant 0 : index
        %get3A_404 = tpu.vector_load %arg8[%get3A, %get3A_403] {strides = array<i32>} : memref<128x64xf32, #tpu.memory_space<vmem>>, vector<16xf32>,
        %add3A_405 = arith.constant 0 : i32
        %add3A_406 = arith.addi %mul3A_400, %add3A_405 : i32
        %get3A_407 = arith.index_cast %add3A_406 : i32 to index
        %get3A_408 = arith.constant 16 : index
        %get3A_409 = tpu.vector_load %arg8[%get3A_407, %get3A_408] {strides = array<i32>} : memref<128x64xf32, #tpu.memory_space<vmem>>, vector<16xf32>,
        %add3A_410 = arith.constant 0 : i32
        %add3A_411 = arith.addi %mul3A_400, %add3A_410 : i32
        %get3A_412 = arith.index_cast %add3A_411 : i32 to index
        %get3A_413 = arith.constant 32 : index
        %get3A_414 = tpu.vector_load %arg8[%get3A_412, %get3A_413] {strides = array<i32>} : memref<128x64xf32, #tpu.memory_space<vmem>>, vector<16xf32>,
        %add3A_415 = arith.constant 0 : i32
        %add3A_416 = arith.addi %mul3A_400, %add3A_415 : i32
        %get3A_417 = arith.index_cast %add3A_416 : i32 to index
        %get3A_418 = arith.constant 48 : index
        %get3A_419 = tpu.vector_load %arg8[%get3A_417, %get3A_418] {strides = array<i32>} : memref<128x64xf32, #tpu.memory_space<vmem>>, vector<16xf32>,
        %add3A_420 = arith.constant 1 : i32
        %add3A_421 = arith.addi %mul3A_400, %add3A_420 : i32
        %get3A_422 = arith.index_cast %add3A_421 : i32 to index
        %get3A_423 = arith.constant 0 : index
        %get3A_424 = tpu.vector_load %arg8[%get3A_422, %get3A_423] {strides = array<i32>} : memref<128x64xf32, #tpu.memory_space<vmem>>, vector<16xf32>,
        %add3A_425 = arith.constant 1 : i32
        %add3A_426 = arith.addi %mul3A_400, %add3A_425 : i32
        %get3A_427 = arith.index_cast %add3A_426 : i32 to index
        %get3A_428 = arith.constant 16 : index
        %get3A_429 = tpu.vector_load %arg8[%get3A_427, %get3A_428] {strides = array<i32>} : memref<128x64xf32, #tpu.memory_space<vmem>>, vector<16xf32>,
        %add3A_430 = arith.constant 1 : i32
        %add3A_431 = arith.addi %mul3A_400, %add3A_430 : i32
        %get3A_432 = arith.index_cast %add3A_431 : i32 to index
        %get3A_433 = arith.constant 32 : index
        %get3A_434 = tpu.vector_load %arg8[%get3A_432, %get3A_433] {strides = array<i32>} : memref<128x64xf32, #tpu.memory_space<vmem>>, vector<16xf32>,
        %add3A_435 = arith.constant 1 : i32
        %add3A_436 = arith.addi %mul3A_400, %add3A_435 : i32
        %get3A_437 = arith.index_cast %add3A_436 : i32 to index
        %get3A_438 = arith.constant 48 : index
        %get3A_439 = tpu.vector_load %arg8[%get3A_437, %get3A_438] {strides = array<i32>} : memref<128x64xf32, #tpu.memory_space<vmem>>, vector<16xf32>,
        %add3A_440 = arith.constant 2 : i32
        %add3A_441 = arith.addi %mul3A_400, %add3A_440 : i32
        %get3A_442 = arith.index_cast %add3A_441 : i32 to index
        %get3A_443 = arith.constant 0 : index
        %get3A_444 = tpu.vector_load %arg8[%get3A_442, %get3A_443] {strides = array<i32>} : memref<128x64xf32, #tpu.memory_space<vmem>>, vector<16xf32>,
        %add3A_445 = arith.constant 2 : i32
        %add3A_446 = arith.addi %mul3A_400, %add3A_445 : i32
        %get3A_447 = arith.index_cast %add3A_446 : i32 to index
        %get3A_448 = arith.constant 16 : index
        %get3A_449 = tpu.vector_load %arg8[%get3A_447, %get3A_448] {strides = array<i32>} : memref<128x64xf32, #tpu.memory_space<vmem>>, vector<16xf32>,
        %add3A_450 = arith.constant 2 : i32
        %add3A_451 = arith.addi %mul3A_400, %add3A_450 : i32
        %get3A_452 = arith.index_cast %add3A_451 : i32 to index
        %get3A_453 = arith.constant 32 : index
        %get3A_454 = tpu.vector_load %arg8[%get3A_452, %get3A_453] {strides = array<i32>} : memref<128x64xf32, #tpu.memory_space<vmem>>, vector<16xf32>,
        %add3A_455 = arith.constant 2 : i32
        %add3A_456 = arith.addi %mul3A_400, %add3A_455 : i32
        %get3A_457 = arith.index_cast %add3A_456 : i32 to index
        %get3A_458 = arith.constant 48 : index
        %get3A_459 = tpu.vector_load %arg8[%get3A_457, %get3A_458] {strides = array<i32>} : memref<128x64xf32, #tpu.memory_space<vmem>>, vector<16xf32>,
        %add3A_460 = arith.constant 3 : i32
        %add3A_461 = arith.addi %mul3A_400, %add3A_460 : i32
        %get3A_462 = arith.index_cast %add3A_461 : i32 to index
        %get3A_463 = arith.constant 0 : index
        %get3A_464 = tpu.vector_load %arg8[%get3A_462, %get3A_463] {strides = array<i32>} : memref<128x64xf32, #tpu.memory_space<vmem>>, vector<16xf32>,
        %add3A_465 = arith.constant 3 : i32
        %add3A_466 = arith.addi %mul3A_400, %add3A_465 : i32
        %get3A_467 = arith.index_cast %add3A_466 : i32 to index
        %get3A_468 = arith.constant 16 : index
        %get3A_469 = tpu.vector_load %arg8[%get3A_467, %get3A_468] {strides = array<i32>} : memref<128x64xf32, #tpu.memory_space<vmem>>, vector<16xf32>,
        %add3A_470 = arith.constant 3 : i32
        %add3A_471 = arith.addi %mul3A_400, %add3A_470 : i32
        %get3A_472 = arith.index_cast %add3A_471 : i32 to index
        %get3A_473 = arith.constant 32 : index
        %get3A_474 = tpu.vector_load %arg8[%get3A_472, %get3A_473] {strides = array<i32>} : memref<128x64xf32, #tpu.memory_space<vmem>>, vector<16xf32>,
        %add3A_475 = arith.constant 3 : i32
        %add3A_476 = arith.addi %mul3A_400, %add3A_475 : i32
        %get3A_477 = arith.index_cast %add3A_476 : i32 to index
        %get3A_478 = arith.constant 48 : index
        %get3A_479 = tpu.vector_load %arg8[%get3A_477, %get3A_478] {strides = array<i32>} : memref<128x64xf32, #tpu.memory_space<vmem>>, vector<16xf32>,
        %add3A_480 = arith.constant 4 : i32
        %add3A_481 = arith.addi %mul3A_400, %add3A_480 : i32
        %get3A_482 = arith.index_cast %add3A_481 : i32 to index
        %get3A_483 = arith.constant 0 : index
        %get3A_484 = tpu.vector_load %arg8[%get3A_482, %get3A_483] {strides = array<i32>} : memref<128x64xf32, #tpu.memory_space<vmem>>, vector<16xf32>,
        %add3A_485 = arith.constant 4 : i32
        %add3A_486 = arith.addi %mul3A_400, %add3A_485 : i32
        %get3A_487 = arith.index_cast %add3A_486 : i32 to index
        %get3A_488 = arith.constant 16 : index
        %get3A_489 = tpu.vector_load %arg8[%get3A_487, %get3A_488] {strides = array<i32>} : memref<128x64xf32, #tpu.memory_space<vmem>>, vector<16xf32>,
        %add3A_490 = arith.constant 4 : i32
        %add3A_491 = arith.addi %mul3A_400, %add3A_490 : i32
        %get3A_492 = arith.index_cast %add3A_491 : i32 to index
        %get3A_493 = arith.constant 32 : index
        %get3A_494 = tpu.vector_load %arg8[%get3A_492, %get3A_493] {strides = array<i32>} : memref<128x64xf32, #tpu.memory_space<vmem>>, vector<16xf32>,
        %add3A_495 = arith.constant 4 : i32
        %add3A_496 = arith.addi %mul3A_400, %add3A_495 : i32
        %get3A_497 = arith.index_cast %add3A_496 : i32 to index
        %get3A_498 = arith.constant 48 : index
        %get3A_499 = tpu.vector_load %arg8[%get3A_497, %get3A_498] {strides = array<i32>} : memref<128x64xf32, #tpu.memory_space<vmem>>, vector<16xf32>,
        %add3A_500 = arith.constant 5 : i32
        %add3A_501 = arith.addi %mul3A_400, %add3A_500 : i32
        %get3A_502 = arith.index_cast %add3A_501 : i32 to index
        %get3A_503 = arith.constant 0 : index
        %get3A_504 = tpu.vector_load %arg8[%get3A_502, %get3A_503] {strides = array<i32>} : memref<128x64xf32, #tpu.memory_space<vmem>>, vector<16xf32>,
        %add3A_505 = arith.constant 5 : i32
        %add3A_506 = arith.addi %mul3A_400, %add3A_505 : i32
        %get3A_507 = arith.index_cast %add3A_506 : i32 to index
        %get3A_508 = arith.constant 16 : index
        %get3A_509 = tpu.vector_load %arg8[%get3A_507, %get3A_508] {strides = array<i32>} : memref<128x64xf32, #tpu.memory_space<vmem>>, vector<16xf32>,
        %add3A_510 = arith.constant 5 : i32
        %add3A_511 = arith.addi %mul3A_400, %add3A_510 : i32
        %get3A_512 = arith.index_cast %add3A_511 : i32 to index
        %get3A_513 = arith.constant 32 : index
        %get3A_514 = tpu.vector_load %arg8[%get3A_512, %get3A_513] {strides = array<i32>} : memref<128x64xf32, #tpu.memory_space<vmem>>, vector<16xf32>,
        %add3A_515 = arith.constant 5 : i32
        %add3A_516 = arith.addi %mul3A_400, %add3A_515 : i32
        %get3A_517 = arith.index_cast %add3A_516 : i32 to index
        %get3A_518 = arith.constant 48 : index
        %get3A_519 = tpu.vector_load %arg8[%get3A_517, %get3A_518] {strides = array<i32>} : memref<128x64xf32, #tpu.memory_space<vmem>>, vector<16xf32>,
        %add3A_520 = arith.constant 6 : i32
        %add3A_521 = arith.addi %mul3A_400, %add3A_520 : i32
        %get3A_522 = arith.index_cast %add3A_521 : i32 to index
        %get3A_523 = arith.constant 0 : index
        %get3A_524 = tpu.vector_load %arg8[%get3A_522, %get3A_523] {strides = array<i32>} : memref<128x64xf32, #tpu.memory_space<vmem>>, vector<16xf32>,
        %add3A_525 = arith.constant 6 : i32
        %add3A_526 = arith.addi %mul3A_400, %add3A_525 : i32
        %get3A_527 = arith.index_cast %add3A_526 : i32 to index
        %get3A_528 = arith.constant 16 : index
        %get3A_529 = tpu.vector_load %arg8[%get3A_527, %get3A_528] {strides = array<i32>} : memref<128x64xf32, #tpu.memory_space<vmem>>, vector<16xf32>,
        %add3A_530 = arith.constant 6 : i32
        %add3A_531 = arith.addi %mul3A_400, %add3A_530 : i32
        %get3A_532 = arith.index_cast %add3A_531 : i32 to index
        %get3A_533 = arith.constant 32 : index
        %get3A_534 = tpu.vector_load %arg8[%get3A_532, %get3A_533] {strides = array<i32>} : memref<128x64xf32, #tpu.memory_space<vmem>>, vector<16xf32>,
        %add3A_535 = arith.constant 6 : i32
        %add3A_536 = arith.addi %mul3A_400, %add3A_535 : i32
        %get3A_537 = arith.index_cast %add3A_536 : i32 to index
        %get3A_538 = arith.constant 48 : index
        %get3A_539 = tpu.vector_load %arg8[%get3A_537, %get3A_538] {strides = array<i32>} : memref<128x64xf32, #tpu.memory_space<vmem>>, vector<16xf32>,
        %add3A_540 = arith.constant 7 : i32
        %add3A_541 = arith.addi %mul3A_400, %add3A_540 : i32
        %get3A_542 = arith.index_cast %add3A_541 : i32 to index
        %get3A_543 = arith.constant 0 : index
        %get3A_544 = tpu.vector_load %arg8[%get3A_542, %get3A_543] {strides = array<i32>} : memref<128x64xf32, #tpu.memory_space<vmem>>, vector<16xf32>,
        %add3A_545 = arith.constant 7 : i32
        %add3A_546 = arith.addi %mul3A_400, %add3A_545 : i32
        %get3A_547 = arith.index_cast %add3A_546 : i32 to index
        %get3A_548 = arith.constant 16 : index
        %get3A_549 = tpu.vector_load %arg8[%get3A_547, %get3A_548] {strides = array<i32>} : memref<128x64xf32, #tpu.memory_space<vmem>>, vector<16xf32>,
        %add3A_550 = arith.constant 7 : i32
        %add3A_551 = arith.addi %mul3A_400, %add3A_550 : i32
        %get3A_552 = arith.index_cast %add3A_551 : i32 to index
        %get3A_553 = arith.constant 32 : index
        %get3A_554 = tpu.vector_load %arg8[%get3A_552, %get3A_553] {strides = array<i32>} : memref<128x64xf32, #tpu.memory_space<vmem>>, vector<16xf32>,
        %add3A_555 = arith.constant 7 : i32
        %add3A_556 = arith.addi %mul3A_400, %add3A_555 : i32
        %get3A_557 = arith.index_cast %add3A_556 : i32 to index
        %get3A_558 = arith.constant 48 : index
        %get3A_559 = tpu.vector_load %arg8[%get3A_557, %get3A_558] {strides = array<i32>} : memref<128x64xf32, #tpu.memory_space<vmem>>, vector<16xf32>,
        %max3A = arith.constant 0.000000e+00 : f32
        %max3A_560 = vector.broadcast %max3A : f32 to vector<16xf32>
        %max3A_561 = arith.maximumf %get3A_404, %max3A_560 : vector<16xf32>
        %max3A_562 = arith.constant 0.000000e+00 : f32
        %max3A_563 = vector.broadcast %max3A_562 : f32 to vector<16xf32>
        %max3A_564 = arith.maximumf %get3A_409, %max3A_563 : vector<16xf32>
        %max3A_565 = arith.constant 0.000000e+00 : f32
        %max3A_566 = vector.broadcast %max3A_565 : f32 to vector<16xf32>
        %max3A_567 = arith.maximumf %get3A_414, %max3A_566 : vector<16xf32>
        %max3A_568 = arith.constant 0.000000e+00 : f32
        %max3A_569 = vector.broadcast %max3A_568 : f32 to vector<16xf32>
        %max3A_570 = arith.maximumf %get3A_419, %max3A_569 : vector<16xf32>
        %max3A_571 = arith.constant 0.000000e+00 : f32
        %max3A_572 = vector.broadcast %max3A_571 : f32 to vector<16xf32>
        %max3A_573 = arith.maximumf %get3A_424, %max3A_572 : vector<16xf32>
        %max3A_574 = arith.constant 0.000000e+00 : f32
        %max3A_575 = vector.broadcast %max3A_574 : f32 to vector<16xf32>
        %max3A_576 = arith.maximumf %get3A_429, %max3A_575 : vector<16xf32>
        %max3A_577 = arith.constant 0.000000e+00 : f32
        %max3A_578 = vector.broadcast %max3A_577 : f32 to vector<16xf32>
        %max3A_579 = arith.maximumf %get3A_434, %max3A_578 : vector<16xf32>
        %max3A_580 = arith.constant 0.000000e+00 : f32
        %max3A_581 = vector.broadcast %max3A_580 : f32 to vector<16xf32>
        %max3A_582 = arith.maximumf %get3A_439, %max3A_581 : vector<16xf32>
        %max3A_583 = arith.constant 0.000000e+00 : f32
        %max3A_584 = vector.broadcast %max3A_583 : f32 to vector<16xf32>
        %max3A_585 = arith.maximumf %get3A_444, %max3A_584 : vector<16xf32>
        %max3A_586 = arith.constant 0.000000e+00 : f32
        %max3A_587 = vector.broadcast %max3A_586 : f32 to vector<16xf32>
        %max3A_588 = arith.maximumf %get3A_449, %max3A_587 : vector<16xf32>
        %max3A_589 = arith.constant 0.000000e+00 : f32
        %max3A_590 = vector.broadcast %max3A_589 : f32 to vector<16xf32>
        %max3A_591 = arith.maximumf %get3A_454, %max3A_590 : vector<16xf32>
        %max3A_592 = arith.constant 0.000000e+00 : f32
        %max3A_593 = vector.broadcast %max3A_592 : f32 to vector<16xf32>
        %max3A_594 = arith.maximumf %get3A_459, %max3A_593 : vector<16xf32>
        %max3A_595 = arith.constant 0.000000e+00 : f32
        %max3A_596 = vector.broadcast %max3A_595 : f32 to vector<16xf32>
        %max3A_597 = arith.maximumf %get3A_464, %max3A_596 : vector<16xf32>
        %max3A_598 = arith.constant 0.000000e+00 : f32
        %max3A_599 = vector.broadcast %max3A_598 : f32 to vector<16xf32>
        %max3A_600 = arith.maximumf %get3A_469, %max3A_599 : vector<16xf32>
        %max3A_601 = arith.constant 0.000000e+00 : f32
        %max3A_602 = vector.broadcast %max3A_601 : f32 to vector<16xf32>
        %max3A_603 = arith.maximumf %get3A_474, %max3A_602 : vector<16xf32>
        %max3A_604 = arith.constant 0.000000e+00 : f32
        %max3A_605 = vector.broadcast %max3A_604 : f32 to vector<16xf32>
        %max3A_606 = arith.maximumf %get3A_479, %max3A_605 : vector<16xf32>
        %max3A_607 = arith.constant 0.000000e+00 : f32
        %max3A_608 = vector.broadcast %max3A_607 : f32 to vector<16xf32>
        %max3A_609 = arith.maximumf %get3A_484, %max3A_608 : vector<16xf32>
        %max3A_610 = arith.constant 0.000000e+00 : f32
        %max3A_611 = vector.broadcast %max3A_610 : f32 to vector<16xf32>
        %max3A_612 = arith.maximumf %get3A_489, %max3A_611 : vector<16xf32>
        %max3A_613 = arith.constant 0.000000e+00 : f32
        %max3A_614 = vector.broadcast %max3A_613 : f32 to vector<16xf32>
        %max3A_615 = arith.maximumf %get3A_494, %max3A_614 : vector<16xf32>
        %max3A_616 = arith.constant 0.000000e+00 : f32
        %max3A_617 = vector.broadcast %max3A_616 : f32 to vector<16xf32>
        %max3A_618 = arith.maximumf %get3A_499, %max3A_617 : vector<16xf32>
        %max3A_619 = arith.constant 0.000000e+00 : f32
        %max3A_620 = vector.broadcast %max3A_619 : f32 to vector<16xf32>
        %max3A_621 = arith.maximumf %get3A_504, %max3A_620 : vector<16xf32>
        %max3A_622 = arith.constant 0.000000e+00 : f32
        %max3A_623 = vector.broadcast %max3A_622 : f32 to vector<16xf32>
        %max3A_624 = arith.maximumf %get3A_509, %max3A_623 : vector<16xf32>
        %max3A_625 = arith.constant 0.000000e+00 : f32
        %max3A_626 = vector.broadcast %max3A_625 : f32 to vector<16xf32>
        %max3A_627 = arith.maximumf %get3A_514, %max3A_626 : vector<16xf32>
        %max3A_628 = arith.constant 0.000000e+00 : f32
        %max3A_629 = vector.broadcast %max3A_628 : f32 to vector<16xf32>
        %max3A_630 = arith.maximumf %get3A_519, %max3A_629 : vector<16xf32>
        %max3A_631 = arith.constant 0.000000e+00 : f32
        %max3A_632 = vector.broadcast %max3A_631 : f32 to vector<16xf32>
        %max3A_633 = arith.maximumf %get3A_524, %max3A_632 : vector<16xf32>
        %max3A_634 = arith.constant 0.000000e+00 : f32
        %max3A_635 = vector.broadcast %max3A_634 : f32 to vector<16xf32>
        %max3A_636 = arith.maximumf %get3A_529, %max3A_635 : vector<16xf32>
        %max3A_637 = arith.constant 0.000000e+00 : f32
        %max3A_638 = vector.broadcast %max3A_637 : f32 to vector<16xf32>
        %max3A_639 = arith.maximumf %get3A_534, %max3A_638 : vector<16xf32>
        %max3A_640 = arith.constant 0.000000e+00 : f32
        %max3A_641 = vector.broadcast %max3A_640 : f32 to vector<16xf32>
        %max3A_642 = arith.maximumf %get3A_539, %max3A_641 : vector<16xf32>
        %max3A_643 = arith.constant 0.000000e+00 : f32
        %max3A_644 = vector.broadcast %max3A_643 : f32 to vector<16xf32>
        %max3A_645 = arith.maximumf %get3A_544, %max3A_644 : vector<16xf32>
        %max3A_646 = arith.constant 0.000000e+00 : f32
        %max3A_647 = vector.broadcast %max3A_646 : f32 to vector<16xf32>
        %max3A_648 = arith.maximumf %get3A_549, %max3A_647 : vector<16xf32>
        %max3A_649 = arith.constant 0.000000e+00 : f32
        %max3A_650 = vector.broadcast %max3A_649 : f32 to vector<16xf32>
        %max3A_651 = arith.maximumf %get3A_554, %max3A_650 : vector<16xf32>
        %max3A_652 = arith.constant 0.000000e+00 : f32
        %max3A_653 = vector.broadcast %max3A_652 : f32 to vector<16xf32>
        %max3A_654 = arith.maximumf %get3A_559, %max3A_653 : vector<16xf32>
        %exp3A = math.exp %max3A_561 : vector<16xf32>
        %exp3A_655 = math.exp %max3A_564 : vector<16xf32>
        %exp3A_656 = math.exp %max3A_567 : vector<16xf32>
        %exp3A_657 = math.exp %max3A_570 : vector<16xf32>
        %exp3A_658 = math.exp %max3A_573 : vector<16xf32>
        %exp3A_659 = math.exp %max3A_576 : vector<16xf32>
        %exp3A_660 = math.exp %max3A_579 : vector<16xf32>
        %exp3A_661 = math.exp %max3A_582 : vector<16xf32>
        %exp3A_662 = math.exp %max3A_585 : vector<16xf32>
        %exp3A_663 = math.exp %max3A_588 : vector<16xf32>
        %exp3A_664 = math.exp %max3A_591 : vector<16xf32>
        %exp3A_665 = math.exp %max3A_594 : vector<16xf32>
        %exp3A_666 = math.exp %max3A_597 : vector<16xf32>
        %exp3A_667 = math.exp %max3A_600 : vector<16xf32>
        %exp3A_668 = math.exp %max3A_603 : vector<16xf32>
        %exp3A_669 = math.exp %max3A_606 : vector<16xf32>
        %exp3A_670 = math.exp %max3A_609 : vector<16xf32>
        %exp3A_671 = math.exp %max3A_612 : vector<16xf32>
        %exp3A_672 = math.exp %max3A_615 : vector<16xf32>
        %exp3A_673 = math.exp %max3A_618 : vector<16xf32>
        %exp3A_674 = math.exp %max3A_621 : vector<16xf32>
        %exp3A_675 = math.exp %max3A_624 : vector<16xf32>
        %exp3A_676 = math.exp %max3A_627 : vector<16xf32>
        %exp3A_677 = math.exp %max3A_630 : vector<16xf32>
        %exp3A_678 = math.exp %max3A_633 : vector<16xf32>
        %exp3A_679 = math.exp %max3A_636 : vector<16xf32>
        %exp3A_680 = math.exp %max3A_639 : vector<16xf32>
        %exp3A_681 = math.exp %max3A_642 : vector<16xf32>
        %exp3A_682 = math.exp %max3A_645 : vector<16xf32>
        %exp3A_683 = math.exp %max3A_648 : vector<16xf32>
        %exp3A_684 = math.exp %max3A_651 : vector<16xf32>
        %exp3A_685 = math.exp %max3A_654 : vector<16xf32>
        %mul3A_686 = arith.mulf %max3A_561, %exp3A : vector<16xf32>
        %mul3A_687 = arith.mulf %max3A_564, %exp3A_655 : vector<16xf32>
        %mul3A_688 = arith.mulf %max3A_567, %exp3A_656 : vector<16xf32>
        %mul3A_689 = arith.mulf %max3A_570, %exp3A_657 : vector<16xf32>
        %mul3A_690 = arith.mulf %max3A_573, %exp3A_658 : vector<16xf32>
        %mul3A_691 = arith.mulf %max3A_576, %exp3A_659 : vector<16xf32>
        %mul3A_692 = arith.mulf %max3A_579, %exp3A_660 : vector<16xf32>
        %mul3A_693 = arith.mulf %max3A_582, %exp3A_661 : vector<16xf32>
        %mul3A_694 = arith.mulf %max3A_585, %exp3A_662 : vector<16xf32>
        %mul3A_695 = arith.mulf %max3A_588, %exp3A_663 : vector<16xf32>
        %mul3A_696 = arith.mulf %max3A_591, %exp3A_664 : vector<16xf32>
        %mul3A_697 = arith.mulf %max3A_594, %exp3A_665 : vector<16xf32>
        %mul3A_698 = arith.mulf %max3A_597, %exp3A_666 : vector<16xf32>
        %mul3A_699 = arith.mulf %max3A_600, %exp3A_667 : vector<16xf32>
        %mul3A_700 = arith.mulf %max3A_603, %exp3A_668 : vector<16xf32>
        %mul3A_701 = arith.mulf %max3A_606, %exp3A_669 : vector<16xf32>
        %mul3A_702 = arith.mulf %max3A_609, %exp3A_670 : vector<16xf32>
        %mul3A_703 = arith.mulf %max3A_612, %exp3A_671 : vector<16xf32>
        %mul3A_704 = arith.mulf %max3A_615, %exp3A_672 : vector<16xf32>
        %mul3A_705 = arith.mulf %max3A_618, %exp3A_673 : vector<16xf32>
        %mul3A_706 = arith.mulf %max3A_621, %exp3A_674 : vector<16xf32>
        %mul3A_707 = arith.mulf %max3A_624, %exp3A_675 : vector<16xf32>
        %mul3A_708 = arith.mulf %max3A_627, %exp3A_676 : vector<16xf32>
        %mul3A_709 = arith.mulf %max3A_630, %exp3A_677 : vector<16xf32>
        %mul3A_710 = arith.mulf %max3A_633, %exp3A_678 : vector<16xf32>
        %mul3A_711 = arith.mulf %max3A_636, %exp3A_679 : vector<16xf32>
        %mul3A_712 = arith.mulf %max3A_639, %exp3A_680 : vector<16xf32>
        %mul3A_713 = arith.mulf %max3A_642, %exp3A_681 : vector<16xf32>
        %mul3A_714 = arith.mulf %max3A_645, %exp3A_682 : vector<16xf32>
        %mul3A_715 = arith.mulf %max3A_648, %exp3A_683 : vector<16xf32>
        %mul3A_716 = arith.mulf %max3A_651, %exp3A_684 : vector<16xf32>
        %mul3A_717 = arith.mulf %max3A_654, %exp3A_685 : vector<16xf32>
        %pack3A = tpu.pack_subelements %exp3A, %mul3A_686 {pack_format = #tpu.pack_format<interleaved>, positions = array<i32: 0, 1>} : vector<16xf32>, vector<16xf32> -> vector<32xbf16>
        %pack3A_718 = tpu.pack_subelements %exp3A_655, %mul3A_687 {pack_format = #tpu.pack_format<interleaved>, positions = array<i32: 0, 1>} : vector<16xf32>, vector<16xf32> -> vector<32xbf16>
        %pack3A_719 = tpu.pack_subelements %exp3A_656, %mul3A_688 {pack_format = #tpu.pack_format<interleaved>, positions = array<i32: 0, 1>} : vector<16xf32>, vector<16xf32> -> vector<32xbf16>
        %pack3A_720 = tpu.pack_subelements %exp3A_657, %mul3A_689 {pack_format = #tpu.pack_format<interleaved>, positions = array<i32: 0, 1>} : vector<16xf32>, vector<16xf32> -> vector<32xbf16>
        %pack3A_721 = tpu.pack_subelements %exp3A_658, %mul3A_690 {pack_format = #tpu.pack_format<interleaved>, positions = array<i32: 0, 1>} : vector<16xf32>, vector<16xf32> -> vector<32xbf16>
        %pack3A_722 = tpu.pack_subelements %exp3A_659, %mul3A_691 {pack_format = #tpu.pack_format<interleaved>, positions = array<i32: 0, 1>} : vector<16xf32>, vector<16xf32> -> vector<32xbf16>
        %pack3A_723 = tpu.pack_subelements %exp3A_660, %mul3A_692 {pack_format = #tpu.pack_format<interleaved>, positions = array<i32: 0, 1>} : vector<16xf32>, vector<16xf32> -> vector<32xbf16>
        %pack3A_724 = tpu.pack_subelements %exp3A_661, %mul3A_693 {pack_format = #tpu.pack_format<interleaved>, positions = array<i32: 0, 1>} : vector<16xf32>, vector<16xf32> -> vector<32xbf16>
        %pack3A_725 = tpu.pack_subelements %exp3A_662, %mul3A_694 {pack_format = #tpu.pack_format<interleaved>, positions = array<i32: 0, 1>} : vector<16xf32>, vector<16xf32> -> vector<32xbf16>
        %pack3A_726 = tpu.pack_subelements %exp3A_663, %mul3A_695 {pack_format = #tpu.pack_format<interleaved>, positions = array<i32: 0, 1>} : vector<16xf32>, vector<16xf32> -> vector<32xbf16>
        %pack3A_727 = tpu.pack_subelements %exp3A_664, %mul3A_696 {pack_format = #tpu.pack_format<interleaved>, positions = array<i32: 0, 1>} : vector<16xf32>, vector<16xf32> -> vector<32xbf16>
        %pack3A_728 = tpu.pack_subelements %exp3A_665, %mul3A_697 {pack_format = #tpu.pack_format<interleaved>, positions = array<i32: 0, 1>} : vector<16xf32>, vector<16xf32> -> vector<32xbf16>
        %pack3A_729 = tpu.pack_subelements %exp3A_666, %mul3A_698 {pack_format = #tpu.pack_format<interleaved>, positions = array<i32: 0, 1>} : vector<16xf32>, vector<16xf32> -> vector<32xbf16>
        %pack3A_730 = tpu.pack_subelements %exp3A_667, %mul3A_699 {pack_format = #tpu.pack_format<interleaved>, positions = array<i32: 0, 1>} : vector<16xf32>, vector<16xf32> -> vector<32xbf16>
        %pack3A_731 = tpu.pack_subelements %exp3A_668, %mul3A_700 {pack_format = #tpu.pack_format<interleaved>, positions = array<i32: 0, 1>} : vector<16xf32>, vector<16xf32> -> vector<32xbf16>
        %pack3A_732 = tpu.pack_subelements %exp3A_669, %mul3A_701 {pack_format = #tpu.pack_format<interleaved>, positions = array<i32: 0, 1>} : vector<16xf32>, vector<16xf32> -> vector<32xbf16>
        %pack3A_733 = tpu.pack_subelements %exp3A_670, %mul3A_702 {pack_format = #tpu.pack_format<interleaved>, positions = array<i32: 0, 1>} : vector<16xf32>, vector<16xf32> -> vector<32xbf16>
        %pack3A_734 = tpu.pack_subelements %exp3A_671, %mul3A_703 {pack_format = #tpu.pack_format<interleaved>, positions = array<i32: 0, 1>} : vector<16xf32>, vector<16xf32> -> vector<32xbf16>
        %pack3A_735 = tpu.pack_subelements %exp3A_672, %mul3A_704 {pack_format = #tpu.pack_format<interleaved>, positions = array<i32: 0, 1>} : vector<16xf32>, vector<16xf32> -> vector<32xbf16>
        %pack3A_736 = tpu.pack_subelements %exp3A_673, %mul3A_705 {pack_format = #tpu.pack_format<interleaved>, positions = array<i32: 0, 1>} : vector<16xf32>, vector<16xf32> -> vector<32xbf16>
        %pack3A_737 = tpu.pack_subelements %exp3A_674, %mul3A_706 {pack_format = #tpu.pack_format<interleaved>, positions = array<i32: 0, 1>} : vector<16xf32>, vector<16xf32> -> vector<32xbf16>
        %pack3A_738 = tpu.pack_subelements %exp3A_675, %mul3A_707 {pack_format = #tpu.pack_format<interleaved>, positions = array<i32: 0, 1>} : vector<16xf32>, vector<16xf32> -> vector<32xbf16>
        %pack3A_739 = tpu.pack_subelements %exp3A_676, %mul3A_708 {pack_format = #tpu.pack_format<interleaved>, positions = array<i32: 0, 1>} : vector<16xf32>, vector<16xf32> -> vector<32xbf16>
        %pack3A_740 = tpu.pack_subelements %exp3A_677, %mul3A_709 {pack_format = #tpu.pack_format<interleaved>, positions = array<i32: 0, 1>} : vector<16xf32>, vector<16xf32> -> vector<32xbf16>
        %pack3A_741 = tpu.pack_subelements %exp3A_678, %mul3A_710 {pack_format = #tpu.pack_format<interleaved>, positions = array<i32: 0, 1>} : vector<16xf32>, vector<16xf32> -> vector<32xbf16>
        %pack3A_742 = tpu.pack_subelements %exp3A_679, %mul3A_711 {pack_format = #tpu.pack_format<interleaved>, positions = array<i32: 0, 1>} : vector<16xf32>, vector<16xf32> -> vector<32xbf16>
        %pack3A_743 = tpu.pack_subelements %exp3A_680, %mul3A_712 {pack_format = #tpu.pack_format<interleaved>, positions = array<i32: 0, 1>} : vector<16xf32>, vector<16xf32> -> vector<32xbf16>
        %pack3A_744 = tpu.pack_subelements %exp3A_681, %mul3A_713 {pack_format = #tpu.pack_format<interleaved>, positions = array<i32: 0, 1>} : vector<16xf32>, vector<16xf32> -> vector<32xbf16>
        %pack3A_745 = tpu.pack_subelements %exp3A_682, %mul3A_714 {pack_format = #tpu.pack_format<interleaved>, positions = array<i32: 0, 1>} : vector<16xf32>, vector<16xf32> -> vector<32xbf16>
        %pack3A_746 = tpu.pack_subelements %exp3A_683, %mul3A_715 {pack_format = #tpu.pack_format<interleaved>, positions = array<i32: 0, 1>} : vector<16xf32>, vector<16xf32> -> vector<32xbf16>
        %pack3A_747 = tpu.pack_subelements %exp3A_684, %mul3A_716 {pack_format = #tpu.pack_format<interleaved>, positions = array<i32: 0, 1>} : vector<16xf32>, vector<16xf32> -> vector<32xbf16>
        %pack3A_748 = tpu.pack_subelements %exp3A_685, %mul3A_717 {pack_format = #tpu.pack_format<interleaved>, positions = array<i32: 0, 1>} : vector<16xf32>, vector<16xf32> -> vector<32xbf16>
        %add3A_749 = arith.constant 0 : i32
        %add3A_750 = arith.addi %mul3A_400, %add3A_749 : i32
        %swap3A = arith.index_cast %add3A_750 : i32 to index
        %swap3A_751 = arith.constant 0 : index
        %swap3A_752 = tpu.vector_load %arg10[%swap3A, %swap3A_751] {strides = array<i32>} : memref<128x128xbf16, #tpu.memory_space<vmem>>, vector<32xbf16>,
        tpu.vector_store %arg10[%swap3A, %swap3A_751], %pack3A {strides = array<i32>} : memref<128x128xbf16, #tpu.memory_space<vmem>>, vector<32xbf16>,
        %add3A_753 = arith.constant 0 : i32
        %add3A_754 = arith.addi %mul3A_400, %add3A_753 : i32
        %swap3A_755 = arith.index_cast %add3A_754 : i32 to index
        %swap3A_756 = arith.constant 32 : index
        %swap3A_757 = tpu.vector_load %arg10[%swap3A_755, %swap3A_756] {strides = array<i32>} : memref<128x128xbf16, #tpu.memory_space<vmem>>, vector<32xbf16>,
        tpu.vector_store %arg10[%swap3A_755, %swap3A_756], %pack3A_718 {strides = array<i32>} : memref<128x128xbf16, #tpu.memory_space<vmem>>, vector<32xbf16>,
        %add3A_758 = arith.constant 0 : i32
        %add3A_759 = arith.addi %mul3A_400, %add3A_758 : i32
        %swap3A_760 = arith.index_cast %add3A_759 : i32 to index
        %swap3A_761 = arith.constant 64 : index
        %swap3A_762 = tpu.vector_load %arg10[%swap3A_760, %swap3A_761] {strides = array<i32>} : memref<128x128xbf16, #tpu.memory_space<vmem>>, vector<32xbf16>,
        tpu.vector_store %arg10[%swap3A_760, %swap3A_761], %pack3A_719 {strides = array<i32>} : memref<128x128xbf16, #tpu.memory_space<vmem>>, vector<32xbf16>,
        %add3A_763 = arith.constant 0 : i32
        %add3A_764 = arith.addi %mul3A_400, %add3A_763 : i32
        %swap3A_765 = arith.index_cast %add3A_764 : i32 to index
        %swap3A_766 = arith.constant 96 : index
        %swap3A_767 = tpu.vector_load %arg10[%swap3A_765, %swap3A_766] {strides = array<i32>} : memref<128x128xbf16, #tpu.memory_space<vmem>>, vector<32xbf16>,
        tpu.vector_store %arg10[%swap3A_765, %swap3A_766], %pack3A_720 {strides = array<i32>} : memref<128x128xbf16, #tpu.memory_space<vmem>>, vector<32xbf16>,
        %add3A_768 = arith.constant 1 : i32
        %add3A_769 = arith.addi %mul3A_400, %add3A_768 : i32
        %swap3A_770 = arith.index_cast %add3A_769 : i32 to index
        %swap3A_771 = arith.constant 0 : index
        %swap3A_772 = tpu.vector_load %arg10[%swap3A_770, %swap3A_771] {strides = array<i32>} : memref<128x128xbf16, #tpu.memory_space<vmem>>, vector<32xbf16>,
        tpu.vector_store %arg10[%swap3A_770, %swap3A_771], %pack3A_721 {strides = array<i32>} : memref<128x128xbf16, #tpu.memory_space<vmem>>, vector<32xbf16>,
        %add3A_773 = arith.constant 1 : i32
        %add3A_774 = arith.addi %mul3A_400, %add3A_773 : i32
        %swap3A_775 = arith.index_cast %add3A_774 : i32 to index
        %swap3A_776 = arith.constant 32 : index
        %swap3A_777 = tpu.vector_load %arg10[%swap3A_775, %swap3A_776] {strides = array<i32>} : memref<128x128xbf16, #tpu.memory_space<vmem>>, vector<32xbf16>,
        tpu.vector_store %arg10[%swap3A_775, %swap3A_776], %pack3A_722 {strides = array<i32>} : memref<128x128xbf16, #tpu.memory_space<vmem>>, vector<32xbf16>,
        %add3A_778 = arith.constant 1 : i32
        %add3A_779 = arith.addi %mul3A_400, %add3A_778 : i32
        %swap3A_780 = arith.index_cast %add3A_779 : i32 to index
        %swap3A_781 = arith.constant 64 : index
        %swap3A_782 = tpu.vector_load %arg10[%swap3A_780, %swap3A_781] {strides = array<i32>} : memref<128x128xbf16, #tpu.memory_space<vmem>>, vector<32xbf16>,
        tpu.vector_store %arg10[%swap3A_780, %swap3A_781], %pack3A_723 {strides = array<i32>} : memref<128x128xbf16, #tpu.memory_space<vmem>>, vector<32xbf16>,
        %add3A_783 = arith.constant 1 : i32
        %add3A_784 = arith.addi %mul3A_400, %add3A_783 : i32
        %swap3A_785 = arith.index_cast %add3A_784 : i32 to index
        %swap3A_786 = arith.constant 96 : index
        %swap3A_787 = tpu.vector_load %arg10[%swap3A_785, %swap3A_786] {strides = array<i32>} : memref<128x128xbf16, #tpu.memory_space<vmem>>, vector<32xbf16>,
        tpu.vector_store %arg10[%swap3A_785, %swap3A_786], %pack3A_724 {strides = array<i32>} : memref<128x128xbf16, #tpu.memory_space<vmem>>, vector<32xbf16>,
        %add3A_788 = arith.constant 2 : i32
        %add3A_789 = arith.addi %mul3A_400, %add3A_788 : i32
        %swap3A_790 = arith.index_cast %add3A_789 : i32 to index
        %swap3A_791 = arith.constant 0 : index
        %swap3A_792 = tpu.vector_load %arg10[%swap3A_790, %swap3A_791] {strides = array<i32>} : memref<128x128xbf16, #tpu.memory_space<vmem>>, vector<32xbf16>,
        tpu.vector_store %arg10[%swap3A_790, %swap3A_791], %pack3A_725 {strides = array<i32>} : memref<128x128xbf16, #tpu.memory_space<vmem>>, vector<32xbf16>,
        %add3A_793 = arith.constant 2 : i32
        %add3A_794 = arith.addi %mul3A_400, %add3A_793 : i32
        %swap3A_795 = arith.index_cast %add3A_794 : i32 to index
        %swap3A_796 = arith.constant 32 : index
        %swap3A_797 = tpu.vector_load %arg10[%swap3A_795, %swap3A_796] {strides = array<i32>} : memref<128x128xbf16, #tpu.memory_space<vmem>>, vector<32xbf16>,
        tpu.vector_store %arg10[%swap3A_795, %swap3A_796], %pack3A_726 {strides = array<i32>} : memref<128x128xbf16, #tpu.memory_space<vmem>>, vector<32xbf16>,
        %add3A_798 = arith.constant 2 : i32
        %add3A_799 = arith.addi %mul3A_400, %add3A_798 : i32
        %swap3A_800 = arith.index_cast %add3A_799 : i32 to index
        %swap3A_801 = arith.constant 64 : index
        %swap3A_802 = tpu.vector_load %arg10[%swap3A_800, %swap3A_801] {strides = array<i32>} : memref<128x128xbf16, #tpu.memory_space<vmem>>, vector<32xbf16>,
        tpu.vector_store %arg10[%swap3A_800, %swap3A_801], %pack3A_727 {strides = array<i32>} : memref<128x128xbf16, #tpu.memory_space<vmem>>, vector<32xbf16>,
        %add3A_803 = arith.constant 2 : i32
        %add3A_804 = arith.addi %mul3A_400, %add3A_803 : i32
        %swap3A_805 = arith.index_cast %add3A_804 : i32 to index
        %swap3A_806 = arith.constant 96 : index
        %swap3A_807 = tpu.vector_load %arg10[%swap3A_805, %swap3A_806] {strides = array<i32>} : memref<128x128xbf16, #tpu.memory_space<vmem>>, vector<32xbf16>,
        tpu.vector_store %arg10[%swap3A_805, %swap3A_806], %pack3A_728 {strides = array<i32>} : memref<128x128xbf16, #tpu.memory_space<vmem>>, vector<32xbf16>,
        %add3A_808 = arith.constant 3 : i32
        %add3A_809 = arith.addi %mul3A_400, %add3A_808 : i32
        %swap3A_810 = arith.index_cast %add3A_809 : i32 to index
        %swap3A_811 = arith.constant 0 : index
        %swap3A_812 = tpu.vector_load %arg10[%swap3A_810, %swap3A_811] {strides = array<i32>} : memref<128x128xbf16, #tpu.memory_space<vmem>>, vector<32xbf16>,
        tpu.vector_store %arg10[%swap3A_810, %swap3A_811], %pack3A_729 {strides = array<i32>} : memref<128x128xbf16, #tpu.memory_space<vmem>>, vector<32xbf16>,
        %add3A_813 = arith.constant 3 : i32
        %add3A_814 = arith.addi %mul3A_400, %add3A_813 : i32
        %swap3A_815 = arith.index_cast %add3A_814 : i32 to index
        %swap3A_816 = arith.constant 32 : index
        %swap3A_817 = tpu.vector_load %arg10[%swap3A_815, %swap3A_816] {strides = array<i32>} : memref<128x128xbf16, #tpu.memory_space<vmem>>, vector<32xbf16>,
        tpu.vector_store %arg10[%swap3A_815, %swap3A_816], %pack3A_730 {strides = array<i32>} : memref<128x128xbf16, #tpu.memory_space<vmem>>, vector<32xbf16>,
        %add3A_818 = arith.constant 3 : i32
        %add3A_819 = arith.addi %mul3A_400, %add3A_818 : i32
        %swap3A_820 = arith.index_cast %add3A_819 : i32 to index
        %swap3A_821 = arith.constant 64 : index
        %swap3A_822 = tpu.vector_load %arg10[%swap3A_820, %swap3A_821] {strides = array<i32>} : memref<128x128xbf16, #tpu.memory_space<vmem>>, vector<32xbf16>,
        tpu.vector_store %arg10[%swap3A_820, %swap3A_821], %pack3A_731 {strides = array<i32>} : memref<128x128xbf16, #tpu.memory_space<vmem>>, vector<32xbf16>,
        %add3A_823 = arith.constant 3 : i32
        %add3A_824 = arith.addi %mul3A_400, %add3A_823 : i32
        %swap3A_825 = arith.index_cast %add3A_824 : i32 to index
        %swap3A_826 = arith.constant 96 : index
        %swap3A_827 = tpu.vector_load %arg10[%swap3A_825, %swap3A_826] {strides = array<i32>} : memref<128x128xbf16, #tpu.memory_space<vmem>>, vector<32xbf16>,
        tpu.vector_store %arg10[%swap3A_825, %swap3A_826], %pack3A_732 {strides = array<i32>} : memref<128x128xbf16, #tpu.memory_space<vmem>>, vector<32xbf16>,
        %add3A_828 = arith.constant 4 : i32
        %add3A_829 = arith.addi %mul3A_400, %add3A_828 : i32
        %swap3A_830 = arith.index_cast %add3A_829 : i32 to index
        %swap3A_831 = arith.constant 0 : index
        %swap3A_832 = tpu.vector_load %arg10[%swap3A_830, %swap3A_831] {strides = array<i32>} : memref<128x128xbf16, #tpu.memory_space<vmem>>, vector<32xbf16>,
        tpu.vector_store %arg10[%swap3A_830, %swap3A_831], %pack3A_733 {strides = array<i32>} : memref<128x128xbf16, #tpu.memory_space<vmem>>, vector<32xbf16>,
        %add3A_833 = arith.constant 4 : i32
        %add3A_834 = arith.addi %mul3A_400, %add3A_833 : i32
        %swap3A_835 = arith.index_cast %add3A_834 : i32 to index
        %swap3A_836 = arith.constant 32 : index
        %swap3A_837 = tpu.vector_load %arg10[%swap3A_835, %swap3A_836] {strides = array<i32>} : memref<128x128xbf16, #tpu.memory_space<vmem>>, vector<32xbf16>,
        tpu.vector_store %arg10[%swap3A_835, %swap3A_836], %pack3A_734 {strides = array<i32>} : memref<128x128xbf16, #tpu.memory_space<vmem>>, vector<32xbf16>,
        %add3A_838 = arith.constant 4 : i32
        %add3A_839 = arith.addi %mul3A_400, %add3A_838 : i32
        %swap3A_840 = arith.index_cast %add3A_839 : i32 to index
        %swap3A_841 = arith.constant 64 : index
        %swap3A_842 = tpu.vector_load %arg10[%swap3A_840, %swap3A_841] {strides = array<i32>} : memref<128x128xbf16, #tpu.memory_space<vmem>>, vector<32xbf16>,
        tpu.vector_store %arg10[%swap3A_840, %swap3A_841], %pack3A_735 {strides = array<i32>} : memref<128x128xbf16, #tpu.memory_space<vmem>>, vector<32xbf16>,
        %add3A_843 = arith.constant 4 : i32
        %add3A_844 = arith.addi %mul3A_400, %add3A_843 : i32
        %swap3A_845 = arith.index_cast %add3A_844 : i32 to index
        %swap3A_846 = arith.constant 96 : index
        %swap3A_847 = tpu.vector_load %arg10[%swap3A_845, %swap3A_846] {strides = array<i32>} : memref<128x128xbf16, #tpu.memory_space<vmem>>, vector<32xbf16>,
        tpu.vector_store %arg10[%swap3A_845, %swap3A_846], %pack3A_736 {strides = array<i32>} : memref<128x128xbf16, #tpu.memory_space<vmem>>, vector<32xbf16>,
        %add3A_848 = arith.constant 5 : i32
        %add3A_849 = arith.addi %mul3A_400, %add3A_848 : i32
        %swap3A_850 = arith.index_cast %add3A_849 : i32 to index
        %swap3A_851 = arith.constant 0 : index
        %swap3A_852 = tpu.vector_load %arg10[%swap3A_850, %swap3A_851] {strides = array<i32>} : memref<128x128xbf16, #tpu.memory_space<vmem>>, vector<32xbf16>,
        tpu.vector_store %arg10[%swap3A_850, %swap3A_851], %pack3A_737 {strides = array<i32>} : memref<128x128xbf16, #tpu.memory_space<vmem>>, vector<32xbf16>,
        %add3A_853 = arith.constant 5 : i32
        %add3A_854 = arith.addi %mul3A_400, %add3A_853 : i32
        %swap3A_855 = arith.index_cast %add3A_854 : i32 to index
        %swap3A_856 = arith.constant 32 : index
        %swap3A_857 = tpu.vector_load %arg10[%swap3A_855, %swap3A_856] {strides = array<i32>} : memref<128x128xbf16, #tpu.memory_space<vmem>>, vector<32xbf16>,
        tpu.vector_store %arg10[%swap3A_855, %swap3A_856], %pack3A_738 {strides = array<i32>} : memref<128x128xbf16, #tpu.memory_space<vmem>>, vector<32xbf16>,
        %add3A_858 = arith.constant 5 : i32
        %add3A_859 = arith.addi %mul3A_400, %add3A_858 : i32
        %swap3A_860 = arith.index_cast %add3A_859 : i32 to index
        %swap3A_861 = arith.constant 64 : index
        %swap3A_862 = tpu.vector_load %arg10[%swap3A_860, %swap3A_861] {strides = array<i32>} : memref<128x128xbf16, #tpu.memory_space<vmem>>, vector<32xbf16>,
        tpu.vector_store %arg10[%swap3A_860, %swap3A_861], %pack3A_739 {strides = array<i32>} : memref<128x128xbf16, #tpu.memory_space<vmem>>, vector<32xbf16>,
        %add3A_863 = arith.constant 5 : i32
        %add3A_864 = arith.addi %mul3A_400, %add3A_863 : i32
        %swap3A_865 = arith.index_cast %add3A_864 : i32 to index
        %swap3A_866 = arith.constant 96 : index
        %swap3A_867 = tpu.vector_load %arg10[%swap3A_865, %swap3A_866] {strides = array<i32>} : memref<128x128xbf16, #tpu.memory_space<vmem>>, vector<32xbf16>,
        tpu.vector_store %arg10[%swap3A_865, %swap3A_866], %pack3A_740 {strides = array<i32>} : memref<128x128xbf16, #tpu.memory_space<vmem>>, vector<32xbf16>,
        %add3A_868 = arith.constant 6 : i32
        %add3A_869 = arith.addi %mul3A_400, %add3A_868 : i32
        %swap3A_870 = arith.index_cast %add3A_869 : i32 to index
        %swap3A_871 = arith.constant 0 : index
        %swap3A_872 = tpu.vector_load %arg10[%swap3A_870, %swap3A_871] {strides = array<i32>} : memref<128x128xbf16, #tpu.memory_space<vmem>>, vector<32xbf16>,
        tpu.vector_store %arg10[%swap3A_870, %swap3A_871], %pack3A_741 {strides = array<i32>} : memref<128x128xbf16, #tpu.memory_space<vmem>>, vector<32xbf16>,
        %add3A_873 = arith.constant 6 : i32
        %add3A_874 = arith.addi %mul3A_400, %add3A_873 : i32
        %swap3A_875 = arith.index_cast %add3A_874 : i32 to index
        %swap3A_876 = arith.constant 32 : index
        %swap3A_877 = tpu.vector_load %arg10[%swap3A_875, %swap3A_876] {strides = array<i32>} : memref<128x128xbf16, #tpu.memory_space<vmem>>, vector<32xbf16>,
        tpu.vector_store %arg10[%swap3A_875, %swap3A_876], %pack3A_742 {strides = array<i32>} : memref<128x128xbf16, #tpu.memory_space<vmem>>, vector<32xbf16>,
        %add3A_878 = arith.constant 6 : i32
        %add3A_879 = arith.addi %mul3A_400, %add3A_878 : i32
        %swap3A_880 = arith.index_cast %add3A_879 : i32 to index
        %swap3A_881 = arith.constant 64 : index
        %swap3A_882 = tpu.vector_load %arg10[%swap3A_880, %swap3A_881] {strides = array<i32>} : memref<128x128xbf16, #tpu.memory_space<vmem>>, vector<32xbf16>,
        tpu.vector_store %arg10[%swap3A_880, %swap3A_881], %pack3A_743 {strides = array<i32>} : memref<128x128xbf16, #tpu.memory_space<vmem>>, vector<32xbf16>,
        %add3A_883 = arith.constant 6 : i32
        %add3A_884 = arith.addi %mul3A_400, %add3A_883 : i32
        %swap3A_885 = arith.index_cast %add3A_884 : i32 to index
        %swap3A_886 = arith.constant 96 : index
        %swap3A_887 = tpu.vector_load %arg10[%swap3A_885, %swap3A_886] {strides = array<i32>} : memref<128x128xbf16, #tpu.memory_space<vmem>>, vector<32xbf16>,
        tpu.vector_store %arg10[%swap3A_885, %swap3A_886], %pack3A_744 {strides = array<i32>} : memref<128x128xbf16, #tpu.memory_space<vmem>>, vector<32xbf16>,
        %add3A_888 = arith.constant 7 : i32
        %add3A_889 = arith.addi %mul3A_400, %add3A_888 : i32
        %swap3A_890 = arith.index_cast %add3A_889 : i32 to index
        %swap3A_891 = arith.constant 0 : index
        %swap3A_892 = tpu.vector_load %arg10[%swap3A_890, %swap3A_891] {strides = array<i32>} : memref<128x128xbf16, #tpu.memory_space<vmem>>, vector<32xbf16>,
        tpu.vector_store %arg10[%swap3A_890, %swap3A_891], %pack3A_745 {strides = array<i32>} : memref<128x128xbf16, #tpu.memory_space<vmem>>, vector<32xbf16>,
        %add3A_893 = arith.constant 7 : i32
        %add3A_894 = arith.addi %mul3A_400, %add3A_893 : i32
        %swap3A_895 = arith.index_cast %add3A_894 : i32 to index
        %swap3A_896 = arith.constant 32 : index
        %swap3A_897 = tpu.vector_load %arg10[%swap3A_895, %swap3A_896] {strides = array<i32>} : memref<128x128xbf16, #tpu.memory_space<vmem>>, vector<32xbf16>,
        tpu.vector_store %arg10[%swap3A_895, %swap3A_896], %pack3A_746 {strides = array<i32>} : memref<128x128xbf16, #tpu.memory_space<vmem>>, vector<32xbf16>,
        %add3A_898 = arith.constant 7 : i32
        %add3A_899 = arith.addi %mul3A_400, %add3A_898 : i32
        %swap3A_900 = arith.index_cast %add3A_899 : i32 to index
        %swap3A_901 = arith.constant 64 : index
        %swap3A_902 = tpu.vector_load %arg10[%swap3A_900, %swap3A_901] {strides = array<i32>} : memref<128x128xbf16, #tpu.memory_space<vmem>>, vector<32xbf16>,
        tpu.vector_store %arg10[%swap3A_900, %swap3A_901], %pack3A_747 {strides = array<i32>} : memref<128x128xbf16, #tpu.memory_space<vmem>>, vector<32xbf16>,
        %add3A_903 = arith.constant 7 : i32
        %add3A_904 = arith.addi %mul3A_400, %add3A_903 : i32
        %swap3A_905 = arith.index_cast %add3A_904 : i32 to index
        %swap3A_906 = arith.constant 96 : index
        %swap3A_907 = tpu.vector_load %arg10[%swap3A_905, %swap3A_906] {strides = array<i32>} : memref<128x128xbf16, #tpu.memory_space<vmem>>, vector<32xbf16>,
        tpu.vector_store %arg10[%swap3A_905, %swap3A_906], %pack3A_748 {strides = array<i32>} : memref<128x128xbf16, #tpu.memory_space<vmem>>, vector<32xbf16>,
        %scan3A_908 = arith.constant 0 : i32
        scf.yield %scan3A_908 : i32
      }
      %scan3A_344 = arith.constant 16 : i32
      %add3A_345 = arith.constant 2 : i32
      %add3A_346 = arith.addi %mul3A_331, %add3A_345 : i32
      %lt3A = arith.constant 158 : i32
      %lt3A_347 = arith.cmpi slt, %add3A_346, %lt3A : i32
      %convert_element_type3A_348 = arith.extui %lt3A_347 : i1 to i32
      %cond3A_349 = arith.constant 0 : i32
      %cond3A_350 = arith.cmpi ne, %convert_element_type3A_348, %cond3A_349 : i32
      scf.if %cond3A_350 {
        %add3A_397 = arith.constant 2 : i32
        %add3A_398 = arith.addi %mul3A_331, %add3A_397 : i32
        %dma_start3A_399 = arith.constant 0 : i32
        %dma_start3A_400 = tpu.memref_slice %arg6[%add3A_398, %dma_start3A_399] : memref<158x128xi32, #tpu.memory_space<vmem>> -> memref<1x128xi32, #tpu.memory_space<vmem>>
        %dma_start3A_401 = tpu.memref_squeeze %dma_start3A_400 : memref<1x128xi32, #tpu.memory_space<vmem>> -> memref<128xi32, #tpu.memory_space<vmem>>
        %dma_start3A_402 = arith.constant 0 : i32
        %dma_start3A_403 = arith.constant 0 : i32
        %dma_start3A_404 = tpu.memref_slice %arg2[%dma_start3A_402, %dma_start3A_403] : memref<20000x64xf32, #tpu.memory_space<hbm>> -> memref<20000x64xf32, #tpu.memory_space<hbm>>
        tpu.enqueue_indirect_dma source(%dma_start3A_404 : memref<20000x64xf32, #tpu.memory_space<hbm>>) target(%arg8 : memref<128x64xf32, #tpu.memory_space<vmem>>) offsets(%dma_start3A_401 : memref<128xi32, #tpu.memory_space<vmem>>) semaphore(%arg14 : memref<!tpu.dma_semaphore, #tpu.memory_space<semaphore_mem>>)
      } else {
      }
      %ge3A = arith.constant 1 : i32
      %ge3A_351 = arith.cmpi sge, %mul3A_331, %ge3A : i32
      %convert_element_type3A_352 = arith.extui %ge3A_351 : i1 to i32
      %cond3A_353 = arith.constant 0 : i32
      %cond3A_354 = arith.cmpi ne, %convert_element_type3A_352, %cond3A_353 : i32
      scf.if %cond3A_354 {
        %sub3A = arith.constant 1 : i32
        %sub3A_397 = arith.subi %mul3A_331, %sub3A : i32
        %dma_wait3A_398 = arith.constant 0 : i32
        %dma_wait3A_399 = tpu.memref_slice %arg7[%sub3A_397, %dma_wait3A_398] : memref<158x128xi32, #tpu.memory_space<vmem>> -> memref<1x128xi32, #tpu.memory_space<vmem>>
        %dma_wait3A_400 = tpu.memref_squeeze %dma_wait3A_399 : memref<1x128xi32, #tpu.memory_space<vmem>> -> memref<128xi32, #tpu.memory_space<vmem>>
        %dma_wait3A_401 = arith.constant 0 : i32
        %dma_wait3A_402 = arith.constant 0 : i32
        %dma_wait3A_403 = tpu.memref_slice %arg12[%dma_wait3A_401, %dma_wait3A_402] : memref<10016x128xbf16, #tpu.memory_space<vmem_shared>> -> memref<10016x128xbf16, #tpu.memory_space<vmem_shared>>
        tpu.wait_indirect_dma semaphore(%arg15 : memref<!tpu.dma_semaphore, #tpu.memory_space<semaphore_mem>>) src(%arg11 : memref<128x128xbf16, #tpu.memory_space<vmem>>) dst(%dma_wait3A_403 : memref<10016x128xbf16, #tpu.memory_space<vmem_shared>>)
      } else {
      }
      %dma_start3A_355 = arith.constant 0 : i32
      %dma_start3A_356 = tpu.memref_slice %arg7[%mul3A_331, %dma_start3A_355] : memref<158x128xi32, #tpu.memory_space<vmem>> -> memref<1x128xi32, #tpu.memory_space<vmem>>
      %dma_start3A_357 = tpu.memref_squeeze %dma_start3A_356 : memref<1x128xi32, #tpu.memory_space<vmem>> -> memref<128xi32, #tpu.memory_space<vmem>>
      %dma_start3A_358 = arith.constant 0 : i32
      %dma_start3A_359 = arith.constant 0 : i32
      %dma_start3A_360 = tpu.memref_slice %arg12[%dma_start3A_358, %dma_start3A_359] : memref<10016x128xbf16, #tpu.memory_space<vmem_shared>> -> memref<10016x128xbf16, #tpu.memory_space<vmem_shared>>
      tpu.enqueue_indirect_dma source(%arg10 : memref<128x128xbf16, #tpu.memory_space<vmem>>) target(%dma_start3A_360 : memref<10016x128xbf16, #tpu.memory_space<vmem_shared>>) offsets(%dma_start3A_357 : memref<128xi32, #tpu.memory_space<vmem>>) semaphore(%arg15 : memref<!tpu.dma_semaphore, #tpu.memory_space<semaphore_mem>>) {add = true}
      %mul3A_361 = arith.constant 2 : i32
      %mul3A_362 = arith.muli %scan3A_328, %mul3A_361 : i32
      %add3A_363 = arith.constant 1 : i32
      %add3A_364 = arith.addi %mul3A_362, %add3A_363 : i32
      %dma_wait3A_365 = arith.constant 0 : i32
      %dma_wait3A_366 = tpu.memref_slice %arg6[%add3A_364, %dma_wait3A_365] : memref<158x128xi32, #tpu.memory_space<vmem>> -> memref<1x128xi32, #tpu.memory_space<vmem>>
      %dma_wait3A_367 = tpu.memref_squeeze %dma_wait3A_366 : memref<1x128xi32, #tpu.memory_space<vmem>> -> memref<128xi32, #tpu.memory_space<vmem>>
      %dma_wait3A_368 = arith.constant 0 : i32
      %dma_wait3A_369 = arith.constant 0 : i32
      %dma_wait3A_370 = tpu.memref_slice %arg2[%dma_wait3A_368, %dma_wait3A_369] : memref<20000x64xf32, #tpu.memory_space<hbm>> -> memref<20000x64xf32, #tpu.memory_space<hbm>>
      tpu.wait_indirect_dma semaphore(%arg14 : memref<!tpu.dma_semaphore, #tpu.memory_space<semaphore_mem>>) src(%dma_wait3A_370 : memref<20000x64xf32, #tpu.memory_space<hbm>>) dst(%arg9 : memref<128x64xf32, #tpu.memory_space<vmem>>)
      %scan3A_371 = arith.constant 0 : i32
      %scan3A_372 = arith.constant 0 : i32
      %scan3A_373 = arith.constant 16 : i32
      %scan3A_374 = arith.addi %scan3A_372, %scan3A_373 : i32
      %scan3A_375 = arith.constant 1 : i32
      %scan3A_376 = scf.for %scan3A_397 = %scan3A_372 to %scan3A_374 step %scan3A_375 iter_args(%scan3A_398 = %scan3A_371) -> (i32)  : i32 {
        %mul3A_399 = arith.constant 8 : i32
        %mul3A_400 = arith.muli %scan3A_397, %mul3A_399 : i32
        %add3A_401 = arith.constant 0 : i32
        %add3A_402 = arith.addi %mul3A_400, %add3A_401 : i32
        %get3A = arith.index_cast %add3A_402 : i32 to index
        %get3A_403 = arith.constant 0 : index
        %get3A_404 = tpu.vector_load %arg9[%get3A, %get3A_403] {strides = array<i32>} : memref<128x64xf32, #tpu.memory_space<vmem>>, vector<16xf32>,
        %add3A_405 = arith.constant 0 : i32
        %add3A_406 = arith.addi %mul3A_400, %add3A_405 : i32
        %get3A_407 = arith.index_cast %add3A_406 : i32 to index
        %get3A_408 = arith.constant 16 : index
        %get3A_409 = tpu.vector_load %arg9[%get3A_407, %get3A_408] {strides = array<i32>} : memref<128x64xf32, #tpu.memory_space<vmem>>, vector<16xf32>,
        %add3A_410 = arith.constant 0 : i32
        %add3A_411 = arith.addi %mul3A_400, %add3A_410 : i32
        %get3A_412 = arith.index_cast %add3A_411 : i32 to index
        %get3A_413 = arith.constant 32 : index
        %get3A_414 = tpu.vector_load %arg9[%get3A_412, %get3A_413] {strides = array<i32>} : memref<128x64xf32, #tpu.memory_space<vmem>>, vector<16xf32>,
        %add3A_415 = arith.constant 0 : i32
        %add3A_416 = arith.addi %mul3A_400, %add3A_415 : i32
        %get3A_417 = arith.index_cast %add3A_416 : i32 to index
        %get3A_418 = arith.constant 48 : index
        %get3A_419 = tpu.vector_load %arg9[%get3A_417, %get3A_418] {strides = array<i32>} : memref<128x64xf32, #tpu.memory_space<vmem>>, vector<16xf32>,
        %add3A_420 = arith.constant 1 : i32
        %add3A_421 = arith.addi %mul3A_400, %add3A_420 : i32
        %get3A_422 = arith.index_cast %add3A_421 : i32 to index
        %get3A_423 = arith.constant 0 : index
        %get3A_424 = tpu.vector_load %arg9[%get3A_422, %get3A_423] {strides = array<i32>} : memref<128x64xf32, #tpu.memory_space<vmem>>, vector<16xf32>,
        %add3A_425 = arith.constant 1 : i32
        %add3A_426 = arith.addi %mul3A_400, %add3A_425 : i32
        %get3A_427 = arith.index_cast %add3A_426 : i32 to index
        %get3A_428 = arith.constant 16 : index
        %get3A_429 = tpu.vector_load %arg9[%get3A_427, %get3A_428] {strides = array<i32>} : memref<128x64xf32, #tpu.memory_space<vmem>>, vector<16xf32>,
        %add3A_430 = arith.constant 1 : i32
        %add3A_431 = arith.addi %mul3A_400, %add3A_430 : i32
        %get3A_432 = arith.index_cast %add3A_431 : i32 to index
        %get3A_433 = arith.constant 32 : index
        %get3A_434 = tpu.vector_load %arg9[%get3A_432, %get3A_433] {strides = array<i32>} : memref<128x64xf32, #tpu.memory_space<vmem>>, vector<16xf32>,
        %add3A_435 = arith.constant 1 : i32
        %add3A_436 = arith.addi %mul3A_400, %add3A_435 : i32
        %get3A_437 = arith.index_cast %add3A_436 : i32 to index
        %get3A_438 = arith.constant 48 : index
        %get3A_439 = tpu.vector_load %arg9[%get3A_437, %get3A_438] {strides = array<i32>} : memref<128x64xf32, #tpu.memory_space<vmem>>, vector<16xf32>,
        %add3A_440 = arith.constant 2 : i32
        %add3A_441 = arith.addi %mul3A_400, %add3A_440 : i32
        %get3A_442 = arith.index_cast %add3A_441 : i32 to index
        %get3A_443 = arith.constant 0 : index
        %get3A_444 = tpu.vector_load %arg9[%get3A_442, %get3A_443] {strides = array<i32>} : memref<128x64xf32, #tpu.memory_space<vmem>>, vector<16xf32>,
        %add3A_445 = arith.constant 2 : i32
        %add3A_446 = arith.addi %mul3A_400, %add3A_445 : i32
        %get3A_447 = arith.index_cast %add3A_446 : i32 to index
        %get3A_448 = arith.constant 16 : index
        %get3A_449 = tpu.vector_load %arg9[%get3A_447, %get3A_448] {strides = array<i32>} : memref<128x64xf32, #tpu.memory_space<vmem>>, vector<16xf32>,
        %add3A_450 = arith.constant 2 : i32
        %add3A_451 = arith.addi %mul3A_400, %add3A_450 : i32
        %get3A_452 = arith.index_cast %add3A_451 : i32 to index
        %get3A_453 = arith.constant 32 : index
        %get3A_454 = tpu.vector_load %arg9[%get3A_452, %get3A_453] {strides = array<i32>} : memref<128x64xf32, #tpu.memory_space<vmem>>, vector<16xf32>,
        %add3A_455 = arith.constant 2 : i32
        %add3A_456 = arith.addi %mul3A_400, %add3A_455 : i32
        %get3A_457 = arith.index_cast %add3A_456 : i32 to index
        %get3A_458 = arith.constant 48 : index
        %get3A_459 = tpu.vector_load %arg9[%get3A_457, %get3A_458] {strides = array<i32>} : memref<128x64xf32, #tpu.memory_space<vmem>>, vector<16xf32>,
        %add3A_460 = arith.constant 3 : i32
        %add3A_461 = arith.addi %mul3A_400, %add3A_460 : i32
        %get3A_462 = arith.index_cast %add3A_461 : i32 to index
        %get3A_463 = arith.constant 0 : index
        %get3A_464 = tpu.vector_load %arg9[%get3A_462, %get3A_463] {strides = array<i32>} : memref<128x64xf32, #tpu.memory_space<vmem>>, vector<16xf32>,
        %add3A_465 = arith.constant 3 : i32
        %add3A_466 = arith.addi %mul3A_400, %add3A_465 : i32
        %get3A_467 = arith.index_cast %add3A_466 : i32 to index
        %get3A_468 = arith.constant 16 : index
        %get3A_469 = tpu.vector_load %arg9[%get3A_467, %get3A_468] {strides = array<i32>} : memref<128x64xf32, #tpu.memory_space<vmem>>, vector<16xf32>,
        %add3A_470 = arith.constant 3 : i32
        %add3A_471 = arith.addi %mul3A_400, %add3A_470 : i32
        %get3A_472 = arith.index_cast %add3A_471 : i32 to index
        %get3A_473 = arith.constant 32 : index
        %get3A_474 = tpu.vector_load %arg9[%get3A_472, %get3A_473] {strides = array<i32>} : memref<128x64xf32, #tpu.memory_space<vmem>>, vector<16xf32>,
        %add3A_475 = arith.constant 3 : i32
        %add3A_476 = arith.addi %mul3A_400, %add3A_475 : i32
        %get3A_477 = arith.index_cast %add3A_476 : i32 to index
        %get3A_478 = arith.constant 48 : index
        %get3A_479 = tpu.vector_load %arg9[%get3A_477, %get3A_478] {strides = array<i32>} : memref<128x64xf32, #tpu.memory_space<vmem>>, vector<16xf32>,
        %add3A_480 = arith.constant 4 : i32
        %add3A_481 = arith.addi %mul3A_400, %add3A_480 : i32
        %get3A_482 = arith.index_cast %add3A_481 : i32 to index
        %get3A_483 = arith.constant 0 : index
        %get3A_484 = tpu.vector_load %arg9[%get3A_482, %get3A_483] {strides = array<i32>} : memref<128x64xf32, #tpu.memory_space<vmem>>, vector<16xf32>,
        %add3A_485 = arith.constant 4 : i32
        %add3A_486 = arith.addi %mul3A_400, %add3A_485 : i32
        %get3A_487 = arith.index_cast %add3A_486 : i32 to index
        %get3A_488 = arith.constant 16 : index
        %get3A_489 = tpu.vector_load %arg9[%get3A_487, %get3A_488] {strides = array<i32>} : memref<128x64xf32, #tpu.memory_space<vmem>>, vector<16xf32>,
        %add3A_490 = arith.constant 4 : i32
        %add3A_491 = arith.addi %mul3A_400, %add3A_490 : i32
        %get3A_492 = arith.index_cast %add3A_491 : i32 to index
        %get3A_493 = arith.constant 32 : index
        %get3A_494 = tpu.vector_load %arg9[%get3A_492, %get3A_493] {strides = array<i32>} : memref<128x64xf32, #tpu.memory_space<vmem>>, vector<16xf32>,
        %add3A_495 = arith.constant 4 : i32
        %add3A_496 = arith.addi %mul3A_400, %add3A_495 : i32
        %get3A_497 = arith.index_cast %add3A_496 : i32 to index
        %get3A_498 = arith.constant 48 : index
        %get3A_499 = tpu.vector_load %arg9[%get3A_497, %get3A_498] {strides = array<i32>} : memref<128x64xf32, #tpu.memory_space<vmem>>, vector<16xf32>,
        %add3A_500 = arith.constant 5 : i32
        %add3A_501 = arith.addi %mul3A_400, %add3A_500 : i32
        %get3A_502 = arith.index_cast %add3A_501 : i32 to index
        %get3A_503 = arith.constant 0 : index
        %get3A_504 = tpu.vector_load %arg9[%get3A_502, %get3A_503] {strides = array<i32>} : memref<128x64xf32, #tpu.memory_space<vmem>>, vector<16xf32>,
        %add3A_505 = arith.constant 5 : i32
        %add3A_506 = arith.addi %mul3A_400, %add3A_505 : i32
        %get3A_507 = arith.index_cast %add3A_506 : i32 to index
        %get3A_508 = arith.constant 16 : index
        %get3A_509 = tpu.vector_load %arg9[%get3A_507, %get3A_508] {strides = array<i32>} : memref<128x64xf32, #tpu.memory_space<vmem>>, vector<16xf32>,
        %add3A_510 = arith.constant 5 : i32
        %add3A_511 = arith.addi %mul3A_400, %add3A_510 : i32
        %get3A_512 = arith.index_cast %add3A_511 : i32 to index
        %get3A_513 = arith.constant 32 : index
        %get3A_514 = tpu.vector_load %arg9[%get3A_512, %get3A_513] {strides = array<i32>} : memref<128x64xf32, #tpu.memory_space<vmem>>, vector<16xf32>,
        %add3A_515 = arith.constant 5 : i32
        %add3A_516 = arith.addi %mul3A_400, %add3A_515 : i32
        %get3A_517 = arith.index_cast %add3A_516 : i32 to index
        %get3A_518 = arith.constant 48 : index
        %get3A_519 = tpu.vector_load %arg9[%get3A_517, %get3A_518] {strides = array<i32>} : memref<128x64xf32, #tpu.memory_space<vmem>>, vector<16xf32>,
        %add3A_520 = arith.constant 6 : i32
        %add3A_521 = arith.addi %mul3A_400, %add3A_520 : i32
        %get3A_522 = arith.index_cast %add3A_521 : i32 to index
        %get3A_523 = arith.constant 0 : index
        %get3A_524 = tpu.vector_load %arg9[%get3A_522, %get3A_523] {strides = array<i32>} : memref<128x64xf32, #tpu.memory_space<vmem>>, vector<16xf32>,
        %add3A_525 = arith.constant 6 : i32
        %add3A_526 = arith.addi %mul3A_400, %add3A_525 : i32
        %get3A_527 = arith.index_cast %add3A_526 : i32 to index
        %get3A_528 = arith.constant 16 : index
        %get3A_529 = tpu.vector_load %arg9[%get3A_527, %get3A_528] {strides = array<i32>} : memref<128x64xf32, #tpu.memory_space<vmem>>, vector<16xf32>,
        %add3A_530 = arith.constant 6 : i32
        %add3A_531 = arith.addi %mul3A_400, %add3A_530 : i32
        %get3A_532 = arith.index_cast %add3A_531 : i32 to index
        %get3A_533 = arith.constant 32 : index
        %get3A_534 = tpu.vector_load %arg9[%get3A_532, %get3A_533] {strides = array<i32>} : memref<128x64xf32, #tpu.memory_space<vmem>>, vector<16xf32>,
        %add3A_535 = arith.constant 6 : i32
        %add3A_536 = arith.addi %mul3A_400, %add3A_535 : i32
        %get3A_537 = arith.index_cast %add3A_536 : i32 to index
        %get3A_538 = arith.constant 48 : index
        %get3A_539 = tpu.vector_load %arg9[%get3A_537, %get3A_538] {strides = array<i32>} : memref<128x64xf32, #tpu.memory_space<vmem>>, vector<16xf32>,
        %add3A_540 = arith.constant 7 : i32
        %add3A_541 = arith.addi %mul3A_400, %add3A_540 : i32
        %get3A_542 = arith.index_cast %add3A_541 : i32 to index
        %get3A_543 = arith.constant 0 : index
        %get3A_544 = tpu.vector_load %arg9[%get3A_542, %get3A_543] {strides = array<i32>} : memref<128x64xf32, #tpu.memory_space<vmem>>, vector<16xf32>,
        %add3A_545 = arith.constant 7 : i32
        %add3A_546 = arith.addi %mul3A_400, %add3A_545 : i32
        %get3A_547 = arith.index_cast %add3A_546 : i32 to index
        %get3A_548 = arith.constant 16 : index
        %get3A_549 = tpu.vector_load %arg9[%get3A_547, %get3A_548] {strides = array<i32>} : memref<128x64xf32, #tpu.memory_space<vmem>>, vector<16xf32>,
        %add3A_550 = arith.constant 7 : i32
        %add3A_551 = arith.addi %mul3A_400, %add3A_550 : i32
        %get3A_552 = arith.index_cast %add3A_551 : i32 to index
        %get3A_553 = arith.constant 32 : index
        %get3A_554 = tpu.vector_load %arg9[%get3A_552, %get3A_553] {strides = array<i32>} : memref<128x64xf32, #tpu.memory_space<vmem>>, vector<16xf32>,
        %add3A_555 = arith.constant 7 : i32
        %add3A_556 = arith.addi %mul3A_400, %add3A_555 : i32
        %get3A_557 = arith.index_cast %add3A_556 : i32 to index
        %get3A_558 = arith.constant 48 : index
        %get3A_559 = tpu.vector_load %arg9[%get3A_557, %get3A_558] {strides = array<i32>} : memref<128x64xf32, #tpu.memory_space<vmem>>, vector<16xf32>,
        %max3A = arith.constant 0.000000e+00 : f32
        %max3A_560 = vector.broadcast %max3A : f32 to vector<16xf32>
        %max3A_561 = arith.maximumf %get3A_404, %max3A_560 : vector<16xf32>
        %max3A_562 = arith.constant 0.000000e+00 : f32
        %max3A_563 = vector.broadcast %max3A_562 : f32 to vector<16xf32>
        %max3A_564 = arith.maximumf %get3A_409, %max3A_563 : vector<16xf32>
        %max3A_565 = arith.constant 0.000000e+00 : f32
        %max3A_566 = vector.broadcast %max3A_565 : f32 to vector<16xf32>
        %max3A_567 = arith.maximumf %get3A_414, %max3A_566 : vector<16xf32>
        %max3A_568 = arith.constant 0.000000e+00 : f32
        %max3A_569 = vector.broadcast %max3A_568 : f32 to vector<16xf32>
        %max3A_570 = arith.maximumf %get3A_419, %max3A_569 : vector<16xf32>
        %max3A_571 = arith.constant 0.000000e+00 : f32
        %max3A_572 = vector.broadcast %max3A_571 : f32 to vector<16xf32>
        %max3A_573 = arith.maximumf %get3A_424, %max3A_572 : vector<16xf32>
        %max3A_574 = arith.constant 0.000000e+00 : f32
        %max3A_575 = vector.broadcast %max3A_574 : f32 to vector<16xf32>
        %max3A_576 = arith.maximumf %get3A_429, %max3A_575 : vector<16xf32>
        %max3A_577 = arith.constant 0.000000e+00 : f32
        %max3A_578 = vector.broadcast %max3A_577 : f32 to vector<16xf32>
        %max3A_579 = arith.maximumf %get3A_434, %max3A_578 : vector<16xf32>
        %max3A_580 = arith.constant 0.000000e+00 : f32
        %max3A_581 = vector.broadcast %max3A_580 : f32 to vector<16xf32>
        %max3A_582 = arith.maximumf %get3A_439, %max3A_581 : vector<16xf32>
        %max3A_583 = arith.constant 0.000000e+00 : f32
        %max3A_584 = vector.broadcast %max3A_583 : f32 to vector<16xf32>
        %max3A_585 = arith.maximumf %get3A_444, %max3A_584 : vector<16xf32>
        %max3A_586 = arith.constant 0.000000e+00 : f32
        %max3A_587 = vector.broadcast %max3A_586 : f32 to vector<16xf32>
        %max3A_588 = arith.maximumf %get3A_449, %max3A_587 : vector<16xf32>
        %max3A_589 = arith.constant 0.000000e+00 : f32
        %max3A_590 = vector.broadcast %max3A_589 : f32 to vector<16xf32>
        %max3A_591 = arith.maximumf %get3A_454, %max3A_590 : vector<16xf32>
        %max3A_592 = arith.constant 0.000000e+00 : f32
        %max3A_593 = vector.broadcast %max3A_592 : f32 to vector<16xf32>
        %max3A_594 = arith.maximumf %get3A_459, %max3A_593 : vector<16xf32>
        %max3A_595 = arith.constant 0.000000e+00 : f32
        %max3A_596 = vector.broadcast %max3A_595 : f32 to vector<16xf32>
        %max3A_597 = arith.maximumf %get3A_464, %max3A_596 : vector<16xf32>
        %max3A_598 = arith.constant 0.000000e+00 : f32
        %max3A_599 = vector.broadcast %max3A_598 : f32 to vector<16xf32>
        %max3A_600 = arith.maximumf %get3A_469, %max3A_599 : vector<16xf32>
        %max3A_601 = arith.constant 0.000000e+00 : f32
        %max3A_602 = vector.broadcast %max3A_601 : f32 to vector<16xf32>
        %max3A_603 = arith.maximumf %get3A_474, %max3A_602 : vector<16xf32>
        %max3A_604 = arith.constant 0.000000e+00 : f32
        %max3A_605 = vector.broadcast %max3A_604 : f32 to vector<16xf32>
        %max3A_606 = arith.maximumf %get3A_479, %max3A_605 : vector<16xf32>
        %max3A_607 = arith.constant 0.000000e+00 : f32
        %max3A_608 = vector.broadcast %max3A_607 : f32 to vector<16xf32>
        %max3A_609 = arith.maximumf %get3A_484, %max3A_608 : vector<16xf32>
        %max3A_610 = arith.constant 0.000000e+00 : f32
        %max3A_611 = vector.broadcast %max3A_610 : f32 to vector<16xf32>
        %max3A_612 = arith.maximumf %get3A_489, %max3A_611 : vector<16xf32>
        %max3A_613 = arith.constant 0.000000e+00 : f32
        %max3A_614 = vector.broadcast %max3A_613 : f32 to vector<16xf32>
        %max3A_615 = arith.maximumf %get3A_494, %max3A_614 : vector<16xf32>
        %max3A_616 = arith.constant 0.000000e+00 : f32
        %max3A_617 = vector.broadcast %max3A_616 : f32 to vector<16xf32>
        %max3A_618 = arith.maximumf %get3A_499, %max3A_617 : vector<16xf32>
        %max3A_619 = arith.constant 0.000000e+00 : f32
        %max3A_620 = vector.broadcast %max3A_619 : f32 to vector<16xf32>
        %max3A_621 = arith.maximumf %get3A_504, %max3A_620 : vector<16xf32>
        %max3A_622 = arith.constant 0.000000e+00 : f32
        %max3A_623 = vector.broadcast %max3A_622 : f32 to vector<16xf32>
        %max3A_624 = arith.maximumf %get3A_509, %max3A_623 : vector<16xf32>
        %max3A_625 = arith.constant 0.000000e+00 : f32
        %max3A_626 = vector.broadcast %max3A_625 : f32 to vector<16xf32>
        %max3A_627 = arith.maximumf %get3A_514, %max3A_626 : vector<16xf32>
        %max3A_628 = arith.constant 0.000000e+00 : f32
        %max3A_629 = vector.broadcast %max3A_628 : f32 to vector<16xf32>
        %max3A_630 = arith.maximumf %get3A_519, %max3A_629 : vector<16xf32>
        %max3A_631 = arith.constant 0.000000e+00 : f32
        %max3A_632 = vector.broadcast %max3A_631 : f32 to vector<16xf32>
        %max3A_633 = arith.maximumf %get3A_524, %max3A_632 : vector<16xf32>
        %max3A_634 = arith.constant 0.000000e+00 : f32
        %max3A_635 = vector.broadcast %max3A_634 : f32 to vector<16xf32>
        %max3A_636 = arith.maximumf %get3A_529, %max3A_635 : vector<16xf32>
        %max3A_637 = arith.constant 0.000000e+00 : f32
        %max3A_638 = vector.broadcast %max3A_637 : f32 to vector<16xf32>
        %max3A_639 = arith.maximumf %get3A_534, %max3A_638 : vector<16xf32>
        %max3A_640 = arith.constant 0.000000e+00 : f32
        %max3A_641 = vector.broadcast %max3A_640 : f32 to vector<16xf32>
        %max3A_642 = arith.maximumf %get3A_539, %max3A_641 : vector<16xf32>
        %max3A_643 = arith.constant 0.000000e+00 : f32
        %max3A_644 = vector.broadcast %max3A_643 : f32 to vector<16xf32>
        %max3A_645 = arith.maximumf %get3A_544, %max3A_644 : vector<16xf32>
        %max3A_646 = arith.constant 0.000000e+00 : f32
        %max3A_647 = vector.broadcast %max3A_646 : f32 to vector<16xf32>
        %max3A_648 = arith.maximumf %get3A_549, %max3A_647 : vector<16xf32>
        %max3A_649 = arith.constant 0.000000e+00 : f32
        %max3A_650 = vector.broadcast %max3A_649 : f32 to vector<16xf32>
        %max3A_651 = arith.maximumf %get3A_554, %max3A_650 : vector<16xf32>
        %max3A_652 = arith.constant 0.000000e+00 : f32
        %max3A_653 = vector.broadcast %max3A_652 : f32 to vector<16xf32>
        %max3A_654 = arith.maximumf %get3A_559, %max3A_653 : vector<16xf32>
        %exp3A = math.exp %max3A_561 : vector<16xf32>
        %exp3A_655 = math.exp %max3A_564 : vector<16xf32>
        %exp3A_656 = math.exp %max3A_567 : vector<16xf32>
        %exp3A_657 = math.exp %max3A_570 : vector<16xf32>
        %exp3A_658 = math.exp %max3A_573 : vector<16xf32>
        %exp3A_659 = math.exp %max3A_576 : vector<16xf32>
        %exp3A_660 = math.exp %max3A_579 : vector<16xf32>
        %exp3A_661 = math.exp %max3A_582 : vector<16xf32>
        %exp3A_662 = math.exp %max3A_585 : vector<16xf32>
        %exp3A_663 = math.exp %max3A_588 : vector<16xf32>
        %exp3A_664 = math.exp %max3A_591 : vector<16xf32>
        %exp3A_665 = math.exp %max3A_594 : vector<16xf32>
        %exp3A_666 = math.exp %max3A_597 : vector<16xf32>
        %exp3A_667 = math.exp %max3A_600 : vector<16xf32>
        %exp3A_668 = math.exp %max3A_603 : vector<16xf32>
        %exp3A_669 = math.exp %max3A_606 : vector<16xf32>
        %exp3A_670 = math.exp %max3A_609 : vector<16xf32>
        %exp3A_671 = math.exp %max3A_612 : vector<16xf32>
        %exp3A_672 = math.exp %max3A_615 : vector<16xf32>
        %exp3A_673 = math.exp %max3A_618 : vector<16xf32>
        %exp3A_674 = math.exp %max3A_621 : vector<16xf32>
        %exp3A_675 = math.exp %max3A_624 : vector<16xf32>
        %exp3A_676 = math.exp %max3A_627 : vector<16xf32>
        %exp3A_677 = math.exp %max3A_630 : vector<16xf32>
        %exp3A_678 = math.exp %max3A_633 : vector<16xf32>
        %exp3A_679 = math.exp %max3A_636 : vector<16xf32>
        %exp3A_680 = math.exp %max3A_639 : vector<16xf32>
        %exp3A_681 = math.exp %max3A_642 : vector<16xf32>
        %exp3A_682 = math.exp %max3A_645 : vector<16xf32>
        %exp3A_683 = math.exp %max3A_648 : vector<16xf32>
        %exp3A_684 = math.exp %max3A_651 : vector<16xf32>
        %exp3A_685 = math.exp %max3A_654 : vector<16xf32>
        %mul3A_686 = arith.mulf %max3A_561, %exp3A : vector<16xf32>
        %mul3A_687 = arith.mulf %max3A_564, %exp3A_655 : vector<16xf32>
        %mul3A_688 = arith.mulf %max3A_567, %exp3A_656 : vector<16xf32>
        %mul3A_689 = arith.mulf %max3A_570, %exp3A_657 : vector<16xf32>
        %mul3A_690 = arith.mulf %max3A_573, %exp3A_658 : vector<16xf32>
        %mul3A_691 = arith.mulf %max3A_576, %exp3A_659 : vector<16xf32>
        %mul3A_692 = arith.mulf %max3A_579, %exp3A_660 : vector<16xf32>
        %mul3A_693 = arith.mulf %max3A_582, %exp3A_661 : vector<16xf32>
        %mul3A_694 = arith.mulf %max3A_585, %exp3A_662 : vector<16xf32>
        %mul3A_695 = arith.mulf %max3A_588, %exp3A_663 : vector<16xf32>
        %mul3A_696 = arith.mulf %max3A_591, %exp3A_664 : vector<16xf32>
        %mul3A_697 = arith.mulf %max3A_594, %exp3A_665 : vector<16xf32>
        %mul3A_698 = arith.mulf %max3A_597, %exp3A_666 : vector<16xf32>
        %mul3A_699 = arith.mulf %max3A_600, %exp3A_667 : vector<16xf32>
        %mul3A_700 = arith.mulf %max3A_603, %exp3A_668 : vector<16xf32>
        %mul3A_701 = arith.mulf %max3A_606, %exp3A_669 : vector<16xf32>
        %mul3A_702 = arith.mulf %max3A_609, %exp3A_670 : vector<16xf32>
        %mul3A_703 = arith.mulf %max3A_612, %exp3A_671 : vector<16xf32>
        %mul3A_704 = arith.mulf %max3A_615, %exp3A_672 : vector<16xf32>
        %mul3A_705 = arith.mulf %max3A_618, %exp3A_673 : vector<16xf32>
        %mul3A_706 = arith.mulf %max3A_621, %exp3A_674 : vector<16xf32>
        %mul3A_707 = arith.mulf %max3A_624, %exp3A_675 : vector<16xf32>
        %mul3A_708 = arith.mulf %max3A_627, %exp3A_676 : vector<16xf32>
        %mul3A_709 = arith.mulf %max3A_630, %exp3A_677 : vector<16xf32>
        %mul3A_710 = arith.mulf %max3A_633, %exp3A_678 : vector<16xf32>
        %mul3A_711 = arith.mulf %max3A_636, %exp3A_679 : vector<16xf32>
        %mul3A_712 = arith.mulf %max3A_639, %exp3A_680 : vector<16xf32>
        %mul3A_713 = arith.mulf %max3A_642, %exp3A_681 : vector<16xf32>
        %mul3A_714 = arith.mulf %max3A_645, %exp3A_682 : vector<16xf32>
        %mul3A_715 = arith.mulf %max3A_648, %exp3A_683 : vector<16xf32>
        %mul3A_716 = arith.mulf %max3A_651, %exp3A_684 : vector<16xf32>
        %mul3A_717 = arith.mulf %max3A_654, %exp3A_685 : vector<16xf32>
        %pack3A = tpu.pack_subelements %exp3A, %mul3A_686 {pack_format = #tpu.pack_format<interleaved>, positions = array<i32: 0, 1>} : vector<16xf32>, vector<16xf32> -> vector<32xbf16>
        %pack3A_718 = tpu.pack_subelements %exp3A_655, %mul3A_687 {pack_format = #tpu.pack_format<interleaved>, positions = array<i32: 0, 1>} : vector<16xf32>, vector<16xf32> -> vector<32xbf16>
        %pack3A_719 = tpu.pack_subelements %exp3A_656, %mul3A_688 {pack_format = #tpu.pack_format<interleaved>, positions = array<i32: 0, 1>} : vector<16xf32>, vector<16xf32> -> vector<32xbf16>
        %pack3A_720 = tpu.pack_subelements %exp3A_657, %mul3A_689 {pack_format = #tpu.pack_format<interleaved>, positions = array<i32: 0, 1>} : vector<16xf32>, vector<16xf32> -> vector<32xbf16>
        %pack3A_721 = tpu.pack_subelements %exp3A_658, %mul3A_690 {pack_format = #tpu.pack_format<interleaved>, positions = array<i32: 0, 1>} : vector<16xf32>, vector<16xf32> -> vector<32xbf16>
        %pack3A_722 = tpu.pack_subelements %exp3A_659, %mul3A_691 {pack_format = #tpu.pack_format<interleaved>, positions = array<i32: 0, 1>} : vector<16xf32>, vector<16xf32> -> vector<32xbf16>
        %pack3A_723 = tpu.pack_subelements %exp3A_660, %mul3A_692 {pack_format = #tpu.pack_format<interleaved>, positions = array<i32: 0, 1>} : vector<16xf32>, vector<16xf32> -> vector<32xbf16>
        %pack3A_724 = tpu.pack_subelements %exp3A_661, %mul3A_693 {pack_format = #tpu.pack_format<interleaved>, positions = array<i32: 0, 1>} : vector<16xf32>, vector<16xf32> -> vector<32xbf16>
        %pack3A_725 = tpu.pack_subelements %exp3A_662, %mul3A_694 {pack_format = #tpu.pack_format<interleaved>, positions = array<i32: 0, 1>} : vector<16xf32>, vector<16xf32> -> vector<32xbf16>
        %pack3A_726 = tpu.pack_subelements %exp3A_663, %mul3A_695 {pack_format = #tpu.pack_format<interleaved>, positions = array<i32: 0, 1>} : vector<16xf32>, vector<16xf32> -> vector<32xbf16>
        %pack3A_727 = tpu.pack_subelements %exp3A_664, %mul3A_696 {pack_format = #tpu.pack_format<interleaved>, positions = array<i32: 0, 1>} : vector<16xf32>, vector<16xf32> -> vector<32xbf16>
        %pack3A_728 = tpu.pack_subelements %exp3A_665, %mul3A_697 {pack_format = #tpu.pack_format<interleaved>, positions = array<i32: 0, 1>} : vector<16xf32>, vector<16xf32> -> vector<32xbf16>
        %pack3A_729 = tpu.pack_subelements %exp3A_666, %mul3A_698 {pack_format = #tpu.pack_format<interleaved>, positions = array<i32: 0, 1>} : vector<16xf32>, vector<16xf32> -> vector<32xbf16>
        %pack3A_730 = tpu.pack_subelements %exp3A_667, %mul3A_699 {pack_format = #tpu.pack_format<interleaved>, positions = array<i32: 0, 1>} : vector<16xf32>, vector<16xf32> -> vector<32xbf16>
        %pack3A_731 = tpu.pack_subelements %exp3A_668, %mul3A_700 {pack_format = #tpu.pack_format<interleaved>, positions = array<i32: 0, 1>} : vector<16xf32>, vector<16xf32> -> vector<32xbf16>
        %pack3A_732 = tpu.pack_subelements %exp3A_669, %mul3A_701 {pack_format = #tpu.pack_format<interleaved>, positions = array<i32: 0, 1>} : vector<16xf32>, vector<16xf32> -> vector<32xbf16>
        %pack3A_733 = tpu.pack_subelements %exp3A_670, %mul3A_702 {pack_format = #tpu.pack_format<interleaved>, positions = array<i32: 0, 1>} : vector<16xf32>, vector<16xf32> -> vector<32xbf16>
        %pack3A_734 = tpu.pack_subelements %exp3A_671, %mul3A_703 {pack_format = #tpu.pack_format<interleaved>, positions = array<i32: 0, 1>} : vector<16xf32>, vector<16xf32> -> vector<32xbf16>
        %pack3A_735 = tpu.pack_subelements %exp3A_672, %mul3A_704 {pack_format = #tpu.pack_format<interleaved>, positions = array<i32: 0, 1>} : vector<16xf32>, vector<16xf32> -> vector<32xbf16>
        %pack3A_736 = tpu.pack_subelements %exp3A_673, %mul3A_705 {pack_format = #tpu.pack_format<interleaved>, positions = array<i32: 0, 1>} : vector<16xf32>, vector<16xf32> -> vector<32xbf16>
        %pack3A_737 = tpu.pack_subelements %exp3A_674, %mul3A_706 {pack_format = #tpu.pack_format<interleaved>, positions = array<i32: 0, 1>} : vector<16xf32>, vector<16xf32> -> vector<32xbf16>
        %pack3A_738 = tpu.pack_subelements %exp3A_675, %mul3A_707 {pack_format = #tpu.pack_format<interleaved>, positions = array<i32: 0, 1>} : vector<16xf32>, vector<16xf32> -> vector<32xbf16>
        %pack3A_739 = tpu.pack_subelements %exp3A_676, %mul3A_708 {pack_format = #tpu.pack_format<interleaved>, positions = array<i32: 0, 1>} : vector<16xf32>, vector<16xf32> -> vector<32xbf16>
        %pack3A_740 = tpu.pack_subelements %exp3A_677, %mul3A_709 {pack_format = #tpu.pack_format<interleaved>, positions = array<i32: 0, 1>} : vector<16xf32>, vector<16xf32> -> vector<32xbf16>
        %pack3A_741 = tpu.pack_subelements %exp3A_678, %mul3A_710 {pack_format = #tpu.pack_format<interleaved>, positions = array<i32: 0, 1>} : vector<16xf32>, vector<16xf32> -> vector<32xbf16>
        %pack3A_742 = tpu.pack_subelements %exp3A_679, %mul3A_711 {pack_format = #tpu.pack_format<interleaved>, positions = array<i32: 0, 1>} : vector<16xf32>, vector<16xf32> -> vector<32xbf16>
        %pack3A_743 = tpu.pack_subelements %exp3A_680, %mul3A_712 {pack_format = #tpu.pack_format<interleaved>, positions = array<i32: 0, 1>} : vector<16xf32>, vector<16xf32> -> vector<32xbf16>
        %pack3A_744 = tpu.pack_subelements %exp3A_681, %mul3A_713 {pack_format = #tpu.pack_format<interleaved>, positions = array<i32: 0, 1>} : vector<16xf32>, vector<16xf32> -> vector<32xbf16>
        %pack3A_745 = tpu.pack_subelements %exp3A_682, %mul3A_714 {pack_format = #tpu.pack_format<interleaved>, positions = array<i32: 0, 1>} : vector<16xf32>, vector<16xf32> -> vector<32xbf16>
        %pack3A_746 = tpu.pack_subelements %exp3A_683, %mul3A_715 {pack_format = #tpu.pack_format<interleaved>, positions = array<i32: 0, 1>} : vector<16xf32>, vector<16xf32> -> vector<32xbf16>
        %pack3A_747 = tpu.pack_subelements %exp3A_684, %mul3A_716 {pack_format = #tpu.pack_format<interleaved>, positions = array<i32: 0, 1>} : vector<16xf32>, vector<16xf32> -> vector<32xbf16>
        %pack3A_748 = tpu.pack_subelements %exp3A_685, %mul3A_717 {pack_format = #tpu.pack_format<interleaved>, positions = array<i32: 0, 1>} : vector<16xf32>, vector<16xf32> -> vector<32xbf16>
        %add3A_749 = arith.constant 0 : i32
        %add3A_750 = arith.addi %mul3A_400, %add3A_749 : i32
        %swap3A = arith.index_cast %add3A_750 : i32 to index
        %swap3A_751 = arith.constant 0 : index
        %swap3A_752 = tpu.vector_load %arg11[%swap3A, %swap3A_751] {strides = array<i32>} : memref<128x128xbf16, #tpu.memory_space<vmem>>, vector<32xbf16>,
        tpu.vector_store %arg11[%swap3A, %swap3A_751], %pack3A {strides = array<i32>} : memref<128x128xbf16, #tpu.memory_space<vmem>>, vector<32xbf16>,
        %add3A_753 = arith.constant 0 : i32
        %add3A_754 = arith.addi %mul3A_400, %add3A_753 : i32
        %swap3A_755 = arith.index_cast %add3A_754 : i32 to index
        %swap3A_756 = arith.constant 32 : index
        %swap3A_757 = tpu.vector_load %arg11[%swap3A_755, %swap3A_756] {strides = array<i32>} : memref<128x128xbf16, #tpu.memory_space<vmem>>, vector<32xbf16>,
        tpu.vector_store %arg11[%swap3A_755, %swap3A_756], %pack3A_718 {strides = array<i32>} : memref<128x128xbf16, #tpu.memory_space<vmem>>, vector<32xbf16>,
        %add3A_758 = arith.constant 0 : i32
        %add3A_759 = arith.addi %mul3A_400, %add3A_758 : i32
        %swap3A_760 = arith.index_cast %add3A_759 : i32 to index
        %swap3A_761 = arith.constant 64 : index
        %swap3A_762 = tpu.vector_load %arg11[%swap3A_760, %swap3A_761] {strides = array<i32>} : memref<128x128xbf16, #tpu.memory_space<vmem>>, vector<32xbf16>,
        tpu.vector_store %arg11[%swap3A_760, %swap3A_761], %pack3A_719 {strides = array<i32>} : memref<128x128xbf16, #tpu.memory_space<vmem>>, vector<32xbf16>,
        %add3A_763 = arith.constant 0 : i32
        %add3A_764 = arith.addi %mul3A_400, %add3A_763 : i32
        %swap3A_765 = arith.index_cast %add3A_764 : i32 to index
        %swap3A_766 = arith.constant 96 : index
        %swap3A_767 = tpu.vector_load %arg11[%swap3A_765, %swap3A_766] {strides = array<i32>} : memref<128x128xbf16, #tpu.memory_space<vmem>>, vector<32xbf16>,
        tpu.vector_store %arg11[%swap3A_765, %swap3A_766], %pack3A_720 {strides = array<i32>} : memref<128x128xbf16, #tpu.memory_space<vmem>>, vector<32xbf16>,
        %add3A_768 = arith.constant 1 : i32
        %add3A_769 = arith.addi %mul3A_400, %add3A_768 : i32
        %swap3A_770 = arith.index_cast %add3A_769 : i32 to index
        %swap3A_771 = arith.constant 0 : index
        %swap3A_772 = tpu.vector_load %arg11[%swap3A_770, %swap3A_771] {strides = array<i32>} : memref<128x128xbf16, #tpu.memory_space<vmem>>, vector<32xbf16>,
        tpu.vector_store %arg11[%swap3A_770, %swap3A_771], %pack3A_721 {strides = array<i32>} : memref<128x128xbf16, #tpu.memory_space<vmem>>, vector<32xbf16>,
        %add3A_773 = arith.constant 1 : i32
        %add3A_774 = arith.addi %mul3A_400, %add3A_773 : i32
        %swap3A_775 = arith.index_cast %add3A_774 : i32 to index
        %swap3A_776 = arith.constant 32 : index
        %swap3A_777 = tpu.vector_load %arg11[%swap3A_775, %swap3A_776] {strides = array<i32>} : memref<128x128xbf16, #tpu.memory_space<vmem>>, vector<32xbf16>,
        tpu.vector_store %arg11[%swap3A_775, %swap3A_776], %pack3A_722 {strides = array<i32>} : memref<128x128xbf16, #tpu.memory_space<vmem>>, vector<32xbf16>,
        %add3A_778 = arith.constant 1 : i32
        %add3A_779 = arith.addi %mul3A_400, %add3A_778 : i32
        %swap3A_780 = arith.index_cast %add3A_779 : i32 to index
        %swap3A_781 = arith.constant 64 : index
        %swap3A_782 = tpu.vector_load %arg11[%swap3A_780, %swap3A_781] {strides = array<i32>} : memref<128x128xbf16, #tpu.memory_space<vmem>>, vector<32xbf16>,
        tpu.vector_store %arg11[%swap3A_780, %swap3A_781], %pack3A_723 {strides = array<i32>} : memref<128x128xbf16, #tpu.memory_space<vmem>>, vector<32xbf16>,
        %add3A_783 = arith.constant 1 : i32
        %add3A_784 = arith.addi %mul3A_400, %add3A_783 : i32
        %swap3A_785 = arith.index_cast %add3A_784 : i32 to index
        %swap3A_786 = arith.constant 96 : index
        %swap3A_787 = tpu.vector_load %arg11[%swap3A_785, %swap3A_786] {strides = array<i32>} : memref<128x128xbf16, #tpu.memory_space<vmem>>, vector<32xbf16>,
        tpu.vector_store %arg11[%swap3A_785, %swap3A_786], %pack3A_724 {strides = array<i32>} : memref<128x128xbf16, #tpu.memory_space<vmem>>, vector<32xbf16>,
        %add3A_788 = arith.constant 2 : i32
        %add3A_789 = arith.addi %mul3A_400, %add3A_788 : i32
        %swap3A_790 = arith.index_cast %add3A_789 : i32 to index
        %swap3A_791 = arith.constant 0 : index
        %swap3A_792 = tpu.vector_load %arg11[%swap3A_790, %swap3A_791] {strides = array<i32>} : memref<128x128xbf16, #tpu.memory_space<vmem>>, vector<32xbf16>,
        tpu.vector_store %arg11[%swap3A_790, %swap3A_791], %pack3A_725 {strides = array<i32>} : memref<128x128xbf16, #tpu.memory_space<vmem>>, vector<32xbf16>,
        %add3A_793 = arith.constant 2 : i32
        %add3A_794 = arith.addi %mul3A_400, %add3A_793 : i32
        %swap3A_795 = arith.index_cast %add3A_794 : i32 to index
        %swap3A_796 = arith.constant 32 : index
        %swap3A_797 = tpu.vector_load %arg11[%swap3A_795, %swap3A_796] {strides = array<i32>} : memref<128x128xbf16, #tpu.memory_space<vmem>>, vector<32xbf16>,
        tpu.vector_store %arg11[%swap3A_795, %swap3A_796], %pack3A_726 {strides = array<i32>} : memref<128x128xbf16, #tpu.memory_space<vmem>>, vector<32xbf16>,
        %add3A_798 = arith.constant 2 : i32
        %add3A_799 = arith.addi %mul3A_400, %add3A_798 : i32
        %swap3A_800 = arith.index_cast %add3A_799 : i32 to index
        %swap3A_801 = arith.constant 64 : index
        %swap3A_802 = tpu.vector_load %arg11[%swap3A_800, %swap3A_801] {strides = array<i32>} : memref<128x128xbf16, #tpu.memory_space<vmem>>, vector<32xbf16>,
        tpu.vector_store %arg11[%swap3A_800, %swap3A_801], %pack3A_727 {strides = array<i32>} : memref<128x128xbf16, #tpu.memory_space<vmem>>, vector<32xbf16>,
        %add3A_803 = arith.constant 2 : i32
        %add3A_804 = arith.addi %mul3A_400, %add3A_803 : i32
        %swap3A_805 = arith.index_cast %add3A_804 : i32 to index
        %swap3A_806 = arith.constant 96 : index
        %swap3A_807 = tpu.vector_load %arg11[%swap3A_805, %swap3A_806] {strides = array<i32>} : memref<128x128xbf16, #tpu.memory_space<vmem>>, vector<32xbf16>,
        tpu.vector_store %arg11[%swap3A_805, %swap3A_806], %pack3A_728 {strides = array<i32>} : memref<128x128xbf16, #tpu.memory_space<vmem>>, vector<32xbf16>,
        %add3A_808 = arith.constant 3 : i32
        %add3A_809 = arith.addi %mul3A_400, %add3A_808 : i32
        %swap3A_810 = arith.index_cast %add3A_809 : i32 to index
        %swap3A_811 = arith.constant 0 : index
        %swap3A_812 = tpu.vector_load %arg11[%swap3A_810, %swap3A_811] {strides = array<i32>} : memref<128x128xbf16, #tpu.memory_space<vmem>>, vector<32xbf16>,
        tpu.vector_store %arg11[%swap3A_810, %swap3A_811], %pack3A_729 {strides = array<i32>} : memref<128x128xbf16, #tpu.memory_space<vmem>>, vector<32xbf16>,
        %add3A_813 = arith.constant 3 : i32
        %add3A_814 = arith.addi %mul3A_400, %add3A_813 : i32
        %swap3A_815 = arith.index_cast %add3A_814 : i32 to index
        %swap3A_816 = arith.constant 32 : index
        %swap3A_817 = tpu.vector_load %arg11[%swap3A_815, %swap3A_816] {strides = array<i32>} : memref<128x128xbf16, #tpu.memory_space<vmem>>, vector<32xbf16>,
        tpu.vector_store %arg11[%swap3A_815, %swap3A_816], %pack3A_730 {strides = array<i32>} : memref<128x128xbf16, #tpu.memory_space<vmem>>, vector<32xbf16>,
        %add3A_818 = arith.constant 3 : i32
        %add3A_819 = arith.addi %mul3A_400, %add3A_818 : i32
        %swap3A_820 = arith.index_cast %add3A_819 : i32 to index
        %swap3A_821 = arith.constant 64 : index
        %swap3A_822 = tpu.vector_load %arg11[%swap3A_820, %swap3A_821] {strides = array<i32>} : memref<128x128xbf16, #tpu.memory_space<vmem>>, vector<32xbf16>,
        tpu.vector_store %arg11[%swap3A_820, %swap3A_821], %pack3A_731 {strides = array<i32>} : memref<128x128xbf16, #tpu.memory_space<vmem>>, vector<32xbf16>,
        %add3A_823 = arith.constant 3 : i32
        %add3A_824 = arith.addi %mul3A_400, %add3A_823 : i32
        %swap3A_825 = arith.index_cast %add3A_824 : i32 to index
        %swap3A_826 = arith.constant 96 : index
        %swap3A_827 = tpu.vector_load %arg11[%swap3A_825, %swap3A_826] {strides = array<i32>} : memref<128x128xbf16, #tpu.memory_space<vmem>>, vector<32xbf16>,
        tpu.vector_store %arg11[%swap3A_825, %swap3A_826], %pack3A_732 {strides = array<i32>} : memref<128x128xbf16, #tpu.memory_space<vmem>>, vector<32xbf16>,
        %add3A_828 = arith.constant 4 : i32
        %add3A_829 = arith.addi %mul3A_400, %add3A_828 : i32
        %swap3A_830 = arith.index_cast %add3A_829 : i32 to index
        %swap3A_831 = arith.constant 0 : index
        %swap3A_832 = tpu.vector_load %arg11[%swap3A_830, %swap3A_831] {strides = array<i32>} : memref<128x128xbf16, #tpu.memory_space<vmem>>, vector<32xbf16>,
        tpu.vector_store %arg11[%swap3A_830, %swap3A_831], %pack3A_733 {strides = array<i32>} : memref<128x128xbf16, #tpu.memory_space<vmem>>, vector<32xbf16>,
        %add3A_833 = arith.constant 4 : i32
        %add3A_834 = arith.addi %mul3A_400, %add3A_833 : i32
        %swap3A_835 = arith.index_cast %add3A_834 : i32 to index
        %swap3A_836 = arith.constant 32 : index
        %swap3A_837 = tpu.vector_load %arg11[%swap3A_835, %swap3A_836] {strides = array<i32>} : memref<128x128xbf16, #tpu.memory_space<vmem>>, vector<32xbf16>,
        tpu.vector_store %arg11[%swap3A_835, %swap3A_836], %pack3A_734 {strides = array<i32>} : memref<128x128xbf16, #tpu.memory_space<vmem>>, vector<32xbf16>,
        %add3A_838 = arith.constant 4 : i32
        %add3A_839 = arith.addi %mul3A_400, %add3A_838 : i32
        %swap3A_840 = arith.index_cast %add3A_839 : i32 to index
        %swap3A_841 = arith.constant 64 : index
        %swap3A_842 = tpu.vector_load %arg11[%swap3A_840, %swap3A_841] {strides = array<i32>} : memref<128x128xbf16, #tpu.memory_space<vmem>>, vector<32xbf16>,
        tpu.vector_store %arg11[%swap3A_840, %swap3A_841], %pack3A_735 {strides = array<i32>} : memref<128x128xbf16, #tpu.memory_space<vmem>>, vector<32xbf16>,
        %add3A_843 = arith.constant 4 : i32
        %add3A_844 = arith.addi %mul3A_400, %add3A_843 : i32
        %swap3A_845 = arith.index_cast %add3A_844 : i32 to index
        %swap3A_846 = arith.constant 96 : index
        %swap3A_847 = tpu.vector_load %arg11[%swap3A_845, %swap3A_846] {strides = array<i32>} : memref<128x128xbf16, #tpu.memory_space<vmem>>, vector<32xbf16>,
        tpu.vector_store %arg11[%swap3A_845, %swap3A_846], %pack3A_736 {strides = array<i32>} : memref<128x128xbf16, #tpu.memory_space<vmem>>, vector<32xbf16>,
        %add3A_848 = arith.constant 5 : i32
        %add3A_849 = arith.addi %mul3A_400, %add3A_848 : i32
        %swap3A_850 = arith.index_cast %add3A_849 : i32 to index
        %swap3A_851 = arith.constant 0 : index
        %swap3A_852 = tpu.vector_load %arg11[%swap3A_850, %swap3A_851] {strides = array<i32>} : memref<128x128xbf16, #tpu.memory_space<vmem>>, vector<32xbf16>,
        tpu.vector_store %arg11[%swap3A_850, %swap3A_851], %pack3A_737 {strides = array<i32>} : memref<128x128xbf16, #tpu.memory_space<vmem>>, vector<32xbf16>,
        %add3A_853 = arith.constant 5 : i32
        %add3A_854 = arith.addi %mul3A_400, %add3A_853 : i32
        %swap3A_855 = arith.index_cast %add3A_854 : i32 to index
        %swap3A_856 = arith.constant 32 : index
        %swap3A_857 = tpu.vector_load %arg11[%swap3A_855, %swap3A_856] {strides = array<i32>} : memref<128x128xbf16, #tpu.memory_space<vmem>>, vector<32xbf16>,
        tpu.vector_store %arg11[%swap3A_855, %swap3A_856], %pack3A_738 {strides = array<i32>} : memref<128x128xbf16, #tpu.memory_space<vmem>>, vector<32xbf16>,
        %add3A_858 = arith.constant 5 : i32
        %add3A_859 = arith.addi %mul3A_400, %add3A_858 : i32
        %swap3A_860 = arith.index_cast %add3A_859 : i32 to index
        %swap3A_861 = arith.constant 64 : index
        %swap3A_862 = tpu.vector_load %arg11[%swap3A_860, %swap3A_861] {strides = array<i32>} : memref<128x128xbf16, #tpu.memory_space<vmem>>, vector<32xbf16>,
        tpu.vector_store %arg11[%swap3A_860, %swap3A_861], %pack3A_739 {strides = array<i32>} : memref<128x128xbf16, #tpu.memory_space<vmem>>, vector<32xbf16>,
        %add3A_863 = arith.constant 5 : i32
        %add3A_864 = arith.addi %mul3A_400, %add3A_863 : i32
        %swap3A_865 = arith.index_cast %add3A_864 : i32 to index
        %swap3A_866 = arith.constant 96 : index
        %swap3A_867 = tpu.vector_load %arg11[%swap3A_865, %swap3A_866] {strides = array<i32>} : memref<128x128xbf16, #tpu.memory_space<vmem>>, vector<32xbf16>,
        tpu.vector_store %arg11[%swap3A_865, %swap3A_866], %pack3A_740 {strides = array<i32>} : memref<128x128xbf16, #tpu.memory_space<vmem>>, vector<32xbf16>,
        %add3A_868 = arith.constant 6 : i32
        %add3A_869 = arith.addi %mul3A_400, %add3A_868 : i32
        %swap3A_870 = arith.index_cast %add3A_869 : i32 to index
        %swap3A_871 = arith.constant 0 : index
        %swap3A_872 = tpu.vector_load %arg11[%swap3A_870, %swap3A_871] {strides = array<i32>} : memref<128x128xbf16, #tpu.memory_space<vmem>>, vector<32xbf16>,
        tpu.vector_store %arg11[%swap3A_870, %swap3A_871], %pack3A_741 {strides = array<i32>} : memref<128x128xbf16, #tpu.memory_space<vmem>>, vector<32xbf16>,
        %add3A_873 = arith.constant 6 : i32
        %add3A_874 = arith.addi %mul3A_400, %add3A_873 : i32
        %swap3A_875 = arith.index_cast %add3A_874 : i32 to index
        %swap3A_876 = arith.constant 32 : index
        %swap3A_877 = tpu.vector_load %arg11[%swap3A_875, %swap3A_876] {strides = array<i32>} : memref<128x128xbf16, #tpu.memory_space<vmem>>, vector<32xbf16>,
        tpu.vector_store %arg11[%swap3A_875, %swap3A_876], %pack3A_742 {strides = array<i32>} : memref<128x128xbf16, #tpu.memory_space<vmem>>, vector<32xbf16>,
        %add3A_878 = arith.constant 6 : i32
        %add3A_879 = arith.addi %mul3A_400, %add3A_878 : i32
        %swap3A_880 = arith.index_cast %add3A_879 : i32 to index
        %swap3A_881 = arith.constant 64 : index
        %swap3A_882 = tpu.vector_load %arg11[%swap3A_880, %swap3A_881] {strides = array<i32>} : memref<128x128xbf16, #tpu.memory_space<vmem>>, vector<32xbf16>,
        tpu.vector_store %arg11[%swap3A_880, %swap3A_881], %pack3A_743 {strides = array<i32>} : memref<128x128xbf16, #tpu.memory_space<vmem>>, vector<32xbf16>,
        %add3A_883 = arith.constant 6 : i32
        %add3A_884 = arith.addi %mul3A_400, %add3A_883 : i32
        %swap3A_885 = arith.index_cast %add3A_884 : i32 to index
        %swap3A_886 = arith.constant 96 : index
        %swap3A_887 = tpu.vector_load %arg11[%swap3A_885, %swap3A_886] {strides = array<i32>} : memref<128x128xbf16, #tpu.memory_space<vmem>>, vector<32xbf16>,
        tpu.vector_store %arg11[%swap3A_885, %swap3A_886], %pack3A_744 {strides = array<i32>} : memref<128x128xbf16, #tpu.memory_space<vmem>>, vector<32xbf16>,
        %add3A_888 = arith.constant 7 : i32
        %add3A_889 = arith.addi %mul3A_400, %add3A_888 : i32
        %swap3A_890 = arith.index_cast %add3A_889 : i32 to index
        %swap3A_891 = arith.constant 0 : index
        %swap3A_892 = tpu.vector_load %arg11[%swap3A_890, %swap3A_891] {strides = array<i32>} : memref<128x128xbf16, #tpu.memory_space<vmem>>, vector<32xbf16>,
        tpu.vector_store %arg11[%swap3A_890, %swap3A_891], %pack3A_745 {strides = array<i32>} : memref<128x128xbf16, #tpu.memory_space<vmem>>, vector<32xbf16>,
        %add3A_893 = arith.constant 7 : i32
        %add3A_894 = arith.addi %mul3A_400, %add3A_893 : i32
        %swap3A_895 = arith.index_cast %add3A_894 : i32 to index
        %swap3A_896 = arith.constant 32 : index
        %swap3A_897 = tpu.vector_load %arg11[%swap3A_895, %swap3A_896] {strides = array<i32>} : memref<128x128xbf16, #tpu.memory_space<vmem>>, vector<32xbf16>,
        tpu.vector_store %arg11[%swap3A_895, %swap3A_896], %pack3A_746 {strides = array<i32>} : memref<128x128xbf16, #tpu.memory_space<vmem>>, vector<32xbf16>,
        %add3A_898 = arith.constant 7 : i32
        %add3A_899 = arith.addi %mul3A_400, %add3A_898 : i32
        %swap3A_900 = arith.index_cast %add3A_899 : i32 to index
        %swap3A_901 = arith.constant 64 : index
        %swap3A_902 = tpu.vector_load %arg11[%swap3A_900, %swap3A_901] {strides = array<i32>} : memref<128x128xbf16, #tpu.memory_space<vmem>>, vector<32xbf16>,
        tpu.vector_store %arg11[%swap3A_900, %swap3A_901], %pack3A_747 {strides = array<i32>} : memref<128x128xbf16, #tpu.memory_space<vmem>>, vector<32xbf16>,
        %add3A_903 = arith.constant 7 : i32
        %add3A_904 = arith.addi %mul3A_400, %add3A_903 : i32
        %swap3A_905 = arith.index_cast %add3A_904 : i32 to index
        %swap3A_906 = arith.constant 96 : index
        %swap3A_907 = tpu.vector_load %arg11[%swap3A_905, %swap3A_906] {strides = array<i32>} : memref<128x128xbf16, #tpu.memory_space<vmem>>, vector<32xbf16>,
        tpu.vector_store %arg11[%swap3A_905, %swap3A_906], %pack3A_748 {strides = array<i32>} : memref<128x128xbf16, #tpu.memory_space<vmem>>, vector<32xbf16>,
        %scan3A_908 = arith.constant 0 : i32
        scf.yield %scan3A_908 : i32
      }
      %scan3A_377 = arith.constant 16 : i32
      %add3A_378 = arith.constant 2 : i32
      %add3A_379 = arith.addi %add3A_364, %add3A_378 : i32
      %lt3A_380 = arith.constant 158 : i32
      %lt3A_381 = arith.cmpi slt, %add3A_379, %lt3A_380 : i32
      %convert_element_type3A_382 = arith.extui %lt3A_381 : i1 to i32
      %cond3A_383 = arith.constant 0 : i32
      %cond3A_384 = arith.cmpi ne, %convert_element_type3A_382, %cond3A_383 : i32
      scf.if %cond3A_384 {
        %add3A_397 = arith.constant 2 : i32
        %add3A_398 = arith.addi %add3A_364, %add3A_397 : i32
        %dma_start3A_399 = arith.constant 0 : i32
        %dma_start3A_400 = tpu.memref_slice %arg6[%add3A_398, %dma_start3A_399] : memref<158x128xi32, #tpu.memory_space<vmem>> -> memref<1x128xi32, #tpu.memory_space<vmem>>
        %dma_start3A_401 = tpu.memref_squeeze %dma_start3A_400 : memref<1x128xi32, #tpu.memory_space<vmem>> -> memref<128xi32, #tpu.memory_space<vmem>>
        %dma_start3A_402 = arith.constant 0 : i32
        %dma_start3A_403 = arith.constant 0 : i32
        %dma_start3A_404 = tpu.memref_slice %arg2[%dma_start3A_402, %dma_start3A_403] : memref<20000x64xf32, #tpu.memory_space<hbm>> -> memref<20000x64xf32, #tpu.memory_space<hbm>>
        tpu.enqueue_indirect_dma source(%dma_start3A_404 : memref<20000x64xf32, #tpu.memory_space<hbm>>) target(%arg9 : memref<128x64xf32, #tpu.memory_space<vmem>>) offsets(%dma_start3A_401 : memref<128xi32, #tpu.memory_space<vmem>>) semaphore(%arg14 : memref<!tpu.dma_semaphore, #tpu.memory_space<semaphore_mem>>)
      } else {
      }
      %ge3A_385 = arith.constant 1 : i32
      %ge3A_386 = arith.cmpi sge, %add3A_364, %ge3A_385 : i32
      %convert_element_type3A_387 = arith.extui %ge3A_386 : i1 to i32
      %cond3A_388 = arith.constant 0 : i32
      %cond3A_389 = arith.cmpi ne, %convert_element_type3A_387, %cond3A_388 : i32
      scf.if %cond3A_389 {
        %sub3A = arith.constant 1 : i32
        %sub3A_397 = arith.subi %add3A_364, %sub3A : i32
        %dma_wait3A_398 = arith.constant 0 : i32
        %dma_wait3A_399 = tpu.memref_slice %arg7[%sub3A_397, %dma_wait3A_398] : memref<158x128xi32, #tpu.memory_space<vmem>> -> memref<1x128xi32, #tpu.memory_space<vmem>>
        %dma_wait3A_400 = tpu.memref_squeeze %dma_wait3A_399 : memref<1x128xi32, #tpu.memory_space<vmem>> -> memref<128xi32, #tpu.memory_space<vmem>>
        %dma_wait3A_401 = arith.constant 0 : i32
        %dma_wait3A_402 = arith.constant 0 : i32
        %dma_wait3A_403 = tpu.memref_slice %arg12[%dma_wait3A_401, %dma_wait3A_402] : memref<10016x128xbf16, #tpu.memory_space<vmem_shared>> -> memref<10016x128xbf16, #tpu.memory_space<vmem_shared>>
        tpu.wait_indirect_dma semaphore(%arg15 : memref<!tpu.dma_semaphore, #tpu.memory_space<semaphore_mem>>) src(%arg10 : memref<128x128xbf16, #tpu.memory_space<vmem>>) dst(%dma_wait3A_403 : memref<10016x128xbf16, #tpu.memory_space<vmem_shared>>)
      } else {
      }
      %dma_start3A_390 = arith.constant 0 : i32
      %dma_start3A_391 = tpu.memref_slice %arg7[%add3A_364, %dma_start3A_390] : memref<158x128xi32, #tpu.memory_space<vmem>> -> memref<1x128xi32, #tpu.memory_space<vmem>>
      %dma_start3A_392 = tpu.memref_squeeze %dma_start3A_391 : memref<1x128xi32, #tpu.memory_space<vmem>> -> memref<128xi32, #tpu.memory_space<vmem>>
      %dma_start3A_393 = arith.constant 0 : i32
      %dma_start3A_394 = arith.constant 0 : i32
      %dma_start3A_395 = tpu.memref_slice %arg12[%dma_start3A_393, %dma_start3A_394] : memref<10016x128xbf16, #tpu.memory_space<vmem_shared>> -> memref<10016x128xbf16, #tpu.memory_space<vmem_shared>>
      tpu.enqueue_indirect_dma source(%arg11 : memref<128x128xbf16, #tpu.memory_space<vmem>>) target(%dma_start3A_395 : memref<10016x128xbf16, #tpu.memory_space<vmem_shared>>) offsets(%dma_start3A_392 : memref<128xi32, #tpu.memory_space<vmem>>) semaphore(%arg15 : memref<!tpu.dma_semaphore, #tpu.memory_space<semaphore_mem>>) {add = true}
      %scan3A_396 = arith.constant 0 : i32
      scf.yield %scan3A_396 : i32
    }
    %scan3A_48 = arith.constant 79 : i32
    %dma_wait3A = arith.constant 157 : i32
    %dma_wait3A_49 = arith.constant 0 : i32
    %dma_wait3A_50 = tpu.memref_slice %arg7[%dma_wait3A, %dma_wait3A_49] : memref<158x128xi32, #tpu.memory_space<vmem>> -> memref<1x128xi32, #tpu.memory_space<vmem>>
    %dma_wait3A_51 = tpu.memref_squeeze %dma_wait3A_50 : memref<1x128xi32, #tpu.memory_space<vmem>> -> memref<128xi32, #tpu.memory_space<vmem>>
    %dma_wait3A_52 = arith.constant 0 : i32
    %dma_wait3A_53 = arith.constant 0 : i32
    %dma_wait3A_54 = tpu.memref_slice %arg12[%dma_wait3A_52, %dma_wait3A_53] : memref<10016x128xbf16, #tpu.memory_space<vmem_shared>> -> memref<10016x128xbf16, #tpu.memory_space<vmem_shared>>
    tpu.wait_indirect_dma semaphore(%arg15 : memref<!tpu.dma_semaphore, #tpu.memory_space<semaphore_mem>>) src(%arg11 : memref<128x128xbf16, #tpu.memory_space<vmem>>) dst(%dma_wait3A_54 : memref<10016x128xbf16, #tpu.memory_space<vmem_shared>>)
    %barrier3A_55 = arith.constant 0 : index
    tpu.barrier barrier_id(%barrier3A_55)
    %mul3A_56 = arith.constant 624 : i32
    %mul3A_57 = arith.muli %arg1, %mul3A_56 : i32
    %add3A_58 = arith.constant 0 : i32
    %add3A_59 = arith.addi %mul3A_57, %add3A_58 : i32
    %add3A_60 = arith.constant 128 : i32
    %add3A_61 = arith.addi %mul3A_57, %add3A_60 : i32
    %add3A_62 = arith.constant 256 : i32
    %add3A_63 = arith.addi %mul3A_57, %add3A_62 : i32
    %add3A_64 = arith.constant 384 : i32
    %add3A_65 = arith.addi %mul3A_57, %add3A_64 : i32
    %add3A_66 = arith.constant 512 : i32
    %add3A_67 = arith.addi %mul3A_57, %add3A_66 : i32
    %dma_start3A_68 = arith.constant 0 : i32
    %dma_start3A_69 = arith.constant 0 : i32
    %dma_start3A_70 = tpu.memref_slice %arg10[%dma_start3A_68, %dma_start3A_69] : memref<128x128xbf16, #tpu.memory_space<vmem>> -> memref<128x128xbf16, #tpu.memory_space<vmem>>
    %dma_start3A_71 = arith.constant 0 : i32
    %dma_start3A_72 = tpu.memref_slice %arg12[%add3A_59, %dma_start3A_71] : memref<10016x128xbf16, #tpu.memory_space<vmem_shared>> -> memref<128x128xbf16, #tpu.memory_space<vmem_shared>>
    %dma_start3A_73 = arith.constant 0 : i32
    %dma_start3A_74 = arith.constant 0 : i32
    %dma_start3A_75 = tpu.memref_slice %arg10[%dma_start3A_73, %dma_start3A_74] : memref<128x128xbf16, #tpu.memory_space<vmem>> -> memref<128x128xbf16, #tpu.memory_space<vmem>>
    %dma_start3A_76 = arith.constant 0 : i32
    %dma_start3A_77 = tpu.memref_slice %arg12[%add3A_59, %dma_start3A_76] : memref<10016x128xbf16, #tpu.memory_space<vmem_shared>> -> memref<128x128xbf16, #tpu.memory_space<vmem_shared>>
    tpu.enqueue_dma source(%dma_start3A_77 : memref<128x128xbf16, #tpu.memory_space<vmem_shared>>) target(%dma_start3A_75 : memref<128x128xbf16, #tpu.memory_space<vmem>>) target_semaphore(%arg13 : memref<!tpu.dma_semaphore, #tpu.memory_space<semaphore_mem>>)
    %dma_wait3A_78 = arith.constant 0 : i32
    %dma_wait3A_79 = arith.constant 0 : i32
    %dma_wait3A_80 = tpu.memref_slice %arg10[%dma_wait3A_78, %dma_wait3A_79] : memref<128x128xbf16, #tpu.memory_space<vmem>> -> memref<128x128xbf16, #tpu.memory_space<vmem>>
    %dma_wait3A_81 = arith.constant 0 : i32
    %dma_wait3A_82 = tpu.memref_slice %arg12[%add3A_59, %dma_wait3A_81] : memref<10016x128xbf16, #tpu.memory_space<vmem_shared>> -> memref<128x128xbf16, #tpu.memory_space<vmem_shared>>
    %dma_wait3A_83 = arith.constant 0 : i32
    %dma_wait3A_84 = arith.constant 0 : i32
    %dma_wait3A_85 = tpu.memref_slice %arg10[%dma_wait3A_83, %dma_wait3A_84] : memref<128x128xbf16, #tpu.memory_space<vmem>> -> memref<128x128xbf16, #tpu.memory_space<vmem>>
    %dma_wait3A_86 = arith.constant 0 : i32
    %dma_wait3A_87 = tpu.memref_slice %arg12[%add3A_59, %dma_wait3A_86] : memref<10016x128xbf16, #tpu.memory_space<vmem_shared>> -> memref<128x128xbf16, #tpu.memory_space<vmem_shared>>
    tpu.wait_dma2 semaphore(%arg13 : memref<!tpu.dma_semaphore, #tpu.memory_space<semaphore_mem>>) src(%dma_wait3A_87 : memref<128x128xbf16, #tpu.memory_space<vmem_shared>>) dst(%dma_wait3A_85 : memref<128x128xbf16, #tpu.memory_space<vmem>>)
    %dma_start3A_88 = arith.constant 0 : i32
    %dma_start3A_89 = arith.constant 0 : i32
    %dma_start3A_90 = tpu.memref_slice %arg11[%dma_start3A_88, %dma_start3A_89] : memref<128x128xbf16, #tpu.memory_space<vmem>> -> memref<128x128xbf16, #tpu.memory_space<vmem>>
    %dma_start3A_91 = arith.constant 0 : i32
    %dma_start3A_92 = tpu.memref_slice %arg12[%add3A_61, %dma_start3A_91] : memref<10016x128xbf16, #tpu.memory_space<vmem_shared>> -> memref<128x128xbf16, #tpu.memory_space<vmem_shared>>
    %dma_start3A_93 = arith.constant 0 : i32
    %dma_start3A_94 = arith.constant 0 : i32
    %dma_start3A_95 = tpu.memref_slice %arg11[%dma_start3A_93, %dma_start3A_94] : memref<128x128xbf16, #tpu.memory_space<vmem>> -> memref<128x128xbf16, #tpu.memory_space<vmem>>
    %dma_start3A_96 = arith.constant 0 : i32
    %dma_start3A_97 = tpu.memref_slice %arg12[%add3A_61, %dma_start3A_96] : memref<10016x128xbf16, #tpu.memory_space<vmem_shared>> -> memref<128x128xbf16, #tpu.memory_space<vmem_shared>>
    tpu.enqueue_dma source(%dma_start3A_97 : memref<128x128xbf16, #tpu.memory_space<vmem_shared>>) target(%dma_start3A_95 : memref<128x128xbf16, #tpu.memory_space<vmem>>) target_semaphore(%arg13 : memref<!tpu.dma_semaphore, #tpu.memory_space<semaphore_mem>>)
    %scan3A_98 = arith.constant 0 : i32
    %scan3A_99 = arith.constant 0 : i32
    %scan3A_100 = arith.constant 64 : i32
    %scan3A_101 = arith.addi %scan3A_99, %scan3A_100 : i32
    %scan3A_102 = arith.constant 1 : i32
    %scan3A_103 = scf.for %scan3A_328 = %scan3A_99 to %scan3A_101 step %scan3A_102 iter_args(%scan3A_329 = %scan3A_98) -> (i32)  : i32 {
      %mul3A_330 = arith.constant 2 : i32
      %mul3A_331 = arith.muli %scan3A_328, %mul3A_330 : i32
      %add3A_332 = arith.constant 0 : i32
      %add3A_333 = arith.addi %mul3A_331, %add3A_332 : i32
      %get3A = arith.index_cast %add3A_333 : i32 to index
      %get3A_334 = arith.constant 0 : index
      %get3A_335 = tpu.vector_load %arg10[%get3A, %get3A_334] {strides = array<i32>} : memref<128x128xbf16, #tpu.memory_space<vmem>>, vector<32xbf16>,
      %add3A_336 = arith.constant 0 : i32
      %add3A_337 = arith.addi %mul3A_331, %add3A_336 : i32
      %get3A_338 = arith.index_cast %add3A_337 : i32 to index
      %get3A_339 = arith.constant 32 : index
      %get3A_340 = tpu.vector_load %arg10[%get3A_338, %get3A_339] {strides = array<i32>} : memref<128x128xbf16, #tpu.memory_space<vmem>>, vector<32xbf16>,
      %add3A_341 = arith.constant 0 : i32
      %add3A_342 = arith.addi %mul3A_331, %add3A_341 : i32
      %get3A_343 = arith.index_cast %add3A_342 : i32 to index
      %get3A_344 = arith.constant 64 : index
      %get3A_345 = tpu.vector_load %arg10[%get3A_343, %get3A_344] {strides = array<i32>} : memref<128x128xbf16, #tpu.memory_space<vmem>>, vector<32xbf16>,
      %add3A_346 = arith.constant 0 : i32
      %add3A_347 = arith.addi %mul3A_331, %add3A_346 : i32
      %get3A_348 = arith.index_cast %add3A_347 : i32 to index
      %get3A_349 = arith.constant 96 : index
      %get3A_350 = tpu.vector_load %arg10[%get3A_348, %get3A_349] {strides = array<i32>} : memref<128x128xbf16, #tpu.memory_space<vmem>>, vector<32xbf16>,
      %add3A_351 = arith.constant 1 : i32
      %add3A_352 = arith.addi %mul3A_331, %add3A_351 : i32
      %get3A_353 = arith.index_cast %add3A_352 : i32 to index
      %get3A_354 = arith.constant 0 : index
      %get3A_355 = tpu.vector_load %arg10[%get3A_353, %get3A_354] {strides = array<i32>} : memref<128x128xbf16, #tpu.memory_space<vmem>>, vector<32xbf16>,
      %add3A_356 = arith.constant 1 : i32
      %add3A_357 = arith.addi %mul3A_331, %add3A_356 : i32
      %get3A_358 = arith.index_cast %add3A_357 : i32 to index
      %get3A_359 = arith.constant 32 : index
      %get3A_360 = tpu.vector_load %arg10[%get3A_358, %get3A_359] {strides = array<i32>} : memref<128x128xbf16, #tpu.memory_space<vmem>>, vector<32xbf16>,
      %add3A_361 = arith.constant 1 : i32
      %add3A_362 = arith.addi %mul3A_331, %add3A_361 : i32
      %get3A_363 = arith.index_cast %add3A_362 : i32 to index
      %get3A_364 = arith.constant 64 : index
      %get3A_365 = tpu.vector_load %arg10[%get3A_363, %get3A_364] {strides = array<i32>} : memref<128x128xbf16, #tpu.memory_space<vmem>>, vector<32xbf16>,
      %add3A_366 = arith.constant 1 : i32
      %add3A_367 = arith.addi %mul3A_331, %add3A_366 : i32
      %get3A_368 = arith.index_cast %add3A_367 : i32 to index
      %get3A_369 = arith.constant 96 : index
      %get3A_370 = tpu.vector_load %arg10[%get3A_368, %get3A_369] {strides = array<i32>} : memref<128x128xbf16, #tpu.memory_space<vmem>>, vector<32xbf16>,
      %unpack3A = tpu.unpack_subelements %get3A_335, 0 {pack_format = #tpu.pack_format<interleaved>} : vector<32xbf16> -> vector<16xf32>
      %unpack3A_371 = tpu.unpack_subelements %get3A_335, 1 {pack_format = #tpu.pack_format<interleaved>} : vector<32xbf16> -> vector<16xf32>
      %unpack3A_372 = tpu.unpack_subelements %get3A_340, 0 {pack_format = #tpu.pack_format<interleaved>} : vector<32xbf16> -> vector<16xf32>
      %unpack3A_373 = tpu.unpack_subelements %get3A_340, 1 {pack_format = #tpu.pack_format<interleaved>} : vector<32xbf16> -> vector<16xf32>
      %unpack3A_374 = tpu.unpack_subelements %get3A_345, 0 {pack_format = #tpu.pack_format<interleaved>} : vector<32xbf16> -> vector<16xf32>
      %unpack3A_375 = tpu.unpack_subelements %get3A_345, 1 {pack_format = #tpu.pack_format<interleaved>} : vector<32xbf16> -> vector<16xf32>
      %unpack3A_376 = tpu.unpack_subelements %get3A_350, 0 {pack_format = #tpu.pack_format<interleaved>} : vector<32xbf16> -> vector<16xf32>
      %unpack3A_377 = tpu.unpack_subelements %get3A_350, 1 {pack_format = #tpu.pack_format<interleaved>} : vector<32xbf16> -> vector<16xf32>
      %unpack3A_378 = tpu.unpack_subelements %get3A_355, 0 {pack_format = #tpu.pack_format<interleaved>} : vector<32xbf16> -> vector<16xf32>
      %unpack3A_379 = tpu.unpack_subelements %get3A_355, 1 {pack_format = #tpu.pack_format<interleaved>} : vector<32xbf16> -> vector<16xf32>
      %unpack3A_380 = tpu.unpack_subelements %get3A_360, 0 {pack_format = #tpu.pack_format<interleaved>} : vector<32xbf16> -> vector<16xf32>
      %unpack3A_381 = tpu.unpack_subelements %get3A_360, 1 {pack_format = #tpu.pack_format<interleaved>} : vector<32xbf16> -> vector<16xf32>
      %unpack3A_382 = tpu.unpack_subelements %get3A_365, 0 {pack_format = #tpu.pack_format<interleaved>} : vector<32xbf16> -> vector<16xf32>
      %unpack3A_383 = tpu.unpack_subelements %get3A_365, 1 {pack_format = #tpu.pack_format<interleaved>} : vector<32xbf16> -> vector<16xf32>
      %unpack3A_384 = tpu.unpack_subelements %get3A_370, 0 {pack_format = #tpu.pack_format<interleaved>} : vector<32xbf16> -> vector<16xf32>
      %unpack3A_385 = tpu.unpack_subelements %get3A_370, 1 {pack_format = #tpu.pack_format<interleaved>} : vector<32xbf16> -> vector<16xf32>
      %add3A_386 = arith.constant 1.000000e-16 : f32
      %add3A_387 = vector.broadcast %add3A_386 : f32 to vector<16xf32>
      %add3A_388 = arith.addf %unpack3A, %add3A_387 : vector<16xf32>
      %div3A = arith.divf %unpack3A_371, %add3A_388 : vector<16xf32>
      %add3A_389 = arith.constant 1.000000e-07 : f32
      %add3A_390 = vector.broadcast %add3A_389 : f32 to vector<16xf32>
      %add3A_391 = arith.addf %div3A, %add3A_390 : vector<16xf32>
      %add3A_392 = arith.constant 1.000000e-16 : f32
      %add3A_393 = vector.broadcast %add3A_392 : f32 to vector<16xf32>
      %add3A_394 = arith.addf %unpack3A_372, %add3A_393 : vector<16xf32>
      %div3A_395 = arith.divf %unpack3A_373, %add3A_394 : vector<16xf32>
      %add3A_396 = arith.constant 1.000000e-07 : f32
      %add3A_397 = vector.broadcast %add3A_396 : f32 to vector<16xf32>
      %add3A_398 = arith.addf %div3A_395, %add3A_397 : vector<16xf32>
      %add3A_399 = arith.constant 1.000000e-16 : f32
      %add3A_400 = vector.broadcast %add3A_399 : f32 to vector<16xf32>
      %add3A_401 = arith.addf %unpack3A_374, %add3A_400 : vector<16xf32>
      %div3A_402 = arith.divf %unpack3A_375, %add3A_401 : vector<16xf32>
      %add3A_403 = arith.constant 1.000000e-07 : f32
      %add3A_404 = vector.broadcast %add3A_403 : f32 to vector<16xf32>
      %add3A_405 = arith.addf %div3A_402, %add3A_404 : vector<16xf32>
      %add3A_406 = arith.constant 1.000000e-16 : f32
      %add3A_407 = vector.broadcast %add3A_406 : f32 to vector<16xf32>
      %add3A_408 = arith.addf %unpack3A_376, %add3A_407 : vector<16xf32>
      %div3A_409 = arith.divf %unpack3A_377, %add3A_408 : vector<16xf32>
      %add3A_410 = arith.constant 1.000000e-07 : f32
      %add3A_411 = vector.broadcast %add3A_410 : f32 to vector<16xf32>
      %add3A_412 = arith.addf %div3A_409, %add3A_411 : vector<16xf32>
      %add3A_413 = arith.constant 1.000000e-16 : f32
      %add3A_414 = vector.broadcast %add3A_413 : f32 to vector<16xf32>
      %add3A_415 = arith.addf %unpack3A_378, %add3A_414 : vector<16xf32>
      %div3A_416 = arith.divf %unpack3A_379, %add3A_415 : vector<16xf32>
      %add3A_417 = arith.constant 1.000000e-07 : f32
      %add3A_418 = vector.broadcast %add3A_417 : f32 to vector<16xf32>
      %add3A_419 = arith.addf %div3A_416, %add3A_418 : vector<16xf32>
      %add3A_420 = arith.constant 1.000000e-16 : f32
      %add3A_421 = vector.broadcast %add3A_420 : f32 to vector<16xf32>
      %add3A_422 = arith.addf %unpack3A_380, %add3A_421 : vector<16xf32>
      %div3A_423 = arith.divf %unpack3A_381, %add3A_422 : vector<16xf32>
      %add3A_424 = arith.constant 1.000000e-07 : f32
      %add3A_425 = vector.broadcast %add3A_424 : f32 to vector<16xf32>
      %add3A_426 = arith.addf %div3A_423, %add3A_425 : vector<16xf32>
      %add3A_427 = arith.constant 1.000000e-16 : f32
      %add3A_428 = vector.broadcast %add3A_427 : f32 to vector<16xf32>
      %add3A_429 = arith.addf %unpack3A_382, %add3A_428 : vector<16xf32>
      %div3A_430 = arith.divf %unpack3A_383, %add3A_429 : vector<16xf32>
      %add3A_431 = arith.constant 1.000000e-07 : f32
      %add3A_432 = vector.broadcast %add3A_431 : f32 to vector<16xf32>
      %add3A_433 = arith.addf %div3A_430, %add3A_432 : vector<16xf32>
      %add3A_434 = arith.constant 1.000000e-16 : f32
      %add3A_435 = vector.broadcast %add3A_434 : f32 to vector<16xf32>
      %add3A_436 = arith.addf %unpack3A_384, %add3A_435 : vector<16xf32>
      %div3A_437 = arith.divf %unpack3A_385, %add3A_436 : vector<16xf32>
      %add3A_438 = arith.constant 1.000000e-07 : f32
      %add3A_439 = vector.broadcast %add3A_438 : f32 to vector<16xf32>
      %add3A_440 = arith.addf %div3A_437, %add3A_439 : vector<16xf32>
      %add3A_441 = arith.constant 0 : i32
      %add3A_442 = arith.addi %mul3A_331, %add3A_441 : i32
      %swap3A = arith.index_cast %add3A_442 : i32 to index
      %swap3A_443 = arith.constant 0 : index
      %swap3A_444 = tpu.vector_load %arg8[%swap3A, %swap3A_443] {strides = array<i32>} : memref<128x64xf32, #tpu.memory_space<vmem>>, vector<16xf32>,
      tpu.vector_store %arg8[%swap3A, %swap3A_443], %add3A_391 {strides = array<i32>} : memref<128x64xf32, #tpu.memory_space<vmem>>, vector<16xf32>,
      %add3A_445 = arith.constant 0 : i32
      %add3A_446 = arith.addi %mul3A_331, %add3A_445 : i32
      %swap3A_447 = arith.index_cast %add3A_446 : i32 to index
      %swap3A_448 = arith.constant 16 : index
      %swap3A_449 = tpu.vector_load %arg8[%swap3A_447, %swap3A_448] {strides = array<i32>} : memref<128x64xf32, #tpu.memory_space<vmem>>, vector<16xf32>,
      tpu.vector_store %arg8[%swap3A_447, %swap3A_448], %add3A_398 {strides = array<i32>} : memref<128x64xf32, #tpu.memory_space<vmem>>, vector<16xf32>,
      %add3A_450 = arith.constant 0 : i32
      %add3A_451 = arith.addi %mul3A_331, %add3A_450 : i32
      %swap3A_452 = arith.index_cast %add3A_451 : i32 to index
      %swap3A_453 = arith.constant 32 : index
      %swap3A_454 = tpu.vector_load %arg8[%swap3A_452, %swap3A_453] {strides = array<i32>} : memref<128x64xf32, #tpu.memory_space<vmem>>, vector<16xf32>,
      tpu.vector_store %arg8[%swap3A_452, %swap3A_453], %add3A_405 {strides = array<i32>} : memref<128x64xf32, #tpu.memory_space<vmem>>, vector<16xf32>,
      %add3A_455 = arith.constant 0 : i32
      %add3A_456 = arith.addi %mul3A_331, %add3A_455 : i32
      %swap3A_457 = arith.index_cast %add3A_456 : i32 to index
      %swap3A_458 = arith.constant 48 : index
      %swap3A_459 = tpu.vector_load %arg8[%swap3A_457, %swap3A_458] {strides = array<i32>} : memref<128x64xf32, #tpu.memory_space<vmem>>, vector<16xf32>,
      tpu.vector_store %arg8[%swap3A_457, %swap3A_458], %add3A_412 {strides = array<i32>} : memref<128x64xf32, #tpu.memory_space<vmem>>, vector<16xf32>,
      %add3A_460 = arith.constant 1 : i32
      %add3A_461 = arith.addi %mul3A_331, %add3A_460 : i32
      %swap3A_462 = arith.index_cast %add3A_461 : i32 to index
      %swap3A_463 = arith.constant 0 : index
      %swap3A_464 = tpu.vector_load %arg8[%swap3A_462, %swap3A_463] {strides = array<i32>} : memref<128x64xf32, #tpu.memory_space<vmem>>, vector<16xf32>,
      tpu.vector_store %arg8[%swap3A_462, %swap3A_463], %add3A_419 {strides = array<i32>} : memref<128x64xf32, #tpu.memory_space<vmem>>, vector<16xf32>,
      %add3A_465 = arith.constant 1 : i32
      %add3A_466 = arith.addi %mul3A_331, %add3A_465 : i32
      %swap3A_467 = arith.index_cast %add3A_466 : i32 to index
      %swap3A_468 = arith.constant 16 : index
      %swap3A_469 = tpu.vector_load %arg8[%swap3A_467, %swap3A_468] {strides = array<i32>} : memref<128x64xf32, #tpu.memory_space<vmem>>, vector<16xf32>,
      tpu.vector_store %arg8[%swap3A_467, %swap3A_468], %add3A_426 {strides = array<i32>} : memref<128x64xf32, #tpu.memory_space<vmem>>, vector<16xf32>,
      %add3A_470 = arith.constant 1 : i32
      %add3A_471 = arith.addi %mul3A_331, %add3A_470 : i32
      %swap3A_472 = arith.index_cast %add3A_471 : i32 to index
      %swap3A_473 = arith.constant 32 : index
      %swap3A_474 = tpu.vector_load %arg8[%swap3A_472, %swap3A_473] {strides = array<i32>} : memref<128x64xf32, #tpu.memory_space<vmem>>, vector<16xf32>,
      tpu.vector_store %arg8[%swap3A_472, %swap3A_473], %add3A_433 {strides = array<i32>} : memref<128x64xf32, #tpu.memory_space<vmem>>, vector<16xf32>,
      %add3A_475 = arith.constant 1 : i32
      %add3A_476 = arith.addi %mul3A_331, %add3A_475 : i32
      %swap3A_477 = arith.index_cast %add3A_476 : i32 to index
      %swap3A_478 = arith.constant 48 : index
      %swap3A_479 = tpu.vector_load %arg8[%swap3A_477, %swap3A_478] {strides = array<i32>} : memref<128x64xf32, #tpu.memory_space<vmem>>, vector<16xf32>,
      tpu.vector_store %arg8[%swap3A_477, %swap3A_478], %add3A_440 {strides = array<i32>} : memref<128x64xf32, #tpu.memory_space<vmem>>, vector<16xf32>,
      %scan3A_480 = arith.constant 0 : i32
      scf.yield %scan3A_480 : i32
    }
    %scan3A_104 = arith.constant 64 : i32
    %dma_start3A_105 = arith.constant 0 : i32
    %dma_start3A_106 = arith.constant 0 : i32
    %dma_start3A_107 = tpu.memref_slice %arg8[%dma_start3A_105, %dma_start3A_106] : memref<128x64xf32, #tpu.memory_space<vmem>> -> memref<128x64xf32, #tpu.memory_space<vmem>>
    %dma_start3A_108 = arith.constant 0 : i32
    %dma_start3A_109 = tpu.memref_slice %arg5[%arg0, %add3A_59, %dma_start3A_108] : memref<2x10000x64xf32, #tpu.memory_space<hbm>> -> memref<1x128x64xf32, #tpu.memory_space<hbm>>
    %dma_start3A_110 = tpu.memref_squeeze %dma_start3A_109 : memref<1x128x64xf32, #tpu.memory_space<hbm>> -> memref<128x64xf32, #tpu.memory_space<hbm>>
    %dma_start3A_111 = arith.constant 0 : i32
    %dma_start3A_112 = tpu.memref_slice %arg5[%arg0, %add3A_59, %dma_start3A_111] : memref<2x10000x64xf32, #tpu.memory_space<hbm>> -> memref<1x128x64xf32, #tpu.memory_space<hbm>>
    %dma_start3A_113 = tpu.memref_squeeze %dma_start3A_112 : memref<1x128x64xf32, #tpu.memory_space<hbm>> -> memref<128x64xf32, #tpu.memory_space<hbm>>
    %dma_start3A_114 = arith.constant 0 : i32
    %dma_start3A_115 = arith.constant 0 : i32
    %dma_start3A_116 = tpu.memref_slice %arg8[%dma_start3A_114, %dma_start3A_115] : memref<128x64xf32, #tpu.memory_space<vmem>> -> memref<128x64xf32, #tpu.memory_space<vmem>>
    tpu.enqueue_dma source(%dma_start3A_116 : memref<128x64xf32, #tpu.memory_space<vmem>>) target(%dma_start3A_113 : memref<128x64xf32, #tpu.memory_space<hbm>>) target_semaphore(%arg15 : memref<!tpu.dma_semaphore, #tpu.memory_space<semaphore_mem>>)
    %dma_wait3A_117 = arith.constant 0 : i32
    %dma_wait3A_118 = arith.constant 0 : i32
    %dma_wait3A_119 = tpu.memref_slice %arg11[%dma_wait3A_117, %dma_wait3A_118] : memref<128x128xbf16, #tpu.memory_space<vmem>> -> memref<128x128xbf16, #tpu.memory_space<vmem>>
    %dma_wait3A_120 = arith.constant 0 : i32
    %dma_wait3A_121 = tpu.memref_slice %arg12[%add3A_61, %dma_wait3A_120] : memref<10016x128xbf16, #tpu.memory_space<vmem_shared>> -> memref<128x128xbf16, #tpu.memory_space<vmem_shared>>
    %dma_wait3A_122 = arith.constant 0 : i32
    %dma_wait3A_123 = arith.constant 0 : i32
    %dma_wait3A_124 = tpu.memref_slice %arg11[%dma_wait3A_122, %dma_wait3A_123] : memref<128x128xbf16, #tpu.memory_space<vmem>> -> memref<128x128xbf16, #tpu.memory_space<vmem>>
    %dma_wait3A_125 = arith.constant 0 : i32
    %dma_wait3A_126 = tpu.memref_slice %arg12[%add3A_61, %dma_wait3A_125] : memref<10016x128xbf16, #tpu.memory_space<vmem_shared>> -> memref<128x128xbf16, #tpu.memory_space<vmem_shared>>
    tpu.wait_dma2 semaphore(%arg13 : memref<!tpu.dma_semaphore, #tpu.memory_space<semaphore_mem>>) src(%dma_wait3A_126 : memref<128x128xbf16, #tpu.memory_space<vmem_shared>>) dst(%dma_wait3A_124 : memref<128x128xbf16, #tpu.memory_space<vmem>>)
    %dma_start3A_127 = arith.constant 0 : i32
    %dma_start3A_128 = arith.constant 0 : i32
    %dma_start3A_129 = tpu.memref_slice %arg10[%dma_start3A_127, %dma_start3A_128] : memref<128x128xbf16, #tpu.memory_space<vmem>> -> memref<128x128xbf16, #tpu.memory_space<vmem>>
    %dma_start3A_130 = arith.constant 0 : i32
    %dma_start3A_131 = tpu.memref_slice %arg12[%add3A_63, %dma_start3A_130] : memref<10016x128xbf16, #tpu.memory_space<vmem_shared>> -> memref<128x128xbf16, #tpu.memory_space<vmem_shared>>
    %dma_start3A_132 = arith.constant 0 : i32
    %dma_start3A_133 = arith.constant 0 : i32
    %dma_start3A_134 = tpu.memref_slice %arg10[%dma_start3A_132, %dma_start3A_133] : memref<128x128xbf16, #tpu.memory_space<vmem>> -> memref<128x128xbf16, #tpu.memory_space<vmem>>
    %dma_start3A_135 = arith.constant 0 : i32
    %dma_start3A_136 = tpu.memref_slice %arg12[%add3A_63, %dma_start3A_135] : memref<10016x128xbf16, #tpu.memory_space<vmem_shared>> -> memref<128x128xbf16, #tpu.memory_space<vmem_shared>>
    tpu.enqueue_dma source(%dma_start3A_136 : memref<128x128xbf16, #tpu.memory_space<vmem_shared>>) target(%dma_start3A_134 : memref<128x128xbf16, #tpu.memory_space<vmem>>) target_semaphore(%arg13 : memref<!tpu.dma_semaphore, #tpu.memory_space<semaphore_mem>>)
    %scan3A_137 = arith.constant 0 : i32
    %scan3A_138 = arith.constant 0 : i32
    %scan3A_139 = arith.constant 64 : i32
    %scan3A_140 = arith.addi %scan3A_138, %scan3A_139 : i32
    %scan3A_141 = arith.constant 1 : i32
    %scan3A_142 = scf.for %scan3A_328 = %scan3A_138 to %scan3A_140 step %scan3A_141 iter_args(%scan3A_329 = %scan3A_137) -> (i32)  : i32 {
      %mul3A_330 = arith.constant 2 : i32
      %mul3A_331 = arith.muli %scan3A_328, %mul3A_330 : i32
      %add3A_332 = arith.constant 0 : i32
      %add3A_333 = arith.addi %mul3A_331, %add3A_332 : i32
      %get3A = arith.index_cast %add3A_333 : i32 to index
      %get3A_334 = arith.constant 0 : index
      %get3A_335 = tpu.vector_load %arg11[%get3A, %get3A_334] {strides = array<i32>} : memref<128x128xbf16, #tpu.memory_space<vmem>>, vector<32xbf16>,
      %add3A_336 = arith.constant 0 : i32
      %add3A_337 = arith.addi %mul3A_331, %add3A_336 : i32
      %get3A_338 = arith.index_cast %add3A_337 : i32 to index
      %get3A_339 = arith.constant 32 : index
      %get3A_340 = tpu.vector_load %arg11[%get3A_338, %get3A_339] {strides = array<i32>} : memref<128x128xbf16, #tpu.memory_space<vmem>>, vector<32xbf16>,
      %add3A_341 = arith.constant 0 : i32
      %add3A_342 = arith.addi %mul3A_331, %add3A_341 : i32
      %get3A_343 = arith.index_cast %add3A_342 : i32 to index
      %get3A_344 = arith.constant 64 : index
      %get3A_345 = tpu.vector_load %arg11[%get3A_343, %get3A_344] {strides = array<i32>} : memref<128x128xbf16, #tpu.memory_space<vmem>>, vector<32xbf16>,
      %add3A_346 = arith.constant 0 : i32
      %add3A_347 = arith.addi %mul3A_331, %add3A_346 : i32
      %get3A_348 = arith.index_cast %add3A_347 : i32 to index
      %get3A_349 = arith.constant 96 : index
      %get3A_350 = tpu.vector_load %arg11[%get3A_348, %get3A_349] {strides = array<i32>} : memref<128x128xbf16, #tpu.memory_space<vmem>>, vector<32xbf16>,
      %add3A_351 = arith.constant 1 : i32
      %add3A_352 = arith.addi %mul3A_331, %add3A_351 : i32
      %get3A_353 = arith.index_cast %add3A_352 : i32 to index
      %get3A_354 = arith.constant 0 : index
      %get3A_355 = tpu.vector_load %arg11[%get3A_353, %get3A_354] {strides = array<i32>} : memref<128x128xbf16, #tpu.memory_space<vmem>>, vector<32xbf16>,
      %add3A_356 = arith.constant 1 : i32
      %add3A_357 = arith.addi %mul3A_331, %add3A_356 : i32
      %get3A_358 = arith.index_cast %add3A_357 : i32 to index
      %get3A_359 = arith.constant 32 : index
      %get3A_360 = tpu.vector_load %arg11[%get3A_358, %get3A_359] {strides = array<i32>} : memref<128x128xbf16, #tpu.memory_space<vmem>>, vector<32xbf16>,
      %add3A_361 = arith.constant 1 : i32
      %add3A_362 = arith.addi %mul3A_331, %add3A_361 : i32
      %get3A_363 = arith.index_cast %add3A_362 : i32 to index
      %get3A_364 = arith.constant 64 : index
      %get3A_365 = tpu.vector_load %arg11[%get3A_363, %get3A_364] {strides = array<i32>} : memref<128x128xbf16, #tpu.memory_space<vmem>>, vector<32xbf16>,
      %add3A_366 = arith.constant 1 : i32
      %add3A_367 = arith.addi %mul3A_331, %add3A_366 : i32
      %get3A_368 = arith.index_cast %add3A_367 : i32 to index
      %get3A_369 = arith.constant 96 : index
      %get3A_370 = tpu.vector_load %arg11[%get3A_368, %get3A_369] {strides = array<i32>} : memref<128x128xbf16, #tpu.memory_space<vmem>>, vector<32xbf16>,
      %unpack3A = tpu.unpack_subelements %get3A_335, 0 {pack_format = #tpu.pack_format<interleaved>} : vector<32xbf16> -> vector<16xf32>
      %unpack3A_371 = tpu.unpack_subelements %get3A_335, 1 {pack_format = #tpu.pack_format<interleaved>} : vector<32xbf16> -> vector<16xf32>
      %unpack3A_372 = tpu.unpack_subelements %get3A_340, 0 {pack_format = #tpu.pack_format<interleaved>} : vector<32xbf16> -> vector<16xf32>
      %unpack3A_373 = tpu.unpack_subelements %get3A_340, 1 {pack_format = #tpu.pack_format<interleaved>} : vector<32xbf16> -> vector<16xf32>
      %unpack3A_374 = tpu.unpack_subelements %get3A_345, 0 {pack_format = #tpu.pack_format<interleaved>} : vector<32xbf16> -> vector<16xf32>
      %unpack3A_375 = tpu.unpack_subelements %get3A_345, 1 {pack_format = #tpu.pack_format<interleaved>} : vector<32xbf16> -> vector<16xf32>
      %unpack3A_376 = tpu.unpack_subelements %get3A_350, 0 {pack_format = #tpu.pack_format<interleaved>} : vector<32xbf16> -> vector<16xf32>
      %unpack3A_377 = tpu.unpack_subelements %get3A_350, 1 {pack_format = #tpu.pack_format<interleaved>} : vector<32xbf16> -> vector<16xf32>
      %unpack3A_378 = tpu.unpack_subelements %get3A_355, 0 {pack_format = #tpu.pack_format<interleaved>} : vector<32xbf16> -> vector<16xf32>
      %unpack3A_379 = tpu.unpack_subelements %get3A_355, 1 {pack_format = #tpu.pack_format<interleaved>} : vector<32xbf16> -> vector<16xf32>
      %unpack3A_380 = tpu.unpack_subelements %get3A_360, 0 {pack_format = #tpu.pack_format<interleaved>} : vector<32xbf16> -> vector<16xf32>
      %unpack3A_381 = tpu.unpack_subelements %get3A_360, 1 {pack_format = #tpu.pack_format<interleaved>} : vector<32xbf16> -> vector<16xf32>
      %unpack3A_382 = tpu.unpack_subelements %get3A_365, 0 {pack_format = #tpu.pack_format<interleaved>} : vector<32xbf16> -> vector<16xf32>
      %unpack3A_383 = tpu.unpack_subelements %get3A_365, 1 {pack_format = #tpu.pack_format<interleaved>} : vector<32xbf16> -> vector<16xf32>
      %unpack3A_384 = tpu.unpack_subelements %get3A_370, 0 {pack_format = #tpu.pack_format<interleaved>} : vector<32xbf16> -> vector<16xf32>
      %unpack3A_385 = tpu.unpack_subelements %get3A_370, 1 {pack_format = #tpu.pack_format<interleaved>} : vector<32xbf16> -> vector<16xf32>
      %add3A_386 = arith.constant 1.000000e-16 : f32
      %add3A_387 = vector.broadcast %add3A_386 : f32 to vector<16xf32>
      %add3A_388 = arith.addf %unpack3A, %add3A_387 : vector<16xf32>
      %div3A = arith.divf %unpack3A_371, %add3A_388 : vector<16xf32>
      %add3A_389 = arith.constant 1.000000e-07 : f32
      %add3A_390 = vector.broadcast %add3A_389 : f32 to vector<16xf32>
      %add3A_391 = arith.addf %div3A, %add3A_390 : vector<16xf32>
      %add3A_392 = arith.constant 1.000000e-16 : f32
      %add3A_393 = vector.broadcast %add3A_392 : f32 to vector<16xf32>
      %add3A_394 = arith.addf %unpack3A_372, %add3A_393 : vector<16xf32>
      %div3A_395 = arith.divf %unpack3A_373, %add3A_394 : vector<16xf32>
      %add3A_396 = arith.constant 1.000000e-07 : f32
      %add3A_397 = vector.broadcast %add3A_396 : f32 to vector<16xf32>
      %add3A_398 = arith.addf %div3A_395, %add3A_397 : vector<16xf32>
      %add3A_399 = arith.constant 1.000000e-16 : f32
      %add3A_400 = vector.broadcast %add3A_399 : f32 to vector<16xf32>
      %add3A_401 = arith.addf %unpack3A_374, %add3A_400 : vector<16xf32>
      %div3A_402 = arith.divf %unpack3A_375, %add3A_401 : vector<16xf32>
      %add3A_403 = arith.constant 1.000000e-07 : f32
      %add3A_404 = vector.broadcast %add3A_403 : f32 to vector<16xf32>
      %add3A_405 = arith.addf %div3A_402, %add3A_404 : vector<16xf32>
      %add3A_406 = arith.constant 1.000000e-16 : f32
      %add3A_407 = vector.broadcast %add3A_406 : f32 to vector<16xf32>
      %add3A_408 = arith.addf %unpack3A_376, %add3A_407 : vector<16xf32>
      %div3A_409 = arith.divf %unpack3A_377, %add3A_408 : vector<16xf32>
      %add3A_410 = arith.constant 1.000000e-07 : f32
      %add3A_411 = vector.broadcast %add3A_410 : f32 to vector<16xf32>
      %add3A_412 = arith.addf %div3A_409, %add3A_411 : vector<16xf32>
      %add3A_413 = arith.constant 1.000000e-16 : f32
      %add3A_414 = vector.broadcast %add3A_413 : f32 to vector<16xf32>
      %add3A_415 = arith.addf %unpack3A_378, %add3A_414 : vector<16xf32>
      %div3A_416 = arith.divf %unpack3A_379, %add3A_415 : vector<16xf32>
      %add3A_417 = arith.constant 1.000000e-07 : f32
      %add3A_418 = vector.broadcast %add3A_417 : f32 to vector<16xf32>
      %add3A_419 = arith.addf %div3A_416, %add3A_418 : vector<16xf32>
      %add3A_420 = arith.constant 1.000000e-16 : f32
      %add3A_421 = vector.broadcast %add3A_420 : f32 to vector<16xf32>
      %add3A_422 = arith.addf %unpack3A_380, %add3A_421 : vector<16xf32>
      %div3A_423 = arith.divf %unpack3A_381, %add3A_422 : vector<16xf32>
      %add3A_424 = arith.constant 1.000000e-07 : f32
      %add3A_425 = vector.broadcast %add3A_424 : f32 to vector<16xf32>
      %add3A_426 = arith.addf %div3A_423, %add3A_425 : vector<16xf32>
      %add3A_427 = arith.constant 1.000000e-16 : f32
      %add3A_428 = vector.broadcast %add3A_427 : f32 to vector<16xf32>
      %add3A_429 = arith.addf %unpack3A_382, %add3A_428 : vector<16xf32>
      %div3A_430 = arith.divf %unpack3A_383, %add3A_429 : vector<16xf32>
      %add3A_431 = arith.constant 1.000000e-07 : f32
      %add3A_432 = vector.broadcast %add3A_431 : f32 to vector<16xf32>
      %add3A_433 = arith.addf %div3A_430, %add3A_432 : vector<16xf32>
      %add3A_434 = arith.constant 1.000000e-16 : f32
      %add3A_435 = vector.broadcast %add3A_434 : f32 to vector<16xf32>
      %add3A_436 = arith.addf %unpack3A_384, %add3A_435 : vector<16xf32>
      %div3A_437 = arith.divf %unpack3A_385, %add3A_436 : vector<16xf32>
      %add3A_438 = arith.constant 1.000000e-07 : f32
      %add3A_439 = vector.broadcast %add3A_438 : f32 to vector<16xf32>
      %add3A_440 = arith.addf %div3A_437, %add3A_439 : vector<16xf32>
      %add3A_441 = arith.constant 0 : i32
      %add3A_442 = arith.addi %mul3A_331, %add3A_441 : i32
      %swap3A = arith.index_cast %add3A_442 : i32 to index
      %swap3A_443 = arith.constant 0 : index
      %swap3A_444 = tpu.vector_load %arg9[%swap3A, %swap3A_443] {strides = array<i32>} : memref<128x64xf32, #tpu.memory_space<vmem>>, vector<16xf32>,
      tpu.vector_store %arg9[%swap3A, %swap3A_443], %add3A_391 {strides = array<i32>} : memref<128x64xf32, #tpu.memory_space<vmem>>, vector<16xf32>,
      %add3A_445 = arith.constant 0 : i32
      %add3A_446 = arith.addi %mul3A_331, %add3A_445 : i32
      %swap3A_447 = arith.index_cast %add3A_446 : i32 to index
      %swap3A_448 = arith.constant 16 : index
      %swap3A_449 = tpu.vector_load %arg9[%swap3A_447, %swap3A_448] {strides = array<i32>} : memref<128x64xf32, #tpu.memory_space<vmem>>, vector<16xf32>,
      tpu.vector_store %arg9[%swap3A_447, %swap3A_448], %add3A_398 {strides = array<i32>} : memref<128x64xf32, #tpu.memory_space<vmem>>, vector<16xf32>,
      %add3A_450 = arith.constant 0 : i32
      %add3A_451 = arith.addi %mul3A_331, %add3A_450 : i32
      %swap3A_452 = arith.index_cast %add3A_451 : i32 to index
      %swap3A_453 = arith.constant 32 : index
      %swap3A_454 = tpu.vector_load %arg9[%swap3A_452, %swap3A_453] {strides = array<i32>} : memref<128x64xf32, #tpu.memory_space<vmem>>, vector<16xf32>,
      tpu.vector_store %arg9[%swap3A_452, %swap3A_453], %add3A_405 {strides = array<i32>} : memref<128x64xf32, #tpu.memory_space<vmem>>, vector<16xf32>,
      %add3A_455 = arith.constant 0 : i32
      %add3A_456 = arith.addi %mul3A_331, %add3A_455 : i32
      %swap3A_457 = arith.index_cast %add3A_456 : i32 to index
      %swap3A_458 = arith.constant 48 : index
      %swap3A_459 = tpu.vector_load %arg9[%swap3A_457, %swap3A_458] {strides = array<i32>} : memref<128x64xf32, #tpu.memory_space<vmem>>, vector<16xf32>,
      tpu.vector_store %arg9[%swap3A_457, %swap3A_458], %add3A_412 {strides = array<i32>} : memref<128x64xf32, #tpu.memory_space<vmem>>, vector<16xf32>,
      %add3A_460 = arith.constant 1 : i32
      %add3A_461 = arith.addi %mul3A_331, %add3A_460 : i32
      %swap3A_462 = arith.index_cast %add3A_461 : i32 to index
      %swap3A_463 = arith.constant 0 : index
      %swap3A_464 = tpu.vector_load %arg9[%swap3A_462, %swap3A_463] {strides = array<i32>} : memref<128x64xf32, #tpu.memory_space<vmem>>, vector<16xf32>,
      tpu.vector_store %arg9[%swap3A_462, %swap3A_463], %add3A_419 {strides = array<i32>} : memref<128x64xf32, #tpu.memory_space<vmem>>, vector<16xf32>,
      %add3A_465 = arith.constant 1 : i32
      %add3A_466 = arith.addi %mul3A_331, %add3A_465 : i32
      %swap3A_467 = arith.index_cast %add3A_466 : i32 to index
      %swap3A_468 = arith.constant 16 : index
      %swap3A_469 = tpu.vector_load %arg9[%swap3A_467, %swap3A_468] {strides = array<i32>} : memref<128x64xf32, #tpu.memory_space<vmem>>, vector<16xf32>,
      tpu.vector_store %arg9[%swap3A_467, %swap3A_468], %add3A_426 {strides = array<i32>} : memref<128x64xf32, #tpu.memory_space<vmem>>, vector<16xf32>,
      %add3A_470 = arith.constant 1 : i32
      %add3A_471 = arith.addi %mul3A_331, %add3A_470 : i32
      %swap3A_472 = arith.index_cast %add3A_471 : i32 to index
      %swap3A_473 = arith.constant 32 : index
      %swap3A_474 = tpu.vector_load %arg9[%swap3A_472, %swap3A_473] {strides = array<i32>} : memref<128x64xf32, #tpu.memory_space<vmem>>, vector<16xf32>,
      tpu.vector_store %arg9[%swap3A_472, %swap3A_473], %add3A_433 {strides = array<i32>} : memref<128x64xf32, #tpu.memory_space<vmem>>, vector<16xf32>,
      %add3A_475 = arith.constant 1 : i32
      %add3A_476 = arith.addi %mul3A_331, %add3A_475 : i32
      %swap3A_477 = arith.index_cast %add3A_476 : i32 to index
      %swap3A_478 = arith.constant 48 : index
      %swap3A_479 = tpu.vector_load %arg9[%swap3A_477, %swap3A_478] {strides = array<i32>} : memref<128x64xf32, #tpu.memory_space<vmem>>, vector<16xf32>,
      tpu.vector_store %arg9[%swap3A_477, %swap3A_478], %add3A_440 {strides = array<i32>} : memref<128x64xf32, #tpu.memory_space<vmem>>, vector<16xf32>,
      %scan3A_480 = arith.constant 0 : i32
      scf.yield %scan3A_480 : i32
    }
    %scan3A_143 = arith.constant 64 : i32
    %dma_start3A_144 = arith.constant 0 : i32
    %dma_start3A_145 = arith.constant 0 : i32
    %dma_start3A_146 = tpu.memref_slice %arg9[%dma_start3A_144, %dma_start3A_145] : memref<128x64xf32, #tpu.memory_space<vmem>> -> memref<128x64xf32, #tpu.memory_space<vmem>>
    %dma_start3A_147 = arith.constant 0 : i32
    %dma_start3A_148 = tpu.memref_slice %arg5[%arg0, %add3A_61, %dma_start3A_147] : memref<2x10000x64xf32, #tpu.memory_space<hbm>> -> memref<1x128x64xf32, #tpu.memory_space<hbm>>
    %dma_start3A_149 = tpu.memref_squeeze %dma_start3A_148 : memref<1x128x64xf32, #tpu.memory_space<hbm>> -> memref<128x64xf32, #tpu.memory_space<hbm>>
    %dma_start3A_150 = arith.constant 0 : i32
    %dma_start3A_151 = tpu.memref_slice %arg5[%arg0, %add3A_61, %dma_start3A_150] : memref<2x10000x64xf32, #tpu.memory_space<hbm>> -> memref<1x128x64xf32, #tpu.memory_space<hbm>>
    %dma_start3A_152 = tpu.memref_squeeze %dma_start3A_151 : memref<1x128x64xf32, #tpu.memory_space<hbm>> -> memref<128x64xf32, #tpu.memory_space<hbm>>
    %dma_start3A_153 = arith.constant 0 : i32
    %dma_start3A_154 = arith.constant 0 : i32
    %dma_start3A_155 = tpu.memref_slice %arg9[%dma_start3A_153, %dma_start3A_154] : memref<128x64xf32, #tpu.memory_space<vmem>> -> memref<128x64xf32, #tpu.memory_space<vmem>>
    tpu.enqueue_dma source(%dma_start3A_155 : memref<128x64xf32, #tpu.memory_space<vmem>>) target(%dma_start3A_152 : memref<128x64xf32, #tpu.memory_space<hbm>>) target_semaphore(%arg15 : memref<!tpu.dma_semaphore, #tpu.memory_space<semaphore_mem>>)
    %dma_wait3A_156 = arith.constant 0 : i32
    %dma_wait3A_157 = arith.constant 0 : i32
    %dma_wait3A_158 = tpu.memref_slice %arg10[%dma_wait3A_156, %dma_wait3A_157] : memref<128x128xbf16, #tpu.memory_space<vmem>> -> memref<128x128xbf16, #tpu.memory_space<vmem>>
    %dma_wait3A_159 = arith.constant 0 : i32
    %dma_wait3A_160 = tpu.memref_slice %arg12[%add3A_63, %dma_wait3A_159] : memref<10016x128xbf16, #tpu.memory_space<vmem_shared>> -> memref<128x128xbf16, #tpu.memory_space<vmem_shared>>
    %dma_wait3A_161 = arith.constant 0 : i32
    %dma_wait3A_162 = arith.constant 0 : i32
    %dma_wait3A_163 = tpu.memref_slice %arg10[%dma_wait3A_161, %dma_wait3A_162] : memref<128x128xbf16, #tpu.memory_space<vmem>> -> memref<128x128xbf16, #tpu.memory_space<vmem>>
    %dma_wait3A_164 = arith.constant 0 : i32
    %dma_wait3A_165 = tpu.memref_slice %arg12[%add3A_63, %dma_wait3A_164] : memref<10016x128xbf16, #tpu.memory_space<vmem_shared>> -> memref<128x128xbf16, #tpu.memory_space<vmem_shared>>
    tpu.wait_dma2 semaphore(%arg13 : memref<!tpu.dma_semaphore, #tpu.memory_space<semaphore_mem>>) src(%dma_wait3A_165 : memref<128x128xbf16, #tpu.memory_space<vmem_shared>>) dst(%dma_wait3A_163 : memref<128x128xbf16, #tpu.memory_space<vmem>>)
    %dma_start3A_166 = arith.constant 0 : i32
    %dma_start3A_167 = arith.constant 0 : i32
    %dma_start3A_168 = tpu.memref_slice %arg11[%dma_start3A_166, %dma_start3A_167] : memref<128x128xbf16, #tpu.memory_space<vmem>> -> memref<128x128xbf16, #tpu.memory_space<vmem>>
    %dma_start3A_169 = arith.constant 0 : i32
    %dma_start3A_170 = tpu.memref_slice %arg12[%add3A_65, %dma_start3A_169] : memref<10016x128xbf16, #tpu.memory_space<vmem_shared>> -> memref<128x128xbf16, #tpu.memory_space<vmem_shared>>
    %dma_start3A_171 = arith.constant 0 : i32
    %dma_start3A_172 = arith.constant 0 : i32
    %dma_start3A_173 = tpu.memref_slice %arg11[%dma_start3A_171, %dma_start3A_172] : memref<128x128xbf16, #tpu.memory_space<vmem>> -> memref<128x128xbf16, #tpu.memory_space<vmem>>
    %dma_start3A_174 = arith.constant 0 : i32
    %dma_start3A_175 = tpu.memref_slice %arg12[%add3A_65, %dma_start3A_174] : memref<10016x128xbf16, #tpu.memory_space<vmem_shared>> -> memref<128x128xbf16, #tpu.memory_space<vmem_shared>>
    tpu.enqueue_dma source(%dma_start3A_175 : memref<128x128xbf16, #tpu.memory_space<vmem_shared>>) target(%dma_start3A_173 : memref<128x128xbf16, #tpu.memory_space<vmem>>) target_semaphore(%arg13 : memref<!tpu.dma_semaphore, #tpu.memory_space<semaphore_mem>>)
    %dma_wait3A_176 = arith.constant 0 : i32
    %dma_wait3A_177 = arith.constant 0 : i32
    %dma_wait3A_178 = tpu.memref_slice %arg8[%dma_wait3A_176, %dma_wait3A_177] : memref<128x64xf32, #tpu.memory_space<vmem>> -> memref<128x64xf32, #tpu.memory_space<vmem>>
    %dma_wait3A_179 = arith.constant 0 : i32
    %dma_wait3A_180 = tpu.memref_slice %arg5[%arg0, %add3A_59, %dma_wait3A_179] : memref<2x10000x64xf32, #tpu.memory_space<hbm>> -> memref<1x128x64xf32, #tpu.memory_space<hbm>>
    %dma_wait3A_181 = tpu.memref_squeeze %dma_wait3A_180 : memref<1x128x64xf32, #tpu.memory_space<hbm>> -> memref<128x64xf32, #tpu.memory_space<hbm>>
    %dma_wait3A_182 = arith.constant 0 : i32
    %dma_wait3A_183 = tpu.memref_slice %arg5[%arg0, %add3A_59, %dma_wait3A_182] : memref<2x10000x64xf32, #tpu.memory_space<hbm>> -> memref<1x128x64xf32, #tpu.memory_space<hbm>>
    %dma_wait3A_184 = tpu.memref_squeeze %dma_wait3A_183 : memref<1x128x64xf32, #tpu.memory_space<hbm>> -> memref<128x64xf32, #tpu.memory_space<hbm>>
    %dma_wait3A_185 = arith.constant 0 : i32
    %dma_wait3A_186 = arith.constant 0 : i32
    %dma_wait3A_187 = tpu.memref_slice %arg8[%dma_wait3A_185, %dma_wait3A_186] : memref<128x64xf32, #tpu.memory_space<vmem>> -> memref<128x64xf32, #tpu.memory_space<vmem>>
    tpu.wait_dma2 semaphore(%arg15 : memref<!tpu.dma_semaphore, #tpu.memory_space<semaphore_mem>>) src(%dma_wait3A_187 : memref<128x64xf32, #tpu.memory_space<vmem>>) dst(%dma_wait3A_184 : memref<128x64xf32, #tpu.memory_space<hbm>>)
    %scan3A_188 = arith.constant 0 : i32
    %scan3A_189 = arith.constant 0 : i32
    %scan3A_190 = arith.constant 64 : i32
    %scan3A_191 = arith.addi %scan3A_189, %scan3A_190 : i32
    %scan3A_192 = arith.constant 1 : i32
    %scan3A_193 = scf.for %scan3A_328 = %scan3A_189 to %scan3A_191 step %scan3A_192 iter_args(%scan3A_329 = %scan3A_188) -> (i32)  : i32 {
      %mul3A_330 = arith.constant 2 : i32
      %mul3A_331 = arith.muli %scan3A_328, %mul3A_330 : i32
      %add3A_332 = arith.constant 0 : i32
      %add3A_333 = arith.addi %mul3A_331, %add3A_332 : i32
      %get3A = arith.index_cast %add3A_333 : i32 to index
      %get3A_334 = arith.constant 0 : index
      %get3A_335 = tpu.vector_load %arg10[%get3A, %get3A_334] {strides = array<i32>} : memref<128x128xbf16, #tpu.memory_space<vmem>>, vector<32xbf16>,
      %add3A_336 = arith.constant 0 : i32
      %add3A_337 = arith.addi %mul3A_331, %add3A_336 : i32
      %get3A_338 = arith.index_cast %add3A_337 : i32 to index
      %get3A_339 = arith.constant 32 : index
      %get3A_340 = tpu.vector_load %arg10[%get3A_338, %get3A_339] {strides = array<i32>} : memref<128x128xbf16, #tpu.memory_space<vmem>>, vector<32xbf16>,
      %add3A_341 = arith.constant 0 : i32
      %add3A_342 = arith.addi %mul3A_331, %add3A_341 : i32
      %get3A_343 = arith.index_cast %add3A_342 : i32 to index
      %get3A_344 = arith.constant 64 : index
      %get3A_345 = tpu.vector_load %arg10[%get3A_343, %get3A_344] {strides = array<i32>} : memref<128x128xbf16, #tpu.memory_space<vmem>>, vector<32xbf16>,
      %add3A_346 = arith.constant 0 : i32
      %add3A_347 = arith.addi %mul3A_331, %add3A_346 : i32
      %get3A_348 = arith.index_cast %add3A_347 : i32 to index
      %get3A_349 = arith.constant 96 : index
      %get3A_350 = tpu.vector_load %arg10[%get3A_348, %get3A_349] {strides = array<i32>} : memref<128x128xbf16, #tpu.memory_space<vmem>>, vector<32xbf16>,
      %add3A_351 = arith.constant 1 : i32
      %add3A_352 = arith.addi %mul3A_331, %add3A_351 : i32
      %get3A_353 = arith.index_cast %add3A_352 : i32 to index
      %get3A_354 = arith.constant 0 : index
      %get3A_355 = tpu.vector_load %arg10[%get3A_353, %get3A_354] {strides = array<i32>} : memref<128x128xbf16, #tpu.memory_space<vmem>>, vector<32xbf16>,
      %add3A_356 = arith.constant 1 : i32
      %add3A_357 = arith.addi %mul3A_331, %add3A_356 : i32
      %get3A_358 = arith.index_cast %add3A_357 : i32 to index
      %get3A_359 = arith.constant 32 : index
      %get3A_360 = tpu.vector_load %arg10[%get3A_358, %get3A_359] {strides = array<i32>} : memref<128x128xbf16, #tpu.memory_space<vmem>>, vector<32xbf16>,
      %add3A_361 = arith.constant 1 : i32
      %add3A_362 = arith.addi %mul3A_331, %add3A_361 : i32
      %get3A_363 = arith.index_cast %add3A_362 : i32 to index
      %get3A_364 = arith.constant 64 : index
      %get3A_365 = tpu.vector_load %arg10[%get3A_363, %get3A_364] {strides = array<i32>} : memref<128x128xbf16, #tpu.memory_space<vmem>>, vector<32xbf16>,
      %add3A_366 = arith.constant 1 : i32
      %add3A_367 = arith.addi %mul3A_331, %add3A_366 : i32
      %get3A_368 = arith.index_cast %add3A_367 : i32 to index
      %get3A_369 = arith.constant 96 : index
      %get3A_370 = tpu.vector_load %arg10[%get3A_368, %get3A_369] {strides = array<i32>} : memref<128x128xbf16, #tpu.memory_space<vmem>>, vector<32xbf16>,
      %unpack3A = tpu.unpack_subelements %get3A_335, 0 {pack_format = #tpu.pack_format<interleaved>} : vector<32xbf16> -> vector<16xf32>
      %unpack3A_371 = tpu.unpack_subelements %get3A_335, 1 {pack_format = #tpu.pack_format<interleaved>} : vector<32xbf16> -> vector<16xf32>
      %unpack3A_372 = tpu.unpack_subelements %get3A_340, 0 {pack_format = #tpu.pack_format<interleaved>} : vector<32xbf16> -> vector<16xf32>
      %unpack3A_373 = tpu.unpack_subelements %get3A_340, 1 {pack_format = #tpu.pack_format<interleaved>} : vector<32xbf16> -> vector<16xf32>
      %unpack3A_374 = tpu.unpack_subelements %get3A_345, 0 {pack_format = #tpu.pack_format<interleaved>} : vector<32xbf16> -> vector<16xf32>
      %unpack3A_375 = tpu.unpack_subelements %get3A_345, 1 {pack_format = #tpu.pack_format<interleaved>} : vector<32xbf16> -> vector<16xf32>
      %unpack3A_376 = tpu.unpack_subelements %get3A_350, 0 {pack_format = #tpu.pack_format<interleaved>} : vector<32xbf16> -> vector<16xf32>
      %unpack3A_377 = tpu.unpack_subelements %get3A_350, 1 {pack_format = #tpu.pack_format<interleaved>} : vector<32xbf16> -> vector<16xf32>
      %unpack3A_378 = tpu.unpack_subelements %get3A_355, 0 {pack_format = #tpu.pack_format<interleaved>} : vector<32xbf16> -> vector<16xf32>
      %unpack3A_379 = tpu.unpack_subelements %get3A_355, 1 {pack_format = #tpu.pack_format<interleaved>} : vector<32xbf16> -> vector<16xf32>
      %unpack3A_380 = tpu.unpack_subelements %get3A_360, 0 {pack_format = #tpu.pack_format<interleaved>} : vector<32xbf16> -> vector<16xf32>
      %unpack3A_381 = tpu.unpack_subelements %get3A_360, 1 {pack_format = #tpu.pack_format<interleaved>} : vector<32xbf16> -> vector<16xf32>
      %unpack3A_382 = tpu.unpack_subelements %get3A_365, 0 {pack_format = #tpu.pack_format<interleaved>} : vector<32xbf16> -> vector<16xf32>
      %unpack3A_383 = tpu.unpack_subelements %get3A_365, 1 {pack_format = #tpu.pack_format<interleaved>} : vector<32xbf16> -> vector<16xf32>
      %unpack3A_384 = tpu.unpack_subelements %get3A_370, 0 {pack_format = #tpu.pack_format<interleaved>} : vector<32xbf16> -> vector<16xf32>
      %unpack3A_385 = tpu.unpack_subelements %get3A_370, 1 {pack_format = #tpu.pack_format<interleaved>} : vector<32xbf16> -> vector<16xf32>
      %add3A_386 = arith.constant 1.000000e-16 : f32
      %add3A_387 = vector.broadcast %add3A_386 : f32 to vector<16xf32>
      %add3A_388 = arith.addf %unpack3A, %add3A_387 : vector<16xf32>
      %div3A = arith.divf %unpack3A_371, %add3A_388 : vector<16xf32>
      %add3A_389 = arith.constant 1.000000e-07 : f32
      %add3A_390 = vector.broadcast %add3A_389 : f32 to vector<16xf32>
      %add3A_391 = arith.addf %div3A, %add3A_390 : vector<16xf32>
      %add3A_392 = arith.constant 1.000000e-16 : f32
      %add3A_393 = vector.broadcast %add3A_392 : f32 to vector<16xf32>
      %add3A_394 = arith.addf %unpack3A_372, %add3A_393 : vector<16xf32>
      %div3A_395 = arith.divf %unpack3A_373, %add3A_394 : vector<16xf32>
      %add3A_396 = arith.constant 1.000000e-07 : f32
      %add3A_397 = vector.broadcast %add3A_396 : f32 to vector<16xf32>
      %add3A_398 = arith.addf %div3A_395, %add3A_397 : vector<16xf32>
      %add3A_399 = arith.constant 1.000000e-16 : f32
      %add3A_400 = vector.broadcast %add3A_399 : f32 to vector<16xf32>
      %add3A_401 = arith.addf %unpack3A_374, %add3A_400 : vector<16xf32>
      %div3A_402 = arith.divf %unpack3A_375, %add3A_401 : vector<16xf32>
      %add3A_403 = arith.constant 1.000000e-07 : f32
      %add3A_404 = vector.broadcast %add3A_403 : f32 to vector<16xf32>
      %add3A_405 = arith.addf %div3A_402, %add3A_404 : vector<16xf32>
      %add3A_406 = arith.constant 1.000000e-16 : f32
      %add3A_407 = vector.broadcast %add3A_406 : f32 to vector<16xf32>
      %add3A_408 = arith.addf %unpack3A_376, %add3A_407 : vector<16xf32>
      %div3A_409 = arith.divf %unpack3A_377, %add3A_408 : vector<16xf32>
      %add3A_410 = arith.constant 1.000000e-07 : f32
      %add3A_411 = vector.broadcast %add3A_410 : f32 to vector<16xf32>
      %add3A_412 = arith.addf %div3A_409, %add3A_411 : vector<16xf32>
      %add3A_413 = arith.constant 1.000000e-16 : f32
      %add3A_414 = vector.broadcast %add3A_413 : f32 to vector<16xf32>
      %add3A_415 = arith.addf %unpack3A_378, %add3A_414 : vector<16xf32>
      %div3A_416 = arith.divf %unpack3A_379, %add3A_415 : vector<16xf32>
      %add3A_417 = arith.constant 1.000000e-07 : f32
      %add3A_418 = vector.broadcast %add3A_417 : f32 to vector<16xf32>
      %add3A_419 = arith.addf %div3A_416, %add3A_418 : vector<16xf32>
      %add3A_420 = arith.constant 1.000000e-16 : f32
      %add3A_421 = vector.broadcast %add3A_420 : f32 to vector<16xf32>
      %add3A_422 = arith.addf %unpack3A_380, %add3A_421 : vector<16xf32>
      %div3A_423 = arith.divf %unpack3A_381, %add3A_422 : vector<16xf32>
      %add3A_424 = arith.constant 1.000000e-07 : f32
      %add3A_425 = vector.broadcast %add3A_424 : f32 to vector<16xf32>
      %add3A_426 = arith.addf %div3A_423, %add3A_425 : vector<16xf32>
      %add3A_427 = arith.constant 1.000000e-16 : f32
      %add3A_428 = vector.broadcast %add3A_427 : f32 to vector<16xf32>
      %add3A_429 = arith.addf %unpack3A_382, %add3A_428 : vector<16xf32>
      %div3A_430 = arith.divf %unpack3A_383, %add3A_429 : vector<16xf32>
      %add3A_431 = arith.constant 1.000000e-07 : f32
      %add3A_432 = vector.broadcast %add3A_431 : f32 to vector<16xf32>
      %add3A_433 = arith.addf %div3A_430, %add3A_432 : vector<16xf32>
      %add3A_434 = arith.constant 1.000000e-16 : f32
      %add3A_435 = vector.broadcast %add3A_434 : f32 to vector<16xf32>
      %add3A_436 = arith.addf %unpack3A_384, %add3A_435 : vector<16xf32>
      %div3A_437 = arith.divf %unpack3A_385, %add3A_436 : vector<16xf32>
      %add3A_438 = arith.constant 1.000000e-07 : f32
      %add3A_439 = vector.broadcast %add3A_438 : f32 to vector<16xf32>
      %add3A_440 = arith.addf %div3A_437, %add3A_439 : vector<16xf32>
      %add3A_441 = arith.constant 0 : i32
      %add3A_442 = arith.addi %mul3A_331, %add3A_441 : i32
      %swap3A = arith.index_cast %add3A_442 : i32 to index
      %swap3A_443 = arith.constant 0 : index
      %swap3A_444 = tpu.vector_load %arg8[%swap3A, %swap3A_443] {strides = array<i32>} : memref<128x64xf32, #tpu.memory_space<vmem>>, vector<16xf32>,
      tpu.vector_store %arg8[%swap3A, %swap3A_443], %add3A_391 {strides = array<i32>} : memref<128x64xf32, #tpu.memory_space<vmem>>, vector<16xf32>,
      %add3A_445 = arith.constant 0 : i32
      %add3A_446 = arith.addi %mul3A_331, %add3A_445 : i32
      %swap3A_447 = arith.index_cast %add3A_446 : i32 to index
      %swap3A_448 = arith.constant 16 : index
      %swap3A_449 = tpu.vector_load %arg8[%swap3A_447, %swap3A_448] {strides = array<i32>} : memref<128x64xf32, #tpu.memory_space<vmem>>, vector<16xf32>,
      tpu.vector_store %arg8[%swap3A_447, %swap3A_448], %add3A_398 {strides = array<i32>} : memref<128x64xf32, #tpu.memory_space<vmem>>, vector<16xf32>,
      %add3A_450 = arith.constant 0 : i32
      %add3A_451 = arith.addi %mul3A_331, %add3A_450 : i32
      %swap3A_452 = arith.index_cast %add3A_451 : i32 to index
      %swap3A_453 = arith.constant 32 : index
      %swap3A_454 = tpu.vector_load %arg8[%swap3A_452, %swap3A_453] {strides = array<i32>} : memref<128x64xf32, #tpu.memory_space<vmem>>, vector<16xf32>,
      tpu.vector_store %arg8[%swap3A_452, %swap3A_453], %add3A_405 {strides = array<i32>} : memref<128x64xf32, #tpu.memory_space<vmem>>, vector<16xf32>,
      %add3A_455 = arith.constant 0 : i32
      %add3A_456 = arith.addi %mul3A_331, %add3A_455 : i32
      %swap3A_457 = arith.index_cast %add3A_456 : i32 to index
      %swap3A_458 = arith.constant 48 : index
      %swap3A_459 = tpu.vector_load %arg8[%swap3A_457, %swap3A_458] {strides = array<i32>} : memref<128x64xf32, #tpu.memory_space<vmem>>, vector<16xf32>,
      tpu.vector_store %arg8[%swap3A_457, %swap3A_458], %add3A_412 {strides = array<i32>} : memref<128x64xf32, #tpu.memory_space<vmem>>, vector<16xf32>,
      %add3A_460 = arith.constant 1 : i32
      %add3A_461 = arith.addi %mul3A_331, %add3A_460 : i32
      %swap3A_462 = arith.index_cast %add3A_461 : i32 to index
      %swap3A_463 = arith.constant 0 : index
      %swap3A_464 = tpu.vector_load %arg8[%swap3A_462, %swap3A_463] {strides = array<i32>} : memref<128x64xf32, #tpu.memory_space<vmem>>, vector<16xf32>,
      tpu.vector_store %arg8[%swap3A_462, %swap3A_463], %add3A_419 {strides = array<i32>} : memref<128x64xf32, #tpu.memory_space<vmem>>, vector<16xf32>,
      %add3A_465 = arith.constant 1 : i32
      %add3A_466 = arith.addi %mul3A_331, %add3A_465 : i32
      %swap3A_467 = arith.index_cast %add3A_466 : i32 to index
      %swap3A_468 = arith.constant 16 : index
      %swap3A_469 = tpu.vector_load %arg8[%swap3A_467, %swap3A_468] {strides = array<i32>} : memref<128x64xf32, #tpu.memory_space<vmem>>, vector<16xf32>,
      tpu.vector_store %arg8[%swap3A_467, %swap3A_468], %add3A_426 {strides = array<i32>} : memref<128x64xf32, #tpu.memory_space<vmem>>, vector<16xf32>,
      %add3A_470 = arith.constant 1 : i32
      %add3A_471 = arith.addi %mul3A_331, %add3A_470 : i32
      %swap3A_472 = arith.index_cast %add3A_471 : i32 to index
      %swap3A_473 = arith.constant 32 : index
      %swap3A_474 = tpu.vector_load %arg8[%swap3A_472, %swap3A_473] {strides = array<i32>} : memref<128x64xf32, #tpu.memory_space<vmem>>, vector<16xf32>,
      tpu.vector_store %arg8[%swap3A_472, %swap3A_473], %add3A_433 {strides = array<i32>} : memref<128x64xf32, #tpu.memory_space<vmem>>, vector<16xf32>,
      %add3A_475 = arith.constant 1 : i32
      %add3A_476 = arith.addi %mul3A_331, %add3A_475 : i32
      %swap3A_477 = arith.index_cast %add3A_476 : i32 to index
      %swap3A_478 = arith.constant 48 : index
      %swap3A_479 = tpu.vector_load %arg8[%swap3A_477, %swap3A_478] {strides = array<i32>} : memref<128x64xf32, #tpu.memory_space<vmem>>, vector<16xf32>,
      tpu.vector_store %arg8[%swap3A_477, %swap3A_478], %add3A_440 {strides = array<i32>} : memref<128x64xf32, #tpu.memory_space<vmem>>, vector<16xf32>,
      %scan3A_480 = arith.constant 0 : i32
      scf.yield %scan3A_480 : i32
    }
    %scan3A_194 = arith.constant 64 : i32
    %dma_start3A_195 = arith.constant 0 : i32
    %dma_start3A_196 = arith.constant 0 : i32
    %dma_start3A_197 = tpu.memref_slice %arg8[%dma_start3A_195, %dma_start3A_196] : memref<128x64xf32, #tpu.memory_space<vmem>> -> memref<128x64xf32, #tpu.memory_space<vmem>>
    %dma_start3A_198 = arith.constant 0 : i32
    %dma_start3A_199 = tpu.memref_slice %arg5[%arg0, %add3A_63, %dma_start3A_198] : memref<2x10000x64xf32, #tpu.memory_space<hbm>> -> memref<1x128x64xf32, #tpu.memory_space<hbm>>
    %dma_start3A_200 = tpu.memref_squeeze %dma_start3A_199 : memref<1x128x64xf32, #tpu.memory_space<hbm>> -> memref<128x64xf32, #tpu.memory_space<hbm>>
    %dma_start3A_201 = arith.constant 0 : i32
    %dma_start3A_202 = tpu.memref_slice %arg5[%arg0, %add3A_63, %dma_start3A_201] : memref<2x10000x64xf32, #tpu.memory_space<hbm>> -> memref<1x128x64xf32, #tpu.memory_space<hbm>>
    %dma_start3A_203 = tpu.memref_squeeze %dma_start3A_202 : memref<1x128x64xf32, #tpu.memory_space<hbm>> -> memref<128x64xf32, #tpu.memory_space<hbm>>
    %dma_start3A_204 = arith.constant 0 : i32
    %dma_start3A_205 = arith.constant 0 : i32
    %dma_start3A_206 = tpu.memref_slice %arg8[%dma_start3A_204, %dma_start3A_205] : memref<128x64xf32, #tpu.memory_space<vmem>> -> memref<128x64xf32, #tpu.memory_space<vmem>>
    tpu.enqueue_dma source(%dma_start3A_206 : memref<128x64xf32, #tpu.memory_space<vmem>>) target(%dma_start3A_203 : memref<128x64xf32, #tpu.memory_space<hbm>>) target_semaphore(%arg15 : memref<!tpu.dma_semaphore, #tpu.memory_space<semaphore_mem>>)
    %dma_wait3A_207 = arith.constant 0 : i32
    %dma_wait3A_208 = arith.constant 0 : i32
    %dma_wait3A_209 = tpu.memref_slice %arg11[%dma_wait3A_207, %dma_wait3A_208] : memref<128x128xbf16, #tpu.memory_space<vmem>> -> memref<128x128xbf16, #tpu.memory_space<vmem>>
    %dma_wait3A_210 = arith.constant 0 : i32
    %dma_wait3A_211 = tpu.memref_slice %arg12[%add3A_65, %dma_wait3A_210] : memref<10016x128xbf16, #tpu.memory_space<vmem_shared>> -> memref<128x128xbf16, #tpu.memory_space<vmem_shared>>
    %dma_wait3A_212 = arith.constant 0 : i32
    %dma_wait3A_213 = arith.constant 0 : i32
    %dma_wait3A_214 = tpu.memref_slice %arg11[%dma_wait3A_212, %dma_wait3A_213] : memref<128x128xbf16, #tpu.memory_space<vmem>> -> memref<128x128xbf16, #tpu.memory_space<vmem>>
    %dma_wait3A_215 = arith.constant 0 : i32
    %dma_wait3A_216 = tpu.memref_slice %arg12[%add3A_65, %dma_wait3A_215] : memref<10016x128xbf16, #tpu.memory_space<vmem_shared>> -> memref<128x128xbf16, #tpu.memory_space<vmem_shared>>
    tpu.wait_dma2 semaphore(%arg13 : memref<!tpu.dma_semaphore, #tpu.memory_space<semaphore_mem>>) src(%dma_wait3A_216 : memref<128x128xbf16, #tpu.memory_space<vmem_shared>>) dst(%dma_wait3A_214 : memref<128x128xbf16, #tpu.memory_space<vmem>>)
    %dma_start3A_217 = arith.constant 0 : i32
    %dma_start3A_218 = arith.constant 0 : i32
    %dma_start3A_219 = tpu.memref_slice %arg10[%dma_start3A_217, %dma_start3A_218] : memref<128x128xbf16, #tpu.memory_space<vmem>> -> memref<112x128xbf16, #tpu.memory_space<vmem>>
    %dma_start3A_220 = arith.constant 0 : i32
    %dma_start3A_221 = tpu.memref_slice %arg12[%add3A_67, %dma_start3A_220] : memref<10016x128xbf16, #tpu.memory_space<vmem_shared>> -> memref<112x128xbf16, #tpu.memory_space<vmem_shared>>
    %dma_start3A_222 = arith.constant 0 : i32
    %dma_start3A_223 = arith.constant 0 : i32
    %dma_start3A_224 = tpu.memref_slice %arg10[%dma_start3A_222, %dma_start3A_223] : memref<128x128xbf16, #tpu.memory_space<vmem>> -> memref<112x128xbf16, #tpu.memory_space<vmem>>
    %dma_start3A_225 = arith.constant 0 : i32
    %dma_start3A_226 = tpu.memref_slice %arg12[%add3A_67, %dma_start3A_225] : memref<10016x128xbf16, #tpu.memory_space<vmem_shared>> -> memref<112x128xbf16, #tpu.memory_space<vmem_shared>>
    tpu.enqueue_dma source(%dma_start3A_226 : memref<112x128xbf16, #tpu.memory_space<vmem_shared>>) target(%dma_start3A_224 : memref<112x128xbf16, #tpu.memory_space<vmem>>) target_semaphore(%arg13 : memref<!tpu.dma_semaphore, #tpu.memory_space<semaphore_mem>>)
    %dma_wait3A_227 = arith.constant 0 : i32
    %dma_wait3A_228 = arith.constant 0 : i32
    %dma_wait3A_229 = tpu.memref_slice %arg9[%dma_wait3A_227, %dma_wait3A_228] : memref<128x64xf32, #tpu.memory_space<vmem>> -> memref<128x64xf32, #tpu.memory_space<vmem>>
    %dma_wait3A_230 = arith.constant 0 : i32
    %dma_wait3A_231 = tpu.memref_slice %arg5[%arg0, %add3A_61, %dma_wait3A_230] : memref<2x10000x64xf32, #tpu.memory_space<hbm>> -> memref<1x128x64xf32, #tpu.memory_space<hbm>>
    %dma_wait3A_232 = tpu.memref_squeeze %dma_wait3A_231 : memref<1x128x64xf32, #tpu.memory_space<hbm>> -> memref<128x64xf32, #tpu.memory_space<hbm>>
    %dma_wait3A_233 = arith.constant 0 : i32
    %dma_wait3A_234 = tpu.memref_slice %arg5[%arg0, %add3A_61, %dma_wait3A_233] : memref<2x10000x64xf32, #tpu.memory_space<hbm>> -> memref<1x128x64xf32, #tpu.memory_space<hbm>>
    %dma_wait3A_235 = tpu.memref_squeeze %dma_wait3A_234 : memref<1x128x64xf32, #tpu.memory_space<hbm>> -> memref<128x64xf32, #tpu.memory_space<hbm>>
    %dma_wait3A_236 = arith.constant 0 : i32
    %dma_wait3A_237 = arith.constant 0 : i32
    %dma_wait3A_238 = tpu.memref_slice %arg9[%dma_wait3A_236, %dma_wait3A_237] : memref<128x64xf32, #tpu.memory_space<vmem>> -> memref<128x64xf32, #tpu.memory_space<vmem>>
    tpu.wait_dma2 semaphore(%arg15 : memref<!tpu.dma_semaphore, #tpu.memory_space<semaphore_mem>>) src(%dma_wait3A_238 : memref<128x64xf32, #tpu.memory_space<vmem>>) dst(%dma_wait3A_235 : memref<128x64xf32, #tpu.memory_space<hbm>>)
    %scan3A_239 = arith.constant 0 : i32
    %scan3A_240 = arith.constant 0 : i32
    %scan3A_241 = arith.constant 64 : i32
    %scan3A_242 = arith.addi %scan3A_240, %scan3A_241 : i32
    %scan3A_243 = arith.constant 1 : i32
    %scan3A_244 = scf.for %scan3A_328 = %scan3A_240 to %scan3A_242 step %scan3A_243 iter_args(%scan3A_329 = %scan3A_239) -> (i32)  : i32 {
      %mul3A_330 = arith.constant 2 : i32
      %mul3A_331 = arith.muli %scan3A_328, %mul3A_330 : i32
      %add3A_332 = arith.constant 0 : i32
      %add3A_333 = arith.addi %mul3A_331, %add3A_332 : i32
      %get3A = arith.index_cast %add3A_333 : i32 to index
      %get3A_334 = arith.constant 0 : index
      %get3A_335 = tpu.vector_load %arg11[%get3A, %get3A_334] {strides = array<i32>} : memref<128x128xbf16, #tpu.memory_space<vmem>>, vector<32xbf16>,
      %add3A_336 = arith.constant 0 : i32
      %add3A_337 = arith.addi %mul3A_331, %add3A_336 : i32
      %get3A_338 = arith.index_cast %add3A_337 : i32 to index
      %get3A_339 = arith.constant 32 : index
      %get3A_340 = tpu.vector_load %arg11[%get3A_338, %get3A_339] {strides = array<i32>} : memref<128x128xbf16, #tpu.memory_space<vmem>>, vector<32xbf16>,
      %add3A_341 = arith.constant 0 : i32
      %add3A_342 = arith.addi %mul3A_331, %add3A_341 : i32
      %get3A_343 = arith.index_cast %add3A_342 : i32 to index
      %get3A_344 = arith.constant 64 : index
      %get3A_345 = tpu.vector_load %arg11[%get3A_343, %get3A_344] {strides = array<i32>} : memref<128x128xbf16, #tpu.memory_space<vmem>>, vector<32xbf16>,
      %add3A_346 = arith.constant 0 : i32
      %add3A_347 = arith.addi %mul3A_331, %add3A_346 : i32
      %get3A_348 = arith.index_cast %add3A_347 : i32 to index
      %get3A_349 = arith.constant 96 : index
      %get3A_350 = tpu.vector_load %arg11[%get3A_348, %get3A_349] {strides = array<i32>} : memref<128x128xbf16, #tpu.memory_space<vmem>>, vector<32xbf16>,
      %add3A_351 = arith.constant 1 : i32
      %add3A_352 = arith.addi %mul3A_331, %add3A_351 : i32
      %get3A_353 = arith.index_cast %add3A_352 : i32 to index
      %get3A_354 = arith.constant 0 : index
      %get3A_355 = tpu.vector_load %arg11[%get3A_353, %get3A_354] {strides = array<i32>} : memref<128x128xbf16, #tpu.memory_space<vmem>>, vector<32xbf16>,
      %add3A_356 = arith.constant 1 : i32
      %add3A_357 = arith.addi %mul3A_331, %add3A_356 : i32
      %get3A_358 = arith.index_cast %add3A_357 : i32 to index
      %get3A_359 = arith.constant 32 : index
      %get3A_360 = tpu.vector_load %arg11[%get3A_358, %get3A_359] {strides = array<i32>} : memref<128x128xbf16, #tpu.memory_space<vmem>>, vector<32xbf16>,
      %add3A_361 = arith.constant 1 : i32
      %add3A_362 = arith.addi %mul3A_331, %add3A_361 : i32
      %get3A_363 = arith.index_cast %add3A_362 : i32 to index
      %get3A_364 = arith.constant 64 : index
      %get3A_365 = tpu.vector_load %arg11[%get3A_363, %get3A_364] {strides = array<i32>} : memref<128x128xbf16, #tpu.memory_space<vmem>>, vector<32xbf16>,
      %add3A_366 = arith.constant 1 : i32
      %add3A_367 = arith.addi %mul3A_331, %add3A_366 : i32
      %get3A_368 = arith.index_cast %add3A_367 : i32 to index
      %get3A_369 = arith.constant 96 : index
      %get3A_370 = tpu.vector_load %arg11[%get3A_368, %get3A_369] {strides = array<i32>} : memref<128x128xbf16, #tpu.memory_space<vmem>>, vector<32xbf16>,
      %unpack3A = tpu.unpack_subelements %get3A_335, 0 {pack_format = #tpu.pack_format<interleaved>} : vector<32xbf16> -> vector<16xf32>
      %unpack3A_371 = tpu.unpack_subelements %get3A_335, 1 {pack_format = #tpu.pack_format<interleaved>} : vector<32xbf16> -> vector<16xf32>
      %unpack3A_372 = tpu.unpack_subelements %get3A_340, 0 {pack_format = #tpu.pack_format<interleaved>} : vector<32xbf16> -> vector<16xf32>
      %unpack3A_373 = tpu.unpack_subelements %get3A_340, 1 {pack_format = #tpu.pack_format<interleaved>} : vector<32xbf16> -> vector<16xf32>
      %unpack3A_374 = tpu.unpack_subelements %get3A_345, 0 {pack_format = #tpu.pack_format<interleaved>} : vector<32xbf16> -> vector<16xf32>
      %unpack3A_375 = tpu.unpack_subelements %get3A_345, 1 {pack_format = #tpu.pack_format<interleaved>} : vector<32xbf16> -> vector<16xf32>
      %unpack3A_376 = tpu.unpack_subelements %get3A_350, 0 {pack_format = #tpu.pack_format<interleaved>} : vector<32xbf16> -> vector<16xf32>
      %unpack3A_377 = tpu.unpack_subelements %get3A_350, 1 {pack_format = #tpu.pack_format<interleaved>} : vector<32xbf16> -> vector<16xf32>
      %unpack3A_378 = tpu.unpack_subelements %get3A_355, 0 {pack_format = #tpu.pack_format<interleaved>} : vector<32xbf16> -> vector<16xf32>
      %unpack3A_379 = tpu.unpack_subelements %get3A_355, 1 {pack_format = #tpu.pack_format<interleaved>} : vector<32xbf16> -> vector<16xf32>
      %unpack3A_380 = tpu.unpack_subelements %get3A_360, 0 {pack_format = #tpu.pack_format<interleaved>} : vector<32xbf16> -> vector<16xf32>
      %unpack3A_381 = tpu.unpack_subelements %get3A_360, 1 {pack_format = #tpu.pack_format<interleaved>} : vector<32xbf16> -> vector<16xf32>
      %unpack3A_382 = tpu.unpack_subelements %get3A_365, 0 {pack_format = #tpu.pack_format<interleaved>} : vector<32xbf16> -> vector<16xf32>
      %unpack3A_383 = tpu.unpack_subelements %get3A_365, 1 {pack_format = #tpu.pack_format<interleaved>} : vector<32xbf16> -> vector<16xf32>
      %unpack3A_384 = tpu.unpack_subelements %get3A_370, 0 {pack_format = #tpu.pack_format<interleaved>} : vector<32xbf16> -> vector<16xf32>
      %unpack3A_385 = tpu.unpack_subelements %get3A_370, 1 {pack_format = #tpu.pack_format<interleaved>} : vector<32xbf16> -> vector<16xf32>
      %add3A_386 = arith.constant 1.000000e-16 : f32
      %add3A_387 = vector.broadcast %add3A_386 : f32 to vector<16xf32>
      %add3A_388 = arith.addf %unpack3A, %add3A_387 : vector<16xf32>
      %div3A = arith.divf %unpack3A_371, %add3A_388 : vector<16xf32>
      %add3A_389 = arith.constant 1.000000e-07 : f32
      %add3A_390 = vector.broadcast %add3A_389 : f32 to vector<16xf32>
      %add3A_391 = arith.addf %div3A, %add3A_390 : vector<16xf32>
      %add3A_392 = arith.constant 1.000000e-16 : f32
      %add3A_393 = vector.broadcast %add3A_392 : f32 to vector<16xf32>
      %add3A_394 = arith.addf %unpack3A_372, %add3A_393 : vector<16xf32>
      %div3A_395 = arith.divf %unpack3A_373, %add3A_394 : vector<16xf32>
      %add3A_396 = arith.constant 1.000000e-07 : f32
      %add3A_397 = vector.broadcast %add3A_396 : f32 to vector<16xf32>
      %add3A_398 = arith.addf %div3A_395, %add3A_397 : vector<16xf32>
      %add3A_399 = arith.constant 1.000000e-16 : f32
      %add3A_400 = vector.broadcast %add3A_399 : f32 to vector<16xf32>
      %add3A_401 = arith.addf %unpack3A_374, %add3A_400 : vector<16xf32>
      %div3A_402 = arith.divf %unpack3A_375, %add3A_401 : vector<16xf32>
      %add3A_403 = arith.constant 1.000000e-07 : f32
      %add3A_404 = vector.broadcast %add3A_403 : f32 to vector<16xf32>
      %add3A_405 = arith.addf %div3A_402, %add3A_404 : vector<16xf32>
      %add3A_406 = arith.constant 1.000000e-16 : f32
      %add3A_407 = vector.broadcast %add3A_406 : f32 to vector<16xf32>
      %add3A_408 = arith.addf %unpack3A_376, %add3A_407 : vector<16xf32>
      %div3A_409 = arith.divf %unpack3A_377, %add3A_408 : vector<16xf32>
      %add3A_410 = arith.constant 1.000000e-07 : f32
      %add3A_411 = vector.broadcast %add3A_410 : f32 to vector<16xf32>
      %add3A_412 = arith.addf %div3A_409, %add3A_411 : vector<16xf32>
      %add3A_413 = arith.constant 1.000000e-16 : f32
      %add3A_414 = vector.broadcast %add3A_413 : f32 to vector<16xf32>
      %add3A_415 = arith.addf %unpack3A_378, %add3A_414 : vector<16xf32>
      %div3A_416 = arith.divf %unpack3A_379, %add3A_415 : vector<16xf32>
      %add3A_417 = arith.constant 1.000000e-07 : f32
      %add3A_418 = vector.broadcast %add3A_417 : f32 to vector<16xf32>
      %add3A_419 = arith.addf %div3A_416, %add3A_418 : vector<16xf32>
      %add3A_420 = arith.constant 1.000000e-16 : f32
      %add3A_421 = vector.broadcast %add3A_420 : f32 to vector<16xf32>
      %add3A_422 = arith.addf %unpack3A_380, %add3A_421 : vector<16xf32>
      %div3A_423 = arith.divf %unpack3A_381, %add3A_422 : vector<16xf32>
      %add3A_424 = arith.constant 1.000000e-07 : f32
      %add3A_425 = vector.broadcast %add3A_424 : f32 to vector<16xf32>
      %add3A_426 = arith.addf %div3A_423, %add3A_425 : vector<16xf32>
      %add3A_427 = arith.constant 1.000000e-16 : f32
      %add3A_428 = vector.broadcast %add3A_427 : f32 to vector<16xf32>
      %add3A_429 = arith.addf %unpack3A_382, %add3A_428 : vector<16xf32>
      %div3A_430 = arith.divf %unpack3A_383, %add3A_429 : vector<16xf32>
      %add3A_431 = arith.constant 1.000000e-07 : f32
      %add3A_432 = vector.broadcast %add3A_431 : f32 to vector<16xf32>
      %add3A_433 = arith.addf %div3A_430, %add3A_432 : vector<16xf32>
      %add3A_434 = arith.constant 1.000000e-16 : f32
      %add3A_435 = vector.broadcast %add3A_434 : f32 to vector<16xf32>
      %add3A_436 = arith.addf %unpack3A_384, %add3A_435 : vector<16xf32>
      %div3A_437 = arith.divf %unpack3A_385, %add3A_436 : vector<16xf32>
      %add3A_438 = arith.constant 1.000000e-07 : f32
      %add3A_439 = vector.broadcast %add3A_438 : f32 to vector<16xf32>
      %add3A_440 = arith.addf %div3A_437, %add3A_439 : vector<16xf32>
      %add3A_441 = arith.constant 0 : i32
      %add3A_442 = arith.addi %mul3A_331, %add3A_441 : i32
      %swap3A = arith.index_cast %add3A_442 : i32 to index
      %swap3A_443 = arith.constant 0 : index
      %swap3A_444 = tpu.vector_load %arg9[%swap3A, %swap3A_443] {strides = array<i32>} : memref<128x64xf32, #tpu.memory_space<vmem>>, vector<16xf32>,
      tpu.vector_store %arg9[%swap3A, %swap3A_443], %add3A_391 {strides = array<i32>} : memref<128x64xf32, #tpu.memory_space<vmem>>, vector<16xf32>,
      %add3A_445 = arith.constant 0 : i32
      %add3A_446 = arith.addi %mul3A_331, %add3A_445 : i32
      %swap3A_447 = arith.index_cast %add3A_446 : i32 to index
      %swap3A_448 = arith.constant 16 : index
      %swap3A_449 = tpu.vector_load %arg9[%swap3A_447, %swap3A_448] {strides = array<i32>} : memref<128x64xf32, #tpu.memory_space<vmem>>, vector<16xf32>,
      tpu.vector_store %arg9[%swap3A_447, %swap3A_448], %add3A_398 {strides = array<i32>} : memref<128x64xf32, #tpu.memory_space<vmem>>, vector<16xf32>,
      %add3A_450 = arith.constant 0 : i32
      %add3A_451 = arith.addi %mul3A_331, %add3A_450 : i32
      %swap3A_452 = arith.index_cast %add3A_451 : i32 to index
      %swap3A_453 = arith.constant 32 : index
      %swap3A_454 = tpu.vector_load %arg9[%swap3A_452, %swap3A_453] {strides = array<i32>} : memref<128x64xf32, #tpu.memory_space<vmem>>, vector<16xf32>,
      tpu.vector_store %arg9[%swap3A_452, %swap3A_453], %add3A_405 {strides = array<i32>} : memref<128x64xf32, #tpu.memory_space<vmem>>, vector<16xf32>,
      %add3A_455 = arith.constant 0 : i32
      %add3A_456 = arith.addi %mul3A_331, %add3A_455 : i32
      %swap3A_457 = arith.index_cast %add3A_456 : i32 to index
      %swap3A_458 = arith.constant 48 : index
      %swap3A_459 = tpu.vector_load %arg9[%swap3A_457, %swap3A_458] {strides = array<i32>} : memref<128x64xf32, #tpu.memory_space<vmem>>, vector<16xf32>,
      tpu.vector_store %arg9[%swap3A_457, %swap3A_458], %add3A_412 {strides = array<i32>} : memref<128x64xf32, #tpu.memory_space<vmem>>, vector<16xf32>,
      %add3A_460 = arith.constant 1 : i32
      %add3A_461 = arith.addi %mul3A_331, %add3A_460 : i32
      %swap3A_462 = arith.index_cast %add3A_461 : i32 to index
      %swap3A_463 = arith.constant 0 : index
      %swap3A_464 = tpu.vector_load %arg9[%swap3A_462, %swap3A_463] {strides = array<i32>} : memref<128x64xf32, #tpu.memory_space<vmem>>, vector<16xf32>,
      tpu.vector_store %arg9[%swap3A_462, %swap3A_463], %add3A_419 {strides = array<i32>} : memref<128x64xf32, #tpu.memory_space<vmem>>, vector<16xf32>,
      %add3A_465 = arith.constant 1 : i32
      %add3A_466 = arith.addi %mul3A_331, %add3A_465 : i32
      %swap3A_467 = arith.index_cast %add3A_466 : i32 to index
      %swap3A_468 = arith.constant 16 : index
      %swap3A_469 = tpu.vector_load %arg9[%swap3A_467, %swap3A_468] {strides = array<i32>} : memref<128x64xf32, #tpu.memory_space<vmem>>, vector<16xf32>,
      tpu.vector_store %arg9[%swap3A_467, %swap3A_468], %add3A_426 {strides = array<i32>} : memref<128x64xf32, #tpu.memory_space<vmem>>, vector<16xf32>,
      %add3A_470 = arith.constant 1 : i32
      %add3A_471 = arith.addi %mul3A_331, %add3A_470 : i32
      %swap3A_472 = arith.index_cast %add3A_471 : i32 to index
      %swap3A_473 = arith.constant 32 : index
      %swap3A_474 = tpu.vector_load %arg9[%swap3A_472, %swap3A_473] {strides = array<i32>} : memref<128x64xf32, #tpu.memory_space<vmem>>, vector<16xf32>,
      tpu.vector_store %arg9[%swap3A_472, %swap3A_473], %add3A_433 {strides = array<i32>} : memref<128x64xf32, #tpu.memory_space<vmem>>, vector<16xf32>,
      %add3A_475 = arith.constant 1 : i32
      %add3A_476 = arith.addi %mul3A_331, %add3A_475 : i32
      %swap3A_477 = arith.index_cast %add3A_476 : i32 to index
      %swap3A_478 = arith.constant 48 : index
      %swap3A_479 = tpu.vector_load %arg9[%swap3A_477, %swap3A_478] {strides = array<i32>} : memref<128x64xf32, #tpu.memory_space<vmem>>, vector<16xf32>,
      tpu.vector_store %arg9[%swap3A_477, %swap3A_478], %add3A_440 {strides = array<i32>} : memref<128x64xf32, #tpu.memory_space<vmem>>, vector<16xf32>,
      %scan3A_480 = arith.constant 0 : i32
      scf.yield %scan3A_480 : i32
    }
    %scan3A_245 = arith.constant 64 : i32
    %dma_start3A_246 = arith.constant 0 : i32
    %dma_start3A_247 = arith.constant 0 : i32
    %dma_start3A_248 = tpu.memref_slice %arg9[%dma_start3A_246, %dma_start3A_247] : memref<128x64xf32, #tpu.memory_space<vmem>> -> memref<128x64xf32, #tpu.memory_space<vmem>>
    %dma_start3A_249 = arith.constant 0 : i32
    %dma_start3A_250 = tpu.memref_slice %arg5[%arg0, %add3A_65, %dma_start3A_249] : memref<2x10000x64xf32, #tpu.memory_space<hbm>> -> memref<1x128x64xf32, #tpu.memory_space<hbm>>
    %dma_start3A_251 = tpu.memref_squeeze %dma_start3A_250 : memref<1x128x64xf32, #tpu.memory_space<hbm>> -> memref<128x64xf32, #tpu.memory_space<hbm>>
    %dma_start3A_252 = arith.constant 0 : i32
    %dma_start3A_253 = tpu.memref_slice %arg5[%arg0, %add3A_65, %dma_start3A_252] : memref<2x10000x64xf32, #tpu.memory_space<hbm>> -> memref<1x128x64xf32, #tpu.memory_space<hbm>>
    %dma_start3A_254 = tpu.memref_squeeze %dma_start3A_253 : memref<1x128x64xf32, #tpu.memory_space<hbm>> -> memref<128x64xf32, #tpu.memory_space<hbm>>
    %dma_start3A_255 = arith.constant 0 : i32
    %dma_start3A_256 = arith.constant 0 : i32
    %dma_start3A_257 = tpu.memref_slice %arg9[%dma_start3A_255, %dma_start3A_256] : memref<128x64xf32, #tpu.memory_space<vmem>> -> memref<128x64xf32, #tpu.memory_space<vmem>>
    tpu.enqueue_dma source(%dma_start3A_257 : memref<128x64xf32, #tpu.memory_space<vmem>>) target(%dma_start3A_254 : memref<128x64xf32, #tpu.memory_space<hbm>>) target_semaphore(%arg15 : memref<!tpu.dma_semaphore, #tpu.memory_space<semaphore_mem>>)
    %dma_wait3A_258 = arith.constant 0 : i32
    %dma_wait3A_259 = arith.constant 0 : i32
    %dma_wait3A_260 = tpu.memref_slice %arg10[%dma_wait3A_258, %dma_wait3A_259] : memref<128x128xbf16, #tpu.memory_space<vmem>> -> memref<112x128xbf16, #tpu.memory_space<vmem>>
    %dma_wait3A_261 = arith.constant 0 : i32
    %dma_wait3A_262 = tpu.memref_slice %arg12[%add3A_67, %dma_wait3A_261] : memref<10016x128xbf16, #tpu.memory_space<vmem_shared>> -> memref<112x128xbf16, #tpu.memory_space<vmem_shared>>
    %dma_wait3A_263 = arith.constant 0 : i32
    %dma_wait3A_264 = arith.constant 0 : i32
    %dma_wait3A_265 = tpu.memref_slice %arg10[%dma_wait3A_263, %dma_wait3A_264] : memref<128x128xbf16, #tpu.memory_space<vmem>> -> memref<112x128xbf16, #tpu.memory_space<vmem>>
    %dma_wait3A_266 = arith.constant 0 : i32
    %dma_wait3A_267 = tpu.memref_slice %arg12[%add3A_67, %dma_wait3A_266] : memref<10016x128xbf16, #tpu.memory_space<vmem_shared>> -> memref<112x128xbf16, #tpu.memory_space<vmem_shared>>
    tpu.wait_dma2 semaphore(%arg13 : memref<!tpu.dma_semaphore, #tpu.memory_space<semaphore_mem>>) src(%dma_wait3A_267 : memref<112x128xbf16, #tpu.memory_space<vmem_shared>>) dst(%dma_wait3A_265 : memref<112x128xbf16, #tpu.memory_space<vmem>>)
    %dma_wait3A_268 = arith.constant 0 : i32
    %dma_wait3A_269 = arith.constant 0 : i32
    %dma_wait3A_270 = tpu.memref_slice %arg8[%dma_wait3A_268, %dma_wait3A_269] : memref<128x64xf32, #tpu.memory_space<vmem>> -> memref<128x64xf32, #tpu.memory_space<vmem>>
    %dma_wait3A_271 = arith.constant 0 : i32
    %dma_wait3A_272 = tpu.memref_slice %arg5[%arg0, %add3A_63, %dma_wait3A_271] : memref<2x10000x64xf32, #tpu.memory_space<hbm>> -> memref<1x128x64xf32, #tpu.memory_space<hbm>>
    %dma_wait3A_273 = tpu.memref_squeeze %dma_wait3A_272 : memref<1x128x64xf32, #tpu.memory_space<hbm>> -> memref<128x64xf32, #tpu.memory_space<hbm>>
    %dma_wait3A_274 = arith.constant 0 : i32
    %dma_wait3A_275 = tpu.memref_slice %arg5[%arg0, %add3A_63, %dma_wait3A_274] : memref<2x10000x64xf32, #tpu.memory_space<hbm>> -> memref<1x128x64xf32, #tpu.memory_space<hbm>>
    %dma_wait3A_276 = tpu.memref_squeeze %dma_wait3A_275 : memref<1x128x64xf32, #tpu.memory_space<hbm>> -> memref<128x64xf32, #tpu.memory_space<hbm>>
    %dma_wait3A_277 = arith.constant 0 : i32
    %dma_wait3A_278 = arith.constant 0 : i32
    %dma_wait3A_279 = tpu.memref_slice %arg8[%dma_wait3A_277, %dma_wait3A_278] : memref<128x64xf32, #tpu.memory_space<vmem>> -> memref<128x64xf32, #tpu.memory_space<vmem>>
    tpu.wait_dma2 semaphore(%arg15 : memref<!tpu.dma_semaphore, #tpu.memory_space<semaphore_mem>>) src(%dma_wait3A_279 : memref<128x64xf32, #tpu.memory_space<vmem>>) dst(%dma_wait3A_276 : memref<128x64xf32, #tpu.memory_space<hbm>>)
    %scan3A_280 = arith.constant 0 : i32
    %scan3A_281 = arith.constant 0 : i32
    %scan3A_282 = arith.constant 56 : i32
    %scan3A_283 = arith.addi %scan3A_281, %scan3A_282 : i32
    %scan3A_284 = arith.constant 1 : i32
    %scan3A_285 = scf.for %scan3A_328 = %scan3A_281 to %scan3A_283 step %scan3A_284 iter_args(%scan3A_329 = %scan3A_280) -> (i32)  : i32 {
      %mul3A_330 = arith.constant 2 : i32
      %mul3A_331 = arith.muli %scan3A_328, %mul3A_330 : i32
      %add3A_332 = arith.constant 0 : i32
      %add3A_333 = arith.addi %mul3A_331, %add3A_332 : i32
      %get3A = arith.index_cast %add3A_333 : i32 to index
      %get3A_334 = arith.constant 0 : index
      %get3A_335 = tpu.vector_load %arg10[%get3A, %get3A_334] {strides = array<i32>} : memref<128x128xbf16, #tpu.memory_space<vmem>>, vector<32xbf16>,
      %add3A_336 = arith.constant 0 : i32
      %add3A_337 = arith.addi %mul3A_331, %add3A_336 : i32
      %get3A_338 = arith.index_cast %add3A_337 : i32 to index
      %get3A_339 = arith.constant 32 : index
      %get3A_340 = tpu.vector_load %arg10[%get3A_338, %get3A_339] {strides = array<i32>} : memref<128x128xbf16, #tpu.memory_space<vmem>>, vector<32xbf16>,
      %add3A_341 = arith.constant 0 : i32
      %add3A_342 = arith.addi %mul3A_331, %add3A_341 : i32
      %get3A_343 = arith.index_cast %add3A_342 : i32 to index
      %get3A_344 = arith.constant 64 : index
      %get3A_345 = tpu.vector_load %arg10[%get3A_343, %get3A_344] {strides = array<i32>} : memref<128x128xbf16, #tpu.memory_space<vmem>>, vector<32xbf16>,
      %add3A_346 = arith.constant 0 : i32
      %add3A_347 = arith.addi %mul3A_331, %add3A_346 : i32
      %get3A_348 = arith.index_cast %add3A_347 : i32 to index
      %get3A_349 = arith.constant 96 : index
      %get3A_350 = tpu.vector_load %arg10[%get3A_348, %get3A_349] {strides = array<i32>} : memref<128x128xbf16, #tpu.memory_space<vmem>>, vector<32xbf16>,
      %add3A_351 = arith.constant 1 : i32
      %add3A_352 = arith.addi %mul3A_331, %add3A_351 : i32
      %get3A_353 = arith.index_cast %add3A_352 : i32 to index
      %get3A_354 = arith.constant 0 : index
      %get3A_355 = tpu.vector_load %arg10[%get3A_353, %get3A_354] {strides = array<i32>} : memref<128x128xbf16, #tpu.memory_space<vmem>>, vector<32xbf16>,
      %add3A_356 = arith.constant 1 : i32
      %add3A_357 = arith.addi %mul3A_331, %add3A_356 : i32
      %get3A_358 = arith.index_cast %add3A_357 : i32 to index
      %get3A_359 = arith.constant 32 : index
      %get3A_360 = tpu.vector_load %arg10[%get3A_358, %get3A_359] {strides = array<i32>} : memref<128x128xbf16, #tpu.memory_space<vmem>>, vector<32xbf16>,
      %add3A_361 = arith.constant 1 : i32
      %add3A_362 = arith.addi %mul3A_331, %add3A_361 : i32
      %get3A_363 = arith.index_cast %add3A_362 : i32 to index
      %get3A_364 = arith.constant 64 : index
      %get3A_365 = tpu.vector_load %arg10[%get3A_363, %get3A_364] {strides = array<i32>} : memref<128x128xbf16, #tpu.memory_space<vmem>>, vector<32xbf16>,
      %add3A_366 = arith.constant 1 : i32
      %add3A_367 = arith.addi %mul3A_331, %add3A_366 : i32
      %get3A_368 = arith.index_cast %add3A_367 : i32 to index
      %get3A_369 = arith.constant 96 : index
      %get3A_370 = tpu.vector_load %arg10[%get3A_368, %get3A_369] {strides = array<i32>} : memref<128x128xbf16, #tpu.memory_space<vmem>>, vector<32xbf16>,
      %unpack3A = tpu.unpack_subelements %get3A_335, 0 {pack_format = #tpu.pack_format<interleaved>} : vector<32xbf16> -> vector<16xf32>
      %unpack3A_371 = tpu.unpack_subelements %get3A_335, 1 {pack_format = #tpu.pack_format<interleaved>} : vector<32xbf16> -> vector<16xf32>
      %unpack3A_372 = tpu.unpack_subelements %get3A_340, 0 {pack_format = #tpu.pack_format<interleaved>} : vector<32xbf16> -> vector<16xf32>
      %unpack3A_373 = tpu.unpack_subelements %get3A_340, 1 {pack_format = #tpu.pack_format<interleaved>} : vector<32xbf16> -> vector<16xf32>
      %unpack3A_374 = tpu.unpack_subelements %get3A_345, 0 {pack_format = #tpu.pack_format<interleaved>} : vector<32xbf16> -> vector<16xf32>
      %unpack3A_375 = tpu.unpack_subelements %get3A_345, 1 {pack_format = #tpu.pack_format<interleaved>} : vector<32xbf16> -> vector<16xf32>
      %unpack3A_376 = tpu.unpack_subelements %get3A_350, 0 {pack_format = #tpu.pack_format<interleaved>} : vector<32xbf16> -> vector<16xf32>
      %unpack3A_377 = tpu.unpack_subelements %get3A_350, 1 {pack_format = #tpu.pack_format<interleaved>} : vector<32xbf16> -> vector<16xf32>
      %unpack3A_378 = tpu.unpack_subelements %get3A_355, 0 {pack_format = #tpu.pack_format<interleaved>} : vector<32xbf16> -> vector<16xf32>
      %unpack3A_379 = tpu.unpack_subelements %get3A_355, 1 {pack_format = #tpu.pack_format<interleaved>} : vector<32xbf16> -> vector<16xf32>
      %unpack3A_380 = tpu.unpack_subelements %get3A_360, 0 {pack_format = #tpu.pack_format<interleaved>} : vector<32xbf16> -> vector<16xf32>
      %unpack3A_381 = tpu.unpack_subelements %get3A_360, 1 {pack_format = #tpu.pack_format<interleaved>} : vector<32xbf16> -> vector<16xf32>
      %unpack3A_382 = tpu.unpack_subelements %get3A_365, 0 {pack_format = #tpu.pack_format<interleaved>} : vector<32xbf16> -> vector<16xf32>
      %unpack3A_383 = tpu.unpack_subelements %get3A_365, 1 {pack_format = #tpu.pack_format<interleaved>} : vector<32xbf16> -> vector<16xf32>
      %unpack3A_384 = tpu.unpack_subelements %get3A_370, 0 {pack_format = #tpu.pack_format<interleaved>} : vector<32xbf16> -> vector<16xf32>
      %unpack3A_385 = tpu.unpack_subelements %get3A_370, 1 {pack_format = #tpu.pack_format<interleaved>} : vector<32xbf16> -> vector<16xf32>
      %add3A_386 = arith.constant 1.000000e-16 : f32
      %add3A_387 = vector.broadcast %add3A_386 : f32 to vector<16xf32>
      %add3A_388 = arith.addf %unpack3A, %add3A_387 : vector<16xf32>
      %div3A = arith.divf %unpack3A_371, %add3A_388 : vector<16xf32>
      %add3A_389 = arith.constant 1.000000e-07 : f32
      %add3A_390 = vector.broadcast %add3A_389 : f32 to vector<16xf32>
      %add3A_391 = arith.addf %div3A, %add3A_390 : vector<16xf32>
      %add3A_392 = arith.constant 1.000000e-16 : f32
      %add3A_393 = vector.broadcast %add3A_392 : f32 to vector<16xf32>
      %add3A_394 = arith.addf %unpack3A_372, %add3A_393 : vector<16xf32>
      %div3A_395 = arith.divf %unpack3A_373, %add3A_394 : vector<16xf32>
      %add3A_396 = arith.constant 1.000000e-07 : f32
      %add3A_397 = vector.broadcast %add3A_396 : f32 to vector<16xf32>
      %add3A_398 = arith.addf %div3A_395, %add3A_397 : vector<16xf32>
      %add3A_399 = arith.constant 1.000000e-16 : f32
      %add3A_400 = vector.broadcast %add3A_399 : f32 to vector<16xf32>
      %add3A_401 = arith.addf %unpack3A_374, %add3A_400 : vector<16xf32>
      %div3A_402 = arith.divf %unpack3A_375, %add3A_401 : vector<16xf32>
      %add3A_403 = arith.constant 1.000000e-07 : f32
      %add3A_404 = vector.broadcast %add3A_403 : f32 to vector<16xf32>
      %add3A_405 = arith.addf %div3A_402, %add3A_404 : vector<16xf32>
      %add3A_406 = arith.constant 1.000000e-16 : f32
      %add3A_407 = vector.broadcast %add3A_406 : f32 to vector<16xf32>
      %add3A_408 = arith.addf %unpack3A_376, %add3A_407 : vector<16xf32>
      %div3A_409 = arith.divf %unpack3A_377, %add3A_408 : vector<16xf32>
      %add3A_410 = arith.constant 1.000000e-07 : f32
      %add3A_411 = vector.broadcast %add3A_410 : f32 to vector<16xf32>
      %add3A_412 = arith.addf %div3A_409, %add3A_411 : vector<16xf32>
      %add3A_413 = arith.constant 1.000000e-16 : f32
      %add3A_414 = vector.broadcast %add3A_413 : f32 to vector<16xf32>
      %add3A_415 = arith.addf %unpack3A_378, %add3A_414 : vector<16xf32>
      %div3A_416 = arith.divf %unpack3A_379, %add3A_415 : vector<16xf32>
      %add3A_417 = arith.constant 1.000000e-07 : f32
      %add3A_418 = vector.broadcast %add3A_417 : f32 to vector<16xf32>
      %add3A_419 = arith.addf %div3A_416, %add3A_418 : vector<16xf32>
      %add3A_420 = arith.constant 1.000000e-16 : f32
      %add3A_421 = vector.broadcast %add3A_420 : f32 to vector<16xf32>
      %add3A_422 = arith.addf %unpack3A_380, %add3A_421 : vector<16xf32>
      %div3A_423 = arith.divf %unpack3A_381, %add3A_422 : vector<16xf32>
      %add3A_424 = arith.constant 1.000000e-07 : f32
      %add3A_425 = vector.broadcast %add3A_424 : f32 to vector<16xf32>
      %add3A_426 = arith.addf %div3A_423, %add3A_425 : vector<16xf32>
      %add3A_427 = arith.constant 1.000000e-16 : f32
      %add3A_428 = vector.broadcast %add3A_427 : f32 to vector<16xf32>
      %add3A_429 = arith.addf %unpack3A_382, %add3A_428 : vector<16xf32>
      %div3A_430 = arith.divf %unpack3A_383, %add3A_429 : vector<16xf32>
      %add3A_431 = arith.constant 1.000000e-07 : f32
      %add3A_432 = vector.broadcast %add3A_431 : f32 to vector<16xf32>
      %add3A_433 = arith.addf %div3A_430, %add3A_432 : vector<16xf32>
      %add3A_434 = arith.constant 1.000000e-16 : f32
      %add3A_435 = vector.broadcast %add3A_434 : f32 to vector<16xf32>
      %add3A_436 = arith.addf %unpack3A_384, %add3A_435 : vector<16xf32>
      %div3A_437 = arith.divf %unpack3A_385, %add3A_436 : vector<16xf32>
      %add3A_438 = arith.constant 1.000000e-07 : f32
      %add3A_439 = vector.broadcast %add3A_438 : f32 to vector<16xf32>
      %add3A_440 = arith.addf %div3A_437, %add3A_439 : vector<16xf32>
      %add3A_441 = arith.constant 0 : i32
      %add3A_442 = arith.addi %mul3A_331, %add3A_441 : i32
      %swap3A = arith.index_cast %add3A_442 : i32 to index
      %swap3A_443 = arith.constant 0 : index
      %swap3A_444 = tpu.vector_load %arg8[%swap3A, %swap3A_443] {strides = array<i32>} : memref<128x64xf32, #tpu.memory_space<vmem>>, vector<16xf32>,
      tpu.vector_store %arg8[%swap3A, %swap3A_443], %add3A_391 {strides = array<i32>} : memref<128x64xf32, #tpu.memory_space<vmem>>, vector<16xf32>,
      %add3A_445 = arith.constant 0 : i32
      %add3A_446 = arith.addi %mul3A_331, %add3A_445 : i32
      %swap3A_447 = arith.index_cast %add3A_446 : i32 to index
      %swap3A_448 = arith.constant 16 : index
      %swap3A_449 = tpu.vector_load %arg8[%swap3A_447, %swap3A_448] {strides = array<i32>} : memref<128x64xf32, #tpu.memory_space<vmem>>, vector<16xf32>,
      tpu.vector_store %arg8[%swap3A_447, %swap3A_448], %add3A_398 {strides = array<i32>} : memref<128x64xf32, #tpu.memory_space<vmem>>, vector<16xf32>,
      %add3A_450 = arith.constant 0 : i32
      %add3A_451 = arith.addi %mul3A_331, %add3A_450 : i32
      %swap3A_452 = arith.index_cast %add3A_451 : i32 to index
      %swap3A_453 = arith.constant 32 : index
      %swap3A_454 = tpu.vector_load %arg8[%swap3A_452, %swap3A_453] {strides = array<i32>} : memref<128x64xf32, #tpu.memory_space<vmem>>, vector<16xf32>,
      tpu.vector_store %arg8[%swap3A_452, %swap3A_453], %add3A_405 {strides = array<i32>} : memref<128x64xf32, #tpu.memory_space<vmem>>, vector<16xf32>,
      %add3A_455 = arith.constant 0 : i32
      %add3A_456 = arith.addi %mul3A_331, %add3A_455 : i32
      %swap3A_457 = arith.index_cast %add3A_456 : i32 to index
      %swap3A_458 = arith.constant 48 : index
      %swap3A_459 = tpu.vector_load %arg8[%swap3A_457, %swap3A_458] {strides = array<i32>} : memref<128x64xf32, #tpu.memory_space<vmem>>, vector<16xf32>,
      tpu.vector_store %arg8[%swap3A_457, %swap3A_458], %add3A_412 {strides = array<i32>} : memref<128x64xf32, #tpu.memory_space<vmem>>, vector<16xf32>,
      %add3A_460 = arith.constant 1 : i32
      %add3A_461 = arith.addi %mul3A_331, %add3A_460 : i32
      %swap3A_462 = arith.index_cast %add3A_461 : i32 to index
      %swap3A_463 = arith.constant 0 : index
      %swap3A_464 = tpu.vector_load %arg8[%swap3A_462, %swap3A_463] {strides = array<i32>} : memref<128x64xf32, #tpu.memory_space<vmem>>, vector<16xf32>,
      tpu.vector_store %arg8[%swap3A_462, %swap3A_463], %add3A_419 {strides = array<i32>} : memref<128x64xf32, #tpu.memory_space<vmem>>, vector<16xf32>,
      %add3A_465 = arith.constant 1 : i32
      %add3A_466 = arith.addi %mul3A_331, %add3A_465 : i32
      %swap3A_467 = arith.index_cast %add3A_466 : i32 to index
      %swap3A_468 = arith.constant 16 : index
      %swap3A_469 = tpu.vector_load %arg8[%swap3A_467, %swap3A_468] {strides = array<i32>} : memref<128x64xf32, #tpu.memory_space<vmem>>, vector<16xf32>,
      tpu.vector_store %arg8[%swap3A_467, %swap3A_468], %add3A_426 {strides = array<i32>} : memref<128x64xf32, #tpu.memory_space<vmem>>, vector<16xf32>,
      %add3A_470 = arith.constant 1 : i32
      %add3A_471 = arith.addi %mul3A_331, %add3A_470 : i32
      %swap3A_472 = arith.index_cast %add3A_471 : i32 to index
      %swap3A_473 = arith.constant 32 : index
      %swap3A_474 = tpu.vector_load %arg8[%swap3A_472, %swap3A_473] {strides = array<i32>} : memref<128x64xf32, #tpu.memory_space<vmem>>, vector<16xf32>,
      tpu.vector_store %arg8[%swap3A_472, %swap3A_473], %add3A_433 {strides = array<i32>} : memref<128x64xf32, #tpu.memory_space<vmem>>, vector<16xf32>,
      %add3A_475 = arith.constant 1 : i32
      %add3A_476 = arith.addi %mul3A_331, %add3A_475 : i32
      %swap3A_477 = arith.index_cast %add3A_476 : i32 to index
      %swap3A_478 = arith.constant 48 : index
      %swap3A_479 = tpu.vector_load %arg8[%swap3A_477, %swap3A_478] {strides = array<i32>} : memref<128x64xf32, #tpu.memory_space<vmem>>, vector<16xf32>,
      tpu.vector_store %arg8[%swap3A_477, %swap3A_478], %add3A_440 {strides = array<i32>} : memref<128x64xf32, #tpu.memory_space<vmem>>, vector<16xf32>,
      %scan3A_480 = arith.constant 0 : i32
      scf.yield %scan3A_480 : i32
    }
    %scan3A_286 = arith.constant 56 : i32
    %dma_start3A_287 = arith.constant 0 : i32
    %dma_start3A_288 = arith.constant 0 : i32
    %dma_start3A_289 = tpu.memref_slice %arg8[%dma_start3A_287, %dma_start3A_288] : memref<128x64xf32, #tpu.memory_space<vmem>> -> memref<112x64xf32, #tpu.memory_space<vmem>>
    %dma_start3A_290 = arith.constant 0 : i32
    %dma_start3A_291 = tpu.memref_slice %arg5[%arg0, %add3A_67, %dma_start3A_290] : memref<2x10000x64xf32, #tpu.memory_space<hbm>> -> memref<1x112x64xf32, #tpu.memory_space<hbm>>
    %dma_start3A_292 = tpu.memref_squeeze %dma_start3A_291 : memref<1x112x64xf32, #tpu.memory_space<hbm>> -> memref<112x64xf32, #tpu.memory_space<hbm>>
    %dma_start3A_293 = arith.constant 0 : i32
    %dma_start3A_294 = tpu.memref_slice %arg5[%arg0, %add3A_67, %dma_start3A_293] : memref<2x10000x64xf32, #tpu.memory_space<hbm>> -> memref<1x112x64xf32, #tpu.memory_space<hbm>>
    %dma_start3A_295 = tpu.memref_squeeze %dma_start3A_294 : memref<1x112x64xf32, #tpu.memory_space<hbm>> -> memref<112x64xf32, #tpu.memory_space<hbm>>
    %dma_start3A_296 = arith.constant 0 : i32
    %dma_start3A_297 = arith.constant 0 : i32
    %dma_start3A_298 = tpu.memref_slice %arg8[%dma_start3A_296, %dma_start3A_297] : memref<128x64xf32, #tpu.memory_space<vmem>> -> memref<112x64xf32, #tpu.memory_space<vmem>>
    tpu.enqueue_dma source(%dma_start3A_298 : memref<112x64xf32, #tpu.memory_space<vmem>>) target(%dma_start3A_295 : memref<112x64xf32, #tpu.memory_space<hbm>>) target_semaphore(%arg15 : memref<!tpu.dma_semaphore, #tpu.memory_space<semaphore_mem>>)
    %dma_wait3A_299 = arith.constant 0 : i32
    %dma_wait3A_300 = arith.constant 0 : i32
    %dma_wait3A_301 = tpu.memref_slice %arg9[%dma_wait3A_299, %dma_wait3A_300] : memref<128x64xf32, #tpu.memory_space<vmem>> -> memref<128x64xf32, #tpu.memory_space<vmem>>
    %dma_wait3A_302 = arith.constant 0 : i32
    %dma_wait3A_303 = tpu.memref_slice %arg5[%arg0, %add3A_65, %dma_wait3A_302] : memref<2x10000x64xf32, #tpu.memory_space<hbm>> -> memref<1x128x64xf32, #tpu.memory_space<hbm>>
    %dma_wait3A_304 = tpu.memref_squeeze %dma_wait3A_303 : memref<1x128x64xf32, #tpu.memory_space<hbm>> -> memref<128x64xf32, #tpu.memory_space<hbm>>
    %dma_wait3A_305 = arith.constant 0 : i32
    %dma_wait3A_306 = tpu.memref_slice %arg5[%arg0, %add3A_65, %dma_wait3A_305] : memref<2x10000x64xf32, #tpu.memory_space<hbm>> -> memref<1x128x64xf32, #tpu.memory_space<hbm>>
    %dma_wait3A_307 = tpu.memref_squeeze %dma_wait3A_306 : memref<1x128x64xf32, #tpu.memory_space<hbm>> -> memref<128x64xf32, #tpu.memory_space<hbm>>
    %dma_wait3A_308 = arith.constant 0 : i32
    %dma_wait3A_309 = arith.constant 0 : i32
    %dma_wait3A_310 = tpu.memref_slice %arg9[%dma_wait3A_308, %dma_wait3A_309] : memref<128x64xf32, #tpu.memory_space<vmem>> -> memref<128x64xf32, #tpu.memory_space<vmem>>
    tpu.wait_dma2 semaphore(%arg15 : memref<!tpu.dma_semaphore, #tpu.memory_space<semaphore_mem>>) src(%dma_wait3A_310 : memref<128x64xf32, #tpu.memory_space<vmem>>) dst(%dma_wait3A_307 : memref<128x64xf32, #tpu.memory_space<hbm>>)
    %dma_wait3A_311 = arith.constant 0 : i32
    %dma_wait3A_312 = arith.constant 0 : i32
    %dma_wait3A_313 = tpu.memref_slice %arg8[%dma_wait3A_311, %dma_wait3A_312] : memref<128x64xf32, #tpu.memory_space<vmem>> -> memref<112x64xf32, #tpu.memory_space<vmem>>
    %dma_wait3A_314 = arith.constant 0 : i32
    %dma_wait3A_315 = tpu.memref_slice %arg5[%arg0, %add3A_67, %dma_wait3A_314] : memref<2x10000x64xf32, #tpu.memory_space<hbm>> -> memref<1x112x64xf32, #tpu.memory_space<hbm>>
    %dma_wait3A_316 = tpu.memref_squeeze %dma_wait3A_315 : memref<1x112x64xf32, #tpu.memory_space<hbm>> -> memref<112x64xf32, #tpu.memory_space<hbm>>
    %dma_wait3A_317 = arith.constant 0 : i32
    %dma_wait3A_318 = tpu.memref_slice %arg5[%arg0, %add3A_67, %dma_wait3A_317] : memref<2x10000x64xf32, #tpu.memory_space<hbm>> -> memref<1x112x64xf32, #tpu.memory_space<hbm>>
    %dma_wait3A_319 = tpu.memref_squeeze %dma_wait3A_318 : memref<1x112x64xf32, #tpu.memory_space<hbm>> -> memref<112x64xf32, #tpu.memory_space<hbm>>
    %dma_wait3A_320 = arith.constant 0 : i32
    %dma_wait3A_321 = arith.constant 0 : i32
    %dma_wait3A_322 = tpu.memref_slice %arg8[%dma_wait3A_320, %dma_wait3A_321] : memref<128x64xf32, #tpu.memory_space<vmem>> -> memref<112x64xf32, #tpu.memory_space<vmem>>
    tpu.wait_dma2 semaphore(%arg15 : memref<!tpu.dma_semaphore, #tpu.memory_space<semaphore_mem>>) src(%dma_wait3A_322 : memref<112x64xf32, #tpu.memory_space<vmem>>) dst(%dma_wait3A_319 : memref<112x64xf32, #tpu.memory_space<hbm>>)
    %eq3A_323 = arith.constant 15 : i32
    %eq3A_324 = arith.cmpi eq, %arg1, %eq3A_323 : i32
    %convert_element_type3A_325 = arith.extui %eq3A_324 : i1 to i32
    %cond3A_326 = arith.constant 0 : i32
    %cond3A_327 = arith.cmpi ne, %convert_element_type3A_325, %cond3A_326 : i32
    scf.if %cond3A_327 {
      %dma_start3A_328 = arith.constant 0 : i32
      %dma_start3A_329 = arith.constant 0 : i32
      %dma_start3A_330 = tpu.memref_slice %arg10[%dma_start3A_328, %dma_start3A_329] : memref<128x128xbf16, #tpu.memory_space<vmem>> -> memref<16x128xbf16, #tpu.memory_space<vmem>>
      %dma_start3A_331 = arith.constant 9984 : i32
      %dma_start3A_332 = arith.constant 0 : i32
      %dma_start3A_333 = tpu.memref_slice %arg12[%dma_start3A_331, %dma_start3A_332] : memref<10016x128xbf16, #tpu.memory_space<vmem_shared>> -> memref<16x128xbf16, #tpu.memory_space<vmem_shared>>
      %dma_start3A_334 = arith.constant 0 : i32
      %dma_start3A_335 = arith.constant 0 : i32
      %dma_start3A_336 = tpu.memref_slice %arg10[%dma_start3A_334, %dma_start3A_335] : memref<128x128xbf16, #tpu.memory_space<vmem>> -> memref<16x128xbf16, #tpu.memory_space<vmem>>
      %dma_start3A_337 = arith.constant 9984 : i32
      %dma_start3A_338 = arith.constant 0 : i32
      %dma_start3A_339 = tpu.memref_slice %arg12[%dma_start3A_337, %dma_start3A_338] : memref<10016x128xbf16, #tpu.memory_space<vmem_shared>> -> memref<16x128xbf16, #tpu.memory_space<vmem_shared>>
      tpu.enqueue_dma source(%dma_start3A_339 : memref<16x128xbf16, #tpu.memory_space<vmem_shared>>) target(%dma_start3A_336 : memref<16x128xbf16, #tpu.memory_space<vmem>>) target_semaphore(%arg13 : memref<!tpu.dma_semaphore, #tpu.memory_space<semaphore_mem>>)
      %dma_wait3A_340 = arith.constant 0 : i32
      %dma_wait3A_341 = arith.constant 0 : i32
      %dma_wait3A_342 = tpu.memref_slice %arg10[%dma_wait3A_340, %dma_wait3A_341] : memref<128x128xbf16, #tpu.memory_space<vmem>> -> memref<16x128xbf16, #tpu.memory_space<vmem>>
      %dma_wait3A_343 = arith.constant 9984 : i32
      %dma_wait3A_344 = arith.constant 0 : i32
      %dma_wait3A_345 = tpu.memref_slice %arg12[%dma_wait3A_343, %dma_wait3A_344] : memref<10016x128xbf16, #tpu.memory_space<vmem_shared>> -> memref<16x128xbf16, #tpu.memory_space<vmem_shared>>
      %dma_wait3A_346 = arith.constant 0 : i32
      %dma_wait3A_347 = arith.constant 0 : i32
      %dma_wait3A_348 = tpu.memref_slice %arg10[%dma_wait3A_346, %dma_wait3A_347] : memref<128x128xbf16, #tpu.memory_space<vmem>> -> memref<16x128xbf16, #tpu.memory_space<vmem>>
      %dma_wait3A_349 = arith.constant 9984 : i32
      %dma_wait3A_350 = arith.constant 0 : i32
      %dma_wait3A_351 = tpu.memref_slice %arg12[%dma_wait3A_349, %dma_wait3A_350] : memref<10016x128xbf16, #tpu.memory_space<vmem_shared>> -> memref<16x128xbf16, #tpu.memory_space<vmem_shared>>
      tpu.wait_dma2 semaphore(%arg13 : memref<!tpu.dma_semaphore, #tpu.memory_space<semaphore_mem>>) src(%dma_wait3A_351 : memref<16x128xbf16, #tpu.memory_space<vmem_shared>>) dst(%dma_wait3A_348 : memref<16x128xbf16, #tpu.memory_space<vmem>>)
      %scan3A_352 = arith.constant 0 : i32
      %scan3A_353 = arith.constant 0 : i32
      %scan3A_354 = arith.constant 8 : i32
      %scan3A_355 = arith.addi %scan3A_353, %scan3A_354 : i32
      %scan3A_356 = arith.constant 1 : i32
      %scan3A_357 = scf.for %scan3A_387 = %scan3A_353 to %scan3A_355 step %scan3A_356 iter_args(%scan3A_388 = %scan3A_352) -> (i32)  : i32 {
        %mul3A_389 = arith.constant 2 : i32
        %mul3A_390 = arith.muli %scan3A_387, %mul3A_389 : i32
        %add3A_391 = arith.constant 0 : i32
        %add3A_392 = arith.addi %mul3A_390, %add3A_391 : i32
        %get3A = arith.index_cast %add3A_392 : i32 to index
        %get3A_393 = arith.constant 0 : index
        %get3A_394 = tpu.vector_load %arg10[%get3A, %get3A_393] {strides = array<i32>} : memref<128x128xbf16, #tpu.memory_space<vmem>>, vector<32xbf16>,
        %add3A_395 = arith.constant 0 : i32
        %add3A_396 = arith.addi %mul3A_390, %add3A_395 : i32
        %get3A_397 = arith.index_cast %add3A_396 : i32 to index
        %get3A_398 = arith.constant 32 : index
        %get3A_399 = tpu.vector_load %arg10[%get3A_397, %get3A_398] {strides = array<i32>} : memref<128x128xbf16, #tpu.memory_space<vmem>>, vector<32xbf16>,
        %add3A_400 = arith.constant 0 : i32
        %add3A_401 = arith.addi %mul3A_390, %add3A_400 : i32
        %get3A_402 = arith.index_cast %add3A_401 : i32 to index
        %get3A_403 = arith.constant 64 : index
        %get3A_404 = tpu.vector_load %arg10[%get3A_402, %get3A_403] {strides = array<i32>} : memref<128x128xbf16, #tpu.memory_space<vmem>>, vector<32xbf16>,
        %add3A_405 = arith.constant 0 : i32
        %add3A_406 = arith.addi %mul3A_390, %add3A_405 : i32
        %get3A_407 = arith.index_cast %add3A_406 : i32 to index
        %get3A_408 = arith.constant 96 : index
        %get3A_409 = tpu.vector_load %arg10[%get3A_407, %get3A_408] {strides = array<i32>} : memref<128x128xbf16, #tpu.memory_space<vmem>>, vector<32xbf16>,
        %add3A_410 = arith.constant 1 : i32
        %add3A_411 = arith.addi %mul3A_390, %add3A_410 : i32
        %get3A_412 = arith.index_cast %add3A_411 : i32 to index
        %get3A_413 = arith.constant 0 : index
        %get3A_414 = tpu.vector_load %arg10[%get3A_412, %get3A_413] {strides = array<i32>} : memref<128x128xbf16, #tpu.memory_space<vmem>>, vector<32xbf16>,
        %add3A_415 = arith.constant 1 : i32
        %add3A_416 = arith.addi %mul3A_390, %add3A_415 : i32
        %get3A_417 = arith.index_cast %add3A_416 : i32 to index
        %get3A_418 = arith.constant 32 : index
        %get3A_419 = tpu.vector_load %arg10[%get3A_417, %get3A_418] {strides = array<i32>} : memref<128x128xbf16, #tpu.memory_space<vmem>>, vector<32xbf16>,
        %add3A_420 = arith.constant 1 : i32
        %add3A_421 = arith.addi %mul3A_390, %add3A_420 : i32
        %get3A_422 = arith.index_cast %add3A_421 : i32 to index
        %get3A_423 = arith.constant 64 : index
        %get3A_424 = tpu.vector_load %arg10[%get3A_422, %get3A_423] {strides = array<i32>} : memref<128x128xbf16, #tpu.memory_space<vmem>>, vector<32xbf16>,
        %add3A_425 = arith.constant 1 : i32
        %add3A_426 = arith.addi %mul3A_390, %add3A_425 : i32
        %get3A_427 = arith.index_cast %add3A_426 : i32 to index
        %get3A_428 = arith.constant 96 : index
        %get3A_429 = tpu.vector_load %arg10[%get3A_427, %get3A_428] {strides = array<i32>} : memref<128x128xbf16, #tpu.memory_space<vmem>>, vector<32xbf16>,
        %unpack3A = tpu.unpack_subelements %get3A_394, 0 {pack_format = #tpu.pack_format<interleaved>} : vector<32xbf16> -> vector<16xf32>
        %unpack3A_430 = tpu.unpack_subelements %get3A_394, 1 {pack_format = #tpu.pack_format<interleaved>} : vector<32xbf16> -> vector<16xf32>
        %unpack3A_431 = tpu.unpack_subelements %get3A_399, 0 {pack_format = #tpu.pack_format<interleaved>} : vector<32xbf16> -> vector<16xf32>
        %unpack3A_432 = tpu.unpack_subelements %get3A_399, 1 {pack_format = #tpu.pack_format<interleaved>} : vector<32xbf16> -> vector<16xf32>
        %unpack3A_433 = tpu.unpack_subelements %get3A_404, 0 {pack_format = #tpu.pack_format<interleaved>} : vector<32xbf16> -> vector<16xf32>
        %unpack3A_434 = tpu.unpack_subelements %get3A_404, 1 {pack_format = #tpu.pack_format<interleaved>} : vector<32xbf16> -> vector<16xf32>
        %unpack3A_435 = tpu.unpack_subelements %get3A_409, 0 {pack_format = #tpu.pack_format<interleaved>} : vector<32xbf16> -> vector<16xf32>
        %unpack3A_436 = tpu.unpack_subelements %get3A_409, 1 {pack_format = #tpu.pack_format<interleaved>} : vector<32xbf16> -> vector<16xf32>
        %unpack3A_437 = tpu.unpack_subelements %get3A_414, 0 {pack_format = #tpu.pack_format<interleaved>} : vector<32xbf16> -> vector<16xf32>
        %unpack3A_438 = tpu.unpack_subelements %get3A_414, 1 {pack_format = #tpu.pack_format<interleaved>} : vector<32xbf16> -> vector<16xf32>
        %unpack3A_439 = tpu.unpack_subelements %get3A_419, 0 {pack_format = #tpu.pack_format<interleaved>} : vector<32xbf16> -> vector<16xf32>
        %unpack3A_440 = tpu.unpack_subelements %get3A_419, 1 {pack_format = #tpu.pack_format<interleaved>} : vector<32xbf16> -> vector<16xf32>
        %unpack3A_441 = tpu.unpack_subelements %get3A_424, 0 {pack_format = #tpu.pack_format<interleaved>} : vector<32xbf16> -> vector<16xf32>
        %unpack3A_442 = tpu.unpack_subelements %get3A_424, 1 {pack_format = #tpu.pack_format<interleaved>} : vector<32xbf16> -> vector<16xf32>
        %unpack3A_443 = tpu.unpack_subelements %get3A_429, 0 {pack_format = #tpu.pack_format<interleaved>} : vector<32xbf16> -> vector<16xf32>
        %unpack3A_444 = tpu.unpack_subelements %get3A_429, 1 {pack_format = #tpu.pack_format<interleaved>} : vector<32xbf16> -> vector<16xf32>
        %add3A_445 = arith.constant 1.000000e-16 : f32
        %add3A_446 = vector.broadcast %add3A_445 : f32 to vector<16xf32>
        %add3A_447 = arith.addf %unpack3A, %add3A_446 : vector<16xf32>
        %div3A = arith.divf %unpack3A_430, %add3A_447 : vector<16xf32>
        %add3A_448 = arith.constant 1.000000e-07 : f32
        %add3A_449 = vector.broadcast %add3A_448 : f32 to vector<16xf32>
        %add3A_450 = arith.addf %div3A, %add3A_449 : vector<16xf32>
        %add3A_451 = arith.constant 1.000000e-16 : f32
        %add3A_452 = vector.broadcast %add3A_451 : f32 to vector<16xf32>
        %add3A_453 = arith.addf %unpack3A_431, %add3A_452 : vector<16xf32>
        %div3A_454 = arith.divf %unpack3A_432, %add3A_453 : vector<16xf32>
        %add3A_455 = arith.constant 1.000000e-07 : f32
        %add3A_456 = vector.broadcast %add3A_455 : f32 to vector<16xf32>
        %add3A_457 = arith.addf %div3A_454, %add3A_456 : vector<16xf32>
        %add3A_458 = arith.constant 1.000000e-16 : f32
        %add3A_459 = vector.broadcast %add3A_458 : f32 to vector<16xf32>
        %add3A_460 = arith.addf %unpack3A_433, %add3A_459 : vector<16xf32>
        %div3A_461 = arith.divf %unpack3A_434, %add3A_460 : vector<16xf32>
        %add3A_462 = arith.constant 1.000000e-07 : f32
        %add3A_463 = vector.broadcast %add3A_462 : f32 to vector<16xf32>
        %add3A_464 = arith.addf %div3A_461, %add3A_463 : vector<16xf32>
        %add3A_465 = arith.constant 1.000000e-16 : f32
        %add3A_466 = vector.broadcast %add3A_465 : f32 to vector<16xf32>
        %add3A_467 = arith.addf %unpack3A_435, %add3A_466 : vector<16xf32>
        %div3A_468 = arith.divf %unpack3A_436, %add3A_467 : vector<16xf32>
        %add3A_469 = arith.constant 1.000000e-07 : f32
        %add3A_470 = vector.broadcast %add3A_469 : f32 to vector<16xf32>
        %add3A_471 = arith.addf %div3A_468, %add3A_470 : vector<16xf32>
        %add3A_472 = arith.constant 1.000000e-16 : f32
        %add3A_473 = vector.broadcast %add3A_472 : f32 to vector<16xf32>
        %add3A_474 = arith.addf %unpack3A_437, %add3A_473 : vector<16xf32>
        %div3A_475 = arith.divf %unpack3A_438, %add3A_474 : vector<16xf32>
        %add3A_476 = arith.constant 1.000000e-07 : f32
        %add3A_477 = vector.broadcast %add3A_476 : f32 to vector<16xf32>
        %add3A_478 = arith.addf %div3A_475, %add3A_477 : vector<16xf32>
        %add3A_479 = arith.constant 1.000000e-16 : f32
        %add3A_480 = vector.broadcast %add3A_479 : f32 to vector<16xf32>
        %add3A_481 = arith.addf %unpack3A_439, %add3A_480 : vector<16xf32>
        %div3A_482 = arith.divf %unpack3A_440, %add3A_481 : vector<16xf32>
        %add3A_483 = arith.constant 1.000000e-07 : f32
        %add3A_484 = vector.broadcast %add3A_483 : f32 to vector<16xf32>
        %add3A_485 = arith.addf %div3A_482, %add3A_484 : vector<16xf32>
        %add3A_486 = arith.constant 1.000000e-16 : f32
        %add3A_487 = vector.broadcast %add3A_486 : f32 to vector<16xf32>
        %add3A_488 = arith.addf %unpack3A_441, %add3A_487 : vector<16xf32>
        %div3A_489 = arith.divf %unpack3A_442, %add3A_488 : vector<16xf32>
        %add3A_490 = arith.constant 1.000000e-07 : f32
        %add3A_491 = vector.broadcast %add3A_490 : f32 to vector<16xf32>
        %add3A_492 = arith.addf %div3A_489, %add3A_491 : vector<16xf32>
        %add3A_493 = arith.constant 1.000000e-16 : f32
        %add3A_494 = vector.broadcast %add3A_493 : f32 to vector<16xf32>
        %add3A_495 = arith.addf %unpack3A_443, %add3A_494 : vector<16xf32>
        %div3A_496 = arith.divf %unpack3A_444, %add3A_495 : vector<16xf32>
        %add3A_497 = arith.constant 1.000000e-07 : f32
        %add3A_498 = vector.broadcast %add3A_497 : f32 to vector<16xf32>
        %add3A_499 = arith.addf %div3A_496, %add3A_498 : vector<16xf32>
        %add3A_500 = arith.constant 0 : i32
        %add3A_501 = arith.addi %mul3A_390, %add3A_500 : i32
        %swap3A = arith.index_cast %add3A_501 : i32 to index
        %swap3A_502 = arith.constant 0 : index
        %swap3A_503 = tpu.vector_load %arg8[%swap3A, %swap3A_502] {strides = array<i32>} : memref<128x64xf32, #tpu.memory_space<vmem>>, vector<16xf32>,
        tpu.vector_store %arg8[%swap3A, %swap3A_502], %add3A_450 {strides = array<i32>} : memref<128x64xf32, #tpu.memory_space<vmem>>, vector<16xf32>,
        %add3A_504 = arith.constant 0 : i32
        %add3A_505 = arith.addi %mul3A_390, %add3A_504 : i32
        %swap3A_506 = arith.index_cast %add3A_505 : i32 to index
        %swap3A_507 = arith.constant 16 : index
        %swap3A_508 = tpu.vector_load %arg8[%swap3A_506, %swap3A_507] {strides = array<i32>} : memref<128x64xf32, #tpu.memory_space<vmem>>, vector<16xf32>,
        tpu.vector_store %arg8[%swap3A_506, %swap3A_507], %add3A_457 {strides = array<i32>} : memref<128x64xf32, #tpu.memory_space<vmem>>, vector<16xf32>,
        %add3A_509 = arith.constant 0 : i32
        %add3A_510 = arith.addi %mul3A_390, %add3A_509 : i32
        %swap3A_511 = arith.index_cast %add3A_510 : i32 to index
        %swap3A_512 = arith.constant 32 : index
        %swap3A_513 = tpu.vector_load %arg8[%swap3A_511, %swap3A_512] {strides = array<i32>} : memref<128x64xf32, #tpu.memory_space<vmem>>, vector<16xf32>,
        tpu.vector_store %arg8[%swap3A_511, %swap3A_512], %add3A_464 {strides = array<i32>} : memref<128x64xf32, #tpu.memory_space<vmem>>, vector<16xf32>,
        %add3A_514 = arith.constant 0 : i32
        %add3A_515 = arith.addi %mul3A_390, %add3A_514 : i32
        %swap3A_516 = arith.index_cast %add3A_515 : i32 to index
        %swap3A_517 = arith.constant 48 : index
        %swap3A_518 = tpu.vector_load %arg8[%swap3A_516, %swap3A_517] {strides = array<i32>} : memref<128x64xf32, #tpu.memory_space<vmem>>, vector<16xf32>,
        tpu.vector_store %arg8[%swap3A_516, %swap3A_517], %add3A_471 {strides = array<i32>} : memref<128x64xf32, #tpu.memory_space<vmem>>, vector<16xf32>,
        %add3A_519 = arith.constant 1 : i32
        %add3A_520 = arith.addi %mul3A_390, %add3A_519 : i32
        %swap3A_521 = arith.index_cast %add3A_520 : i32 to index
        %swap3A_522 = arith.constant 0 : index
        %swap3A_523 = tpu.vector_load %arg8[%swap3A_521, %swap3A_522] {strides = array<i32>} : memref<128x64xf32, #tpu.memory_space<vmem>>, vector<16xf32>,
        tpu.vector_store %arg8[%swap3A_521, %swap3A_522], %add3A_478 {strides = array<i32>} : memref<128x64xf32, #tpu.memory_space<vmem>>, vector<16xf32>,
        %add3A_524 = arith.constant 1 : i32
        %add3A_525 = arith.addi %mul3A_390, %add3A_524 : i32
        %swap3A_526 = arith.index_cast %add3A_525 : i32 to index
        %swap3A_527 = arith.constant 16 : index
        %swap3A_528 = tpu.vector_load %arg8[%swap3A_526, %swap3A_527] {strides = array<i32>} : memref<128x64xf32, #tpu.memory_space<vmem>>, vector<16xf32>,
        tpu.vector_store %arg8[%swap3A_526, %swap3A_527], %add3A_485 {strides = array<i32>} : memref<128x64xf32, #tpu.memory_space<vmem>>, vector<16xf32>,
        %add3A_529 = arith.constant 1 : i32
        %add3A_530 = arith.addi %mul3A_390, %add3A_529 : i32
        %swap3A_531 = arith.index_cast %add3A_530 : i32 to index
        %swap3A_532 = arith.constant 32 : index
        %swap3A_533 = tpu.vector_load %arg8[%swap3A_531, %swap3A_532] {strides = array<i32>} : memref<128x64xf32, #tpu.memory_space<vmem>>, vector<16xf32>,
        tpu.vector_store %arg8[%swap3A_531, %swap3A_532], %add3A_492 {strides = array<i32>} : memref<128x64xf32, #tpu.memory_space<vmem>>, vector<16xf32>,
        %add3A_534 = arith.constant 1 : i32
        %add3A_535 = arith.addi %mul3A_390, %add3A_534 : i32
        %swap3A_536 = arith.index_cast %add3A_535 : i32 to index
        %swap3A_537 = arith.constant 48 : index
        %swap3A_538 = tpu.vector_load %arg8[%swap3A_536, %swap3A_537] {strides = array<i32>} : memref<128x64xf32, #tpu.memory_space<vmem>>, vector<16xf32>,
        tpu.vector_store %arg8[%swap3A_536, %swap3A_537], %add3A_499 {strides = array<i32>} : memref<128x64xf32, #tpu.memory_space<vmem>>, vector<16xf32>,
        %scan3A_539 = arith.constant 0 : i32
        scf.yield %scan3A_539 : i32
      }
      %scan3A_358 = arith.constant 8 : i32
      %dma_start3A_359 = arith.constant 0 : i32
      %dma_start3A_360 = arith.constant 0 : i32
      %dma_start3A_361 = tpu.memref_slice %arg8[%dma_start3A_359, %dma_start3A_360] : memref<128x64xf32, #tpu.memory_space<vmem>> -> memref<16x64xf32, #tpu.memory_space<vmem>>
      %dma_start3A_362 = arith.constant 9984 : i32
      %dma_start3A_363 = arith.constant 0 : i32
      %dma_start3A_364 = tpu.memref_slice %arg5[%arg0, %dma_start3A_362, %dma_start3A_363] : memref<2x10000x64xf32, #tpu.memory_space<hbm>> -> memref<1x16x64xf32, #tpu.memory_space<hbm>>
      %dma_start3A_365 = tpu.memref_squeeze %dma_start3A_364 : memref<1x16x64xf32, #tpu.memory_space<hbm>> -> memref<16x64xf32, #tpu.memory_space<hbm>>
      %dma_start3A_366 = arith.constant 9984 : i32
      %dma_start3A_367 = arith.constant 0 : i32
      %dma_start3A_368 = tpu.memref_slice %arg5[%arg0, %dma_start3A_366, %dma_start3A_367] : memref<2x10000x64xf32, #tpu.memory_space<hbm>> -> memref<1x16x64xf32, #tpu.memory_space<hbm>>
      %dma_start3A_369 = tpu.memref_squeeze %dma_start3A_368 : memref<1x16x64xf32, #tpu.memory_space<hbm>> -> memref<16x64xf32, #tpu.memory_space<hbm>>
      %dma_start3A_370 = arith.constant 0 : i32
      %dma_start3A_371 = arith.constant 0 : i32
      %dma_start3A_372 = tpu.memref_slice %arg8[%dma_start3A_370, %dma_start3A_371] : memref<128x64xf32, #tpu.memory_space<vmem>> -> memref<16x64xf32, #tpu.memory_space<vmem>>
      tpu.enqueue_dma source(%dma_start3A_372 : memref<16x64xf32, #tpu.memory_space<vmem>>) target(%dma_start3A_369 : memref<16x64xf32, #tpu.memory_space<hbm>>) target_semaphore(%arg15 : memref<!tpu.dma_semaphore, #tpu.memory_space<semaphore_mem>>)
      %dma_wait3A_373 = arith.constant 0 : i32
      %dma_wait3A_374 = arith.constant 0 : i32
      %dma_wait3A_375 = tpu.memref_slice %arg8[%dma_wait3A_373, %dma_wait3A_374] : memref<128x64xf32, #tpu.memory_space<vmem>> -> memref<16x64xf32, #tpu.memory_space<vmem>>
      %dma_wait3A_376 = arith.constant 9984 : i32
      %dma_wait3A_377 = arith.constant 0 : i32
      %dma_wait3A_378 = tpu.memref_slice %arg5[%arg0, %dma_wait3A_376, %dma_wait3A_377] : memref<2x10000x64xf32, #tpu.memory_space<hbm>> -> memref<1x16x64xf32, #tpu.memory_space<hbm>>
      %dma_wait3A_379 = tpu.memref_squeeze %dma_wait3A_378 : memref<1x16x64xf32, #tpu.memory_space<hbm>> -> memref<16x64xf32, #tpu.memory_space<hbm>>
      %dma_wait3A_380 = arith.constant 9984 : i32
      %dma_wait3A_381 = arith.constant 0 : i32
      %dma_wait3A_382 = tpu.memref_slice %arg5[%arg0, %dma_wait3A_380, %dma_wait3A_381] : memref<2x10000x64xf32, #tpu.memory_space<hbm>> -> memref<1x16x64xf32, #tpu.memory_space<hbm>>
      %dma_wait3A_383 = tpu.memref_squeeze %dma_wait3A_382 : memref<1x16x64xf32, #tpu.memory_space<hbm>> -> memref<16x64xf32, #tpu.memory_space<hbm>>
      %dma_wait3A_384 = arith.constant 0 : i32
      %dma_wait3A_385 = arith.constant 0 : i32
      %dma_wait3A_386 = tpu.memref_slice %arg8[%dma_wait3A_384, %dma_wait3A_385] : memref<128x64xf32, #tpu.memory_space<vmem>> -> memref<16x64xf32, #tpu.memory_space<vmem>>
      tpu.wait_dma2 semaphore(%arg15 : memref<!tpu.dma_semaphore, #tpu.memory_space<semaphore_mem>>) src(%dma_wait3A_386 : memref<16x64xf32, #tpu.memory_space<vmem>>) dst(%dma_wait3A_383 : memref<16x64xf32, #tpu.memory_space<hbm>>)
    } else {
    }
    return
  }
}

module attributes {stable_mosaic.version = 14 : i64} {
  func.func @body(%arg0: i32, %arg1: i32, %arg2: memref<1000x128xf32, #tpu.memory_space<vmem>>, %arg3: memref<2x1000x64xf32, #tpu.memory_space<vmem>>, %arg4: memref<128x256xf32, #tpu.memory_space<vmem>>, %arg5: memref<1x256xf32, #tpu.memory_space<vmem>>, %arg6: memref<1x256xf32, #tpu.memory_space<vmem>>, %arg7: memref<1x256xf32, #tpu.memory_space<vmem>>, %arg8: memref<256x128xf32, #tpu.memory_space<vmem>>, %arg9: memref<1x128xf32, #tpu.memory_space<vmem>>, %arg10: memref<1000x128xf32, #tpu.memory_space<vmem>>, %arg11: memref<10000x256xf32, #tpu.memory_space<vmem>>, %arg12: memref<8x256xf32, #tpu.memory_space<vmem>>) attributes {dimension_semantics = [#tpu.dimension_semantics<arbitrary>, #tpu.dimension_semantics<arbitrary>], iteration_bounds = array<i64: 2, 10>, scalar_prefetch = 0 : i64, scratch_operands = 2 : i64, tpu.core_type = #tpu.core_type<tc>, window_params = [{transform_indices = @transform_0, window_bounds = array<i64: 1000, 128>}, {transform_indices = @transform_1, window_bounds = array<i64: 2, 1000, 64>}, {pipeline_mode = #tpu.pipeline_mode<synchronous>, transform_indices = @transform_2, window_bounds = array<i64: 128, 256>}, {pipeline_mode = #tpu.pipeline_mode<synchronous>, transform_indices = @transform_3, window_bounds = array<i64: 1, 256>}, {pipeline_mode = #tpu.pipeline_mode<synchronous>, transform_indices = @transform_4, window_bounds = array<i64: 1, 256>}, {pipeline_mode = #tpu.pipeline_mode<synchronous>, transform_indices = @transform_5, window_bounds = array<i64: 1, 256>}, {pipeline_mode = #tpu.pipeline_mode<synchronous>, transform_indices = @transform_6, window_bounds = array<i64: 256, 128>}, {pipeline_mode = #tpu.pipeline_mode<synchronous>, transform_indices = @transform_7, window_bounds = array<i64: 1, 128>}, {transform_indices = @transform_8, window_bounds = array<i64: 1000, 128>}]} {
    %eq3A = arith.constant 0 : i32
    %eq3A_0 = arith.cmpi eq, %arg0, %eq3A : i32
    %convert_element_type3A = arith.extui %eq3A_0 : i1 to i32
    %cond3A = arith.constant 0 : i32
    %cond3A_1 = arith.cmpi ne, %convert_element_type3A, %cond3A : i32
    scf.if %cond3A_1 {
      %get3A = arith.constant 0 : index
      %get3A_7 = arith.constant 0 : index
      %get3A_8 = arith.constant 0 : index
      %get3A_9 = vector.load %arg3[%get3A, %get3A_7, %get3A_8] : memref<2x1000x64xf32, #tpu.memory_space<vmem>>, vector<1x1000x64xf32>
      %get3A_10 = vector.shape_cast %get3A_9 : vector<1x1000x64xf32> to vector<1000x64xf32>
      %get3A_11 = arith.constant 1 : index
      %get3A_12 = arith.constant 0 : index
      %get3A_13 = arith.constant 0 : index
      %get3A_14 = vector.load %arg3[%get3A_11, %get3A_12, %get3A_13] : memref<2x1000x64xf32, #tpu.memory_space<vmem>>, vector<1x1000x64xf32>
      %get3A_15 = vector.shape_cast %get3A_14 : vector<1x1000x64xf32> to vector<1000x64xf32>
      %concatenate3A = tpu.concatenate %get3A_10, %get3A_15 in 1 : vector<1000x64xf32>, vector<1000x64xf32> -> vector<1000x128xf32>
      %get3A_16 = arith.constant 0 : index
      %get3A_17 = arith.constant 0 : index
      %get3A_18 = vector.load %arg2[%get3A_16, %get3A_17] : memref<1000x128xf32, #tpu.memory_space<vmem>>, vector<1000x128xf32>
      %add3A = arith.addf %get3A_18, %concatenate3A : vector<1000x128xf32>
      %get3A_19 = arith.constant 0 : index
      %get3A_20 = arith.constant 0 : index
      %get3A_21 = vector.load %arg4[%get3A_19, %get3A_20] : memref<128x256xf32, #tpu.memory_space<vmem>>, vector<128x256xf32>
      %dot_general3A = arith.constant dense<0.000000e+00> : vector<1000x256xf32>
      %dot_general3A_22 = tpu.matmul %add3A, %get3A_21, %dot_general3A {dimension_numbers = #tpu.dot_dimension_numbers<[1], [0], [0], [1], [0, 0, 1, 1], [], []>, transpose_lhs_hint = false} : vector<1000x128xf32>, vector<128x256xf32>, vector<1000x256xf32> -> vector<1000x256xf32>
      %get3A_23 = arith.constant 0 : index
      %get3A_24 = arith.constant 0 : index
      %get3A_25 = vector.load %arg5[%get3A_23, %get3A_24] : memref<1x256xf32, #tpu.memory_space<vmem>>, vector<1x256xf32>
      %add3A_26 = vector.broadcast %get3A_25 : vector<1x256xf32> to vector<1000x256xf32>
      %add3A_27 = arith.addf %dot_general3A_22, %add3A_26 : vector<1000x256xf32>
      %mul3A = arith.constant 1000 : i32
      %mul3A_28 = arith.muli %arg1, %mul3A : i32
      %swap3A = arith.index_cast %mul3A_28 : i32 to index
      %swap3A_29 = arith.constant 0 : index
      %swap3A_30 = vector.load %arg11[%swap3A, %swap3A_29] : memref<10000x256xf32, #tpu.memory_space<vmem>>, vector<1000x256xf32>
      tpu.vector_store %arg11[%swap3A, %swap3A_29], %add3A_27 {strides = array<i32>} : memref<10000x256xf32, #tpu.memory_space<vmem>>, vector<1000x256xf32>,
      %eq3A_31 = arith.constant 0 : i32
      %eq3A_32 = arith.cmpi eq, %arg1, %eq3A_31 : i32
      %convert_element_type3A_33 = arith.extui %eq3A_32 : i1 to i32
      %cond3A_34 = arith.constant 0 : i32
      %cond3A_35 = arith.cmpi ne, %convert_element_type3A_33, %cond3A_34 : i32
      scf.if %cond3A_35 {
        %broadcast_in_dim3A_51 = arith.constant 0.000000e+00 : f32
        %broadcast_in_dim3A_52 = vector.broadcast %broadcast_in_dim3A_51 : f32 to vector<8x256xf32>
        %swap3A_53 = arith.constant 0 : index
        %swap3A_54 = arith.constant 0 : index
        %swap3A_55 = vector.load %arg12[%swap3A_53, %swap3A_54] : memref<8x256xf32, #tpu.memory_space<vmem>>, vector<8x256xf32>
        tpu.vector_store %arg12[%swap3A_53, %swap3A_54], %broadcast_in_dim3A_52 {strides = array<i32>} : memref<8x256xf32, #tpu.memory_space<vmem>>, vector<8x256xf32>,
      } else {
      }
      %reduce_sum3A = arith.constant dense<0.000000e+00> : vector<256xf32>
      %reduce_sum3A_36 = vector.multi_reduction <add>, %add3A_27, %reduce_sum3A [0] : vector<1000x256xf32> to vector<256xf32>
      %broadcast_in_dim3A = vector.shape_cast %reduce_sum3A_36 : vector<256xf32> to vector<1x256xf32>
      %mul3A_37 = arith.mulf %add3A_27, %add3A_27 : vector<1000x256xf32>
      %reduce_sum3A_38 = arith.constant dense<0.000000e+00> : vector<256xf32>
      %reduce_sum3A_39 = vector.multi_reduction <add>, %mul3A_37, %reduce_sum3A_38 [0] : vector<1000x256xf32> to vector<256xf32>
      %broadcast_in_dim3A_40 = vector.shape_cast %reduce_sum3A_39 : vector<256xf32> to vector<1x256xf32>
      %broadcast_in_dim3A_41 = arith.constant 0.000000e+00 : f32
      %broadcast_in_dim3A_42 = vector.broadcast %broadcast_in_dim3A_41 : f32 to vector<6x256xf32>
      %concatenate3A_43 = tpu.concatenate %broadcast_in_dim3A, %broadcast_in_dim3A_40, %broadcast_in_dim3A_42 in 0 : vector<1x256xf32>, vector<1x256xf32>, vector<6x256xf32> -> vector<8x256xf32>
      %get3A_44 = arith.constant 0 : index
      %get3A_45 = arith.constant 0 : index
      %get3A_46 = vector.load %arg12[%get3A_44, %get3A_45] : memref<8x256xf32, #tpu.memory_space<vmem>>, vector<8x256xf32>
      %add3A_47 = arith.addf %get3A_46, %concatenate3A_43 : vector<8x256xf32>
      %swap3A_48 = arith.constant 0 : index
      %swap3A_49 = arith.constant 0 : index
      %swap3A_50 = vector.load %arg12[%swap3A_48, %swap3A_49] : memref<8x256xf32, #tpu.memory_space<vmem>>, vector<8x256xf32>
      tpu.vector_store %arg12[%swap3A_48, %swap3A_49], %add3A_47 {strides = array<i32>} : memref<8x256xf32, #tpu.memory_space<vmem>>, vector<8x256xf32>,
    } else {
    }
    %eq3A_2 = arith.constant 1 : i32
    %eq3A_3 = arith.cmpi eq, %arg0, %eq3A_2 : i32
    %convert_element_type3A_4 = arith.extui %eq3A_3 : i1 to i32
    %cond3A_5 = arith.constant 0 : i32
    %cond3A_6 = arith.cmpi ne, %convert_element_type3A_4, %cond3A_5 : i32
    scf.if %cond3A_6 {
      %get3A = arith.constant 0 : index
      %get3A_7 = arith.constant 0 : index
      %get3A_8 = vector.load %arg12[%get3A, %get3A_7] : memref<8x256xf32, #tpu.memory_space<vmem>>, vector<1x256xf32>
      %mul3A = arith.constant 9.99999974E-5 : f32
      %mul3A_9 = vector.broadcast %mul3A : f32 to vector<1x256xf32>
      %mul3A_10 = arith.mulf %get3A_8, %mul3A_9 : vector<1x256xf32>
      %get3A_11 = arith.constant 1 : index
      %get3A_12 = arith.constant 0 : index
      %get3A_13 = vector.load %arg12[%get3A_11, %get3A_12] : memref<8x256xf32, #tpu.memory_space<vmem>>, vector<1x256xf32>
      %mul3A_14 = arith.constant 9.99999974E-5 : f32
      %mul3A_15 = vector.broadcast %mul3A_14 : f32 to vector<1x256xf32>
      %mul3A_16 = arith.mulf %get3A_13, %mul3A_15 : vector<1x256xf32>
      %mul3A_17 = arith.mulf %mul3A_10, %mul3A_10 : vector<1x256xf32>
      %sub3A = arith.subf %mul3A_16, %mul3A_17 : vector<1x256xf32>
      %add3A = arith.constant 9.99999974E-6 : f32
      %add3A_18 = vector.broadcast %add3A : f32 to vector<1x256xf32>
      %add3A_19 = arith.addf %sub3A, %add3A_18 : vector<1x256xf32>
      %rsqrt3A = math.rsqrt %add3A_19 : vector<1x256xf32>
      %get3A_20 = arith.constant 0 : index
      %get3A_21 = arith.constant 0 : index
      %get3A_22 = vector.load %arg6[%get3A_20, %get3A_21] : memref<1x256xf32, #tpu.memory_space<vmem>>, vector<1x256xf32>
      %mul3A_23 = arith.mulf %rsqrt3A, %get3A_22 : vector<1x256xf32>
      %mul3A_24 = arith.constant 1000 : i32
      %mul3A_25 = arith.muli %arg1, %mul3A_24 : i32
      %get3A_26 = arith.index_cast %mul3A_25 : i32 to index
      %get3A_27 = arith.constant 0 : index
      %get3A_28 = vector.load %arg11[%get3A_26, %get3A_27] : memref<10000x256xf32, #tpu.memory_space<vmem>>, vector<1000x256xf32>
      %sub3A_29 = vector.broadcast %mul3A_10 : vector<1x256xf32> to vector<1000x256xf32>
      %sub3A_30 = arith.subf %get3A_28, %sub3A_29 : vector<1000x256xf32>
      %mul3A_31 = vector.broadcast %mul3A_23 : vector<1x256xf32> to vector<1000x256xf32>
      %mul3A_32 = arith.mulf %sub3A_30, %mul3A_31 : vector<1000x256xf32>
      %get3A_33 = arith.constant 0 : index
      %get3A_34 = arith.constant 0 : index
      %get3A_35 = vector.load %arg7[%get3A_33, %get3A_34] : memref<1x256xf32, #tpu.memory_space<vmem>>, vector<1x256xf32>
      %add3A_36 = vector.broadcast %get3A_35 : vector<1x256xf32> to vector<1000x256xf32>
      %add3A_37 = arith.addf %mul3A_32, %add3A_36 : vector<1000x256xf32>
      %max3A = arith.constant 0.000000e+00 : f32
      %max3A_38 = vector.broadcast %max3A : f32 to vector<1000x256xf32>
      %max3A_39 = arith.maximumf %add3A_37, %max3A_38 : vector<1000x256xf32>
      %get3A_40 = arith.constant 0 : index
      %get3A_41 = arith.constant 0 : index
      %get3A_42 = vector.load %arg8[%get3A_40, %get3A_41] : memref<256x128xf32, #tpu.memory_space<vmem>>, vector<256x128xf32>
      %dot_general3A = arith.constant dense<0.000000e+00> : vector<1000x128xf32>
      %dot_general3A_43 = tpu.matmul %max3A_39, %get3A_42, %dot_general3A {dimension_numbers = #tpu.dot_dimension_numbers<[1], [0], [0], [1], [0, 0, 1, 1], [], []>, transpose_lhs_hint = false} : vector<1000x256xf32>, vector<256x128xf32>, vector<1000x128xf32> -> vector<1000x128xf32>
      %get3A_44 = arith.constant 0 : index
      %get3A_45 = arith.constant 0 : index
      %get3A_46 = vector.load %arg9[%get3A_44, %get3A_45] : memref<1x128xf32, #tpu.memory_space<vmem>>, vector<1x128xf32>
      %add3A_47 = vector.broadcast %get3A_46 : vector<1x128xf32> to vector<1000x128xf32>
      %add3A_48 = arith.addf %dot_general3A_43, %add3A_47 : vector<1000x128xf32>
      %swap3A = arith.constant 0 : index
      %swap3A_49 = arith.constant 0 : index
      %swap3A_50 = vector.load %arg10[%swap3A, %swap3A_49] : memref<1000x128xf32, #tpu.memory_space<vmem>>, vector<1000x128xf32>
      tpu.vector_store %arg10[%swap3A, %swap3A_49], %add3A_48 {strides = array<i32>} : memref<1000x128xf32, #tpu.memory_space<vmem>>, vector<1000x128xf32>,
    } else {
    }
    return
  }
  func.func @transform_0(%arg0: i32, %arg1: i32) -> (i32, i32) {
    %c0_i32 = arith.constant 0 : i32
    %c0_i32_0 = arith.constant 0 : i32
    return %arg1, %c0_i32 : i32, i32
  }
  func.func @transform_1(%arg0: i32, %arg1: i32) -> (i32, i32, i32) {
    %c0_i32 = arith.constant 0 : i32
    %c0_i32_0 = arith.constant 0 : i32
    %c0_i32_1 = arith.constant 0 : i32
    return %c0_i32, %arg1, %c0_i32_0 : i32, i32, i32
  }
  func.func @transform_2(%arg0: i32, %arg1: i32) -> (i32, i32) {
    %c0_i32 = arith.constant 0 : i32
    %c0_i32_0 = arith.constant 0 : i32
    %c0_i32_1 = arith.constant 0 : i32
    return %c0_i32, %c0_i32_0 : i32, i32
  }
  func.func @transform_3(%arg0: i32, %arg1: i32) -> (i32, i32) {
    %c0_i32 = arith.constant 0 : i32
    %c0_i32_0 = arith.constant 0 : i32
    %c0_i32_1 = arith.constant 0 : i32
    return %c0_i32, %c0_i32_0 : i32, i32
  }
  func.func @transform_4(%arg0: i32, %arg1: i32) -> (i32, i32) {
    %c0_i32 = arith.constant 0 : i32
    %c0_i32_0 = arith.constant 0 : i32
    %c0_i32_1 = arith.constant 0 : i32
    return %c0_i32, %c0_i32_0 : i32, i32
  }
  func.func @transform_5(%arg0: i32, %arg1: i32) -> (i32, i32) {
    %c0_i32 = arith.constant 0 : i32
    %c0_i32_0 = arith.constant 0 : i32
    %c0_i32_1 = arith.constant 0 : i32
    return %c0_i32, %c0_i32_0 : i32, i32
  }
  func.func @transform_6(%arg0: i32, %arg1: i32) -> (i32, i32) {
    %c0_i32 = arith.constant 0 : i32
    %c0_i32_0 = arith.constant 0 : i32
    %c0_i32_1 = arith.constant 0 : i32
    return %c0_i32, %c0_i32_0 : i32, i32
  }
  func.func @transform_7(%arg0: i32, %arg1: i32) -> (i32, i32) {
    %c0_i32 = arith.constant 0 : i32
    %c0_i32_0 = arith.constant 0 : i32
    %c0_i32_1 = arith.constant 0 : i32
    return %c0_i32, %c0_i32_0 : i32, i32
  }
  func.func @transform_8(%arg0: i32, %arg1: i32) -> (i32, i32) {
    %c0_i32 = arith.constant 0 : i32
    %c0_i32_0 = arith.constant 0 : i32
    return %arg1, %c0_i32 : i32, i32
  }
}

</mosaic_0001>

<sc_bundles>
// kernel: kernel.4.cloned.1.call-start
scs
__scs_entry_jumppad:
0x0: {  	(pc) =	sbr.rel $0x88, $3  }
0x1: {  	(tag) =	ssettag $0x0;
	lr =	simm.s32 $0x1  }
0x2: {  	[smem:$0x3F99] =	sst lr;
	_ =	strace $0xD0000000  }
0x3: {  	_ = 	snop  }
0x4: {  	_ = 	snop  }
0x5: {  	_ = 	snop  }
0x6: {  	_ = 	snop  }
0x7: {  	_ = 	snop  }
__scs_overlays_trampoline_lowered:
0x8: {  	[smem:$0x3FA8] =	sst s0  }
0x9: {  	[smem:$0x3FA9] =	sst s1  }
0xa: {  	[smem:$0x3FAA] =	sst s2  }
0xb: {  	[smem:$0x3FAB] =	sst s3  }
0xc: {  	[smem:$0x3FAC] =	sst s4  }
0xd: {  	[smem:$0x3FAD] =	sst s5  }
0xe: {  	[smem:$0x3FAE] =	sst s6  }
0xf: {  	[smem:$0x3FAF] =	sst s7  }
0x10: {  	[smem:$0x3FB0] =	sst s8  }
0x11: {  	[smem:$0x3FB1] =	sst s9;
	s0 =	simm.s32 @!p0 $0x0  }
0x12: {  	s1 =	sld [smem:$0x3F97];
	s0 =	simm.s32 @p0 $0x1  }
0x13: {  	[smem:$0x3FB2] =	sst s0;
	s0 =	simm.s32 @!p1 $0x0  }
0x14: {  	s2 =	sld [smem:$0x3F96];
	s0 =	simm.s32 @p1 $0x1  }
0x15: {  	[smem:$0x3FB3] =	sst s0;
	s0 =	simm.s32 @!p2 $0x0  }
0x16: {  	s3 =	sld [smem:$0x3FDB];
	s0 =	simm.s32 @p2 $0x1  }
0x17: {  	s4 =	simm.s32 $0x1BF5;
	[smem:$0x3FB5] =	sst s0  }
0x18: {  	s0 =	sld [smem:$0x3F98];
	_ =	swait.ge [sflag:s4], $0x0  }
0x19: {  	s7 =	sld [smem:$0x3F99]  }
0x1a: {  	s8 =	sadd.s32 $0xFFFFE003, lr  }
0x1b: {  	s9 =	sadd.s32 $0xFFFFFEF7, lr;
	s5 =	simm.s32 $0xFFFFFFFF;
	p2 =	slt.u32 s8, $0xFFFFF086  }
0x1c: {  	p1 =	slt.u32 s9, $0xF7A;
	s5 =	simm.s32 @!p2 $0x0  }
0x1d: {  	s5 =	simm.s32 @p1 $0x1;
	p0 =	seq.s32 s7, s2  }
0x1e: {  	s7 =	smul.u32 @!p0 $0xF7A, s2;
	p2 =	seq.s32 @!p0 s5, $0x0  }
0x1f: {  	s9 =	smul.u32 $0xF7A, s1;
	s8 =	simm.s32 @!p0 $0x1BF5;
	p2 =	por !p2, p0  }
0x20: {  	[sflag:s8] =	ssyncset.s32 @!p0 $0xFFFFF086;
	s6 =	sadd.s32 @!p0 s3, s7;
	s7 =	simm.s32 @!p0 $0x108  }
0x21: {  	s3 =	sadd.s32 s3, s9;
	s6 =	sadd.s32 @!p0 $0x88, s6;
	s7 =	simm.s32 @p2 $0x1082  }
0x22: {  	[simem:s7], [sflag:s8] =	dma.local @!p0 [hbm:s6], $0xF7A  }
0x23: {  	s9 =	sor.u32 $0xD0000000, s2;
	s6 =	simm.s32 $0x108;
	_ =	swait.ge @!p0 [sflag:s8], $0x0  }
0x24: {  	s3 =	sadd.s32 $0x88, s3;
	s6 =	simm.s32 @!p1 $0x1082;
	[sflag:s4] =	ssyncset.s32 $0xFFFFF086  }
0x25: {  	[simem:s6], [sflag:s4] =	dma.local [hbm:s3], $0xF7A  }
0x26: {  	[smem:$0x3F99] =	sst s1;
	(tag) =	ssettag s2;
	_ =	strace s9  }
0x27: {  	s1 =	sld [smem:$0x3FA9]  }
0x28: {  	s2 =	sld [smem:$0x3FAA]  }
0x29: {  	s4 =	sld [smem:$0x3FAC]  }
0x2a: {  	p0 =	seq.s32 s5, $0x0;
	s5 =	sld [smem:$0x3FAD]  }
0x2b: {  	s6 =	sld [smem:$0x3FAE]  }
0x2c: {  	s7 =	sld [smem:$0x3FAF]  }
0x2d: {  	s3 =	simm.s32 $0x108;
	s8 =	sld [smem:$0x3FB0]  }
0x2e: {  	s3 =	simm.s32 @!p0 $0x1082;
	s9 =	sld [smem:$0x3FB1]  }
0x2f: {  	lr =	sadd.s32 s0, s3;
	s0 =	sld [smem:$0x3FA8]  }
0x30: {  	s3 =	sld [smem:$0x3FAB]  }
0x31: {  	[smem:$0x3FB4] =	sst s10  }
0x32: {  	s10 =	sld [smem:$0x3FB2];
	_ =	sdelay $0x3  }
0x33: {  	p0 =	seq.s32 s10, $0x1;
	s10 =	sld [smem:$0x3FB4];
	_ =	sdelay $0x3  }
0x34: {  	[smem:$0x3FB4] =	sst s10  }
0x35: {  	s10 =	sld [smem:$0x3FB3];
	_ =	sdelay $0x3  }
0x36: {  	p1 =	seq.s32 s10, $0x1;
	s10 =	sld [smem:$0x3FB4];
	_ =	sdelay $0x3  }
0x37: {  	[smem:$0x3FB4] =	sst s10  }
0x38: {  	s10 =	sld [smem:$0x3FB5]  }
0x39: {  	_ = 	snop;
	(pc) =	sbr.ind lr, $3  }
0x3a: {  	_ = 	snop  }
0x3b: {  	_ = 	snop  }
0x3c: {  	p2 =	seq.s32 s10, $0x1;
	s10 =	sld [smem:$0x3FB4]  }
0x3d: {  	_ =	shalt  }
0x3e: {  	_ =	shalt  }
0x3f: {  	_ =	shalt  }
0x40: {  	_ =	shalt  }
0x41: {  	_ =	shalt  }
0x42: {  	_ =	shalt  }
0x43: {  	_ =	shalt  }
0x44: {  	_ =	shalt  }
0x45: {  	_ =	shalt  }
0x46: {  	_ =	shalt  }
0x47: {  	_ =	shalt  }
0x48: {  	_ =	shalt  }
0x49: {  	_ =	shalt  }
0x4a: {  	_ =	shalt  }
0x4b: {  	_ =	shalt  }
0x4c: {  	_ =	shalt  }
0x4d: {  	_ =	shalt  }
0x4e: {  	_ =	shalt  }
0x4f: {  	_ =	shalt  }
0x50: {  	_ =	shalt  }
0x51: {  	_ =	shalt  }
0x52: {  	_ =	shalt  }
0x53: {  	_ =	shalt  }
0x54: {  	_ =	shalt  }
0x55: {  	_ =	shalt  }
0x56: {  	_ =	shalt  }
0x57: {  	_ =	shalt  }
0x58: {  	_ =	shalt  }
0x59: {  	_ =	shalt  }
0x5a: {  	_ =	shalt  }
0x5b: {  	_ =	shalt  }
0x5c: {  	_ =	shalt  }
0x5d: {  	_ =	shalt  }
0x5e: {  	_ =	shalt  }
0x5f: {  	_ =	shalt  }
0x60: {  	_ =	shalt  }
0x61: {  	_ =	shalt  }
0x62: {  	_ =	shalt  }
0x63: {  	_ =	shalt  }
0x64: {  	_ =	shalt  }
0x65: {  	_ =	shalt  }
0x66: {  	_ =	shalt  }
0x67: {  	_ =	shalt  }
0x68: {  	_ =	shalt  }
0x69: {  	_ =	shalt  }
0x6a: {  	_ =	shalt  }
0x6b: {  	_ =	shalt  }
0x6c: {  	_ =	shalt  }
0x6d: {  	_ =	shalt  }
0x6e: {  	_ =	shalt  }
0x6f: {  	_ =	shalt  }
0x70: {  	_ =	shalt  }
0x71: {  	_ =	shalt  }
0x72: {  	_ =	shalt  }
0x73: {  	_ =	shalt  }
0x74: {  	_ =	shalt  }
0x75: {  	_ =	shalt  }
0x76: {  	_ =	shalt  }
0x77: {  	_ =	shalt  }
0x78: {  	_ =	shalt  }
0x79: {  	_ =	shalt  }
0x7a: {  	_ =	shalt  }
0x7b: {  	_ =	shalt  }
0x7c: {  	_ =	shalt  }
0x7d: {  	_ =	shalt  }
0x7e: {  	_ =	shalt  }
0x7f: {  	_ =	shalt  }
0x80: {  	_ =	shalt  }
0x81: {  	_ =	shalt  }
0x82: {  	_ =	shalt  }
0x83: {  	_ =	shalt  }
0x84: {  	_ =	shalt  }
0x85: {  	_ =	shalt  }
0x86: {  	_ =	shalt  }
0x87: {  	_ =	shalt  }
.Lfunc_end0:
.L_simem_size_0:
called_computation_lowered:
.L_overlay_start_0:
0x88: {  	s2 =	sld [smem:$0x3FD9]  }
0x89: {  	s3 =	sld [smem:$0x3FFE];
	_ =	sdelay $0x1  }
0x8a: {  	s1 =	srdreg.scid  }
0x8b: {  	s0 =	sand.u32 $0x1, s1  }
0x8c: {  	s17 =	sshll.u32 s0, $0xA;
	s2 =	sadd.s32 s3, s2  }
0x8d: {  	s2 =	sadd.s32 s2, s17  }
0x8e: {  	[smem:$0x3FC0] =	sst s2  }
0x8f: {  	_ = 	snop  }
0x90: {  	s2 =	sld [smem:$0x3FC9]  }
0x91: {  	s18 =	sld [smem:$0x3FD0];
	(tm) =	ssettm $0x1  }
0x92: {  	s4 =	sld [smem:$0x3FFB];
	_ =	sdelay $0x3  }
0x93: {  	_ =	strace s4  }
0x94: {  	s4 =	sld [smem:$0x3FFC];
	_ =	sdelay $0x3  }
0x95: {  	_ =	strace s4  }
0x96: {  	s4 =	sld [smem:$0x3FFD];
	_ =	sdelay $0x3  }
0x97: {  	_ =	strace s4  }
0x98: {  	_ =	strace $0x8FFFFFFF  }
0x99: {  	s19 =	sld [smem:$0x3FDB];
	_ =	sdelay $0x1  }
0x9a: {  	s5 =	simm.s32 $_scs_section_size  }
0x9b: {  	s6 =	simm.s32 $_size__tile_overlayer_lowered;
	s7 =	simm.s32 $_tile_overlayer_lowered  }
0x9c: {  	s22 =	simm.s32 $0x1BFF;
	s21 =	sshll.u32 s7, $0x1;
	s4 =	sadd.s32 s5, s19  }
0x9d: {  	s8 =	simm.s32 $0x0;
	s20 =	sshll.u32 s6, $0x1;
	s6 =	sadd.s32 s21, s4  }
0x9e: {  	[timem:s8], [sflag:s22] =	dma.local [hbm:s6], s20  }
0x9f: {  	_ =	swait.ge [sflag:s22], s20  }
0xa0: {  	s5 =	ssub.s32 $0x0, s20;
	[sflag:s22] =	ssyncset.done $0x0  }
0xa1: {  	[sflag:s22] =	ssyncadd.s32 s5;
	_ =	sdelay $0x1  }
0xa2: {  	s23 =	simm.s32 $0x1B8B  }
0xa3: {  	_ =	swait.ge [sflag:s23], $0x1  }
0xa4: {  	[sflag:s23] =	ssyncset.done $0x0  }
0xa5: {  	s25 =	simm.s32 $0x1B8E;
	s24 =	sld [smem:$0x3FFE];
	[sflag:s23] =	ssyncadd.s32 $0xFFFFFFFF  }
0xa6: {  	s26 =	simm.s32 $execute0_lowered;
	[smem:$0x3FD2] =	sst s25  }
0xa7: {  	s6 =	sshll.u32 s26, $0x1;
	_ =	strace $0x80000046;
	[dreg:$0x1] =	wrdreg $0xFFFFFFFF  }
0xa8: {  	s28 =	simm.s32 $_size_execute0_lowered;
	s4 =	sadd.s32 s4, s6;
	[dreg:$0x0] =	wrdreg $0x0  }
0xa9: {  	s6 =	sshll.u32 s28, $0x1;
	[dreg:$0x2] =	wrdreg s4  }
0xaa: {  	[dreg:$0x3] =	wrdreg s6  }
0xab: {  	[dreg:$0x4] =	wrdreg $0xC0  }
0xac: {  	_ =	task [dreg:s8], $0x5FFFF  }
0xad: {  	[dreg:$0x1] =	wrdreg $0xFFFFFFFF  }
0xae: {  	[dreg:$0x0] =	wrdreg $0x60  }
0xaf: {  	[dreg:$0x2] =	wrdreg s2  }
0xb0: {  	[dreg:$0x3] =	wrdreg s24  }
0xb1: {  	[dreg:$0x4] =	wrdreg s18  }
0xb2: {  	[dreg:$0x5] =	wrdreg $0x11E000  }
0xb3: {  	[dreg:$0x6] =	wrdreg $0x9  }
0xb4: {  	_ =	task.clear_ibuf [dreg:s8], $0x7FFFF;
	_ =	strace $0x90000046  }
0xb5: {  	s29 =	simm.s32 $0x9;
	_ =	strace $0x80000048  }
0xb6: {  	_ =	swait.ge [sflag:s29], $0x1  }
0xb7: {  	[sflag:s29] =	ssyncadd.s32 $0xFFFFFFFF  }
0xb8: {  	_ =	strace $0x90000048  }
0xb9: {  	_ =	sfence  }
0xba: {  	s30 =	sld [smem:$0x0];
	_ =	sdelay $0x2  }
0xbb: {  	s31 =	sshll.u32 s1, $0xD;
	s1 =	sshrl.u32 s1, $0x2  }
0xbc: {  	s3 =	sand.u32 $0x4000, s31;
	s1 =	sadd.s32 s1, s30  }
0xbd: {  	s0 =	sor.u32 s3, s0;
	s1 =	sshll.u32 s1, $0x11  }
0xbe: {  	s0 =	sor.u32 s1, s0  }
0xbf: {  	s0 =	sadd.s32 $0x8F2B, s0  }
0xc0: {  	[sflag:s0] =	ssyncadd.remote.s32 $0x1  }
0xc1: {  	_ =	sfence.sel $0xFFFF  }
0xc2: {  	[dreg:$0x0] =	wrdreg $0xFFFFFFFF;
	(pc) =	sbr.abs _section_cstart, $3  }
0xc3: {  	[dreg:$0x1] =	wrdreg $0xFFFFFFFF  }
0xc4: {  	_ =	task.clear_ibuf [dreg:s8], $0x2FFFF;
	_ =	strace $0x9FFFFFFF  }
0xc5: {  	(tm) =	ssettm $0x7FFFFFFF  }
tec
execute0_lowered:
.L_overlay_start_1:
0x0: {  	(tag) =	ssettag $0x1  }
0x1: {  	s2 =	rddreg [dreg:$0x0]  }
0x2: {  	s0 =	rddreg [dreg:$0x1]  }
0x3: {  	s1 =	rddreg [dreg:$0x2]  }
0x4: {  	s3 =	rddreg [dreg:$0x3]  }
0x5: {  	s20 =	stileid.u32;
	s4 =	srdreg.scid;
	s8 =	simm.s32 $0x0  }
0x6: {  	s28 =	simm.s32 $0x3;
	s29 =	simm.s32 $0xFE00;
	s5 =	smul.u32 $0x9E0, s20  }
0x7: {  	s30 =	simm.s32 $0x1;
	s31 =	simm.s32 $0x0;
	s7 =	smul.u32 $0x27000, s20  }
0x8: {  	s4 =	sand.u32 $0x1, s4;
	[smem:$0x7FF] =	sst s8;
	s11 =	smul.u32 $0x9C00, s20  }
0x9: {  	s10 =	sadd.s32 $0x9C000, s3;
	p0 =	sne.s32 s20, $0xF;
	s20 =	simm.s32 $0xDE00  }
0xa: {  	s6 =	ssub.s32 $0x2, s4;
	_ =	strace $0x80000047;
	s19 =	smul.u32 $0x9C400, s4  }
0xb: {  	s23 =	sshrl.u32 s6, $0x1;
	s0 =	sadd.s32 s5, s0;
	s24 =	sshrl.u32 s7, $0x2  }
0xc: {  	s13 =	sadd.s32 $0x2000, s11;
	s14 =	sadd.s32 $0x4000, s11;
	s16 =	sadd.s32 $0x6000, s11  }
0xd: {  	s17 =	sadd.s32 $0x8000, s11;
	s18 =	ssub.s32 s6, s23;
	s5 =	sadd.s32 s24, s3  }
0xe: {  	s6 =	sadd.s32 s13, s3;
	s7 =	sadd.s32 s14, s3;
	s8 =	sadd.s32 s16, s3  }
0xf: {  	s9 =	sadd.s32 s17, s3;
	s12 =	sadd.s32 $0xAE00, s0;
	s25 =	sadd.s32 s11, s19  }
0x10: {  	s26 =	sadd.s32 s19, s13;
	s14 =	sadd.s32 s19, s14;
	s21 =	sadd.s32 s19, s16  }
0x11: {  	s22 =	sadd.s32 s19, s17;
	s23 =	sshrl.u32 s19, $0x3;
	[dreg:$0x5] =	wrdreg s12  }
0x12: {  	s12 =	sadd.s32 $0x1000, s0;
	s0 =	sshrl.u32 s25, $0x3;
	s11 =	sshrl.u32 s26, $0x3  }
0x13: {  	s15 =	sshrl.u32 s14, $0x3;
	s24 =	sshrl.u32 s22, $0x3;
	s25 =	sadd.s32 s1, s23  }
.Ltmp0:
0x14: {  	s19 =	smax.u32 s18, $0x1;
	s23 =	simm.s32 $0x80;
	(pc) =	sbr.rel .LBB2_1-.Ltmp0, $4  }
0x15: {  	s13 =	sadd.s32 s1, s0;
	s14 =	sadd.s32 s1, s11;
	s15 =	sadd.s32 s1, s15  }
0x16: {  	s0 =	sshrl.u32 s21, $0x3;
	s17 =	sadd.s32 s1, s24;
	s26 =	sadd.s32 $0x13800, s25  }
0x17: {  	s21 =	simm.s32 $0x4;
	s24 =	simm.s32 $0x9E00;
	s25 =	simm.s32 $0xBE00  }
0x18: {  	v1 =	vimm.bf16 $0.0e+00;
	v0 =	vmov s4;
	s16 =	sadd.s32 s1, s0;
	[dreg:$0x6] =	wrdreg s26;
	s26 =	simm.s32 $0x2  }
.LBB2_28:
0x19: {  	s31 =	sadd.s32 $0x1, s31  }
0x1a: {  	p1 =	sne.s32 s31, s19  }
.Ltmp1:
0x1b: {  	_ = 	snop;
	(pc) =	sbr.rel @!p1 .LBB2_29-.Ltmp1, $1  }
0x1c: {  	_ =	sdelay $0x3  }
.LBB2_1:
0x1d: {  	s1 =	simm.s32 $0x100;
	s0 =	simm.s32 $0x0  }
.LBB2_2:
0x1e: {  	p1 =	sne.s32 s1, $0x7F00;
	[tilespmem:s0+$0xDE30] =	vst v1;
	s4 =	smov.u32 s1;
	s1 =	sadd.s32 $0x100, s1  }
.Ltmp2:
0x1f: {  	[tilespmem:s0+$0xDE20] =	vst v1;
	(pc) =	sbr.rel @p1 .LBB2_2-.Ltmp2, $3  }
0x20: {  	[tilespmem:s0+$0xDE00] =	vst v1  }
0x21: {  	[tilespmem:s0+$0xDE10] =	vst v1;
	_ =	sdelay $0x1  }
0x22: {  	s0 =	sshra.s32 s4, $0x2  }
0x23: {  	[tilespmem:s0+$0xDE30] =	vst v1  }
0x24: {  	[tilespmem:s0+$0xDE20] =	vst v1  }
0x25: {  	[tilespmem:s0+$0xDE00] =	vst v1  }
0x26: {  	[tilespmem:s0+$0xDE10] =	vst v1  }
0x27: {  	[spmem:s5] =	stream.linear.scatter [tilespmem:s20], [sflag:$0x4], $0x2000, $0x38;
	[tilespmem:$0x1BA80] =	vst v63  }
0x28: {  	_ =	swait.ge [sflag:s21], $0x2000  }
0x29: {  	[sflag:s21] =	ssyncset.done $0x0  }
0x2a: {  	[sflag:s21] =	ssyncadd.s32 $0xFFFFE000  }
0x2b: {  	[spmem:s6] =	stream.linear.scatter [tilespmem:s20], [sflag:$0x4], $0x2000, $0x38;
	[tilespmem:$0x1BA80] =	vst v63  }
0x2c: {  	_ =	swait.ge [sflag:s21], $0x2000  }
0x2d: {  	[sflag:s21] =	ssyncset.done $0x0  }
0x2e: {  	[sflag:s21] =	ssyncadd.s32 $0xFFFFE000  }
0x2f: {  	[spmem:s7] =	stream.linear.scatter [tilespmem:s20], [sflag:$0x4], $0x2000, $0x38;
	[tilespmem:$0x1BA80] =	vst v63  }
0x30: {  	_ =	swait.ge [sflag:s21], $0x2000  }
0x31: {  	[sflag:s21] =	ssyncset.done $0x0  }
0x32: {  	[sflag:s21] =	ssyncadd.s32 $0xFFFFE000  }
0x33: {  	[spmem:s8] =	stream.linear.scatter [tilespmem:s20], [sflag:$0x4], $0x2000, $0x38;
	[tilespmem:$0x1BA80] =	vst v63  }
0x34: {  	_ =	swait.ge [sflag:s21], $0x2000  }
0x35: {  	[sflag:s21] =	ssyncset.done $0x0  }
0x36: {  	[sflag:s21] =	ssyncadd.s32 $0xFFFFE000  }
0x37: {  	[spmem:s9] =	stream.linear.scatter [tilespmem:s20], [sflag:$0x4], $0x1C00, $0x38;
	[tilespmem:$0x1BA80] =	vst v63  }
0x38: {  	_ =	swait.ge [sflag:s21], $0x1C00  }
0x39: {  	[sflag:s21] =	ssyncset.done $0x0  }
0x3a: {  	s0 =	simm.s32 @!p0 $0xDE00;
	[sflag:s21] =	ssyncadd.s32 $0xFFFFE400  }
0x3b: {  	[spmem:s10] =	stream.linear.scatter @!p0 [tilespmem:s0], [sflag:$0x4], $0x800, $0x38;
	[tilespmem:$0x1BA80] =	vst v63  }
0x3c: {  	s0 =	simm.s32 @!p0 $0x4  }
0x3d: {  	_ =	swait.ge @!p0 [sflag:s0], $0x800  }
0x3e: {  	[sflag:s0] =	ssyncset.done @!p0 $0x0  }
0x3f: {  	[sflag:s0] =	ssyncadd.s32 @!p0 $0xFFFFF800  }
0x40: {  	[bflag:$0x0] =	sbarrier.arrive $0xFFFF  }
0x41: {  	s18 =	simm.s32 $0x0;
	s1 =	rddreg [dreg:$0x5]  }
0x42: {  	[tilespmem:s18], [sflag:$0x4] =	stream.linear.gather [hbm4b:s1+s18], $0x4F00, $0x38;
	[tilespmem:$0x1BA80] =	vst v63  }
0x43: {  	_ =	swait.ge [sflag:s21], $0x4F00  }
0x44: {  	[sflag:s21] =	ssyncset.done $0x0  }
0x45: {  	s22 =	simm.s32 $0x4F00;
	[sflag:s21] =	ssyncadd.s32 $0xFFFFB100  }
0x46: {  	[tilespmem:s22], [sflag:$0x4] =	stream.linear.gather [hbm4b:s12+s18], $0x4F00, $0x38;
	[tilespmem:$0x1BA80] =	vst v63  }
0x47: {  	_ =	swait.ge [sflag:s21], $0x4F00  }
0x48: {  	[sflag:s21] =	ssyncset.done $0x0  }
0x49: {  	s0 =	simm.s32 $0x0;
	[sflag:s21] =	ssyncadd.s32 $0xFFFFB100  }
0x4a: {  	v2 =	vld [tilespmem:s0+$0x0]  }
0x4b: {  	v8 =	vld [tilespmem:s0+$0x10]  }
0x4c: {  	v6 =	vld [tilespmem:s0+$0x20]  }
0x4d: {  	v5 =	vld [tilespmem:s0+$0x30]  }
0x4e: {  	v4 =	vld [tilespmem:s0+$0x40]  }
0x4f: {  	v3 =	vld [tilespmem:s0+$0x50];
	v7 =	vshll.u32 v2, $0x1  }
0x50: {  	s1 =	simm.s32 $0x200;
	v2 =	vld [tilespmem:s0+$0x60];
	v8 =	vshll.u32 v8, $0x1;
	v7 =	vor.u32 v0, v7  }
.LBB2_4:
0x51: {  	s4 =	sshra.s32 s1, $0x2;
	p1 =	sne.s32 s1, $0x13A00;
	v9 =	vld [tilespmem:s0+$0x70];
	v8 =	vor.u32 v0, v8;
	v6 =	vshll.u32 v6, $0x1;
	[tilespmem:s0+$0x0] =	vst v7  }
0x52: {  	v7 =	vld [tilespmem:s4+$0x0];
	v6 =	vor.u32 v0, v6;
	v5 =	vshll.u32 v5, $0x1;
	[tilespmem:s0+$0x10] =	vst v8  }
0x53: {  	v8 =	vld [tilespmem:s4+$0x10];
	v5 =	vor.u32 v0, v5;
	v4 =	vshll.u32 v4, $0x1;
	[tilespmem:s0+$0x20] =	vst v6  }
.Ltmp3:
0x54: {  	v6 =	vld [tilespmem:s4+$0x20];
	v4 =	vor.u32 v0, v4;
	v3 =	vshll.u32 v3, $0x1;
	[tilespmem:s0+$0x30] =	vst v5;
	(pc) =	sbr.rel @p1 .LBB2_4-.Ltmp3, $4  }
0x55: {  	v5 =	vld [tilespmem:s4+$0x30];
	v3 =	vor.u32 v0, v3;
	v2 =	vshll.u32 v2, $0x1;
	[tilespmem:s0+$0x40] =	vst v4  }
0x56: {  	v4 =	vld [tilespmem:s4+$0x40];
	v2 =	vor.u32 v0, v2;
	v9 =	vshll.u32 v9, $0x1;
	[tilespmem:s0+$0x50] =	vst v3  }
0x57: {  	v3 =	vld [tilespmem:s4+$0x50];
	v7 =	vshll.u32 v7, $0x1;
	v9 =	vor.u32 v0, v9;
	[tilespmem:s0+$0x60] =	vst v2  }
0x58: {  	s1 =	sadd.s32 $0x200, s1;
	v2 =	vld [tilespmem:s4+$0x60];
	v7 =	vor.u32 v0, v7;
	v8 =	vshll.u32 v8, $0x1;
	[tilespmem:s0+$0x70] =	vst v9;
	s0 =	smov.u32 s4  }
0x59: {  	v9 =	vld [tilespmem:s0+$0x70];
	v8 =	vor.u32 v0, v8;
	v6 =	vshll.u32 v6, $0x1;
	[tilespmem:s0+$0x0] =	vst v7  }
0x5a: {  	v6 =	vor.u32 v0, v6;
	v5 =	vshll.u32 v5, $0x1;
	[tilespmem:s0+$0x10] =	vst v8  }
0x5b: {  	v5 =	vor.u32 v0, v5;
	v4 =	vshll.u32 v4, $0x1;
	[tilespmem:s0+$0x20] =	vst v6  }
0x5c: {  	v4 =	vor.u32 v0, v4;
	v3 =	vshll.u32 v3, $0x1;
	[tilespmem:s0+$0x30] =	vst v5  }
0x5d: {  	v3 =	vor.u32 v0, v3;
	v2 =	vshll.u32 v2, $0x1;
	[tilespmem:s0+$0x40] =	vst v4  }
0x5e: {  	v2 =	vor.u32 v0, v2;
	v63 =	vshll.u32 v9, $0x1;
	[tilespmem:s0+$0x50] =	vst v3  }
0x5f: {  	v3 =	vor.u32 v0, v63;
	[tilespmem:s0+$0x60] =	vst v2  }
0x60: {  	[tilespmem:s0+$0x70] =	vst v3;
	s0 =	simm.s32 $0x0  }
0x61: {  	[tilespmem:s24], [sflag:$0x2] =	stream.indirect.gather [hbm4b:s2+s23], $0x40, s0, s23, $0xb8;
	[tilespmem:$0x1BA80] =	vst v63  }
0x62: {  	_ = 	snop  }
0x63: {  	[tilespmem:s25], [sflag:$0x2] =	stream.indirect.gather [hbm4b:s2+s23], $0x40, s23, s23, $0xb8;
	[tilespmem:$0x1BA80] =	vst v63  }
.LBB2_6:
0x64: {  	_ =	swait.ge [sflag:s26], $0x2000  }
0x65: {  	[sflag:s26] =	ssyncset.done $0x0  }
0x66: {  	s1 =	simm.s32 $0x0;
	[sflag:s26] =	ssyncadd.s32 $0xFFFFE000  }
0x67: {  	v2 =	vld [tilespmem:s1+$0x9FF0]  }
0x68: {  	v3 =	vld [tilespmem:s1+$0x9E00]  }
0x69: {  	v4 =	vld [tilespmem:s1+$0x9E10]  }
0x6a: {  	v5 =	vld [tilespmem:s1+$0x9E20]  }
0x6b: {  	v7 =	vld [tilespmem:s1+$0x9E30]  }
0x6c: {  	v8 =	vld [tilespmem:s1+$0x9E40]  }
0x6d: {  	v10 =	vld [tilespmem:s1+$0x9E50]  }
0x6e: {  	v11 =	vld [tilespmem:s1+$0x9E60];
	v9 =	vmax.f32 v2, $0.0e+00  }
0x6f: {  	v17 =	vld [tilespmem:s1+$0x9E70];
	v2 =	vmax.f32 v3, $0.0e+00;
	v6 =	vmax.f32 v4, $0.0e+00;
	v12 =	vmax.f32 v5, $0.0e+00  }
0x70: {  	v23 =	vld [tilespmem:s1+$0x9F10];
	v14 =	vmax.f32 v7, $0.0e+00;
	v3 =	vmul.f32 $1.442695020e+00, v9;
	v4 =	vmul.f32 $1.442695020e+00, v2  }
0x71: {  	v36 =	vld [tilespmem:s1+$0x9F90];
	v13 =	vmax.f32 v8, $0.0e+00;
	v5 =	vmul.f32 $1.442695020e+00, v6;
	v7 =	vmul.f32 $1.442695020e+00, v12  }
0x72: {  	v15 =	vmax.f32 v10, $0.0e+00;
	v8 =	vmul.f32 $1.442695020e+00, v14;
	(erf) = vpow2.f32 v3;
	v3 =	vld [tilespmem:s1+$0x9E80]  }
0x73: {  	v16 =	vmax.f32 v11, $0.0e+00;
	v10 =	vmul.f32 $1.442695020e+00, v13;
	(erf) = vpow2.f32 v4;
	v4 =	vld [tilespmem:s1+$0x9E90]  }
0x74: {  	v17 =	vmax.f32 v17, $0.0e+00;
	v11 =	vmul.f32 $1.442695020e+00, v15;
	(erf) = vpow2.f32 v5;
	v5 =	vld [tilespmem:s1+$0x9EA0]  }
0x75: {  	v33 =	vmax.f32 v23, $0.0e+00;
	v19 =	vmul.f32 $1.442695020e+00, v16;
	(erf) = vpow2.f32 v7;
	v7 =	vld [tilespmem:s1+$0x9EB0]  }
0x76: {  	v36 =	vmax.f32 v36, $0.0e+00;
	v32 =	vmul.f32 $1.442695020e+00, v33;
	(erf) = vpow2.f32 v8;
	v8 =	vld [tilespmem:s1+$0x9EC0]  }
0x77: {  	(erf) = vpow2.f32 v10;
	v10 =	vld [tilespmem:s1+$0x9ED0];
	v18 =	vmax.f32 v3, $0.0e+00;
	v3 =	vmul.f32 $1.442695020e+00, v17  }
0x78: {  	(erf) = vpow2.f32 v11;
	v20 =	vmax.f32 v4, $0.0e+00;
	v4 =	vmul.f32 $1.442695020e+00, v18  }
0x79: {  	v50 =	vmul.f32 $1.442695020e+00, v36;
	v11 =	vld [tilespmem:s1+$0x9EE0];
	(erf) = vpow2.f32 v19;
	v21 =	vmax.f32 v5, $0.0e+00  }
0x7a: {  	v19 =	vld [tilespmem:s1+$0x9EF0];
	v5 =	vmul.f32 $1.442695020e+00, v20;
	(erf) = vpow2.f32 v3;
	v22 =	vmax.f32 v7, $0.0e+00  }
0x7b: {  	v3 =	vld [tilespmem:s1+$0x9F00];
	v7 =	vmul.f32 $1.442695020e+00, v21;
	(erf) = vpow2.f32 v4;
	v24 =	vmax.f32 v8, $0.0e+00  }
0x7c: {  	v8 =	vmul.f32 $1.442695020e+00, v22;
	v4 =	vpop (erf);
	v26 =	vmax.f32 v10, $0.0e+00;
	v10 =	vmul.f32 $1.442695020e+00, v24  }
0x7d: {  	v25 =	vld [tilespmem:s1+$0x9F20];
	(erf) = vpow2.f32 v5;
	v9 =	vmul.f32 v4, v9  }
0x7e: {  	v27 =	vmax.f32 v11, $0.0e+00;
	v11 =	vmul.f32 $1.442695020e+00, v26;
	(erf) = vpow2.f32 v7  }
0x7f: {  	v5 =	vld [tilespmem:s1+$0x9F30];
	v29 =	vpop (erf);
	v19 =	vmax.f32 v19, $0.0e+00;
	v28 =	vmul.f32 $1.442695020e+00, v27;
	(erf) = vpow2.f32 v8  }
0x80: {  	v7 =	vld [tilespmem:s1+$0x9F60];
	v31 =	vpop (erf);
	v2 =	vmul.f32 v29, v2;
	v30 =	vmax.f32 v3, $0.0e+00;
	v3 =	vmul.f32 $1.442695020e+00, v19  }
0x81: {  	v4 =	vpack.i.f32.bf16 v9, v4;
	v9 =	vld [tilespmem:s1+$0x9F40];
	(erf) = vpow2.f32 v10;
	v6 =	vmul.f32 v31, v6  }
0x82: {  	v25 =	vmax.f32 v25, $0.0e+00;
	v23 =	vpop (erf);
	v10 =	vld [tilespmem:s1+$0x9F70];
	v8 =	vmul.f32 $1.442695020e+00, v30;
	(erf) = vpow2.f32 v11  }
0x83: {  	[tilespmem:s1+$0xDFF0] =	vst v4;
	v4 =	vld [tilespmem:s1+$0x9F50];
	v34 =	vpop (erf);
	v60 =	vmul.f32 v23, v12;
	v2 =	vpack.i.f32.bf16 v2, v29;
	(erf) = vpow2.f32 v28  }
0x84: {  	v35 =	vmax.f32 v5, $0.0e+00;
	v5 =	vmul.f32 $1.442695020e+00, v25;
	v28 =	vpop (erf);
	(erf) = vpow2.f32 v3  }
0x85: {  	v11 =	vld [tilespmem:s1+$0x9F80];
	v14 =	vmul.f32 v34, v14;
	v41 =	vmax.f32 v7, $0.0e+00;
	v38 =	vpop (erf);
	(erf) = vpow2.f32 v8  }
0x86: {  	[tilespmem:s1+$0xDE00] =	vst v2;
	v3 =	vld [tilespmem:s1+$0x9FA0];
	v2 =	vmul.f32 v28, v13;
	v37 =	vmax.f32 v9, $0.0e+00;
	v9 =	vmul.f32 $1.442695020e+00, v35;
	v40 =	vpop (erf)  }
0x87: {  	v8 =	vld [tilespmem:s1+$0x9FB0];
	(erf) = vpow2.f32 v32;
	v43 =	vmax.f32 v10, $0.0e+00;
	v10 =	vmul.f32 $1.442695020e+00, v41;
	v63 =	vpop (erf)  }
0x88: {  	v42 =	vld [tilespmem:s1+$0x9FC0];
	v39 =	vmax.f32 v4, $0.0e+00;
	v4 =	vmul.f32 $1.442695020e+00, v37;
	(erf) = vpow2.f32 v5;
	v44 =	vpop (erf)  }
0x89: {  	v7 =	vmul.f32 $1.442695020e+00, v39;
	(erf) = vpow2.f32 v9;
	v46 =	vpop (erf)  }
0x8a: {  	v5 =	vld [tilespmem:s1+$0x9FD0];
	v45 =	vmax.f32 v11, $0.0e+00;
	v11 =	vmul.f32 $1.442695020e+00, v43;
	(erf) = vpow2.f32 v4;
	v48 =	vpop (erf)  }
0x8b: {  	v9 =	vld [tilespmem:s1+$0x9FE0];
	v47 =	vmul.f32 $1.442695020e+00, v45;
	v49 =	vmax.f32 v3, $0.0e+00;
	(erf) = vpow2.f32 v7;
	v51 =	vpop (erf)  }
0x8c: {  	v52 =	vmax.f32 v8, $0.0e+00;
	v53 =	vmul.f32 $1.442695020e+00, v49;
	(erf) = vpow2.f32 v10;
	v54 =	vpop (erf)  }
0x8d: {  	v3 =	vmax.f32 v42, $0.0e+00;
	v10 =	vmul.f32 $1.442695020e+00, v52;
	(erf) = vpow2.f32 v11;
	v57 =	vpop (erf)  }
0x8e: {  	v11 =	vmul.f32 $1.442695020e+00, v3;
	(erf) = vpow2.f32 v47;
	v7 =	vpop (erf)  }
0x8f: {  	v6 =	vpack.i.f32.bf16 v6, v31;
	v29 =	vmul.f32 v38, v15;
	(erf) = vpow2.f32 v50;
	v8 =	vpop (erf)  }
0x90: {  	v4 =	vmax.f32 v5, $0.0e+00;
	v5 =	vmax.f32 v9, $0.0e+00;
	(erf) = vpow2.f32 v53;
	v9 =	vpop (erf)  }
0x91: {  	[tilespmem:s1+$0xDE10] =	vst v6;
	v6 =	vmul.f32 v40, v16;
	(erf) = vpow2.f32 v10;
	v10 =	vpop (erf)  }
0x92: {  	v15 =	vpack.i.f32.bf16 v60, v23;
	v58 =	vmul.f32 $1.442695020e+00, v4;
	(erf) = vpow2.f32 v11;
	v11 =	vpop (erf)  }
0x93: {  	v16 =	vpack.i.f32.bf16 v14, v34;
	v31 =	vmul.f32 v63, v17;
	v59 =	vmul.f32 $1.442695020e+00, v5;
	v12 =	vpop (erf)  }
0x94: {  	[tilespmem:s1+$0xDE20] =	vst v15;
	v2 =	vpack.i.f32.bf16 v2, v28;
	v61 =	vmul.f32 v44, v18;
	(erf) = vpow2.f32 v58;
	v13 =	vpop (erf)  }
0x95: {  	[tilespmem:s1+$0xDE30] =	vst v16;
	v17 =	vpack.i.f32.bf16 v29, v38;
	v20 =	vmul.f32 v46, v20;
	(erf) = vpow2.f32 v59;
	v14 =	vpop (erf)  }
0x96: {  	[tilespmem:s1+$0xDE40] =	vst v2;
	v18 =	vpack.i.f32.bf16 v6, v40;
	v21 =	vmul.f32 v48, v21;
	v22 =	vmul.f32 v51, v22;
	v15 =	vpop (erf)  }
0x97: {  	[tilespmem:s1+$0xDE50] =	vst v17;
	v2 =	vmul.f32 v54, v24;
	v23 =	vmul.f32 v8, v19;
	v19 =	vpack.i.f32.bf16 v31, v63;
	v16 =	vpop (erf)  }
0x98: {  	[tilespmem:s1+$0xDE60] =	vst v18;
	v28 =	vpack.i.f32.bf16 v21, v48;
	v62 =	vmul.f32 v57, v26;
	v6 =	vmul.f32 v7, v27;
	v17 =	vpop (erf)  }
0x99: {  	[tilespmem:s1+$0xDEA0] =	vst v28;
	v32 =	vmul.f32 v9, v30;
	v24 =	vmul.f32 v10, v33;
	v18 =	vpop (erf)  }
0x9a: {  	v26 =	vpack.i.f32.bf16 v61, v44;
	[tilespmem:s1+$0xDE70] =	vst v19;
	v33 =	vmul.f32 v11, v25;
	v25 =	vmul.f32 v12, v35;
	v19 =	vpop (erf)  }
0x9b: {  	v27 =	vpack.i.f32.bf16 v20, v46;
	[tilespmem:s1+$0xDE80] =	vst v26;
	v30 =	vmul.f32 v13, v37;
	v26 =	vmul.f32 v14, v39;
	v20 =	vpop (erf)  }
0x9c: {  	[tilespmem:s1+$0xDE90] =	vst v27;
	v31 =	vpack.i.f32.bf16 v22, v51;
	v34 =	vmul.f32 v15, v41;
	v27 =	vmul.f32 v16, v43;
	v21 =	vpop (erf)  }
0x9d: {  	v63 =	vpack.i.f32.bf16 v2, v54;
	[tilespmem:s1+$0xDEB0] =	vst v31;
	v29 =	vmul.f32 v17, v45;
	v28 =	vmul.f32 v18, v36;
	v22 =	vpop (erf)  }
0x9e: {  	s18 =	simm.s32 $0x200;
	s4 =	simm.s32 $0x1000;
	[tilespmem:s1+$0xDEC0] =	vst v63;
	v36 =	vpack.i.f32.bf16 v62, v57;
	v35 =	vmul.f32 v19, v49;
	v31 =	vmul.f32 v20, v52;
	v2 =	vpop (erf)  }
.LBB2_7:
0x9f: {  	p1 =	sne.s32 s4, $0x7800;
	v37 =	vld [tilespmem:s18+$0x9FF0];
	v3 =	vmul.f32 v21, v3;
	v4 =	vmul.f32 v22, v4;
	v7 =	vpack.i.f32.bf16 v6, v7;
	[tilespmem:s1+$0xDED0] =	vst v36  }
0xa0: {  	v6 =	vmul.f32 v2, v5;
	v5 =	vpack.i.f32.bf16 v23, v8;
	v8 =	vpack.i.f32.bf16 v32, v9;
	v36 =	vld [tilespmem:s18+$0x9E00];
	[tilespmem:s1+$0xDEE0] =	vst v7  }
0xa1: {  	v9 =	vpack.i.f32.bf16 v24, v10;
	v10 =	vpack.i.f32.bf16 v33, v11;
	v12 =	vpack.i.f32.bf16 v25, v12;
	v7 =	vld [tilespmem:s18+$0x9E10];
	[tilespmem:s1+$0xDEF0] =	vst v5  }
0xa2: {  	v13 =	vpack.i.f32.bf16 v30, v13;
	v14 =	vpack.i.f32.bf16 v26, v14;
	v15 =	vpack.i.f32.bf16 v34, v15;
	v5 =	vld [tilespmem:s18+$0x9E20];
	[tilespmem:s1+$0xDF00] =	vst v8  }
0xa3: {  	v16 =	vpack.i.f32.bf16 v27, v16;
	v17 =	vpack.i.f32.bf16 v29, v17;
	v18 =	vpack.i.f32.bf16 v28, v18;
	v8 =	vld [tilespmem:s18+$0x9E30];
	[tilespmem:s1+$0xDF10] =	vst v9  }
0xa4: {  	v19 =	vpack.i.f32.bf16 v35, v19;
	v20 =	vpack.i.f32.bf16 v31, v20;
	v9 =	vld [tilespmem:s18+$0x9E40];
	v24 =	vmax.f32 v37, $0.0e+00;
	[tilespmem:s1+$0xDF20] =	vst v10  }
0xa5: {  	v3 =	vpack.i.f32.bf16 v3, v21;
	v10 =	vld [tilespmem:s18+$0x9E50];
	v11 =	vmax.f32 v36, $0.0e+00;
	v23 =	vmul.f32 $1.442695020e+00, v24;
	[tilespmem:s1+$0xDF30] =	vst v12  }
0xa6: {  	v4 =	vpack.i.f32.bf16 v4, v22;
	v21 =	vld [tilespmem:s18+$0x9E60];
	v12 =	vmax.f32 v7, $0.0e+00;
	v7 =	vmul.f32 $1.442695020e+00, v11;
	[tilespmem:s1+$0xDF40] =	vst v13  }
0xa7: {  	v22 =	vld [tilespmem:s18+$0x9E70];
	v13 =	vmax.f32 v5, $0.0e+00;
	v5 =	vmul.f32 $1.442695020e+00, v12;
	(erf) = vpow2.f32 v23;
	[tilespmem:s1+$0xDF50] =	vst v14  }
0xa8: {  	v23 =	vld [tilespmem:s18+$0x9E80];
	v14 =	vmax.f32 v8, $0.0e+00;
	v8 =	vmul.f32 $1.442695020e+00, v13;
	(erf) = vpow2.f32 v7;
	[tilespmem:s1+$0xDF60] =	vst v15  }
0xa9: {  	v7 =	vld [tilespmem:s18+$0x9E90];
	v15 =	vmax.f32 v9, $0.0e+00;
	v9 =	vmul.f32 $1.442695020e+00, v14;
	(erf) = vpow2.f32 v5;
	[tilespmem:s1+$0xDF70] =	vst v16  }
0xaa: {  	v5 =	vld [tilespmem:s18+$0x9EA0];
	v16 =	vmax.f32 v10, $0.0e+00;
	v10 =	vmul.f32 $1.442695020e+00, v15;
	(erf) = vpow2.f32 v8;
	[tilespmem:s1+$0xDF80] =	vst v17  }
0xab: {  	v8 =	vld [tilespmem:s18+$0x9EB0];
	v17 =	vmax.f32 v21, $0.0e+00;
	v21 =	vmul.f32 $1.442695020e+00, v16;
	(erf) = vpow2.f32 v9;
	[tilespmem:s1+$0xDF90] =	vst v18  }
0xac: {  	v9 =	vld [tilespmem:s18+$0x9EC0];
	v18 =	vmax.f32 v22, $0.0e+00;
	v22 =	vmul.f32 $1.442695020e+00, v17;
	(erf) = vpow2.f32 v10;
	[tilespmem:s1+$0xDFA0] =	vst v19  }
0xad: {  	v10 =	vld [tilespmem:s18+$0x9ED0];
	v19 =	vmax.f32 v23, $0.0e+00;
	v23 =	vmul.f32 $1.442695020e+00, v18;
	(erf) = vpow2.f32 v21;
	[tilespmem:s1+$0xDFB0] =	vst v20  }
0xae: {  	v25 =	vld [tilespmem:s18+$0x9EE0];
	v20 =	vmax.f32 v7, $0.0e+00;
	v26 =	vmul.f32 $1.442695020e+00, v19;
	(erf) = vpow2.f32 v22;
	[tilespmem:s1+$0xDFC0] =	vst v3  }
0xaf: {  	v3 =	vld [tilespmem:s18+$0x9EF0];
	v21 =	vmax.f32 v5, $0.0e+00;
	v5 =	vmul.f32 $1.442695020e+00, v20;
	(erf) = vpow2.f32 v23;
	[tilespmem:s1+$0xDFD0] =	vst v4  }
0xb0: {  	v4 =	vld [tilespmem:s18+$0x9F00];
	v22 =	vmax.f32 v8, $0.0e+00;
	v8 =	vmul.f32 $1.442695020e+00, v21;
	(erf) = vpow2.f32 v26;
	v7 =	vpop (erf)  }
0xb1: {  	v28 =	vld [tilespmem:s18+$0x9F10];
	v23 =	vmax.f32 v9, $0.0e+00;
	v9 =	vmul.f32 $1.442695020e+00, v22;
	v26 =	vmul.f32 v7, v24;
	v32 =	vpop (erf)  }
0xb2: {  	v29 =	vld [tilespmem:s18+$0x9F20];
	v24 =	vmax.f32 v10, $0.0e+00;
	v10 =	vmul.f32 $1.442695020e+00, v23;
	v33 =	vpop (erf);
	(erf) = vpow2.f32 v5  }
0xb3: {  	v5 =	vld [tilespmem:s18+$0x9F30];
	v25 =	vmax.f32 v25, $0.0e+00;
	v30 =	vmul.f32 $1.442695020e+00, v24;
	v7 =	vpack.i.f32.bf16 v26, v7;
	v34 =	vpop (erf)  }
0xb4: {  	v31 =	vld [tilespmem:s18+$0x9F40];
	v26 =	vmax.f32 v3, $0.0e+00;
	v3 =	vmul.f32 $1.442695020e+00, v25;
	[tilespmem:s18+$0xDFF0] =	vst v7;
	v35 =	vpop (erf);
	(erf) = vpow2.f32 v8  }
0xb5: {  	v7 =	vld [tilespmem:s18+$0x9F50];
	v27 =	vmax.f32 v4, $0.0e+00;
	v4 =	vmul.f32 $1.442695020e+00, v26;
	v36 =	vpop (erf);
	(erf) = vpow2.f32 v9  }
0xb6: {  	v8 =	vld [tilespmem:s18+$0x9F60];
	v28 =	vmax.f32 v28, $0.0e+00;
	v9 =	vmul.f32 $1.442695020e+00, v27;
	v37 =	vpop (erf);
	(erf) = vpow2.f32 v10  }
0xb7: {  	v10 =	vld [tilespmem:s18+$0x9F70];
	v29 =	vmax.f32 v29, $0.0e+00;
	v38 =	vmul.f32 $1.442695020e+00, v28;
	v39 =	vpop (erf);
	(erf) = vpow2.f32 v30  }
0xb8: {  	v40 =	vld [tilespmem:s18+$0x9F80];
	v30 =	vmax.f32 v5, $0.0e+00;
	v5 =	vmul.f32 $1.442695020e+00, v29;
	v41 =	vpop (erf);
	(erf) = vpow2.f32 v3  }
0xb9: {  	v3 =	vld [tilespmem:s18+$0x9F90];
	v31 =	vmax.f32 v31, $0.0e+00;
	v42 =	vmul.f32 $1.442695020e+00, v30;
	v43 =	vpop (erf);
	(erf) = vpow2.f32 v4  }
0xba: {  	v4 =	vld [tilespmem:s18+$0x9FA0];
	v44 =	vmax.f32 v7, $0.0e+00;
	v7 =	vmul.f32 $1.442695020e+00, v31;
	(erf) = vpow2.f32 v9  }
0xbb: {  	v9 =	vld [tilespmem:s18+$0x9FB0];
	v45 =	vmax.f32 v8, $0.0e+00;
	v8 =	vmul.f32 $1.442695020e+00, v44;
	v46 =	vpop (erf);
	(erf) = vpow2.f32 v38  }
0xbc: {  	v38 =	vld [tilespmem:s18+$0x9FC0];
	v47 =	vmax.f32 v10, $0.0e+00;
	v10 =	vmul.f32 $1.442695020e+00, v45;
	(erf) = vpow2.f32 v5  }
0xbd: {  	v5 =	vld [tilespmem:s18+$0x9FD0];
	v40 =	vmax.f32 v40, $0.0e+00;
	v48 =	vmul.f32 $1.442695020e+00, v47;
	v49 =	vpop (erf);
	(erf) = vpow2.f32 v42  }
0xbe: {  	v42 =	vld [tilespmem:s18+$0x9FE0];
	v50 =	vmax.f32 v3, $0.0e+00;
	v51 =	vmul.f32 $1.442695020e+00, v40;
	v52 =	vpop (erf);
	(erf) = vpow2.f32 v7  }
0xbf: {  	v53 =	vmax.f32 v4, $0.0e+00;
	v54 =	vmul.f32 $1.442695020e+00, v50;
	v55 =	vpop (erf);
	(erf) = vpow2.f32 v8  }
0xc0: {  	v56 =	vmax.f32 v9, $0.0e+00;
	v57 =	vmul.f32 $1.442695020e+00, v53;
	v58 =	vpop (erf);
	(erf) = vpow2.f32 v10  }
0xc1: {  	v3 =	vmax.f32 v38, $0.0e+00;
	v38 =	vmul.f32 $1.442695020e+00, v56;
	v7 =	vpop (erf);
	(erf) = vpow2.f32 v48  }
0xc2: {  	v4 =	vmax.f32 v5, $0.0e+00;
	v48 =	vmul.f32 $1.442695020e+00, v3;
	v8 =	vpop (erf);
	(erf) = vpow2.f32 v51  }
0xc3: {  	v5 =	vmax.f32 v42, $0.0e+00;
	v42 =	vmul.f32 $1.442695020e+00, v4;
	v9 =	vpop (erf);
	(erf) = vpow2.f32 v54  }
0xc4: {  	v2 =	vpack.i.f32.bf16 v6, v2;
	v51 =	vmul.f32 $1.442695020e+00, v5;
	v10 =	vpop (erf);
	(erf) = vpow2.f32 v57  }
0xc5: {  	v6 =	vmul.f32 v32, v11;
	v11 =	vpop (erf);
	(erf) = vpow2.f32 v38;
	[tilespmem:s1+$0xDFE0] =	vst v2;
	s1 =	smov.u32 s18  }
0xc6: {  	v2 =	vmul.f32 v33, v12;
	v12 =	vpop (erf);
	(erf) = vpow2.f32 v48  }
0xc7: {  	v6 =	vpack.i.f32.bf16 v6, v32;
	v38 =	vmul.f32 v34, v13;
	v13 =	vpop (erf);
	(erf) = vpow2.f32 v42  }
0xc8: {  	v32 =	vmul.f32 v35, v14;
	v2 =	vpack.i.f32.bf16 v2, v33;
	[tilespmem:s1+$0xDE00] =	vst v6;
	v14 =	vpop (erf);
	(erf) = vpow2.f32 v51  }
0xc9: {  	v33 =	vmul.f32 v37, v16;
	v38 =	vpack.i.f32.bf16 v38, v34;
	v6 =	vmul.f32 v36, v15;
	[tilespmem:s1+$0xDE10] =	vst v2;
	v15 =	vpop (erf)  }
0xca: {  	v32 =	vpack.i.f32.bf16 v32, v35;
	v34 =	vmul.f32 v41, v18;
	v2 =	vmul.f32 v39, v17;
	[tilespmem:s1+$0xDE20] =	vst v38;
	v16 =	vpop (erf)  }
0xcb: {  	v35 =	vmul.f32 v43, v19;
	v38 =	vmul.f32 v46, v20;
	v6 =	vpack.i.f32.bf16 v6, v36;
	[tilespmem:s1+$0xDE30] =	vst v32;
	v17 =	vpop (erf)  }
0xcc: {  	v42 =	vmul.f32 v52, v22;
	v36 =	vmul.f32 v49, v21;
	v21 =	vpack.i.f32.bf16 v33, v37;
	[tilespmem:s1+$0xDE40] =	vst v6;
	v18 =	vpop (erf)  }
0xcd: {  	v48 =	vmul.f32 v58, v24;
	v37 =	vmul.f32 v55, v23;
	v2 =	vpack.i.f32.bf16 v2, v39;
	[tilespmem:s1+$0xDE50] =	vst v21;
	v19 =	vpop (erf)  }
0xce: {  	v23 =	vmul.f32 v8, v26;
	v26 =	vpack.i.f32.bf16 v34, v41;
	v6 =	vmul.f32 v7, v25;
	[tilespmem:s1+$0xDE60] =	vst v2;
	v20 =	vpop (erf)  }
0xcf: {  	v24 =	vmul.f32 v10, v28;
	v34 =	vpack.i.f32.bf16 v35, v43;
	v32 =	vmul.f32 v9, v27;
	[tilespmem:s1+$0xDE70] =	vst v26;
	v21 =	vpop (erf)  }
.Ltmp4:
0xd0: {  	v33 =	vmul.f32 v11, v29;
	v25 =	vmul.f32 v12, v30;
	v27 =	vpack.i.f32.bf16 v38, v46;
	[tilespmem:s1+$0xDE80] =	vst v34;
	v22 =	vpop (erf);
	(pc) =	sbr.rel @p1 .LBB2_7-.Ltmp4, $4  }
0xd1: {  	v30 =	vmul.f32 v13, v31;
	v28 =	vpack.i.f32.bf16 v36, v49;
	v26 =	vmul.f32 v14, v44;
	[tilespmem:s1+$0xDE90] =	vst v27;
	v2 =	vpop (erf)  }
0xd2: {  	v31 =	vpack.i.f32.bf16 v42, v52;
	v34 =	vmul.f32 v15, v45;
	v27 =	vmul.f32 v16, v47;
	[tilespmem:s1+$0xDEA0] =	vst v28  }
0xd3: {  	v29 =	vmul.f32 v17, v40;
	v37 =	vpack.i.f32.bf16 v37, v55;
	v28 =	vmul.f32 v18, v50;
	[tilespmem:s1+$0xDEB0] =	vst v31  }
0xd4: {  	s18 =	sshra.s32 s4, $0x2;
	s4 =	sadd.s32 $0x800, s4;
	v36 =	vpack.i.f32.bf16 v48, v58;
	v35 =	vmul.f32 v19, v53;
	v31 =	vmul.f32 v20, v56;
	[tilespmem:s1+$0xDEC0] =	vst v37  }
0xd5: {  	v37 =	vld [tilespmem:s18+$0x9FF0];
	[tilespmem:s1+$0xDED0] =	vst v36;
	v6 =	vpack.i.f32.bf16 v6, v7  }
0xd6: {  	v40 =	vpack.i.f32.bf16 v23, v8;
	v39 =	vld [tilespmem:s18+$0x9E00];
	[tilespmem:s1+$0xDEE0] =	vst v6  }
0xd7: {  	v42 =	vpack.i.f32.bf16 v32, v9;
	v41 =	vld [tilespmem:s18+$0x9E10];
	[tilespmem:s1+$0xDEF0] =	vst v40  }
0xd8: {  	v44 =	vpack.i.f32.bf16 v24, v10;
	v43 =	vld [tilespmem:s18+$0x9E20];
	[tilespmem:s1+$0xDF00] =	vst v42  }
0xd9: {  	v46 =	vpack.i.f32.bf16 v33, v11;
	v45 =	vld [tilespmem:s18+$0x9E30];
	[tilespmem:s1+$0xDF10] =	vst v44  }
0xda: {  	v48 =	vpack.i.f32.bf16 v25, v12;
	v47 =	vld [tilespmem:s18+$0x9E40];
	[tilespmem:s1+$0xDF20] =	vst v46  }
0xdb: {  	v50 =	vpack.i.f32.bf16 v30, v13;
	v49 =	vld [tilespmem:s18+$0x9E50];
	[tilespmem:s1+$0xDF30] =	vst v48  }
0xdc: {  	v52 =	vpack.i.f32.bf16 v26, v14;
	v51 =	vld [tilespmem:s18+$0x9E60];
	[tilespmem:s1+$0xDF40] =	vst v50  }
0xdd: {  	v54 =	vpack.i.f32.bf16 v34, v15;
	v53 =	vld [tilespmem:s18+$0x9E70];
	[tilespmem:s1+$0xDF50] =	vst v52  }
0xde: {  	v56 =	vpack.i.f32.bf16 v27, v16;
	v3 =	vmul.f32 v21, v3;
	v4 =	vmul.f32 v22, v4;
	v55 =	vld [tilespmem:s18+$0x9E80];
	[tilespmem:s1+$0xDF60] =	vst v54  }
0xdf: {  	v5 =	vmul.f32 v2, v5;
	v58 =	vpack.i.f32.bf16 v29, v17;
	v18 =	vpack.i.f32.bf16 v28, v18;
	v57 =	vld [tilespmem:s18+$0x9E90];
	[tilespmem:s1+$0xDF70] =	vst v56  }
0xe0: {  	v19 =	vpack.i.f32.bf16 v35, v19;
	v61 =	vpack.i.f32.bf16 v31, v20;
	v60 =	vmax.f32 v37, $0.0e+00;
	v59 =	vld [tilespmem:s18+$0x9EA0];
	[tilespmem:s1+$0xDF80] =	vst v58  }
0xe1: {  	v3 =	vpack.i.f32.bf16 v3, v21;
	v7 =	vmax.f32 v39, $0.0e+00;
	v62 =	vmul.f32 $1.442695020e+00, v60;
	v63 =	vld [tilespmem:s18+$0x9EB0];
	[tilespmem:s1+$0xDF90] =	vst v18  }
0xe2: {  	v4 =	vpack.i.f32.bf16 v4, v22;
	v8 =	vmax.f32 v41, $0.0e+00;
	v26 =	vmul.f32 $1.442695020e+00, v7;
	v18 =	vld [tilespmem:s18+$0x9EC0];
	[tilespmem:s1+$0xDFA0] =	vst v19  }
0xe3: {  	v9 =	vmax.f32 v43, $0.0e+00;
	(erf) = vpow2.f32 v62;
	v27 =	vmul.f32 $1.442695020e+00, v8;
	v30 =	vld [tilespmem:s18+$0x9ED0];
	[tilespmem:s1+$0xDFB0] =	vst v61  }
0xe4: {  	v10 =	vmax.f32 v45, $0.0e+00;
	v28 =	vmul.f32 $1.442695020e+00, v9;
	(erf) = vpow2.f32 v26;
	v33 =	vld [tilespmem:s18+$0x9EE0];
	[tilespmem:s1+$0xDFC0] =	vst v3  }
0xe5: {  	v11 =	vmax.f32 v47, $0.0e+00;
	v29 =	vmul.f32 $1.442695020e+00, v10;
	(erf) = vpow2.f32 v27;
	v36 =	vld [tilespmem:s18+$0x9EF0];
	[tilespmem:s1+$0xDFD0] =	vst v4  }
0xe6: {  	v12 =	vmax.f32 v49, $0.0e+00;
	v31 =	vmul.f32 $1.442695020e+00, v11;
	(erf) = vpow2.f32 v28;
	v39 =	vld [tilespmem:s18+$0x9F00]  }
0xe7: {  	v6 =	vmax.f32 v51, $0.0e+00;
	v32 =	vmul.f32 $1.442695020e+00, v12;
	(erf) = vpow2.f32 v29;
	v42 =	vld [tilespmem:s18+$0x9F10]  }
0xe8: {  	v14 =	vmax.f32 v53, $0.0e+00;
	v34 =	vmul.f32 $1.442695020e+00, v6;
	(erf) = vpow2.f32 v31;
	v44 =	vld [tilespmem:s18+$0x9F20]  }
0xe9: {  	v35 =	vmul.f32 $1.442695020e+00, v14;
	(erf) = vpow2.f32 v32;
	v47 =	vld [tilespmem:s18+$0x9F30]  }
0xea: {  	v3 =	vmax.f32 v55, $0.0e+00;
	v13 =	vmax.f32 v57, $0.0e+00;
	(erf) = vpow2.f32 v34;
	v48 =	vld [tilespmem:s18+$0x9F40]  }
0xeb: {  	v37 =	vmul.f32 $1.442695020e+00, v3;
	v4 =	vmax.f32 v59, $0.0e+00;
	v38 =	vmul.f32 $1.442695020e+00, v13;
	v51 =	vld [tilespmem:s18+$0x9F50]  }
0xec: {  	(erf) = vpow2.f32 v35;
	v15 =	vmax.f32 v63, $0.0e+00;
	v40 =	vmul.f32 $1.442695020e+00, v4;
	v41 =	vpop (erf);
	v53 =	vld [tilespmem:s18+$0x9F60]  }
0xed: {  	v55 =	vld [tilespmem:s18+$0x9F70];
	(erf) = vpow2.f32 v37;
	v16 =	vmax.f32 v18, $0.0e+00;
	v43 =	vmul.f32 v41, v60  }
0xee: {  	v2 =	vpack.i.f32.bf16 v5, v2;
	v57 =	vld [tilespmem:s18+$0x9F80];
	v45 =	vmul.f32 $1.442695020e+00, v15;
	v31 =	vpop (erf);
	v46 =	vmul.f32 $1.442695020e+00, v16  }
0xef: {  	v59 =	vld [tilespmem:s18+$0x9F90];
	v21 =	vmax.f32 v30, $0.0e+00;
	(erf) = vpow2.f32 v38;
	v7 =	vmul.f32 v31, v7  }
0xf0: {  	v60 =	vld [tilespmem:s18+$0x9FA0];
	v17 =	vmax.f32 v33, $0.0e+00;
	v18 =	vpack.i.f32.bf16 v43, v41;
	(erf) = vpow2.f32 v40  }
0xf1: {  	v49 =	vmul.f32 $1.442695020e+00, v21;
	(erf) = vpow2.f32 v45;
	v23 =	vmax.f32 v44, $0.0e+00;
	v44 =	vld [tilespmem:s18+$0x9FB0]  }
0xf2: {  	v33 =	vpop (erf);
	v20 =	vmax.f32 v36, $0.0e+00;
	v50 =	vmul.f32 $1.442695020e+00, v17;
	(erf) = vpow2.f32 v46;
	v46 =	vld [tilespmem:s18+$0x9FC0]  }
0xf3: {  	[tilespmem:s18+$0xDFF0] =	vst v18;
	v35 =	vpop (erf);
	v19 =	vmax.f32 v39, $0.0e+00;
	v52 =	vmul.f32 $1.442695020e+00, v20;
	v29 =	vmax.f32 v47, $0.0e+00;
	v47 =	vld [tilespmem:s18+$0x9FD0]  }
0xf4: {  	v26 =	vmax.f32 v42, $0.0e+00;
	v22 =	vmax.f32 v48, $0.0e+00;
	v48 =	vld [tilespmem:s18+$0x9FE0];
	[tilespmem:s1+$0xDFE0] =	vst v2;
	v2 =	vmul.f32 v35, v9  }
0xf5: {  	v18 =	vmax.f32 v51, $0.0e+00;
	v54 =	vmul.f32 $1.442695020e+00, v19;
	v56 =	vmul.f32 $1.442695020e+00, v26  }
0xf6: {  	v27 =	vmax.f32 v53, $0.0e+00;
	(erf) = vpow2.f32 v49;
	v58 =	vmul.f32 $1.442695020e+00, v23  }
0xf7: {  	v28 =	vmax.f32 v55, $0.0e+00;
	v38 =	vmul.f32 $1.442695020e+00, v29;
	v40 =	vmul.f32 $1.442695020e+00, v22  }
0xf8: {  	v30 =	vmax.f32 v59, $0.0e+00;
	v61 =	vmul.f32 $1.442695020e+00, v18;
	v62 =	vmul.f32 $1.442695020e+00, v27  }
0xf9: {  	v37 =	vpop (erf);
	v63 =	vmul.f32 $1.442695020e+00, v28;
	v49 =	vmul.f32 $1.442695020e+00, v30  }
0xfa: {  	v39 =	vpop (erf);
	v24 =	vmax.f32 v60, $0.0e+00;
	v55 =	vmul.f32 v37, v10;
	(erf) = vpow2.f32 v50  }
0xfb: {  	v25 =	vmax.f32 v57, $0.0e+00;
	v57 =	vmul.f32 $1.442695020e+00, v24;
	v11 =	vmul.f32 v39, v11  }
0xfc: {  	v7 =	vpack.i.f32.bf16 v7, v31;
	v41 =	vpop (erf);
	(erf) = vpow2.f32 v52;
	v52 =	vmul.f32 $1.442695020e+00, v25  }
0xfd: {  	v2 =	vpack.i.f32.bf16 v2, v35;
	v42 =	vpop (erf);
	(erf) = vpow2.f32 v54;
	v54 =	vmul.f32 v33, v8  }
0xfe: {  	v9 =	vpack.i.f32.bf16 v55, v37;
	v43 =	vpop (erf);
	v6 =	vmul.f32 v42, v6;
	(erf) = vpow2.f32 v56  }
0xff: {  	[tilespmem:s18+$0xDE00] =	vst v7;
	v11 =	vpack.i.f32.bf16 v11, v39;
	v45 =	vpop (erf);
	v8 =	vmax.f32 v44, $0.0e+00;
	(erf) = vpow2.f32 v58  }
0x100: {  	[tilespmem:s18+$0xDE20] =	vst v2;
	v2 =	vmax.f32 v46, $0.0e+00;
	v3 =	vmul.f32 v45, v3;
	(erf) = vpow2.f32 v38  }
0x101: {  	[tilespmem:s18+$0xDE30] =	vst v9;
	v14 =	vmul.f32 v43, v14;
	v53 =	vpop (erf);
	v5 =	vpack.i.f32.bf16 v54, v33;
	(erf) = vpow2.f32 v40  }
0x102: {  	[tilespmem:s18+$0xDE40] =	vst v11;
	v58 =	vmul.f32 v41, v12;
	v56 =	vpop (erf);
	v3 =	vpack.i.f32.bf16 v3, v45;
	(erf) = vpow2.f32 v61  }
0x103: {  	v60 =	vmul.f32 $1.442695020e+00, v8;
	v6 =	vpack.i.f32.bf16 v6, v42;
	[tilespmem:s18+$0xDE10] =	vst v5;
	v59 =	vpop (erf);
	(erf) = vpow2.f32 v62  }
0x104: {  	v31 =	vmul.f32 $1.442695020e+00, v2;
	v33 =	vmax.f32 v48, $0.0e+00;
	[tilespmem:s18+$0xDE60] =	vst v6;
	(erf) = vpow2.f32 v63;
	v63 =	vpop (erf)  }
0x105: {  	v39 =	vmul.f32 $1.442695020e+00, v33;
	v5 =	vpack.i.f32.bf16 v58, v41;
	v4 =	vmul.f32 v56, v4;
	[tilespmem:s18+$0xDE80] =	vst v3;
	v3 =	vpop (erf)  }
0x106: {  	[tilespmem:s18+$0xDE50] =	vst v5;
	v61 =	vmul.f32 v53, v13;
	v62 =	vpack.i.f32.bf16 v14, v43;
	v21 =	vmul.f32 v3, v21  }
0x107: {  	v5 =	vmax.f32 v47, $0.0e+00;
	v32 =	vmul.f32 v59, v15;
	v4 =	vpack.i.f32.bf16 v4, v56;
	[tilespmem:s18+$0xDE70] =	vst v62;
	v34 =	vpop (erf)  }
0x108: {  	v35 =	vmul.f32 $1.442695020e+00, v5;
	v11 =	vpack.i.f32.bf16 v61, v53;
	[tilespmem:s18+$0xDEA0] =	vst v4;
	v36 =	vpop (erf);
	v3 =	vpack.i.f32.bf16 v21, v3  }
0x109: {  	v9 =	vpack.i.f32.bf16 v32, v59;
	(erf) = vpow2.f32 v52;
	v16 =	vmul.f32 v63, v16;
	[tilespmem:s18+$0xDE90] =	vst v11;
	v38 =	vpop (erf)  }
0x10a: {  	[tilespmem:s18+$0xDEB0] =	vst v9;
	(erf) = vpow2.f32 v49;
	v37 =	vmul.f32 v34, v17;
	v41 =	vpop (erf)  }
0x10b: {  	v6 =	vpack.i.f32.bf16 v16, v63;
	v40 =	vmul.f32 v36, v20;
	(erf) = vpow2.f32 v57;
	[tilespmem:s18+$0xDED0] =	vst v3;
	v3 =	vpop (erf)  }
0x10c: {  	[tilespmem:s18+$0xDEC0] =	vst v6;
	v42 =	vmul.f32 v38, v19;
	v7 =	vpack.i.f32.bf16 v37, v34;
	v45 =	vmul.f32 v3, v23  }
0x10d: {  	v43 =	vmul.f32 v41, v26;
	v4 =	vpack.i.f32.bf16 v40, v36;
	[tilespmem:s18+$0xDEE0] =	vst v7;
	(erf) = vpow2.f32 v60;
	v44 =	vpop (erf)  }
0x10e: {  	v9 =	vpack.i.f32.bf16 v42, v38;
	[tilespmem:s18+$0xDEF0] =	vst v4;
	(erf) = vpow2.f32 v31;
	v46 =	vpop (erf);
	v3 =	vpack.i.f32.bf16 v45, v3  }
0x10f: {  	v6 =	vpack.i.f32.bf16 v43, v41;
	[tilespmem:s18+$0xDF00] =	vst v9;
	(erf) = vpow2.f32 v35;
	v47 =	vmul.f32 v44, v29;
	v48 =	vpop (erf)  }
0x110: {  	[tilespmem:s18+$0xDF10] =	vst v6;
	(erf) = vpow2.f32 v39;
	v49 =	vmul.f32 v46, v22;
	v50 =	vpop (erf)  }
0x111: {  	v51 =	vmul.f32 v48, v18;
	v7 =	vpack.i.f32.bf16 v47, v44;
	[tilespmem:s18+$0xDF20] =	vst v3;
	v3 =	vpop (erf)  }
0x112: {  	v52 =	vmul.f32 v50, v27;
	v4 =	vpack.i.f32.bf16 v49, v46;
	[tilespmem:s18+$0xDF30] =	vst v7;
	v54 =	vmul.f32 v3, v28  }
0x113: {  	v9 =	vpack.i.f32.bf16 v51, v48;
	[tilespmem:s18+$0xDF40] =	vst v4;
	v53 =	vpop (erf)  }
0x114: {  	v6 =	vpack.i.f32.bf16 v52, v50;
	[tilespmem:s18+$0xDF50] =	vst v9;
	v55 =	vpop (erf);
	v56 =	vmul.f32 v53, v25;
	v3 =	vpack.i.f32.bf16 v54, v3  }
0x115: {  	[tilespmem:s18+$0xDF60] =	vst v6;
	v57 =	vpop (erf);
	v58 =	vmul.f32 v55, v30  }
0x116: {  	v59 =	vpop (erf);
	v60 =	vmul.f32 v57, v24;
	v7 =	vpack.i.f32.bf16 v56, v53;
	[tilespmem:s18+$0xDF70] =	vst v3  }
0x117: {  	p1 =	seq.s32 s0, $0x4E;
	v8 =	vmul.f32 v59, v8;
	v4 =	vpack.i.f32.bf16 v58, v55;
	[tilespmem:s18+$0xDF80] =	vst v7;
	v3 =	vpop (erf)  }
0x118: {  	p2 =	seq.s32 @!p1 s0, $0x0;
	v9 =	vpack.i.f32.bf16 v60, v57;
	[tilespmem:s18+$0xDF90] =	vst v4;
	v61 =	vpop (erf);
	v2 =	vmul.f32 v3, v2  }
0x119: {  	p2 =	por p1, !p2;
	v6 =	vpack.i.f32.bf16 v8, v59;
	[tilespmem:s18+$0xDFA0] =	vst v9;
	v62 =	vpop (erf);
	v5 =	vmul.f32 v61, v5  }
.Ltmp5:
0x11a: {  	[tilespmem:s18+$0xDFB0] =	vst v6;
	v63 =	vmul.f32 v62, v33;
	v2 =	vpack.i.f32.bf16 v2, v3;
	(pc) =	sbr.rel @!p2 .LBB2_9-.Ltmp5, $4  }
0x11b: {  	s1 =	sshll.u32 @!p1 s0, $0xA;
	v3 =	vpack.i.f32.bf16 v5, v61;
	[tilespmem:s18+$0xDFC0] =	vst v2  }
0x11c: {  	s4 =	sshrl.u32 @!p1 s1, $0x2;
	[tilespmem:s18+$0xDFD0] =	vst v3;
	v2 =	vpack.i.f32.bf16 v63, v62  }
0x11d: {  	s11 =	simm.s32 @!p1 $0x80;
	s4 =	sadd.s32 @!p1 $0x100, s4;
	[tilespmem:s18+$0xDFE0] =	vst v2;
	s18 =	simm.s32 @!p1 $0x9E00  }
0x11e: {  	[tilespmem:s18], [sflag:$0x2] =	stream.indirect.gather @!p1 [hbm4b:s2+s11], $0x40, s4, s11, $0xb8;
	[tilespmem:$0x1BA80] =	vst v63  }
.Ltmp6:
0x11f: {  	(pc) =	sbr.rel .LBB2_11-.Ltmp6, $4  }
0x120: {  	_ = 	snop  }
0x121: {  	_ =	swait.ge [sflag:s28], $0x2000  }
0x122: {  	[sflag:s28] =	ssyncset.done $0x0  }
0x123: {  	s1 =	simm.s32 @p1 $0x13800;
	[sflag:s28] =	ssyncadd.s32 $0xFFFFE000  }
.LBB2_9:
0x124: {  	s1 =	simm.s32 @!p1 $0x0  }
.LBB2_11:
0x125: {  	s22 =	sshrl.u32 s1, $0x2  }
0x126: {  	s4 =	sadd.s32 $0x4F00, s22  }
0x127: {  	[spmem:s3] =	stream.indirect.scatter.add.bf16 [tilespmem:s20], [sflag:$0x3], $0x40, s4, s23, $0xb8;
	[tilespmem:$0x1BA80] =	vst v63  }
0x128: {  	_ =	swait.ge [sflag:s26], $0x2000  }
0x129: {  	[sflag:s26] =	ssyncset.done $0x0  }
0x12a: {  	s18 =	simm.s32 $0x0;
	[sflag:s26] =	ssyncadd.s32 $0xFFFFE000  }
0x12b: {  	v2 =	vld [tilespmem:s18+$0xBFF0]  }
0x12c: {  	v3 =	vld [tilespmem:s18+$0xBE00]  }
0x12d: {  	v4 =	vld [tilespmem:s18+$0xBE10]  }
0x12e: {  	v5 =	vld [tilespmem:s18+$0xBE20]  }
0x12f: {  	v7 =	vld [tilespmem:s18+$0xBE30]  }
0x130: {  	v8 =	vld [tilespmem:s18+$0xBE40]  }
0x131: {  	v10 =	vld [tilespmem:s18+$0xBE50]  }
0x132: {  	v11 =	vld [tilespmem:s18+$0xBE60];
	v9 =	vmax.f32 v2, $0.0e+00  }
0x133: {  	v17 =	vld [tilespmem:s18+$0xBE70];
	v2 =	vmax.f32 v3, $0.0e+00;
	v6 =	vmax.f32 v4, $0.0e+00;
	v12 =	vmax.f32 v5, $0.0e+00  }
0x134: {  	v23 =	vld [tilespmem:s18+$0xBF10];
	v14 =	vmax.f32 v7, $0.0e+00;
	v3 =	vmul.f32 $1.442695020e+00, v9;
	v4 =	vmul.f32 $1.442695020e+00, v2  }
0x135: {  	v36 =	vld [tilespmem:s18+$0xBF90];
	v13 =	vmax.f32 v8, $0.0e+00;
	v5 =	vmul.f32 $1.442695020e+00, v6;
	v7 =	vmul.f32 $1.442695020e+00, v12  }
0x136: {  	v15 =	vmax.f32 v10, $0.0e+00;
	v8 =	vmul.f32 $1.442695020e+00, v14;
	(erf) = vpow2.f32 v3;
	v3 =	vld [tilespmem:s18+$0xBE80]  }
0x137: {  	v16 =	vmax.f32 v11, $0.0e+00;
	v10 =	vmul.f32 $1.442695020e+00, v13;
	(erf) = vpow2.f32 v4;
	v4 =	vld [tilespmem:s18+$0xBE90]  }
0x138: {  	v17 =	vmax.f32 v17, $0.0e+00;
	v11 =	vmul.f32 $1.442695020e+00, v15;
	(erf) = vpow2.f32 v5;
	v5 =	vld [tilespmem:s18+$0xBEA0]  }
0x139: {  	v33 =	vmax.f32 v23, $0.0e+00;
	v19 =	vmul.f32 $1.442695020e+00, v16;
	(erf) = vpow2.f32 v7;
	v7 =	vld [tilespmem:s18+$0xBEB0]  }
0x13a: {  	v36 =	vmax.f32 v36, $0.0e+00;
	v32 =	vmul.f32 $1.442695020e+00, v33;
	(erf) = vpow2.f32 v8;
	v8 =	vld [tilespmem:s18+$0xBEC0]  }
0x13b: {  	(erf) = vpow2.f32 v10;
	v10 =	vld [tilespmem:s18+$0xBED0];
	v18 =	vmax.f32 v3, $0.0e+00;
	v3 =	vmul.f32 $1.442695020e+00, v17  }
0x13c: {  	(erf) = vpow2.f32 v11;
	v20 =	vmax.f32 v4, $0.0e+00;
	v4 =	vmul.f32 $1.442695020e+00, v18  }
0x13d: {  	v50 =	vmul.f32 $1.442695020e+00, v36;
	v11 =	vld [tilespmem:s18+$0xBEE0];
	(erf) = vpow2.f32 v19;
	v21 =	vmax.f32 v5, $0.0e+00  }
0x13e: {  	v19 =	vld [tilespmem:s18+$0xBEF0];
	v5 =	vmul.f32 $1.442695020e+00, v20;
	(erf) = vpow2.f32 v3;
	v22 =	vmax.f32 v7, $0.0e+00  }
0x13f: {  	v3 =	vld [tilespmem:s18+$0xBF00];
	v7 =	vmul.f32 $1.442695020e+00, v21;
	(erf) = vpow2.f32 v4;
	v24 =	vmax.f32 v8, $0.0e+00  }
0x140: {  	v8 =	vmul.f32 $1.442695020e+00, v22;
	v4 =	vpop (erf);
	v26 =	vmax.f32 v10, $0.0e+00;
	v10 =	vmul.f32 $1.442695020e+00, v24  }
0x141: {  	v25 =	vld [tilespmem:s18+$0xBF20];
	(erf) = vpow2.f32 v5;
	v9 =	vmul.f32 v4, v9  }
0x142: {  	v27 =	vmax.f32 v11, $0.0e+00;
	v11 =	vmul.f32 $1.442695020e+00, v26;
	(erf) = vpow2.f32 v7  }
0x143: {  	v5 =	vld [tilespmem:s18+$0xBF30];
	v29 =	vpop (erf);
	v19 =	vmax.f32 v19, $0.0e+00;
	v28 =	vmul.f32 $1.442695020e+00, v27;
	(erf) = vpow2.f32 v8  }
0x144: {  	v7 =	vld [tilespmem:s18+$0xBF60];
	v31 =	vpop (erf);
	v2 =	vmul.f32 v29, v2;
	v30 =	vmax.f32 v3, $0.0e+00;
	v3 =	vmul.f32 $1.442695020e+00, v19  }
0x145: {  	v4 =	vpack.i.f32.bf16 v9, v4;
	v9 =	vld [tilespmem:s18+$0xBF40];
	(erf) = vpow2.f32 v10;
	v6 =	vmul.f32 v31, v6  }
0x146: {  	v25 =	vmax.f32 v25, $0.0e+00;
	v23 =	vpop (erf);
	v10 =	vld [tilespmem:s18+$0xBF70];
	v8 =	vmul.f32 $1.442695020e+00, v30;
	(erf) = vpow2.f32 v11  }
0x147: {  	[tilespmem:s18+$0xFFF0] =	vst v4;
	v4 =	vld [tilespmem:s18+$0xBF50];
	v34 =	vpop (erf);
	v60 =	vmul.f32 v23, v12;
	v2 =	vpack.i.f32.bf16 v2, v29;
	(erf) = vpow2.f32 v28  }
0x148: {  	v35 =	vmax.f32 v5, $0.0e+00;
	v5 =	vmul.f32 $1.442695020e+00, v25;
	v28 =	vpop (erf);
	(erf) = vpow2.f32 v3  }
0x149: {  	v11 =	vld [tilespmem:s18+$0xBF80];
	v14 =	vmul.f32 v34, v14;
	v41 =	vmax.f32 v7, $0.0e+00;
	v38 =	vpop (erf);
	(erf) = vpow2.f32 v8  }
0x14a: {  	[tilespmem:s18+$0xFE00] =	vst v2;
	v3 =	vld [tilespmem:s18+$0xBFA0];
	v2 =	vmul.f32 v28, v13;
	v37 =	vmax.f32 v9, $0.0e+00;
	v9 =	vmul.f32 $1.442695020e+00, v35;
	v40 =	vpop (erf)  }
0x14b: {  	v8 =	vld [tilespmem:s18+$0xBFB0];
	(erf) = vpow2.f32 v32;
	v43 =	vmax.f32 v10, $0.0e+00;
	v10 =	vmul.f32 $1.442695020e+00, v41;
	v63 =	vpop (erf)  }
0x14c: {  	v42 =	vld [tilespmem:s18+$0xBFC0];
	v39 =	vmax.f32 v4, $0.0e+00;
	v4 =	vmul.f32 $1.442695020e+00, v37;
	(erf) = vpow2.f32 v5;
	v44 =	vpop (erf)  }
0x14d: {  	v7 =	vmul.f32 $1.442695020e+00, v39;
	(erf) = vpow2.f32 v9;
	v46 =	vpop (erf)  }
0x14e: {  	v5 =	vld [tilespmem:s18+$0xBFD0];
	v45 =	vmax.f32 v11, $0.0e+00;
	v11 =	vmul.f32 $1.442695020e+00, v43;
	(erf) = vpow2.f32 v4;
	v48 =	vpop (erf)  }
0x14f: {  	v9 =	vld [tilespmem:s18+$0xBFE0];
	v47 =	vmul.f32 $1.442695020e+00, v45;
	v49 =	vmax.f32 v3, $0.0e+00;
	(erf) = vpow2.f32 v7;
	v51 =	vpop (erf)  }
0x150: {  	v52 =	vmax.f32 v8, $0.0e+00;
	v53 =	vmul.f32 $1.442695020e+00, v49;
	(erf) = vpow2.f32 v10;
	v54 =	vpop (erf)  }
0x151: {  	v3 =	vmax.f32 v42, $0.0e+00;
	v10 =	vmul.f32 $1.442695020e+00, v52;
	(erf) = vpow2.f32 v11;
	v57 =	vpop (erf)  }
0x152: {  	v11 =	vmul.f32 $1.442695020e+00, v3;
	(erf) = vpow2.f32 v47;
	v7 =	vpop (erf)  }
0x153: {  	v6 =	vpack.i.f32.bf16 v6, v31;
	v29 =	vmul.f32 v38, v15;
	(erf) = vpow2.f32 v50;
	v8 =	vpop (erf)  }
0x154: {  	v4 =	vmax.f32 v5, $0.0e+00;
	v5 =	vmax.f32 v9, $0.0e+00;
	(erf) = vpow2.f32 v53;
	v9 =	vpop (erf)  }
0x155: {  	[tilespmem:s18+$0xFE10] =	vst v6;
	v6 =	vmul.f32 v40, v16;
	(erf) = vpow2.f32 v10;
	v10 =	vpop (erf)  }
0x156: {  	v15 =	vpack.i.f32.bf16 v60, v23;
	v58 =	vmul.f32 $1.442695020e+00, v4;
	(erf) = vpow2.f32 v11;
	v11 =	vpop (erf)  }
0x157: {  	v16 =	vpack.i.f32.bf16 v14, v34;
	v31 =	vmul.f32 v63, v17;
	v59 =	vmul.f32 $1.442695020e+00, v5;
	v12 =	vpop (erf)  }
0x158: {  	[tilespmem:s18+$0xFE20] =	vst v15;
	v2 =	vpack.i.f32.bf16 v2, v28;
	v61 =	vmul.f32 v44, v18;
	(erf) = vpow2.f32 v58;
	v13 =	vpop (erf)  }
0x159: {  	[tilespmem:s18+$0xFE30] =	vst v16;
	v17 =	vpack.i.f32.bf16 v29, v38;
	v20 =	vmul.f32 v46, v20;
	(erf) = vpow2.f32 v59;
	v14 =	vpop (erf)  }
0x15a: {  	[tilespmem:s18+$0xFE40] =	vst v2;
	v18 =	vpack.i.f32.bf16 v6, v40;
	v21 =	vmul.f32 v48, v21;
	v22 =	vmul.f32 v51, v22;
	v15 =	vpop (erf)  }
0x15b: {  	[tilespmem:s18+$0xFE50] =	vst v17;
	v2 =	vmul.f32 v54, v24;
	v23 =	vmul.f32 v8, v19;
	v19 =	vpack.i.f32.bf16 v31, v63;
	v16 =	vpop (erf)  }
0x15c: {  	[tilespmem:s18+$0xFE60] =	vst v18;
	v28 =	vpack.i.f32.bf16 v21, v48;
	v62 =	vmul.f32 v57, v26;
	v6 =	vmul.f32 v7, v27;
	v17 =	vpop (erf)  }
0x15d: {  	[tilespmem:s18+$0xFEA0] =	vst v28;
	v32 =	vmul.f32 v9, v30;
	v24 =	vmul.f32 v10, v33;
	v18 =	vpop (erf)  }
0x15e: {  	v26 =	vpack.i.f32.bf16 v61, v44;
	[tilespmem:s18+$0xFE70] =	vst v19;
	v33 =	vmul.f32 v11, v25;
	v25 =	vmul.f32 v12, v35;
	v19 =	vpop (erf)  }
0x15f: {  	v27 =	vpack.i.f32.bf16 v20, v46;
	[tilespmem:s18+$0xFE80] =	vst v26;
	v30 =	vmul.f32 v13, v37;
	v26 =	vmul.f32 v14, v39;
	v20 =	vpop (erf)  }
0x160: {  	[tilespmem:s18+$0xFE90] =	vst v27;
	v31 =	vpack.i.f32.bf16 v22, v51;
	v34 =	vmul.f32 v15, v41;
	v27 =	vmul.f32 v16, v43;
	v21 =	vpop (erf)  }
0x161: {  	v63 =	vpack.i.f32.bf16 v2, v54;
	[tilespmem:s18+$0xFEB0] =	vst v31;
	v29 =	vmul.f32 v17, v45;
	v28 =	vmul.f32 v18, v36;
	v22 =	vpop (erf)  }
0x162: {  	s11 =	simm.s32 $0x1000;
	s4 =	simm.s32 $0x200;
	[tilespmem:s18+$0xFEC0] =	vst v63;
	v36 =	vpack.i.f32.bf16 v62, v57;
	v35 =	vmul.f32 v19, v49;
	v31 =	vmul.f32 v20, v52;
	v2 =	vpop (erf)  }
.LBB2_12:
0x163: {  	p2 =	sne.s32 s11, $0x7800;
	v37 =	vld [tilespmem:s4+$0xBFF0];
	v3 =	vmul.f32 v21, v3;
	v4 =	vmul.f32 v22, v4;
	v7 =	vpack.i.f32.bf16 v6, v7;
	[tilespmem:s18+$0xFED0] =	vst v36  }
0x164: {  	v6 =	vmul.f32 v2, v5;
	v5 =	vpack.i.f32.bf16 v23, v8;
	v8 =	vpack.i.f32.bf16 v32, v9;
	v36 =	vld [tilespmem:s4+$0xBE00];
	[tilespmem:s18+$0xFEE0] =	vst v7  }
0x165: {  	v9 =	vpack.i.f32.bf16 v24, v10;
	v10 =	vpack.i.f32.bf16 v33, v11;
	v12 =	vpack.i.f32.bf16 v25, v12;
	v7 =	vld [tilespmem:s4+$0xBE10];
	[tilespmem:s18+$0xFEF0] =	vst v5  }
0x166: {  	v13 =	vpack.i.f32.bf16 v30, v13;
	v14 =	vpack.i.f32.bf16 v26, v14;
	v15 =	vpack.i.f32.bf16 v34, v15;
	v5 =	vld [tilespmem:s4+$0xBE20];
	[tilespmem:s18+$0xFF00] =	vst v8  }
0x167: {  	v16 =	vpack.i.f32.bf16 v27, v16;
	v17 =	vpack.i.f32.bf16 v29, v17;
	v18 =	vpack.i.f32.bf16 v28, v18;
	v8 =	vld [tilespmem:s4+$0xBE30];
	[tilespmem:s18+$0xFF10] =	vst v9  }
0x168: {  	v19 =	vpack.i.f32.bf16 v35, v19;
	v20 =	vpack.i.f32.bf16 v31, v20;
	v9 =	vld [tilespmem:s4+$0xBE40];
	v24 =	vmax.f32 v37, $0.0e+00;
	[tilespmem:s18+$0xFF20] =	vst v10  }
0x169: {  	v3 =	vpack.i.f32.bf16 v3, v21;
	v10 =	vld [tilespmem:s4+$0xBE50];
	v11 =	vmax.f32 v36, $0.0e+00;
	v23 =	vmul.f32 $1.442695020e+00, v24;
	[tilespmem:s18+$0xFF30] =	vst v12  }
0x16a: {  	v4 =	vpack.i.f32.bf16 v4, v22;
	v21 =	vld [tilespmem:s4+$0xBE60];
	v12 =	vmax.f32 v7, $0.0e+00;
	v7 =	vmul.f32 $1.442695020e+00, v11;
	[tilespmem:s18+$0xFF40] =	vst v13  }
0x16b: {  	v22 =	vld [tilespmem:s4+$0xBE70];
	v13 =	vmax.f32 v5, $0.0e+00;
	v5 =	vmul.f32 $1.442695020e+00, v12;
	(erf) = vpow2.f32 v23;
	[tilespmem:s18+$0xFF50] =	vst v14  }
0x16c: {  	v23 =	vld [tilespmem:s4+$0xBE80];
	v14 =	vmax.f32 v8, $0.0e+00;
	v8 =	vmul.f32 $1.442695020e+00, v13;
	(erf) = vpow2.f32 v7;
	[tilespmem:s18+$0xFF60] =	vst v15  }
0x16d: {  	v7 =	vld [tilespmem:s4+$0xBE90];
	v15 =	vmax.f32 v9, $0.0e+00;
	v9 =	vmul.f32 $1.442695020e+00, v14;
	(erf) = vpow2.f32 v5;
	[tilespmem:s18+$0xFF70] =	vst v16  }
0x16e: {  	v5 =	vld [tilespmem:s4+$0xBEA0];
	v16 =	vmax.f32 v10, $0.0e+00;
	v10 =	vmul.f32 $1.442695020e+00, v15;
	(erf) = vpow2.f32 v8;
	[tilespmem:s18+$0xFF80] =	vst v17  }
0x16f: {  	v8 =	vld [tilespmem:s4+$0xBEB0];
	v17 =	vmax.f32 v21, $0.0e+00;
	v21 =	vmul.f32 $1.442695020e+00, v16;
	(erf) = vpow2.f32 v9;
	[tilespmem:s18+$0xFF90] =	vst v18  }
0x170: {  	v9 =	vld [tilespmem:s4+$0xBEC0];
	v18 =	vmax.f32 v22, $0.0e+00;
	v22 =	vmul.f32 $1.442695020e+00, v17;
	(erf) = vpow2.f32 v10;
	[tilespmem:s18+$0xFFA0] =	vst v19  }
0x171: {  	v10 =	vld [tilespmem:s4+$0xBED0];
	v19 =	vmax.f32 v23, $0.0e+00;
	v23 =	vmul.f32 $1.442695020e+00, v18;
	(erf) = vpow2.f32 v21;
	[tilespmem:s18+$0xFFB0] =	vst v20  }
0x172: {  	v25 =	vld [tilespmem:s4+$0xBEE0];
	v20 =	vmax.f32 v7, $0.0e+00;
	v26 =	vmul.f32 $1.442695020e+00, v19;
	(erf) = vpow2.f32 v22;
	[tilespmem:s18+$0xFFC0] =	vst v3  }
0x173: {  	v3 =	vld [tilespmem:s4+$0xBEF0];
	v21 =	vmax.f32 v5, $0.0e+00;
	v5 =	vmul.f32 $1.442695020e+00, v20;
	(erf) = vpow2.f32 v23;
	[tilespmem:s18+$0xFFD0] =	vst v4  }
0x174: {  	v4 =	vld [tilespmem:s4+$0xBF00];
	v22 =	vmax.f32 v8, $0.0e+00;
	v8 =	vmul.f32 $1.442695020e+00, v21;
	(erf) = vpow2.f32 v26;
	v7 =	vpop (erf)  }
0x175: {  	v28 =	vld [tilespmem:s4+$0xBF10];
	v23 =	vmax.f32 v9, $0.0e+00;
	v9 =	vmul.f32 $1.442695020e+00, v22;
	v26 =	vmul.f32 v7, v24;
	v32 =	vpop (erf)  }
0x176: {  	v29 =	vld [tilespmem:s4+$0xBF20];
	v24 =	vmax.f32 v10, $0.0e+00;
	v10 =	vmul.f32 $1.442695020e+00, v23;
	v33 =	vpop (erf);
	(erf) = vpow2.f32 v5  }
0x177: {  	v5 =	vld [tilespmem:s4+$0xBF30];
	v25 =	vmax.f32 v25, $0.0e+00;
	v30 =	vmul.f32 $1.442695020e+00, v24;
	v7 =	vpack.i.f32.bf16 v26, v7;
	v34 =	vpop (erf)  }
0x178: {  	v31 =	vld [tilespmem:s4+$0xBF40];
	v26 =	vmax.f32 v3, $0.0e+00;
	v3 =	vmul.f32 $1.442695020e+00, v25;
	[tilespmem:s4+$0xFFF0] =	vst v7;
	v35 =	vpop (erf);
	(erf) = vpow2.f32 v8  }
0x179: {  	v7 =	vld [tilespmem:s4+$0xBF50];
	v27 =	vmax.f32 v4, $0.0e+00;
	v4 =	vmul.f32 $1.442695020e+00, v26;
	v36 =	vpop (erf);
	(erf) = vpow2.f32 v9  }
0x17a: {  	v8 =	vld [tilespmem:s4+$0xBF60];
	v28 =	vmax.f32 v28, $0.0e+00;
	v9 =	vmul.f32 $1.442695020e+00, v27;
	v37 =	vpop (erf);
	(erf) = vpow2.f32 v10  }
0x17b: {  	v10 =	vld [tilespmem:s4+$0xBF70];
	v29 =	vmax.f32 v29, $0.0e+00;
	v38 =	vmul.f32 $1.442695020e+00, v28;
	v39 =	vpop (erf);
	(erf) = vpow2.f32 v30  }
0x17c: {  	v40 =	vld [tilespmem:s4+$0xBF80];
	v30 =	vmax.f32 v5, $0.0e+00;
	v5 =	vmul.f32 $1.442695020e+00, v29;
	v41 =	vpop (erf);
	(erf) = vpow2.f32 v3  }
0x17d: {  	v3 =	vld [tilespmem:s4+$0xBF90];
	v31 =	vmax.f32 v31, $0.0e+00;
	v42 =	vmul.f32 $1.442695020e+00, v30;
	v43 =	vpop (erf);
	(erf) = vpow2.f32 v4  }
0x17e: {  	v4 =	vld [tilespmem:s4+$0xBFA0];
	v44 =	vmax.f32 v7, $0.0e+00;
	v7 =	vmul.f32 $1.442695020e+00, v31;
	(erf) = vpow2.f32 v9  }
0x17f: {  	v9 =	vld [tilespmem:s4+$0xBFB0];
	v45 =	vmax.f32 v8, $0.0e+00;
	v8 =	vmul.f32 $1.442695020e+00, v44;
	v46 =	vpop (erf);
	(erf) = vpow2.f32 v38  }
0x180: {  	v38 =	vld [tilespmem:s4+$0xBFC0];
	v47 =	vmax.f32 v10, $0.0e+00;
	v10 =	vmul.f32 $1.442695020e+00, v45;
	(erf) = vpow2.f32 v5  }
0x181: {  	v5 =	vld [tilespmem:s4+$0xBFD0];
	v40 =	vmax.f32 v40, $0.0e+00;
	v48 =	vmul.f32 $1.442695020e+00, v47;
	v49 =	vpop (erf);
	(erf) = vpow2.f32 v42  }
0x182: {  	v42 =	vld [tilespmem:s4+$0xBFE0];
	v50 =	vmax.f32 v3, $0.0e+00;
	v51 =	vmul.f32 $1.442695020e+00, v40;
	v52 =	vpop (erf);
	(erf) = vpow2.f32 v7  }
0x183: {  	v53 =	vmax.f32 v4, $0.0e+00;
	v54 =	vmul.f32 $1.442695020e+00, v50;
	v55 =	vpop (erf);
	(erf) = vpow2.f32 v8  }
0x184: {  	v56 =	vmax.f32 v9, $0.0e+00;
	v57 =	vmul.f32 $1.442695020e+00, v53;
	v58 =	vpop (erf);
	(erf) = vpow2.f32 v10  }
0x185: {  	v3 =	vmax.f32 v38, $0.0e+00;
	v38 =	vmul.f32 $1.442695020e+00, v56;
	v7 =	vpop (erf);
	(erf) = vpow2.f32 v48  }
0x186: {  	v4 =	vmax.f32 v5, $0.0e+00;
	v48 =	vmul.f32 $1.442695020e+00, v3;
	v8 =	vpop (erf);
	(erf) = vpow2.f32 v51  }
0x187: {  	v5 =	vmax.f32 v42, $0.0e+00;
	v42 =	vmul.f32 $1.442695020e+00, v4;
	v9 =	vpop (erf);
	(erf) = vpow2.f32 v54  }
0x188: {  	v2 =	vpack.i.f32.bf16 v6, v2;
	v51 =	vmul.f32 $1.442695020e+00, v5;
	v10 =	vpop (erf);
	(erf) = vpow2.f32 v57  }
0x189: {  	v6 =	vmul.f32 v32, v11;
	v11 =	vpop (erf);
	(erf) = vpow2.f32 v38;
	[tilespmem:s18+$0xFFE0] =	vst v2;
	s18 =	smov.u32 s4  }
0x18a: {  	v2 =	vmul.f32 v33, v12;
	v12 =	vpop (erf);
	(erf) = vpow2.f32 v48  }
0x18b: {  	v6 =	vpack.i.f32.bf16 v6, v32;
	v38 =	vmul.f32 v34, v13;
	v13 =	vpop (erf);
	(erf) = vpow2.f32 v42  }
0x18c: {  	v32 =	vmul.f32 v35, v14;
	v2 =	vpack.i.f32.bf16 v2, v33;
	[tilespmem:s18+$0xFE00] =	vst v6;
	v14 =	vpop (erf);
	(erf) = vpow2.f32 v51  }
0x18d: {  	v33 =	vmul.f32 v37, v16;
	v38 =	vpack.i.f32.bf16 v38, v34;
	v6 =	vmul.f32 v36, v15;
	[tilespmem:s18+$0xFE10] =	vst v2;
	v15 =	vpop (erf)  }
0x18e: {  	v32 =	vpack.i.f32.bf16 v32, v35;
	v34 =	vmul.f32 v41, v18;
	v2 =	vmul.f32 v39, v17;
	[tilespmem:s18+$0xFE20] =	vst v38;
	v16 =	vpop (erf)  }
0x18f: {  	v35 =	vmul.f32 v43, v19;
	v38 =	vmul.f32 v46, v20;
	v6 =	vpack.i.f32.bf16 v6, v36;
	[tilespmem:s18+$0xFE30] =	vst v32;
	v17 =	vpop (erf)  }
0x190: {  	v42 =	vmul.f32 v52, v22;
	v36 =	vmul.f32 v49, v21;
	v21 =	vpack.i.f32.bf16 v33, v37;
	[tilespmem:s18+$0xFE40] =	vst v6;
	v18 =	vpop (erf)  }
0x191: {  	v48 =	vmul.f32 v58, v24;
	v37 =	vmul.f32 v55, v23;
	v2 =	vpack.i.f32.bf16 v2, v39;
	[tilespmem:s18+$0xFE50] =	vst v21;
	v19 =	vpop (erf)  }
0x192: {  	v23 =	vmul.f32 v8, v26;
	v26 =	vpack.i.f32.bf16 v34, v41;
	v6 =	vmul.f32 v7, v25;
	[tilespmem:s18+$0xFE60] =	vst v2;
	v20 =	vpop (erf)  }
0x193: {  	v24 =	vmul.f32 v10, v28;
	v34 =	vpack.i.f32.bf16 v35, v43;
	v32 =	vmul.f32 v9, v27;
	[tilespmem:s18+$0xFE70] =	vst v26;
	v21 =	vpop (erf)  }
.Ltmp7:
0x194: {  	v33 =	vmul.f32 v11, v29;
	v25 =	vmul.f32 v12, v30;
	v27 =	vpack.i.f32.bf16 v38, v46;
	[tilespmem:s18+$0xFE80] =	vst v34;
	v22 =	vpop (erf);
	(pc) =	sbr.rel @p2 .LBB2_12-.Ltmp7, $4  }
0x195: {  	v30 =	vmul.f32 v13, v31;
	v28 =	vpack.i.f32.bf16 v36, v49;
	v26 =	vmul.f32 v14, v44;
	[tilespmem:s18+$0xFE90] =	vst v27;
	v2 =	vpop (erf)  }
0x196: {  	v31 =	vpack.i.f32.bf16 v42, v52;
	v34 =	vmul.f32 v15, v45;
	v27 =	vmul.f32 v16, v47;
	[tilespmem:s18+$0xFEA0] =	vst v28  }
0x197: {  	v29 =	vmul.f32 v17, v40;
	v37 =	vpack.i.f32.bf16 v37, v55;
	v28 =	vmul.f32 v18, v50;
	[tilespmem:s18+$0xFEB0] =	vst v31  }
0x198: {  	s4 =	sshra.s32 s11, $0x2;
	s11 =	sadd.s32 $0x800, s11;
	v36 =	vpack.i.f32.bf16 v48, v58;
	v35 =	vmul.f32 v19, v53;
	v31 =	vmul.f32 v20, v56;
	[tilespmem:s18+$0xFEC0] =	vst v37  }
0x199: {  	v37 =	vld [tilespmem:s4+$0xBFF0];
	[tilespmem:s18+$0xFED0] =	vst v36;
	v6 =	vpack.i.f32.bf16 v6, v7  }
0x19a: {  	v40 =	vpack.i.f32.bf16 v23, v8;
	v39 =	vld [tilespmem:s4+$0xBE00];
	[tilespmem:s18+$0xFEE0] =	vst v6  }
0x19b: {  	v42 =	vpack.i.f32.bf16 v32, v9;
	v41 =	vld [tilespmem:s4+$0xBE10];
	[tilespmem:s18+$0xFEF0] =	vst v40  }
0x19c: {  	v44 =	vpack.i.f32.bf16 v24, v10;
	v43 =	vld [tilespmem:s4+$0xBE20];
	[tilespmem:s18+$0xFF00] =	vst v42  }
0x19d: {  	v46 =	vpack.i.f32.bf16 v33, v11;
	v45 =	vld [tilespmem:s4+$0xBE30];
	[tilespmem:s18+$0xFF10] =	vst v44  }
0x19e: {  	v48 =	vpack.i.f32.bf16 v25, v12;
	v47 =	vld [tilespmem:s4+$0xBE40];
	[tilespmem:s18+$0xFF20] =	vst v46  }
0x19f: {  	v50 =	vpack.i.f32.bf16 v30, v13;
	v49 =	vld [tilespmem:s4+$0xBE50];
	[tilespmem:s18+$0xFF30] =	vst v48  }
0x1a0: {  	v52 =	vpack.i.f32.bf16 v26, v14;
	v51 =	vld [tilespmem:s4+$0xBE60];
	[tilespmem:s18+$0xFF40] =	vst v50  }
0x1a1: {  	v54 =	vpack.i.f32.bf16 v34, v15;
	v53 =	vld [tilespmem:s4+$0xBE70];
	[tilespmem:s18+$0xFF50] =	vst v52  }
0x1a2: {  	v56 =	vpack.i.f32.bf16 v27, v16;
	v3 =	vmul.f32 v21, v3;
	v4 =	vmul.f32 v22, v4;
	v55 =	vld [tilespmem:s4+$0xBE80];
	[tilespmem:s18+$0xFF60] =	vst v54  }
0x1a3: {  	v5 =	vmul.f32 v2, v5;
	v58 =	vpack.i.f32.bf16 v29, v17;
	v18 =	vpack.i.f32.bf16 v28, v18;
	v57 =	vld [tilespmem:s4+$0xBE90];
	[tilespmem:s18+$0xFF70] =	vst v56  }
0x1a4: {  	v19 =	vpack.i.f32.bf16 v35, v19;
	v61 =	vpack.i.f32.bf16 v31, v20;
	v60 =	vmax.f32 v37, $0.0e+00;
	v59 =	vld [tilespmem:s4+$0xBEA0];
	[tilespmem:s18+$0xFF80] =	vst v58  }
0x1a5: {  	v3 =	vpack.i.f32.bf16 v3, v21;
	v7 =	vmax.f32 v39, $0.0e+00;
	v62 =	vmul.f32 $1.442695020e+00, v60;
	v63 =	vld [tilespmem:s4+$0xBEB0];
	[tilespmem:s18+$0xFF90] =	vst v18  }
0x1a6: {  	v4 =	vpack.i.f32.bf16 v4, v22;
	v8 =	vmax.f32 v41, $0.0e+00;
	v26 =	vmul.f32 $1.442695020e+00, v7;
	v18 =	vld [tilespmem:s4+$0xBEC0];
	[tilespmem:s18+$0xFFA0] =	vst v19  }
0x1a7: {  	v9 =	vmax.f32 v43, $0.0e+00;
	(erf) = vpow2.f32 v62;
	v27 =	vmul.f32 $1.442695020e+00, v8;
	v30 =	vld [tilespmem:s4+$0xBED0];
	[tilespmem:s18+$0xFFB0] =	vst v61  }
0x1a8: {  	v10 =	vmax.f32 v45, $0.0e+00;
	v28 =	vmul.f32 $1.442695020e+00, v9;
	(erf) = vpow2.f32 v26;
	v33 =	vld [tilespmem:s4+$0xBEE0];
	[tilespmem:s18+$0xFFC0] =	vst v3  }
0x1a9: {  	v11 =	vmax.f32 v47, $0.0e+00;
	v29 =	vmul.f32 $1.442695020e+00, v10;
	(erf) = vpow2.f32 v27;
	v36 =	vld [tilespmem:s4+$0xBEF0];
	[tilespmem:s18+$0xFFD0] =	vst v4  }
0x1aa: {  	v12 =	vmax.f32 v49, $0.0e+00;
	v31 =	vmul.f32 $1.442695020e+00, v11;
	(erf) = vpow2.f32 v28;
	v39 =	vld [tilespmem:s4+$0xBF00]  }
0x1ab: {  	v6 =	vmax.f32 v51, $0.0e+00;
	v32 =	vmul.f32 $1.442695020e+00, v12;
	(erf) = vpow2.f32 v29;
	v42 =	vld [tilespmem:s4+$0xBF10]  }
0x1ac: {  	v14 =	vmax.f32 v53, $0.0e+00;
	v34 =	vmul.f32 $1.442695020e+00, v6;
	(erf) = vpow2.f32 v31;
	v44 =	vld [tilespmem:s4+$0xBF20]  }
0x1ad: {  	v35 =	vmul.f32 $1.442695020e+00, v14;
	(erf) = vpow2.f32 v32;
	v47 =	vld [tilespmem:s4+$0xBF30]  }
0x1ae: {  	v3 =	vmax.f32 v55, $0.0e+00;
	v13 =	vmax.f32 v57, $0.0e+00;
	(erf) = vpow2.f32 v34;
	v48 =	vld [tilespmem:s4+$0xBF40]  }
0x1af: {  	v37 =	vmul.f32 $1.442695020e+00, v3;
	v4 =	vmax.f32 v59, $0.0e+00;
	v38 =	vmul.f32 $1.442695020e+00, v13;
	v51 =	vld [tilespmem:s4+$0xBF50]  }
0x1b0: {  	(erf) = vpow2.f32 v35;
	v15 =	vmax.f32 v63, $0.0e+00;
	v40 =	vmul.f32 $1.442695020e+00, v4;
	v41 =	vpop (erf);
	v53 =	vld [tilespmem:s4+$0xBF60]  }
0x1b1: {  	v55 =	vld [tilespmem:s4+$0xBF70];
	(erf) = vpow2.f32 v37;
	v16 =	vmax.f32 v18, $0.0e+00;
	v43 =	vmul.f32 v41, v60  }
0x1b2: {  	v2 =	vpack.i.f32.bf16 v5, v2;
	v57 =	vld [tilespmem:s4+$0xBF80];
	v45 =	vmul.f32 $1.442695020e+00, v15;
	v31 =	vpop (erf);
	v46 =	vmul.f32 $1.442695020e+00, v16  }
0x1b3: {  	v59 =	vld [tilespmem:s4+$0xBF90];
	v21 =	vmax.f32 v30, $0.0e+00;
	(erf) = vpow2.f32 v38;
	v7 =	vmul.f32 v31, v7  }
0x1b4: {  	v60 =	vld [tilespmem:s4+$0xBFA0];
	v17 =	vmax.f32 v33, $0.0e+00;
	v18 =	vpack.i.f32.bf16 v43, v41;
	(erf) = vpow2.f32 v40  }
0x1b5: {  	v49 =	vmul.f32 $1.442695020e+00, v21;
	(erf) = vpow2.f32 v45;
	v23 =	vmax.f32 v44, $0.0e+00;
	v44 =	vld [tilespmem:s4+$0xBFB0]  }
0x1b6: {  	v33 =	vpop (erf);
	v20 =	vmax.f32 v36, $0.0e+00;
	v50 =	vmul.f32 $1.442695020e+00, v17;
	(erf) = vpow2.f32 v46;
	v46 =	vld [tilespmem:s4+$0xBFC0]  }
0x1b7: {  	[tilespmem:s4+$0xFFF0] =	vst v18;
	v35 =	vpop (erf);
	v19 =	vmax.f32 v39, $0.0e+00;
	v52 =	vmul.f32 $1.442695020e+00, v20;
	v29 =	vmax.f32 v47, $0.0e+00;
	v47 =	vld [tilespmem:s4+$0xBFD0]  }
0x1b8: {  	v26 =	vmax.f32 v42, $0.0e+00;
	v22 =	vmax.f32 v48, $0.0e+00;
	v48 =	vld [tilespmem:s4+$0xBFE0];
	[tilespmem:s18+$0xFFE0] =	vst v2;
	v2 =	vmul.f32 v35, v9  }
0x1b9: {  	v18 =	vmax.f32 v51, $0.0e+00;
	v54 =	vmul.f32 $1.442695020e+00, v19;
	v56 =	vmul.f32 $1.442695020e+00, v26  }
0x1ba: {  	v27 =	vmax.f32 v53, $0.0e+00;
	(erf) = vpow2.f32 v49;
	v58 =	vmul.f32 $1.442695020e+00, v23  }
0x1bb: {  	v28 =	vmax.f32 v55, $0.0e+00;
	v38 =	vmul.f32 $1.442695020e+00, v29;
	v40 =	vmul.f32 $1.442695020e+00, v22  }
0x1bc: {  	v30 =	vmax.f32 v59, $0.0e+00;
	v61 =	vmul.f32 $1.442695020e+00, v18;
	v62 =	vmul.f32 $1.442695020e+00, v27  }
0x1bd: {  	v37 =	vpop (erf);
	v63 =	vmul.f32 $1.442695020e+00, v28;
	v49 =	vmul.f32 $1.442695020e+00, v30  }
0x1be: {  	v39 =	vpop (erf);
	v24 =	vmax.f32 v60, $0.0e+00;
	v55 =	vmul.f32 v37, v10;
	(erf) = vpow2.f32 v50  }
0x1bf: {  	v25 =	vmax.f32 v57, $0.0e+00;
	v57 =	vmul.f32 $1.442695020e+00, v24;
	v11 =	vmul.f32 v39, v11  }
0x1c0: {  	v7 =	vpack.i.f32.bf16 v7, v31;
	v41 =	vpop (erf);
	(erf) = vpow2.f32 v52;
	v52 =	vmul.f32 $1.442695020e+00, v25  }
0x1c1: {  	v2 =	vpack.i.f32.bf16 v2, v35;
	v42 =	vpop (erf);
	(erf) = vpow2.f32 v54;
	v54 =	vmul.f32 v33, v8  }
0x1c2: {  	v9 =	vpack.i.f32.bf16 v55, v37;
	v43 =	vpop (erf);
	v6 =	vmul.f32 v42, v6;
	(erf) = vpow2.f32 v56  }
0x1c3: {  	[tilespmem:s4+$0xFE00] =	vst v7;
	v11 =	vpack.i.f32.bf16 v11, v39;
	v45 =	vpop (erf);
	v8 =	vmax.f32 v44, $0.0e+00;
	(erf) = vpow2.f32 v58  }
0x1c4: {  	[tilespmem:s4+$0xFE20] =	vst v2;
	v2 =	vmax.f32 v46, $0.0e+00;
	v3 =	vmul.f32 v45, v3;
	(erf) = vpow2.f32 v38  }
0x1c5: {  	[tilespmem:s4+$0xFE30] =	vst v9;
	v14 =	vmul.f32 v43, v14;
	v53 =	vpop (erf);
	v5 =	vpack.i.f32.bf16 v54, v33;
	(erf) = vpow2.f32 v40  }
0x1c6: {  	[tilespmem:s4+$0xFE40] =	vst v11;
	v58 =	vmul.f32 v41, v12;
	v56 =	vpop (erf);
	v3 =	vpack.i.f32.bf16 v3, v45;
	(erf) = vpow2.f32 v61  }
0x1c7: {  	v60 =	vmul.f32 $1.442695020e+00, v8;
	v6 =	vpack.i.f32.bf16 v6, v42;
	[tilespmem:s4+$0xFE10] =	vst v5;
	v59 =	vpop (erf);
	(erf) = vpow2.f32 v62  }
0x1c8: {  	v31 =	vmul.f32 $1.442695020e+00, v2;
	v33 =	vmax.f32 v48, $0.0e+00;
	[tilespmem:s4+$0xFE60] =	vst v6;
	(erf) = vpow2.f32 v63;
	v63 =	vpop (erf)  }
0x1c9: {  	v39 =	vmul.f32 $1.442695020e+00, v33;
	v5 =	vpack.i.f32.bf16 v58, v41;
	v4 =	vmul.f32 v56, v4;
	[tilespmem:s4+$0xFE80] =	vst v3;
	v3 =	vpop (erf)  }
0x1ca: {  	[tilespmem:s4+$0xFE50] =	vst v5;
	v61 =	vmul.f32 v53, v13;
	v62 =	vpack.i.f32.bf16 v14, v43;
	v21 =	vmul.f32 v3, v21  }
0x1cb: {  	v5 =	vmax.f32 v47, $0.0e+00;
	v32 =	vmul.f32 v59, v15;
	v4 =	vpack.i.f32.bf16 v4, v56;
	[tilespmem:s4+$0xFE70] =	vst v62;
	v34 =	vpop (erf)  }
0x1cc: {  	v35 =	vmul.f32 $1.442695020e+00, v5;
	v11 =	vpack.i.f32.bf16 v61, v53;
	[tilespmem:s4+$0xFEA0] =	vst v4;
	v36 =	vpop (erf);
	v3 =	vpack.i.f32.bf16 v21, v3  }
0x1cd: {  	v9 =	vpack.i.f32.bf16 v32, v59;
	(erf) = vpow2.f32 v52;
	v16 =	vmul.f32 v63, v16;
	[tilespmem:s4+$0xFE90] =	vst v11;
	v38 =	vpop (erf)  }
0x1ce: {  	[tilespmem:s4+$0xFEB0] =	vst v9;
	(erf) = vpow2.f32 v49;
	v37 =	vmul.f32 v34, v17;
	v41 =	vpop (erf)  }
0x1cf: {  	v6 =	vpack.i.f32.bf16 v16, v63;
	v40 =	vmul.f32 v36, v20;
	(erf) = vpow2.f32 v57;
	[tilespmem:s4+$0xFED0] =	vst v3;
	v3 =	vpop (erf)  }
0x1d0: {  	[tilespmem:s4+$0xFEC0] =	vst v6;
	v42 =	vmul.f32 v38, v19;
	v7 =	vpack.i.f32.bf16 v37, v34;
	v45 =	vmul.f32 v3, v23  }
0x1d1: {  	v43 =	vmul.f32 v41, v26;
	v4 =	vpack.i.f32.bf16 v40, v36;
	[tilespmem:s4+$0xFEE0] =	vst v7;
	(erf) = vpow2.f32 v60;
	v44 =	vpop (erf)  }
0x1d2: {  	v9 =	vpack.i.f32.bf16 v42, v38;
	[tilespmem:s4+$0xFEF0] =	vst v4;
	(erf) = vpow2.f32 v31;
	v46 =	vpop (erf);
	v3 =	vpack.i.f32.bf16 v45, v3  }
0x1d3: {  	v6 =	vpack.i.f32.bf16 v43, v41;
	[tilespmem:s4+$0xFF00] =	vst v9;
	(erf) = vpow2.f32 v35;
	v47 =	vmul.f32 v44, v29;
	v48 =	vpop (erf)  }
0x1d4: {  	[tilespmem:s4+$0xFF10] =	vst v6;
	(erf) = vpow2.f32 v39;
	v49 =	vmul.f32 v46, v22;
	v50 =	vpop (erf)  }
0x1d5: {  	v51 =	vmul.f32 v48, v18;
	v7 =	vpack.i.f32.bf16 v47, v44;
	[tilespmem:s4+$0xFF20] =	vst v3;
	v3 =	vpop (erf)  }
0x1d6: {  	v52 =	vmul.f32 v50, v27;
	v4 =	vpack.i.f32.bf16 v49, v46;
	[tilespmem:s4+$0xFF30] =	vst v7;
	v54 =	vmul.f32 v3, v28  }
0x1d7: {  	v9 =	vpack.i.f32.bf16 v51, v48;
	[tilespmem:s4+$0xFF40] =	vst v4;
	v53 =	vpop (erf)  }
0x1d8: {  	v6 =	vpack.i.f32.bf16 v52, v50;
	[tilespmem:s4+$0xFF50] =	vst v9;
	v55 =	vpop (erf);
	v56 =	vmul.f32 v53, v25;
	v3 =	vpack.i.f32.bf16 v54, v3  }
0x1d9: {  	[tilespmem:s4+$0xFF60] =	vst v6;
	v57 =	vpop (erf);
	v58 =	vmul.f32 v55, v30  }
0x1da: {  	v59 =	vpop (erf);
	v60 =	vmul.f32 v57, v24;
	v7 =	vpack.i.f32.bf16 v56, v53;
	[tilespmem:s4+$0xFF70] =	vst v3  }
0x1db: {  	v8 =	vmul.f32 v59, v8;
	v4 =	vpack.i.f32.bf16 v58, v55;
	[tilespmem:s4+$0xFF80] =	vst v7;
	v3 =	vpop (erf)  }
0x1dc: {  	v9 =	vpack.i.f32.bf16 v60, v57;
	[tilespmem:s4+$0xFF90] =	vst v4;
	v61 =	vpop (erf);
	v2 =	vmul.f32 v3, v2  }
0x1dd: {  	v6 =	vpack.i.f32.bf16 v8, v59;
	[tilespmem:s4+$0xFFA0] =	vst v9;
	v62 =	vpop (erf);
	v5 =	vmul.f32 v61, v5  }
0x1de: {  	[tilespmem:s4+$0xFFB0] =	vst v6;
	v63 =	vmul.f32 v62, v33;
	v2 =	vpack.i.f32.bf16 v2, v3  }
0x1df: {  	v3 =	vpack.i.f32.bf16 v5, v61;
	[tilespmem:s4+$0xFFC0] =	vst v2  }
0x1e0: {  	s1 =	sshrl.u32 @!p1 s1, $0x2;
	s11 =	simm.s32 @!p1 $0xBE00;
	[tilespmem:s4+$0xFFD0] =	vst v3;
	v2 =	vpack.i.f32.bf16 v63, v62  }
0x1e1: {  	s0 =	sadd.s32 $0x1, s0;
	s1 =	sadd.s32 @!p1 $0x180, s1;
	[tilespmem:s4+$0xFFE0] =	vst v2;
	s4 =	simm.s32 @!p1 $0x80  }
0x1e2: {  	[tilespmem:s11], [sflag:$0x2] =	stream.indirect.gather @!p1 [hbm4b:s2+s4], $0x40, s1, s4, $0xb8;
	[tilespmem:$0x1BA80] =	vst v63  }
0x1e3: {  	p1 =	sne.s32 s0, $0x4F  }
.Ltmp8:
0x1e4: {  	_ = 	snop;
	(pc) =	sbr.rel @p1 .LBB2_6-.Ltmp8, $4  }
0x1e5: {  	_ =	swait.ge [sflag:s28], $0x2000  }
0x1e6: {  	[sflag:s28] =	ssyncset.done $0x0  }
0x1e7: {  	s22 =	sadd.s32 $0x4F80, s22;
	[sflag:s28] =	ssyncadd.s32 $0xFFFFE000  }
0x1e8: {  	[spmem:s3] =	stream.indirect.scatter.add.bf16 [tilespmem:s29], [sflag:$0x3], $0x40, s22, s23, $0xb8;
	[tilespmem:$0x1BA80] =	vst v63  }
0x1e9: {  	_ =	swait.ge [sflag:s28], $0x2000  }
0x1ea: {  	[sflag:s28] =	ssyncset.done $0x0  }
0x1eb: {  	[sflag:s28] =	ssyncadd.s32 $0xFFFFE000  }
0x1ec: {  	[bflag:$0x0] =	sbarrier.arrive $0xFFFF  }
0x1ed: {  	[tilespmem:s20], [sflag:$0x1] =	stream.linear.gather [spmem:s5], $0x2000, $0x38;
	[tilespmem:$0x1BA80] =	vst v63  }
0x1ee: {  	_ =	swait.ge [sflag:s30], $0x2000  }
0x1ef: {  	[sflag:s30] =	ssyncset.done $0x0  }
0x1f0: {  	s1 =	simm.s32 $0x0;
	[sflag:s30] =	ssyncadd.s32 $0xFFFFE000  }
0x1f1: {  	[tilespmem:s29], [sflag:$0x1] =	stream.linear.gather [spmem:s6], $0x2000, $0x38;
	[tilespmem:$0x1BA80] =	vst v63  }
0x1f2: {  	v3 =	vld [tilespmem:s1+$0xDE70]  }
0x1f3: {  	v2 =	vld [tilespmem:s1+$0xDE00]  }
0x1f4: {  	v4 =	vld [tilespmem:s1+$0xDE10];
	_ =	sdelay $0x1  }
0x1f5: {  	v5 =	vld [tilespmem:s1+$0xDE20]  }
0x1f6: {  	v6 =	vunpack.i.l.bf16.f32 v3  }
0x1f7: {  	v8 =	vld [tilespmem:s1+$0xDE30];
	v7 =	vunpack.i.l.bf16.f32 v2;
	v6 =	vadd.f32 $1.000000020e-16, v6  }
0x1f8: {  	v11 =	vld [tilespmem:s1+$0xDE40];
	v9 =	vunpack.i.l.bf16.f32 v4;
	v7 =	vadd.f32 $1.000000020e-16, v7  }
0x1f9: {  	v9 =	vadd.f32 $1.000000020e-16, v9;
	(erf) = vrcp.f32 v6  }
0x1fa: {  	v10 =	vunpack.i.l.bf16.f32 v5;
	(erf) = vrcp.f32 v7  }
0x1fb: {  	v10 =	vadd.f32 $1.000000020e-16, v10;
	v6 =	vld [tilespmem:s1+$0xDE50];
	(erf) = vrcp.f32 v9  }
0x1fc: {  	v9 =	vunpack.i.u.bf16.f32 v2  }
0x1fd: {  	v7 =	vld [tilespmem:s1+$0xDE60];
	v2 =	vunpack.i.l.bf16.f32 v8;
	(erf) = vrcp.f32 v10;
	v10 =	vunpack.i.l.bf16.f32 v11  }
0x1fe: {  	v2 =	vadd.f32 $1.000000020e-16, v2;
	v13 =	vadd.f32 $1.000000020e-16, v10  }
0x1ff: {  	s0 =	simm.s32 $0x80;
	v4 =	vunpack.i.u.bf16.f32 v4  }
0x200: {  	v5 =	vunpack.i.u.bf16.f32 v5;
	v10 =	vld [tilespmem:s0+$0xDE70];
	v12 =	vunpack.i.l.bf16.f32 v6;
	(erf) = vrcp.f32 v2  }
0x201: {  	v2 =	vunpack.i.u.bf16.f32 v8;
	v8 =	vunpack.i.u.bf16.f32 v3;
	v12 =	vadd.f32 $1.000000020e-16, v12  }
0x202: {  	v15 =	vld [tilespmem:s0+$0xDE00];
	v3 =	vunpack.i.u.bf16.f32 v11;
	v14 =	vunpack.i.l.bf16.f32 v7;
	(erf) = vrcp.f32 v13;
	v13 =	vpop (erf)  }
0x203: {  	v16 =	vld [tilespmem:s0+$0xDE10];
	v14 =	vadd.f32 $1.000000020e-16, v14;
	(erf) = vrcp.f32 v12;
	v8 =	vmul.f32 v13, v8;
	v11 =	vpop (erf)  }
0x204: {  	v17 =	vld [tilespmem:s0+$0xDE20];
	v12 =	vunpack.i.u.bf16.f32 v6;
	v13 =	vunpack.i.u.bf16.f32 v7;
	v6 =	vmul.f32 v11, v9;
	v7 =	vpop (erf)  }
0x205: {  	v19 =	vld [tilespmem:s0+$0xDE30];
	v11 =	vunpack.i.l.bf16.f32 v10;
	v9 =	vmul.f32 v7, v4;
	v4 =	vadd.f32 $1.000000010e-07, v8  }
0x206: {  	(erf) = vrcp.f32 v14;
	v14 =	vld [tilespmem:s0+$0xDE40];
	v7 =	vpop (erf);
	v11 =	vadd.f32 $1.000000020e-16, v11;
	v20 =	vadd.f32 $1.000000010e-07, v6  }
0x207: {  	v8 =	vmul.f32 v7, v5;
	v5 =	vld [tilespmem:s0+$0xDE50];
	v7 =	vunpack.i.u.bf16.f32 v15;
	v15 =	vunpack.i.l.bf16.f32 v15;
	[tilespmem:s1+$0x9E70] =	vst v4  }
0x208: {  	v6 =	vunpack.i.u.bf16.f32 v16;
	v16 =	vunpack.i.l.bf16.f32 v16;
	v15 =	vadd.f32 $1.000000020e-16, v15;
	v4 =	vld [tilespmem:s0+$0xDE60]  }
0x209: {  	v18 =	vunpack.i.l.bf16.f32 v17;
	v16 =	vadd.f32 $1.000000020e-16, v16;
	(erf) = vrcp.f32 v11  }
0x20a: {  	v18 =	vadd.f32 $1.000000020e-16, v18;
	v11 =	vunpack.i.l.bf16.f32 v19;
	(erf) = vrcp.f32 v15  }
0x20b: {  	v11 =	vadd.f32 $1.000000020e-16, v11;
	v15 =	vunpack.i.l.bf16.f32 v14;
	(erf) = vrcp.f32 v16  }
0x20c: {  	v15 =	vadd.f32 $1.000000020e-16, v15;
	v21 =	vunpack.i.l.bf16.f32 v5;
	(erf) = vrcp.f32 v18  }
0x20d: {  	v16 =	vpop (erf);
	v21 =	vadd.f32 $1.000000020e-16, v21;
	(erf) = vrcp.f32 v11;
	v22 =	vunpack.i.l.bf16.f32 v4  }
0x20e: {  	v14 =	vunpack.i.u.bf16.f32 v14;
	v18 =	vpop (erf);
	(erf) = vrcp.f32 v15;
	v22 =	vadd.f32 $1.000000020e-16, v22  }
0x20f: {  	v5 =	vunpack.i.u.bf16.f32 v5;
	v11 =	vunpack.i.u.bf16.f32 v17;
	v17 =	vpop (erf);
	(erf) = vrcp.f32 v21  }
0x210: {  	s4 =	simm.s32 $0x100;
	s11 =	simm.s32 $0x600;
	[tilespmem:s1+$0x9E00] =	vst v20;
	v15 =	vunpack.i.u.bf16.f32 v19;
	v4 =	vunpack.i.u.bf16.f32 v4;
	v19 =	vpop (erf);
	(erf) = vrcp.f32 v22  }
.LBB2_15:
0x211: {  	p1 =	sne.s32 s11, $0x7E00;
	v20 =	vld [tilespmem:s4+$0xDE70];
	v22 =	vadd.f32 $1.000000010e-07, v9;
	v16 =	vmul.f32 v16, v2;
	v18 =	vmul.f32 v18, v3;
	v2 =	vmovc v15;
	v3 =	vmovc v14  }
0x212: {  	v10 =	vunpack.i.u.bf16.f32 v10;
	v12 =	vmul.f32 v17, v12;
	v13 =	vmul.f32 v19, v13;
	v14 =	vld [tilespmem:s4+$0xDE00];
	v15 =	vpop (erf)  }
0x213: {  	v8 =	vadd.f32 $1.000000010e-07, v8;
	v17 =	vld [tilespmem:s4+$0xDE10];
	v23 =	vmul.f32 v15, v10;
	v15 =	vpop (erf);
	v19 =	vadd.f32 $1.000000010e-07, v16;
	[tilespmem:s1+$0x9E10] =	vst v22  }
0x214: {  	v12 =	vadd.f32 $1.000000010e-07, v12;
	v21 =	vld [tilespmem:s4+$0xDE20];
	v7 =	vmul.f32 v15, v7;
	v9 =	vpop (erf);
	v15 =	vadd.f32 $1.000000010e-07, v18  }
0x215: {  	v13 =	vadd.f32 $1.000000010e-07, v13;
	v22 =	vld [tilespmem:s4+$0xDE30];
	v9 =	vmul.f32 v9, v6;
	v6 =	vadd.f32 $1.000000010e-07, v23;
	v10 =	vpop (erf);
	[tilespmem:s1+$0x9E20] =	vst v8  }
0x216: {  	v23 =	vld [tilespmem:s4+$0xDE40];
	v26 =	vunpack.i.l.bf16.f32 v20;
	v24 =	vadd.f32 $1.000000010e-07, v7;
	v8 =	vmul.f32 v10, v11;
	v16 =	vpop (erf);
	[tilespmem:s1+$0x9E30] =	vst v19  }
0x217: {  	v25 =	vld [tilespmem:s4+$0xDE50];
	v7 =	vunpack.i.u.bf16.f32 v14;
	v10 =	vunpack.i.l.bf16.f32 v14;
	v11 =	vadd.f32 $1.000000020e-16, v26;
	[tilespmem:s0+$0x9E70] =	vst v6;
	v18 =	vpop (erf)  }
0x218: {  	v26 =	vld [tilespmem:s4+$0xDE60];
	v6 =	vunpack.i.u.bf16.f32 v17;
	v14 =	vunpack.i.l.bf16.f32 v17;
	v27 =	vadd.f32 $1.000000020e-16, v10;
	[tilespmem:s0+$0x9E00] =	vst v24;
	v17 =	vpop (erf)  }
0x219: {  	v24 =	vunpack.i.l.bf16.f32 v21;
	v14 =	vadd.f32 $1.000000020e-16, v14;
	(erf) = vrcp.f32 v11;
	v19 =	vpop (erf);
	[tilespmem:s1+$0x9E40] =	vst v15  }
0x21a: {  	v11 =	vunpack.i.l.bf16.f32 v22;
	v15 =	vadd.f32 $1.000000020e-16, v24;
	(erf) = vrcp.f32 v27;
	[tilespmem:s1+$0x9E50] =	vst v12;
	v10 =	vmovc v20;
	v12 =	vmovc v5  }
0x21b: {  	v5 =	vunpack.i.l.bf16.f32 v23;
	v11 =	vadd.f32 $1.000000020e-16, v11;
	(erf) = vrcp.f32 v14;
	[tilespmem:s1+$0x9E60] =	vst v13;
	v13 =	vmovc v4;
	s1 =	smov.u32 s0;
	s0 =	smov.u32 s4  }
.Ltmp9:
0x21c: {  	v4 =	vunpack.i.l.bf16.f32 v25;
	v5 =	vadd.f32 $1.000000020e-16, v5;
	(erf) = vrcp.f32 v15;
	(pc) =	sbr.rel @p1 .LBB2_15-.Ltmp9, $4  }
0x21d: {  	v14 =	vunpack.i.l.bf16.f32 v26;
	v4 =	vadd.f32 $1.000000020e-16, v4;
	(erf) = vrcp.f32 v11  }
0x21e: {  	v11 =	vunpack.i.u.bf16.f32 v21;
	v20 =	vadd.f32 $1.000000020e-16, v14;
	(erf) = vrcp.f32 v5  }
0x21f: {  	v15 =	vunpack.i.u.bf16.f32 v22;
	v14 =	vunpack.i.u.bf16.f32 v23;
	(erf) = vrcp.f32 v4  }
0x220: {  	s4 =	sshra.s32 s11, $0x2;
	s11 =	sadd.s32 $0x200, s11;
	v5 =	vunpack.i.u.bf16.f32 v25;
	v4 =	vunpack.i.u.bf16.f32 v26;
	(erf) = vrcp.f32 v20  }
0x221: {  	v20 =	vld [tilespmem:s4+$0xDE70]  }
0x222: {  	v9 =	vadd.f32 $1.000000010e-07, v9  }
0x223: {  	v21 =	vld [tilespmem:s4+$0xDE00]  }
0x224: {  	v22 =	vld [tilespmem:s4+$0xDE10];
	v2 =	vmul.f32 v16, v2;
	v8 =	vadd.f32 $1.000000010e-07, v8;
	[tilespmem:s1+$0x9E10] =	vst v9  }
0x225: {  	v3 =	vmul.f32 v18, v3;
	v10 =	vunpack.i.u.bf16.f32 v10;
	v16 =	vpop (erf);
	v9 =	vld [tilespmem:s4+$0xDE20]  }
0x226: {  	v10 =	vmul.f32 v16, v10;
	v2 =	vadd.f32 $1.000000010e-07, v2;
	v18 =	vld [tilespmem:s4+$0xDE30];
	[tilespmem:s1+$0x9E20] =	vst v8;
	v8 =	vunpack.i.l.bf16.f32 v20  }
0x227: {  	v8 =	vadd.f32 $1.000000020e-16, v8  }
0x228: {  	v12 =	vmul.f32 v17, v12;
	v16 =	vld [tilespmem:s4+$0xDE40];
	v10 =	vadd.f32 $1.000000010e-07, v10;
	[tilespmem:s1+$0x9E30] =	vst v2;
	v17 =	vunpack.i.l.bf16.f32 v21  }
0x229: {  	v13 =	vmul.f32 v19, v13;
	v19 =	vpop (erf);
	v3 =	vadd.f32 $1.000000010e-07, v3;
	v2 =	vadd.f32 $1.000000020e-16, v17;
	v17 =	vld [tilespmem:s4+$0xDE50]  }
0x22a: {  	v7 =	vmul.f32 v19, v7;
	[tilespmem:s0+$0x9E70] =	vst v10;
	v10 =	vunpack.i.l.bf16.f32 v22;
	(erf) = vrcp.f32 v8  }
0x22b: {  	v12 =	vadd.f32 $1.000000010e-07, v12;
	v10 =	vadd.f32 $1.000000020e-16, v10;
	v8 =	vpop (erf);
	(erf) = vrcp.f32 v2  }
0x22c: {  	v7 =	vadd.f32 $1.000000010e-07, v7;
	v21 =	vunpack.i.u.bf16.f32 v21;
	v2 =	vmul.f32 v8, v6;
	v6 =	vld [tilespmem:s4+$0xDE60]  }
0x22d: {  	v19 =	vunpack.i.l.bf16.f32 v18;
	v24 =	vunpack.i.l.bf16.f32 v16;
	v8 =	vunpack.i.l.bf16.f32 v9  }
0x22e: {  	v19 =	vadd.f32 $1.000000020e-16, v19;
	v23 =	vpop (erf);
	v25 =	vunpack.i.l.bf16.f32 v17;
	v8 =	vadd.f32 $1.000000020e-16, v8  }
0x22f: {  	v24 =	vadd.f32 $1.000000020e-16, v24;
	(erf) = vrcp.f32 v10;
	v10 =	vpop (erf);
	v25 =	vadd.f32 $1.000000020e-16, v25  }
0x230: {  	[tilespmem:s0+$0x9E00] =	vst v7;
	v11 =	vmul.f32 v23, v11;
	(erf) = vrcp.f32 v8;
	v8 =	vadd.f32 $1.000000010e-07, v13;
	v13 =	vpop (erf)  }
0x231: {  	[tilespmem:s1+$0x9E50] =	vst v12;
	v12 =	vunpack.i.u.bf16.f32 v20;
	(erf) = vrcp.f32 v19;
	v7 =	vpop (erf);
	v19 =	vunpack.i.l.bf16.f32 v6  }
0x232: {  	[tilespmem:s1+$0x9E40] =	vst v3;
	v10 =	vmul.f32 v10, v15;
	(erf) = vrcp.f32 v24;
	v61 =	vpop (erf);
	v3 =	vadd.f32 $1.000000020e-16, v19  }
0x233: {  	v2 =	vadd.f32 $1.000000010e-07, v2;
	v11 =	vadd.f32 $1.000000010e-07, v11;
	(erf) = vrcp.f32 v25;
	v15 =	vpop (erf)  }
0x234: {  	v10 =	vadd.f32 $1.000000010e-07, v10;
	[tilespmem:s1+$0x9E60] =	vst v8;
	(erf) = vrcp.f32 v3;
	v3 =	vmul.f32 v15, v12;
	v8 =	vpop (erf)  }
0x235: {  	[tilespmem:s0+$0x9E10] =	vst v2;
	v2 =	vmul.f32 v8, v21  }
0x236: {  	v5 =	vmul.f32 v7, v5;
	[tilespmem:s0+$0x9E20] =	vst v11;
	v8 =	vmul.f32 v13, v14;
	v3 =	vadd.f32 $1.000000010e-07, v3  }
0x237: {  	[tilespmem:s0+$0x9E30] =	vst v10;
	v4 =	vmul.f32 v61, v4;
	v2 =	vadd.f32 $1.000000010e-07, v2  }
0x238: {  	v7 =	vunpack.i.u.bf16.f32 v22;
	v5 =	vadd.f32 $1.000000010e-07, v5;
	v10 =	vpop (erf);
	v8 =	vadd.f32 $1.000000010e-07, v8;
	[tilespmem:s4+$0x9E70] =	vst v3  }
0x239: {  	v4 =	vadd.f32 $1.000000010e-07, v4;
	v7 =	vmul.f32 v10, v7;
	v3 =	vunpack.i.u.bf16.f32 v9;
	v9 =	vpop (erf);
	[tilespmem:s4+$0x9E00] =	vst v2  }
0x23a: {  	v2 =	vunpack.i.u.bf16.f32 v18;
	v3 =	vmul.f32 v9, v3;
	v9 =	vpop (erf);
	[tilespmem:s0+$0x9E40] =	vst v8;
	v8 =	vunpack.i.u.bf16.f32 v16  }
0x23b: {  	v10 =	vpop (erf);
	[tilespmem:s0+$0x9E50] =	vst v5;
	v5 =	vadd.f32 $1.000000010e-07, v7;
	v2 =	vmul.f32 v9, v2  }
0x23c: {  	v7 =	vunpack.i.u.bf16.f32 v17;
	[tilespmem:s0+$0x9E60] =	vst v4;
	v9 =	vpop (erf);
	v4 =	vmul.f32 v10, v8;
	v3 =	vadd.f32 $1.000000010e-07, v3  }
0x23d: {  	v6 =	vunpack.i.u.bf16.f32 v6;
	v7 =	vmul.f32 v9, v7;
	v2 =	vadd.f32 $1.000000010e-07, v2;
	[tilespmem:s4+$0x9E10] =	vst v5;
	v8 =	vpop (erf)  }
0x23e: {  	v4 =	vadd.f32 $1.000000010e-07, v4;
	[tilespmem:s4+$0x9E20] =	vst v3;
	v5 =	vmul.f32 v8, v6  }
0x23f: {  	v3 =	vadd.f32 $1.000000010e-07, v7;
	[tilespmem:s4+$0x9E30] =	vst v2  }
0x240: {  	[tilespmem:s4+$0x9E40] =	vst v4;
	v2 =	vadd.f32 $1.000000010e-07, v5  }
0x241: {  	[tilespmem:s4+$0x9E50] =	vst v3  }
0x242: {  	s22 =	simm.s32 $0x0;
	[tilespmem:s4+$0x9E60] =	vst v2  }
0x243: {  	[hbm4b:s13+s22] =	stream.linear.scatter [tilespmem:s24], [sflag:$0x3], $0x2000, $0x38;
	[tilespmem:$0x1BA80] =	vst v63  }
0x244: {  	_ =	swait.ge [sflag:s30], $0x2000  }
0x245: {  	[sflag:s30] =	ssyncset.done $0x0  }
0x246: {  	s1 =	simm.s32 $0x0;
	[sflag:s30] =	ssyncadd.s32 $0xFFFFE000  }
0x247: {  	[tilespmem:s20], [sflag:$0x1] =	stream.linear.gather [spmem:s7], $0x2000, $0x38;
	[tilespmem:$0x1BA80] =	vst v63  }
0x248: {  	v3 =	vld [tilespmem:s1+$0xFE70]  }
0x249: {  	v2 =	vld [tilespmem:s1+$0xFE00]  }
0x24a: {  	v4 =	vld [tilespmem:s1+$0xFE10];
	_ =	sdelay $0x1  }
0x24b: {  	v5 =	vld [tilespmem:s1+$0xFE20]  }
0x24c: {  	v6 =	vunpack.i.l.bf16.f32 v3  }
0x24d: {  	v8 =	vld [tilespmem:s1+$0xFE30];
	v7 =	vunpack.i.l.bf16.f32 v2;
	v6 =	vadd.f32 $1.000000020e-16, v6  }
0x24e: {  	v11 =	vld [tilespmem:s1+$0xFE40];
	v9 =	vunpack.i.l.bf16.f32 v4;
	v7 =	vadd.f32 $1.000000020e-16, v7  }
0x24f: {  	v9 =	vadd.f32 $1.000000020e-16, v9;
	(erf) = vrcp.f32 v6  }
0x250: {  	v10 =	vunpack.i.l.bf16.f32 v5;
	(erf) = vrcp.f32 v7  }
0x251: {  	v10 =	vadd.f32 $1.000000020e-16, v10;
	v6 =	vld [tilespmem:s1+$0xFE50];
	(erf) = vrcp.f32 v9  }
0x252: {  	v9 =	vunpack.i.u.bf16.f32 v2  }
0x253: {  	v7 =	vld [tilespmem:s1+$0xFE60];
	v2 =	vunpack.i.l.bf16.f32 v8;
	(erf) = vrcp.f32 v10;
	v10 =	vunpack.i.l.bf16.f32 v11  }
0x254: {  	v2 =	vadd.f32 $1.000000020e-16, v2;
	v13 =	vadd.f32 $1.000000020e-16, v10  }
0x255: {  	s0 =	simm.s32 $0x80;
	v4 =	vunpack.i.u.bf16.f32 v4  }
0x256: {  	v5 =	vunpack.i.u.bf16.f32 v5;
	v10 =	vld [tilespmem:s0+$0xFE70];
	v12 =	vunpack.i.l.bf16.f32 v6;
	(erf) = vrcp.f32 v2  }
0x257: {  	v2 =	vunpack.i.u.bf16.f32 v8;
	v8 =	vunpack.i.u.bf16.f32 v3;
	v12 =	vadd.f32 $1.000000020e-16, v12  }
0x258: {  	v15 =	vld [tilespmem:s0+$0xFE00];
	v3 =	vunpack.i.u.bf16.f32 v11;
	v14 =	vunpack.i.l.bf16.f32 v7;
	(erf) = vrcp.f32 v13;
	v13 =	vpop (erf)  }
0x259: {  	v16 =	vld [tilespmem:s0+$0xFE10];
	v14 =	vadd.f32 $1.000000020e-16, v14;
	(erf) = vrcp.f32 v12;
	v8 =	vmul.f32 v13, v8;
	v11 =	vpop (erf)  }
0x25a: {  	v17 =	vld [tilespmem:s0+$0xFE20];
	v12 =	vunpack.i.u.bf16.f32 v6;
	v13 =	vunpack.i.u.bf16.f32 v7;
	v6 =	vmul.f32 v11, v9;
	v7 =	vpop (erf)  }
0x25b: {  	v19 =	vld [tilespmem:s0+$0xFE30];
	v11 =	vunpack.i.l.bf16.f32 v10;
	v9 =	vmul.f32 v7, v4;
	v4 =	vadd.f32 $1.000000010e-07, v8  }
0x25c: {  	(erf) = vrcp.f32 v14;
	v14 =	vld [tilespmem:s0+$0xFE40];
	v7 =	vpop (erf);
	v11 =	vadd.f32 $1.000000020e-16, v11;
	v20 =	vadd.f32 $1.000000010e-07, v6  }
0x25d: {  	v8 =	vmul.f32 v7, v5;
	v5 =	vld [tilespmem:s0+$0xFE50];
	v7 =	vunpack.i.u.bf16.f32 v15;
	v15 =	vunpack.i.l.bf16.f32 v15;
	[tilespmem:s1+$0xBE70] =	vst v4  }
0x25e: {  	v6 =	vunpack.i.u.bf16.f32 v16;
	v16 =	vunpack.i.l.bf16.f32 v16;
	v15 =	vadd.f32 $1.000000020e-16, v15;
	v4 =	vld [tilespmem:s0+$0xFE60]  }
0x25f: {  	v18 =	vunpack.i.l.bf16.f32 v17;
	v16 =	vadd.f32 $1.000000020e-16, v16;
	(erf) = vrcp.f32 v11  }
0x260: {  	v18 =	vadd.f32 $1.000000020e-16, v18;
	v11 =	vunpack.i.l.bf16.f32 v19;
	(erf) = vrcp.f32 v15  }
0x261: {  	v11 =	vadd.f32 $1.000000020e-16, v11;
	v15 =	vunpack.i.l.bf16.f32 v14;
	(erf) = vrcp.f32 v16  }
0x262: {  	v15 =	vadd.f32 $1.000000020e-16, v15;
	v62 =	vunpack.i.l.bf16.f32 v5;
	(erf) = vrcp.f32 v18  }
0x263: {  	v16 =	vpop (erf);
	v21 =	vadd.f32 $1.000000020e-16, v62;
	(erf) = vrcp.f32 v11;
	v63 =	vunpack.i.l.bf16.f32 v4  }
0x264: {  	v14 =	vunpack.i.u.bf16.f32 v14;
	v18 =	vpop (erf);
	(erf) = vrcp.f32 v15;
	v22 =	vadd.f32 $1.000000020e-16, v63  }
0x265: {  	v5 =	vunpack.i.u.bf16.f32 v5;
	v11 =	vunpack.i.u.bf16.f32 v17;
	v17 =	vpop (erf);
	(erf) = vrcp.f32 v21  }
0x266: {  	s11 =	simm.s32 $0x600;
	s4 =	simm.s32 $0x100;
	[tilespmem:s1+$0xBE00] =	vst v20;
	v15 =	vunpack.i.u.bf16.f32 v19;
	v4 =	vunpack.i.u.bf16.f32 v4;
	v19 =	vpop (erf);
	(erf) = vrcp.f32 v22  }
.LBB2_17:
0x267: {  	p1 =	sne.s32 s11, $0x7E00;
	v20 =	vld [tilespmem:s4+$0xFE70];
	v22 =	vadd.f32 $1.000000010e-07, v9;
	v16 =	vmul.f32 v16, v2;
	v18 =	vmul.f32 v18, v3;
	v2 =	vmovc v15;
	v3 =	vmovc v14  }
0x268: {  	v10 =	vunpack.i.u.bf16.f32 v10;
	v12 =	vmul.f32 v17, v12;
	v13 =	vmul.f32 v19, v13;
	v14 =	vld [tilespmem:s4+$0xFE00];
	v15 =	vpop (erf)  }
0x269: {  	v8 =	vadd.f32 $1.000000010e-07, v8;
	v17 =	vld [tilespmem:s4+$0xFE10];
	v23 =	vmul.f32 v15, v10;
	v15 =	vpop (erf);
	v19 =	vadd.f32 $1.000000010e-07, v16;
	[tilespmem:s1+$0xBE10] =	vst v22  }
0x26a: {  	v12 =	vadd.f32 $1.000000010e-07, v12;
	v21 =	vld [tilespmem:s4+$0xFE20];
	v7 =	vmul.f32 v15, v7;
	v9 =	vpop (erf);
	v15 =	vadd.f32 $1.000000010e-07, v18  }
0x26b: {  	v13 =	vadd.f32 $1.000000010e-07, v13;
	v22 =	vld [tilespmem:s4+$0xFE30];
	v9 =	vmul.f32 v9, v6;
	v6 =	vadd.f32 $1.000000010e-07, v23;
	v10 =	vpop (erf);
	[tilespmem:s1+$0xBE20] =	vst v8  }
0x26c: {  	v23 =	vld [tilespmem:s4+$0xFE40];
	v26 =	vunpack.i.l.bf16.f32 v20;
	v24 =	vadd.f32 $1.000000010e-07, v7;
	v8 =	vmul.f32 v10, v11;
	v16 =	vpop (erf);
	[tilespmem:s1+$0xBE30] =	vst v19  }
0x26d: {  	v25 =	vld [tilespmem:s4+$0xFE50];
	v7 =	vunpack.i.u.bf16.f32 v14;
	v10 =	vunpack.i.l.bf16.f32 v14;
	v11 =	vadd.f32 $1.000000020e-16, v26;
	[tilespmem:s0+$0xBE70] =	vst v6;
	v18 =	vpop (erf)  }
0x26e: {  	v26 =	vld [tilespmem:s4+$0xFE60];
	v6 =	vunpack.i.u.bf16.f32 v17;
	v14 =	vunpack.i.l.bf16.f32 v17;
	v27 =	vadd.f32 $1.000000020e-16, v10;
	[tilespmem:s0+$0xBE00] =	vst v24;
	v17 =	vpop (erf)  }
0x26f: {  	v24 =	vunpack.i.l.bf16.f32 v21;
	v14 =	vadd.f32 $1.000000020e-16, v14;
	(erf) = vrcp.f32 v11;
	v19 =	vpop (erf);
	[tilespmem:s1+$0xBE40] =	vst v15  }
0x270: {  	v11 =	vunpack.i.l.bf16.f32 v22;
	v15 =	vadd.f32 $1.000000020e-16, v24;
	(erf) = vrcp.f32 v27;
	[tilespmem:s1+$0xBE50] =	vst v12;
	v10 =	vmovc v20;
	v12 =	vmovc v5  }
0x271: {  	v5 =	vunpack.i.l.bf16.f32 v23;
	v11 =	vadd.f32 $1.000000020e-16, v11;
	(erf) = vrcp.f32 v14;
	[tilespmem:s1+$0xBE60] =	vst v13;
	v13 =	vmovc v4;
	s1 =	smov.u32 s0;
	s0 =	smov.u32 s4  }
.Ltmp10:
0x272: {  	v4 =	vunpack.i.l.bf16.f32 v25;
	v5 =	vadd.f32 $1.000000020e-16, v5;
	(erf) = vrcp.f32 v15;
	(pc) =	sbr.rel @p1 .LBB2_17-.Ltmp10, $4  }
0x273: {  	v14 =	vunpack.i.l.bf16.f32 v26;
	v4 =	vadd.f32 $1.000000020e-16, v4;
	(erf) = vrcp.f32 v11  }
0x274: {  	v11 =	vunpack.i.u.bf16.f32 v21;
	v20 =	vadd.f32 $1.000000020e-16, v14;
	(erf) = vrcp.f32 v5  }
0x275: {  	v15 =	vunpack.i.u.bf16.f32 v22;
	v14 =	vunpack.i.u.bf16.f32 v23;
	(erf) = vrcp.f32 v4  }
0x276: {  	s4 =	sshra.s32 s11, $0x2;
	s11 =	sadd.s32 $0x200, s11;
	v5 =	vunpack.i.u.bf16.f32 v25;
	v4 =	vunpack.i.u.bf16.f32 v26;
	(erf) = vrcp.f32 v20  }
0x277: {  	v20 =	vld [tilespmem:s4+$0xFE70]  }
0x278: {  	v9 =	vadd.f32 $1.000000010e-07, v9  }
0x279: {  	v21 =	vld [tilespmem:s4+$0xFE00]  }
0x27a: {  	v22 =	vld [tilespmem:s4+$0xFE10];
	v2 =	vmul.f32 v16, v2;
	v8 =	vadd.f32 $1.000000010e-07, v8;
	[tilespmem:s1+$0xBE10] =	vst v9  }
0x27b: {  	v3 =	vmul.f32 v18, v3;
	v10 =	vunpack.i.u.bf16.f32 v10;
	v16 =	vpop (erf);
	v9 =	vld [tilespmem:s4+$0xFE20]  }
0x27c: {  	v10 =	vmul.f32 v16, v10;
	v2 =	vadd.f32 $1.000000010e-07, v2;
	v18 =	vld [tilespmem:s4+$0xFE30];
	[tilespmem:s1+$0xBE20] =	vst v8;
	v8 =	vunpack.i.l.bf16.f32 v20  }
0x27d: {  	v8 =	vadd.f32 $1.000000020e-16, v8  }
0x27e: {  	v12 =	vmul.f32 v17, v12;
	v16 =	vld [tilespmem:s4+$0xFE40];
	v10 =	vadd.f32 $1.000000010e-07, v10;
	[tilespmem:s1+$0xBE30] =	vst v2;
	v17 =	vunpack.i.l.bf16.f32 v21  }
0x27f: {  	v13 =	vmul.f32 v19, v13;
	v19 =	vpop (erf);
	v3 =	vadd.f32 $1.000000010e-07, v3;
	v2 =	vadd.f32 $1.000000020e-16, v17;
	v17 =	vld [tilespmem:s4+$0xFE50]  }
0x280: {  	v7 =	vmul.f32 v19, v7;
	[tilespmem:s0+$0xBE70] =	vst v10;
	v10 =	vunpack.i.l.bf16.f32 v22;
	(erf) = vrcp.f32 v8  }
0x281: {  	v12 =	vadd.f32 $1.000000010e-07, v12;
	v10 =	vadd.f32 $1.000000020e-16, v10;
	v8 =	vpop (erf);
	(erf) = vrcp.f32 v2  }
0x282: {  	v7 =	vadd.f32 $1.000000010e-07, v7;
	v21 =	vunpack.i.u.bf16.f32 v21;
	v2 =	vmul.f32 v8, v6;
	v6 =	vld [tilespmem:s4+$0xFE60]  }
0x283: {  	v19 =	vunpack.i.l.bf16.f32 v18;
	v24 =	vunpack.i.l.bf16.f32 v16;
	v8 =	vunpack.i.l.bf16.f32 v9  }
0x284: {  	v19 =	vadd.f32 $1.000000020e-16, v19;
	v23 =	vpop (erf);
	v25 =	vunpack.i.l.bf16.f32 v17;
	v8 =	vadd.f32 $1.000000020e-16, v8  }
0x285: {  	v24 =	vadd.f32 $1.000000020e-16, v24;
	(erf) = vrcp.f32 v10;
	v10 =	vpop (erf);
	v25 =	vadd.f32 $1.000000020e-16, v25  }
0x286: {  	[tilespmem:s0+$0xBE00] =	vst v7;
	v11 =	vmul.f32 v23, v11;
	(erf) = vrcp.f32 v8;
	v8 =	vadd.f32 $1.000000010e-07, v13;
	v13 =	vpop (erf)  }
0x287: {  	[tilespmem:s1+$0xBE50] =	vst v12;
	v12 =	vunpack.i.u.bf16.f32 v20;
	(erf) = vrcp.f32 v19;
	v7 =	vpop (erf);
	v19 =	vunpack.i.l.bf16.f32 v6  }
0x288: {  	[tilespmem:s1+$0xBE40] =	vst v3;
	v10 =	vmul.f32 v10, v15;
	(erf) = vrcp.f32 v24;
	v61 =	vpop (erf);
	v3 =	vadd.f32 $1.000000020e-16, v19  }
0x289: {  	v2 =	vadd.f32 $1.000000010e-07, v2;
	v11 =	vadd.f32 $1.000000010e-07, v11;
	(erf) = vrcp.f32 v25;
	v15 =	vpop (erf)  }
0x28a: {  	v10 =	vadd.f32 $1.000000010e-07, v10;
	[tilespmem:s1+$0xBE60] =	vst v8;
	(erf) = vrcp.f32 v3;
	v3 =	vmul.f32 v15, v12;
	v8 =	vpop (erf)  }
0x28b: {  	[tilespmem:s0+$0xBE10] =	vst v2;
	v2 =	vmul.f32 v8, v21  }
0x28c: {  	v5 =	vmul.f32 v7, v5;
	[tilespmem:s0+$0xBE20] =	vst v11;
	v8 =	vmul.f32 v13, v14;
	v3 =	vadd.f32 $1.000000010e-07, v3  }
0x28d: {  	[tilespmem:s0+$0xBE30] =	vst v10;
	v4 =	vmul.f32 v61, v4;
	v2 =	vadd.f32 $1.000000010e-07, v2  }
0x28e: {  	v7 =	vunpack.i.u.bf16.f32 v22;
	v5 =	vadd.f32 $1.000000010e-07, v5;
	v10 =	vpop (erf);
	v8 =	vadd.f32 $1.000000010e-07, v8;
	[tilespmem:s4+$0xBE70] =	vst v3  }
0x28f: {  	v4 =	vadd.f32 $1.000000010e-07, v4;
	v7 =	vmul.f32 v10, v7;
	v3 =	vunpack.i.u.bf16.f32 v9;
	v9 =	vpop (erf);
	[tilespmem:s4+$0xBE00] =	vst v2  }
0x290: {  	v2 =	vunpack.i.u.bf16.f32 v18;
	v3 =	vmul.f32 v9, v3;
	v9 =	vpop (erf);
	[tilespmem:s0+$0xBE40] =	vst v8;
	v8 =	vunpack.i.u.bf16.f32 v16  }
0x291: {  	v10 =	vpop (erf);
	[tilespmem:s0+$0xBE50] =	vst v5;
	v5 =	vadd.f32 $1.000000010e-07, v7;
	v2 =	vmul.f32 v9, v2  }
0x292: {  	v7 =	vunpack.i.u.bf16.f32 v17;
	[tilespmem:s0+$0xBE60] =	vst v4;
	v9 =	vpop (erf);
	v4 =	vmul.f32 v10, v8;
	v3 =	vadd.f32 $1.000000010e-07, v3  }
0x293: {  	v6 =	vunpack.i.u.bf16.f32 v6;
	v7 =	vmul.f32 v9, v7;
	v2 =	vadd.f32 $1.000000010e-07, v2;
	[tilespmem:s4+$0xBE10] =	vst v5;
	v8 =	vpop (erf)  }
0x294: {  	v4 =	vadd.f32 $1.000000010e-07, v4;
	[tilespmem:s4+$0xBE20] =	vst v3;
	v5 =	vmul.f32 v8, v6  }
0x295: {  	v3 =	vadd.f32 $1.000000010e-07, v7;
	[tilespmem:s4+$0xBE30] =	vst v2  }
0x296: {  	[tilespmem:s4+$0xBE40] =	vst v4;
	v2 =	vadd.f32 $1.000000010e-07, v5  }
0x297: {  	[tilespmem:s4+$0xBE50] =	vst v3  }
0x298: {  	s22 =	simm.s32 $0x0;
	[tilespmem:s4+$0xBE60] =	vst v2  }
0x299: {  	[hbm4b:s14+s22] =	stream.linear.scatter [tilespmem:s25], [sflag:$0x3], $0x2000, $0x38;
	[tilespmem:$0x1BA80] =	vst v63  }
0x29a: {  	_ =	swait.ge [sflag:s30], $0x2000  }
0x29b: {  	[sflag:s30] =	ssyncset.done $0x0  }
0x29c: {  	[sflag:s30] =	ssyncadd.s32 $0xFFFFE000  }
0x29d: {  	[tilespmem:s29], [sflag:$0x1] =	stream.linear.gather [spmem:s8], $0x2000, $0x38;
	[tilespmem:$0x1BA80] =	vst v63  }
0x29e: {  	_ =	swait.ge [sflag:s28], $0x2000  }
0x29f: {  	[sflag:s28] =	ssyncset.done $0x0  }
0x2a0: {  	s1 =	simm.s32 $0x0;
	[sflag:s28] =	ssyncadd.s32 $0xFFFFE000  }
0x2a1: {  	v3 =	vld [tilespmem:s1+$0xDE70]  }
0x2a2: {  	v2 =	vld [tilespmem:s1+$0xDE00]  }
0x2a3: {  	v4 =	vld [tilespmem:s1+$0xDE10];
	_ =	sdelay $0x1  }
0x2a4: {  	v5 =	vld [tilespmem:s1+$0xDE20]  }
0x2a5: {  	v6 =	vunpack.i.l.bf16.f32 v3  }
0x2a6: {  	v8 =	vld [tilespmem:s1+$0xDE30];
	v7 =	vunpack.i.l.bf16.f32 v2;
	v6 =	vadd.f32 $1.000000020e-16, v6  }
0x2a7: {  	v11 =	vld [tilespmem:s1+$0xDE40];
	v9 =	vunpack.i.l.bf16.f32 v4;
	v7 =	vadd.f32 $1.000000020e-16, v7  }
0x2a8: {  	v9 =	vadd.f32 $1.000000020e-16, v9;
	(erf) = vrcp.f32 v6  }
0x2a9: {  	v10 =	vunpack.i.l.bf16.f32 v5;
	(erf) = vrcp.f32 v7  }
0x2aa: {  	v10 =	vadd.f32 $1.000000020e-16, v10;
	v6 =	vld [tilespmem:s1+$0xDE50];
	(erf) = vrcp.f32 v9  }
0x2ab: {  	v9 =	vunpack.i.u.bf16.f32 v2  }
0x2ac: {  	v7 =	vld [tilespmem:s1+$0xDE60];
	v2 =	vunpack.i.l.bf16.f32 v8;
	(erf) = vrcp.f32 v10;
	v10 =	vunpack.i.l.bf16.f32 v11  }
0x2ad: {  	v2 =	vadd.f32 $1.000000020e-16, v2;
	v13 =	vadd.f32 $1.000000020e-16, v10  }
0x2ae: {  	s0 =	simm.s32 $0x80;
	v4 =	vunpack.i.u.bf16.f32 v4  }
0x2af: {  	v5 =	vunpack.i.u.bf16.f32 v5;
	v10 =	vld [tilespmem:s0+$0xDE70];
	v12 =	vunpack.i.l.bf16.f32 v6;
	(erf) = vrcp.f32 v2  }
0x2b0: {  	v2 =	vunpack.i.u.bf16.f32 v8;
	v8 =	vunpack.i.u.bf16.f32 v3;
	v12 =	vadd.f32 $1.000000020e-16, v12  }
0x2b1: {  	v15 =	vld [tilespmem:s0+$0xDE00];
	v3 =	vunpack.i.u.bf16.f32 v11;
	v14 =	vunpack.i.l.bf16.f32 v7;
	(erf) = vrcp.f32 v13;
	v13 =	vpop (erf)  }
0x2b2: {  	v16 =	vld [tilespmem:s0+$0xDE10];
	v14 =	vadd.f32 $1.000000020e-16, v14;
	(erf) = vrcp.f32 v12;
	v8 =	vmul.f32 v13, v8;
	v11 =	vpop (erf)  }
0x2b3: {  	v17 =	vld [tilespmem:s0+$0xDE20];
	v12 =	vunpack.i.u.bf16.f32 v6;
	v13 =	vunpack.i.u.bf16.f32 v7;
	v6 =	vmul.f32 v11, v9;
	v7 =	vpop (erf)  }
0x2b4: {  	v19 =	vld [tilespmem:s0+$0xDE30];
	v11 =	vunpack.i.l.bf16.f32 v10;
	v9 =	vmul.f32 v7, v4;
	v4 =	vadd.f32 $1.000000010e-07, v8  }
0x2b5: {  	(erf) = vrcp.f32 v14;
	v14 =	vld [tilespmem:s0+$0xDE40];
	v7 =	vpop (erf);
	v11 =	vadd.f32 $1.000000020e-16, v11;
	v20 =	vadd.f32 $1.000000010e-07, v6  }
0x2b6: {  	v8 =	vmul.f32 v7, v5;
	v5 =	vld [tilespmem:s0+$0xDE50];
	v7 =	vunpack.i.u.bf16.f32 v15;
	v15 =	vunpack.i.l.bf16.f32 v15;
	[tilespmem:s1+$0x9E70] =	vst v4  }
0x2b7: {  	v6 =	vunpack.i.u.bf16.f32 v16;
	v16 =	vunpack.i.l.bf16.f32 v16;
	v15 =	vadd.f32 $1.000000020e-16, v15;
	v4 =	vld [tilespmem:s0+$0xDE60]  }
0x2b8: {  	v18 =	vunpack.i.l.bf16.f32 v17;
	v16 =	vadd.f32 $1.000000020e-16, v16;
	(erf) = vrcp.f32 v11  }
0x2b9: {  	v18 =	vadd.f32 $1.000000020e-16, v18;
	v11 =	vunpack.i.l.bf16.f32 v19;
	(erf) = vrcp.f32 v15  }
0x2ba: {  	v11 =	vadd.f32 $1.000000020e-16, v11;
	v15 =	vunpack.i.l.bf16.f32 v14;
	(erf) = vrcp.f32 v16  }
0x2bb: {  	v15 =	vadd.f32 $1.000000020e-16, v15;
	v62 =	vunpack.i.l.bf16.f32 v5;
	(erf) = vrcp.f32 v18  }
0x2bc: {  	v16 =	vpop (erf);
	v21 =	vadd.f32 $1.000000020e-16, v62;
	(erf) = vrcp.f32 v11;
	v63 =	vunpack.i.l.bf16.f32 v4  }
0x2bd: {  	v14 =	vunpack.i.u.bf16.f32 v14;
	v18 =	vpop (erf);
	(erf) = vrcp.f32 v15;
	v22 =	vadd.f32 $1.000000020e-16, v63  }
0x2be: {  	v5 =	vunpack.i.u.bf16.f32 v5;
	v11 =	vunpack.i.u.bf16.f32 v17;
	v17 =	vpop (erf);
	(erf) = vrcp.f32 v21  }
0x2bf: {  	s11 =	simm.s32 $0x600;
	s4 =	simm.s32 $0x100;
	[tilespmem:s1+$0x9E00] =	vst v20;
	v15 =	vunpack.i.u.bf16.f32 v19;
	v4 =	vunpack.i.u.bf16.f32 v4;
	v19 =	vpop (erf);
	(erf) = vrcp.f32 v22  }
.LBB2_19:
0x2c0: {  	p1 =	sne.s32 s11, $0x7E00;
	v20 =	vld [tilespmem:s4+$0xDE70];
	v22 =	vadd.f32 $1.000000010e-07, v9;
	v16 =	vmul.f32 v16, v2;
	v18 =	vmul.f32 v18, v3;
	v2 =	vmovc v15;
	v3 =	vmovc v14  }
0x2c1: {  	v10 =	vunpack.i.u.bf16.f32 v10;
	v12 =	vmul.f32 v17, v12;
	v13 =	vmul.f32 v19, v13;
	v14 =	vld [tilespmem:s4+$0xDE00];
	v15 =	vpop (erf)  }
0x2c2: {  	v8 =	vadd.f32 $1.000000010e-07, v8;
	v17 =	vld [tilespmem:s4+$0xDE10];
	v23 =	vmul.f32 v15, v10;
	v15 =	vpop (erf);
	v19 =	vadd.f32 $1.000000010e-07, v16;
	[tilespmem:s1+$0x9E10] =	vst v22  }
0x2c3: {  	v12 =	vadd.f32 $1.000000010e-07, v12;
	v21 =	vld [tilespmem:s4+$0xDE20];
	v7 =	vmul.f32 v15, v7;
	v9 =	vpop (erf);
	v15 =	vadd.f32 $1.000000010e-07, v18  }
0x2c4: {  	v13 =	vadd.f32 $1.000000010e-07, v13;
	v22 =	vld [tilespmem:s4+$0xDE30];
	v9 =	vmul.f32 v9, v6;
	v6 =	vadd.f32 $1.000000010e-07, v23;
	v10 =	vpop (erf);
	[tilespmem:s1+$0x9E20] =	vst v8  }
0x2c5: {  	v23 =	vld [tilespmem:s4+$0xDE40];
	v26 =	vunpack.i.l.bf16.f32 v20;
	v24 =	vadd.f32 $1.000000010e-07, v7;
	v8 =	vmul.f32 v10, v11;
	v16 =	vpop (erf);
	[tilespmem:s1+$0x9E30] =	vst v19  }
0x2c6: {  	v25 =	vld [tilespmem:s4+$0xDE50];
	v7 =	vunpack.i.u.bf16.f32 v14;
	v10 =	vunpack.i.l.bf16.f32 v14;
	v11 =	vadd.f32 $1.000000020e-16, v26;
	[tilespmem:s0+$0x9E70] =	vst v6;
	v18 =	vpop (erf)  }
0x2c7: {  	v26 =	vld [tilespmem:s4+$0xDE60];
	v6 =	vunpack.i.u.bf16.f32 v17;
	v14 =	vunpack.i.l.bf16.f32 v17;
	v27 =	vadd.f32 $1.000000020e-16, v10;
	[tilespmem:s0+$0x9E00] =	vst v24;
	v17 =	vpop (erf)  }
0x2c8: {  	v24 =	vunpack.i.l.bf16.f32 v21;
	v14 =	vadd.f32 $1.000000020e-16, v14;
	(erf) = vrcp.f32 v11;
	v19 =	vpop (erf);
	[tilespmem:s1+$0x9E40] =	vst v15  }
0x2c9: {  	v11 =	vunpack.i.l.bf16.f32 v22;
	v15 =	vadd.f32 $1.000000020e-16, v24;
	(erf) = vrcp.f32 v27;
	[tilespmem:s1+$0x9E50] =	vst v12;
	v10 =	vmovc v20;
	v12 =	vmovc v5  }
0x2ca: {  	v5 =	vunpack.i.l.bf16.f32 v23;
	v11 =	vadd.f32 $1.000000020e-16, v11;
	(erf) = vrcp.f32 v14;
	[tilespmem:s1+$0x9E60] =	vst v13;
	v13 =	vmovc v4;
	s1 =	smov.u32 s0;
	s0 =	smov.u32 s4  }
.Ltmp11:
0x2cb: {  	v4 =	vunpack.i.l.bf16.f32 v25;
	v5 =	vadd.f32 $1.000000020e-16, v5;
	(erf) = vrcp.f32 v15;
	(pc) =	sbr.rel @p1 .LBB2_19-.Ltmp11, $4  }
0x2cc: {  	v14 =	vunpack.i.l.bf16.f32 v26;
	v4 =	vadd.f32 $1.000000020e-16, v4;
	(erf) = vrcp.f32 v11  }
0x2cd: {  	v11 =	vunpack.i.u.bf16.f32 v21;
	v20 =	vadd.f32 $1.000000020e-16, v14;
	(erf) = vrcp.f32 v5  }
0x2ce: {  	v15 =	vunpack.i.u.bf16.f32 v22;
	v14 =	vunpack.i.u.bf16.f32 v23;
	(erf) = vrcp.f32 v4  }
0x2cf: {  	s4 =	sshra.s32 s11, $0x2;
	s11 =	sadd.s32 $0x200, s11;
	v5 =	vunpack.i.u.bf16.f32 v25;
	v4 =	vunpack.i.u.bf16.f32 v26;
	(erf) = vrcp.f32 v20  }
0x2d0: {  	v20 =	vld [tilespmem:s4+$0xDE70]  }
0x2d1: {  	v9 =	vadd.f32 $1.000000010e-07, v9  }
0x2d2: {  	v21 =	vld [tilespmem:s4+$0xDE00]  }
0x2d3: {  	v22 =	vld [tilespmem:s4+$0xDE10];
	v2 =	vmul.f32 v16, v2;
	v8 =	vadd.f32 $1.000000010e-07, v8;
	[tilespmem:s1+$0x9E10] =	vst v9  }
0x2d4: {  	v3 =	vmul.f32 v18, v3;
	v10 =	vunpack.i.u.bf16.f32 v10;
	v16 =	vpop (erf);
	v9 =	vld [tilespmem:s4+$0xDE20]  }
0x2d5: {  	v10 =	vmul.f32 v16, v10;
	v2 =	vadd.f32 $1.000000010e-07, v2;
	v18 =	vld [tilespmem:s4+$0xDE30];
	[tilespmem:s1+$0x9E20] =	vst v8;
	v8 =	vunpack.i.l.bf16.f32 v20  }
0x2d6: {  	v8 =	vadd.f32 $1.000000020e-16, v8  }
0x2d7: {  	v12 =	vmul.f32 v17, v12;
	v16 =	vld [tilespmem:s4+$0xDE40];
	v10 =	vadd.f32 $1.000000010e-07, v10;
	[tilespmem:s1+$0x9E30] =	vst v2;
	v17 =	vunpack.i.l.bf16.f32 v21  }
0x2d8: {  	v13 =	vmul.f32 v19, v13;
	v19 =	vpop (erf);
	v3 =	vadd.f32 $1.000000010e-07, v3;
	v2 =	vadd.f32 $1.000000020e-16, v17;
	v17 =	vld [tilespmem:s4+$0xDE50]  }
0x2d9: {  	v7 =	vmul.f32 v19, v7;
	[tilespmem:s0+$0x9E70] =	vst v10;
	v10 =	vunpack.i.l.bf16.f32 v22;
	(erf) = vrcp.f32 v8  }
0x2da: {  	v12 =	vadd.f32 $1.000000010e-07, v12;
	v10 =	vadd.f32 $1.000000020e-16, v10;
	v8 =	vpop (erf);
	(erf) = vrcp.f32 v2  }
0x2db: {  	v7 =	vadd.f32 $1.000000010e-07, v7;
	v21 =	vunpack.i.u.bf16.f32 v21;
	v2 =	vmul.f32 v8, v6;
	v6 =	vld [tilespmem:s4+$0xDE60]  }
0x2dc: {  	v19 =	vunpack.i.l.bf16.f32 v18;
	v24 =	vunpack.i.l.bf16.f32 v16;
	v8 =	vunpack.i.l.bf16.f32 v9  }
0x2dd: {  	v19 =	vadd.f32 $1.000000020e-16, v19;
	v23 =	vpop (erf);
	v25 =	vunpack.i.l.bf16.f32 v17;
	v8 =	vadd.f32 $1.000000020e-16, v8  }
0x2de: {  	v24 =	vadd.f32 $1.000000020e-16, v24;
	(erf) = vrcp.f32 v10;
	v10 =	vpop (erf);
	v25 =	vadd.f32 $1.000000020e-16, v25  }
0x2df: {  	[tilespmem:s0+$0x9E00] =	vst v7;
	v11 =	vmul.f32 v23, v11;
	(erf) = vrcp.f32 v8;
	v8 =	vadd.f32 $1.000000010e-07, v13;
	v13 =	vpop (erf)  }
0x2e0: {  	[tilespmem:s1+$0x9E50] =	vst v12;
	v12 =	vunpack.i.u.bf16.f32 v20;
	(erf) = vrcp.f32 v19;
	v7 =	vpop (erf);
	v19 =	vunpack.i.l.bf16.f32 v6  }
0x2e1: {  	[tilespmem:s1+$0x9E40] =	vst v3;
	v10 =	vmul.f32 v10, v15;
	(erf) = vrcp.f32 v24;
	v61 =	vpop (erf);
	v3 =	vadd.f32 $1.000000020e-16, v19  }
0x2e2: {  	v2 =	vadd.f32 $1.000000010e-07, v2;
	v11 =	vadd.f32 $1.000000010e-07, v11;
	(erf) = vrcp.f32 v25;
	v15 =	vpop (erf)  }
0x2e3: {  	v10 =	vadd.f32 $1.000000010e-07, v10;
	[tilespmem:s1+$0x9E60] =	vst v8;
	(erf) = vrcp.f32 v3;
	v3 =	vmul.f32 v15, v12;
	v8 =	vpop (erf)  }
0x2e4: {  	[tilespmem:s0+$0x9E10] =	vst v2;
	v2 =	vmul.f32 v8, v21  }
0x2e5: {  	v5 =	vmul.f32 v7, v5;
	[tilespmem:s0+$0x9E20] =	vst v11;
	v8 =	vmul.f32 v13, v14;
	v3 =	vadd.f32 $1.000000010e-07, v3  }
0x2e6: {  	[tilespmem:s0+$0x9E30] =	vst v10;
	v4 =	vmul.f32 v61, v4;
	v2 =	vadd.f32 $1.000000010e-07, v2  }
0x2e7: {  	v7 =	vunpack.i.u.bf16.f32 v22;
	v5 =	vadd.f32 $1.000000010e-07, v5;
	v10 =	vpop (erf);
	v8 =	vadd.f32 $1.000000010e-07, v8;
	[tilespmem:s4+$0x9E70] =	vst v3  }
0x2e8: {  	v4 =	vadd.f32 $1.000000010e-07, v4;
	v7 =	vmul.f32 v10, v7;
	v3 =	vunpack.i.u.bf16.f32 v9;
	v9 =	vpop (erf);
	[tilespmem:s4+$0x9E00] =	vst v2  }
0x2e9: {  	v2 =	vunpack.i.u.bf16.f32 v18;
	v3 =	vmul.f32 v9, v3;
	v9 =	vpop (erf);
	[tilespmem:s0+$0x9E40] =	vst v8;
	v8 =	vunpack.i.u.bf16.f32 v16  }
0x2ea: {  	v10 =	vpop (erf);
	[tilespmem:s0+$0x9E50] =	vst v5;
	v5 =	vadd.f32 $1.000000010e-07, v7;
	v2 =	vmul.f32 v9, v2  }
0x2eb: {  	v7 =	vunpack.i.u.bf16.f32 v17;
	[tilespmem:s0+$0x9E60] =	vst v4;
	v9 =	vpop (erf);
	v4 =	vmul.f32 v10, v8;
	v3 =	vadd.f32 $1.000000010e-07, v3  }
0x2ec: {  	v6 =	vunpack.i.u.bf16.f32 v6;
	v7 =	vmul.f32 v9, v7;
	v2 =	vadd.f32 $1.000000010e-07, v2;
	[tilespmem:s4+$0x9E10] =	vst v5;
	v8 =	vpop (erf)  }
0x2ed: {  	v4 =	vadd.f32 $1.000000010e-07, v4;
	[tilespmem:s4+$0x9E20] =	vst v3;
	v5 =	vmul.f32 v8, v6  }
0x2ee: {  	v3 =	vadd.f32 $1.000000010e-07, v7;
	[tilespmem:s4+$0x9E30] =	vst v2  }
0x2ef: {  	[tilespmem:s4+$0x9E40] =	vst v4;
	v2 =	vadd.f32 $1.000000010e-07, v5  }
0x2f0: {  	[tilespmem:s4+$0x9E50] =	vst v3  }
0x2f1: {  	s22 =	simm.s32 $0x0;
	[tilespmem:s4+$0x9E60] =	vst v2  }
0x2f2: {  	[hbm4b:s15+s22] =	stream.linear.scatter [tilespmem:s24], [sflag:$0x3], $0x2000, $0x38;
	[tilespmem:$0x1BA80] =	vst v63  }
0x2f3: {  	_ =	swait.ge [sflag:s30], $0x2000  }
0x2f4: {  	[sflag:s30] =	ssyncset.done $0x0  }
0x2f5: {  	[sflag:s30] =	ssyncadd.s32 $0xFFFFE000  }
0x2f6: {  	[tilespmem:s20], [sflag:$0x1] =	stream.linear.gather [spmem:s9], $0x1C00, $0x38;
	[tilespmem:$0x1BA80] =	vst v63  }
0x2f7: {  	_ =	swait.ge [sflag:s28], $0x2000  }
0x2f8: {  	[sflag:s28] =	ssyncset.done $0x0  }
0x2f9: {  	s1 =	simm.s32 $0x0;
	[sflag:s28] =	ssyncadd.s32 $0xFFFFE000  }
0x2fa: {  	v3 =	vld [tilespmem:s1+$0xFE70]  }
0x2fb: {  	v2 =	vld [tilespmem:s1+$0xFE00]  }
0x2fc: {  	v4 =	vld [tilespmem:s1+$0xFE10];
	_ =	sdelay $0x1  }
0x2fd: {  	v5 =	vld [tilespmem:s1+$0xFE20]  }
0x2fe: {  	v6 =	vunpack.i.l.bf16.f32 v3  }
0x2ff: {  	v8 =	vld [tilespmem:s1+$0xFE30];
	v7 =	vunpack.i.l.bf16.f32 v2;
	v6 =	vadd.f32 $1.000000020e-16, v6  }
0x300: {  	v11 =	vld [tilespmem:s1+$0xFE40];
	v9 =	vunpack.i.l.bf16.f32 v4;
	v7 =	vadd.f32 $1.000000020e-16, v7  }
0x301: {  	v9 =	vadd.f32 $1.000000020e-16, v9;
	(erf) = vrcp.f32 v6  }
0x302: {  	v10 =	vunpack.i.l.bf16.f32 v5;
	(erf) = vrcp.f32 v7  }
0x303: {  	v10 =	vadd.f32 $1.000000020e-16, v10;
	v6 =	vld [tilespmem:s1+$0xFE50];
	(erf) = vrcp.f32 v9  }
0x304: {  	v9 =	vunpack.i.u.bf16.f32 v2  }
0x305: {  	v7 =	vld [tilespmem:s1+$0xFE60];
	v2 =	vunpack.i.l.bf16.f32 v8;
	(erf) = vrcp.f32 v10;
	v10 =	vunpack.i.l.bf16.f32 v11  }
0x306: {  	v2 =	vadd.f32 $1.000000020e-16, v2;
	v13 =	vadd.f32 $1.000000020e-16, v10  }
0x307: {  	s0 =	simm.s32 $0x80;
	v4 =	vunpack.i.u.bf16.f32 v4  }
0x308: {  	v5 =	vunpack.i.u.bf16.f32 v5;
	v10 =	vld [tilespmem:s0+$0xFE70];
	v12 =	vunpack.i.l.bf16.f32 v6;
	(erf) = vrcp.f32 v2  }
0x309: {  	v2 =	vunpack.i.u.bf16.f32 v8;
	v8 =	vunpack.i.u.bf16.f32 v3;
	v12 =	vadd.f32 $1.000000020e-16, v12  }
0x30a: {  	v15 =	vld [tilespmem:s0+$0xFE00];
	v3 =	vunpack.i.u.bf16.f32 v11;
	v14 =	vunpack.i.l.bf16.f32 v7;
	(erf) = vrcp.f32 v13;
	v13 =	vpop (erf)  }
0x30b: {  	v16 =	vld [tilespmem:s0+$0xFE10];
	v14 =	vadd.f32 $1.000000020e-16, v14;
	(erf) = vrcp.f32 v12;
	v8 =	vmul.f32 v13, v8;
	v11 =	vpop (erf)  }
0x30c: {  	v17 =	vld [tilespmem:s0+$0xFE20];
	v12 =	vunpack.i.u.bf16.f32 v6;
	v13 =	vunpack.i.u.bf16.f32 v7;
	v6 =	vmul.f32 v11, v9;
	v7 =	vpop (erf)  }
0x30d: {  	v19 =	vld [tilespmem:s0+$0xFE30];
	v11 =	vunpack.i.l.bf16.f32 v10;
	v9 =	vmul.f32 v7, v4;
	v4 =	vadd.f32 $1.000000010e-07, v8  }
0x30e: {  	(erf) = vrcp.f32 v14;
	v14 =	vld [tilespmem:s0+$0xFE40];
	v7 =	vpop (erf);
	v11 =	vadd.f32 $1.000000020e-16, v11;
	v20 =	vadd.f32 $1.000000010e-07, v6  }
0x30f: {  	v8 =	vmul.f32 v7, v5;
	v5 =	vld [tilespmem:s0+$0xFE50];
	v7 =	vunpack.i.u.bf16.f32 v15;
	v15 =	vunpack.i.l.bf16.f32 v15;
	[tilespmem:s1+$0xBE70] =	vst v4  }
0x310: {  	v6 =	vunpack.i.u.bf16.f32 v16;
	v16 =	vunpack.i.l.bf16.f32 v16;
	v15 =	vadd.f32 $1.000000020e-16, v15;
	v4 =	vld [tilespmem:s0+$0xFE60]  }
0x311: {  	v18 =	vunpack.i.l.bf16.f32 v17;
	v16 =	vadd.f32 $1.000000020e-16, v16;
	(erf) = vrcp.f32 v11  }
0x312: {  	v18 =	vadd.f32 $1.000000020e-16, v18;
	v11 =	vunpack.i.l.bf16.f32 v19;
	(erf) = vrcp.f32 v15  }
0x313: {  	v11 =	vadd.f32 $1.000000020e-16, v11;
	v15 =	vunpack.i.l.bf16.f32 v14;
	(erf) = vrcp.f32 v16  }
0x314: {  	v15 =	vadd.f32 $1.000000020e-16, v15;
	v62 =	vunpack.i.l.bf16.f32 v5;
	(erf) = vrcp.f32 v18  }
0x315: {  	v16 =	vpop (erf);
	v21 =	vadd.f32 $1.000000020e-16, v62;
	(erf) = vrcp.f32 v11;
	v63 =	vunpack.i.l.bf16.f32 v4  }
0x316: {  	v14 =	vunpack.i.u.bf16.f32 v14;
	v18 =	vpop (erf);
	(erf) = vrcp.f32 v15;
	v22 =	vadd.f32 $1.000000020e-16, v63  }
0x317: {  	v5 =	vunpack.i.u.bf16.f32 v5;
	v11 =	vunpack.i.u.bf16.f32 v17;
	v17 =	vpop (erf);
	(erf) = vrcp.f32 v21  }
0x318: {  	s11 =	simm.s32 $0x600;
	s4 =	simm.s32 $0x100;
	[tilespmem:s1+$0xBE00] =	vst v20;
	v15 =	vunpack.i.u.bf16.f32 v19;
	v4 =	vunpack.i.u.bf16.f32 v4;
	v19 =	vpop (erf);
	(erf) = vrcp.f32 v22  }
.LBB2_21:
0x319: {  	p1 =	sne.s32 s11, $0x7E00;
	v20 =	vld [tilespmem:s4+$0xFE70];
	v22 =	vadd.f32 $1.000000010e-07, v9;
	v16 =	vmul.f32 v16, v2;
	v18 =	vmul.f32 v18, v3;
	v2 =	vmovc v15;
	v3 =	vmovc v14  }
0x31a: {  	v10 =	vunpack.i.u.bf16.f32 v10;
	v12 =	vmul.f32 v17, v12;
	v13 =	vmul.f32 v19, v13;
	v14 =	vld [tilespmem:s4+$0xFE00];
	v15 =	vpop (erf)  }
0x31b: {  	v8 =	vadd.f32 $1.000000010e-07, v8;
	v17 =	vld [tilespmem:s4+$0xFE10];
	v23 =	vmul.f32 v15, v10;
	v15 =	vpop (erf);
	v19 =	vadd.f32 $1.000000010e-07, v16;
	[tilespmem:s1+$0xBE10] =	vst v22  }
0x31c: {  	v12 =	vadd.f32 $1.000000010e-07, v12;
	v21 =	vld [tilespmem:s4+$0xFE20];
	v7 =	vmul.f32 v15, v7;
	v9 =	vpop (erf);
	v15 =	vadd.f32 $1.000000010e-07, v18  }
0x31d: {  	v13 =	vadd.f32 $1.000000010e-07, v13;
	v22 =	vld [tilespmem:s4+$0xFE30];
	v9 =	vmul.f32 v9, v6;
	v6 =	vadd.f32 $1.000000010e-07, v23;
	v10 =	vpop (erf);
	[tilespmem:s1+$0xBE20] =	vst v8  }
0x31e: {  	v23 =	vld [tilespmem:s4+$0xFE40];
	v26 =	vunpack.i.l.bf16.f32 v20;
	v24 =	vadd.f32 $1.000000010e-07, v7;
	v8 =	vmul.f32 v10, v11;
	v16 =	vpop (erf);
	[tilespmem:s1+$0xBE30] =	vst v19  }
0x31f: {  	v25 =	vld [tilespmem:s4+$0xFE50];
	v7 =	vunpack.i.u.bf16.f32 v14;
	v10 =	vunpack.i.l.bf16.f32 v14;
	v11 =	vadd.f32 $1.000000020e-16, v26;
	[tilespmem:s0+$0xBE70] =	vst v6;
	v18 =	vpop (erf)  }
0x320: {  	v26 =	vld [tilespmem:s4+$0xFE60];
	v6 =	vunpack.i.u.bf16.f32 v17;
	v14 =	vunpack.i.l.bf16.f32 v17;
	v27 =	vadd.f32 $1.000000020e-16, v10;
	[tilespmem:s0+$0xBE00] =	vst v24;
	v17 =	vpop (erf)  }
0x321: {  	v24 =	vunpack.i.l.bf16.f32 v21;
	v14 =	vadd.f32 $1.000000020e-16, v14;
	(erf) = vrcp.f32 v11;
	v19 =	vpop (erf);
	[tilespmem:s1+$0xBE40] =	vst v15  }
0x322: {  	v11 =	vunpack.i.l.bf16.f32 v22;
	v15 =	vadd.f32 $1.000000020e-16, v24;
	(erf) = vrcp.f32 v27;
	[tilespmem:s1+$0xBE50] =	vst v12;
	v10 =	vmovc v20;
	v12 =	vmovc v5  }
0x323: {  	v5 =	vunpack.i.l.bf16.f32 v23;
	v11 =	vadd.f32 $1.000000020e-16, v11;
	(erf) = vrcp.f32 v14;
	[tilespmem:s1+$0xBE60] =	vst v13;
	v13 =	vmovc v4;
	s1 =	smov.u32 s0;
	s0 =	smov.u32 s4  }
.Ltmp12:
0x324: {  	v4 =	vunpack.i.l.bf16.f32 v25;
	v5 =	vadd.f32 $1.000000020e-16, v5;
	(erf) = vrcp.f32 v15;
	(pc) =	sbr.rel @p1 .LBB2_21-.Ltmp12, $4  }
0x325: {  	v14 =	vunpack.i.l.bf16.f32 v26;
	v4 =	vadd.f32 $1.000000020e-16, v4;
	(erf) = vrcp.f32 v11  }
0x326: {  	v11 =	vunpack.i.u.bf16.f32 v21;
	v20 =	vadd.f32 $1.000000020e-16, v14;
	(erf) = vrcp.f32 v5  }
0x327: {  	v15 =	vunpack.i.u.bf16.f32 v22;
	v14 =	vunpack.i.u.bf16.f32 v23;
	(erf) = vrcp.f32 v4  }
0x328: {  	s4 =	sshra.s32 s11, $0x2;
	s11 =	sadd.s32 $0x200, s11;
	v5 =	vunpack.i.u.bf16.f32 v25;
	v4 =	vunpack.i.u.bf16.f32 v26;
	(erf) = vrcp.f32 v20  }
0x329: {  	v20 =	vld [tilespmem:s4+$0xFE70]  }
0x32a: {  	v9 =	vadd.f32 $1.000000010e-07, v9  }
0x32b: {  	v21 =	vld [tilespmem:s4+$0xFE00]  }
0x32c: {  	v22 =	vld [tilespmem:s4+$0xFE10];
	v2 =	vmul.f32 v16, v2;
	v8 =	vadd.f32 $1.000000010e-07, v8;
	[tilespmem:s1+$0xBE10] =	vst v9  }
0x32d: {  	v3 =	vmul.f32 v18, v3;
	v10 =	vunpack.i.u.bf16.f32 v10;
	v16 =	vpop (erf);
	v9 =	vld [tilespmem:s4+$0xFE20]  }
0x32e: {  	v10 =	vmul.f32 v16, v10;
	v2 =	vadd.f32 $1.000000010e-07, v2;
	v18 =	vld [tilespmem:s4+$0xFE30];
	[tilespmem:s1+$0xBE20] =	vst v8;
	v8 =	vunpack.i.l.bf16.f32 v20  }
0x32f: {  	v8 =	vadd.f32 $1.000000020e-16, v8  }
0x330: {  	v12 =	vmul.f32 v17, v12;
	v16 =	vld [tilespmem:s4+$0xFE40];
	v10 =	vadd.f32 $1.000000010e-07, v10;
	[tilespmem:s1+$0xBE30] =	vst v2;
	v17 =	vunpack.i.l.bf16.f32 v21  }
0x331: {  	v13 =	vmul.f32 v19, v13;
	v19 =	vpop (erf);
	v3 =	vadd.f32 $1.000000010e-07, v3;
	v2 =	vadd.f32 $1.000000020e-16, v17;
	v17 =	vld [tilespmem:s4+$0xFE50]  }
0x332: {  	v7 =	vmul.f32 v19, v7;
	[tilespmem:s0+$0xBE70] =	vst v10;
	v10 =	vunpack.i.l.bf16.f32 v22;
	(erf) = vrcp.f32 v8  }
0x333: {  	v12 =	vadd.f32 $1.000000010e-07, v12;
	v10 =	vadd.f32 $1.000000020e-16, v10;
	v8 =	vpop (erf);
	(erf) = vrcp.f32 v2  }
0x334: {  	v7 =	vadd.f32 $1.000000010e-07, v7;
	v21 =	vunpack.i.u.bf16.f32 v21;
	v2 =	vmul.f32 v8, v6;
	v6 =	vld [tilespmem:s4+$0xFE60]  }
0x335: {  	v19 =	vunpack.i.l.bf16.f32 v18;
	v24 =	vunpack.i.l.bf16.f32 v16;
	v8 =	vunpack.i.l.bf16.f32 v9  }
0x336: {  	v19 =	vadd.f32 $1.000000020e-16, v19;
	v23 =	vpop (erf);
	v25 =	vunpack.i.l.bf16.f32 v17;
	v8 =	vadd.f32 $1.000000020e-16, v8  }
0x337: {  	v24 =	vadd.f32 $1.000000020e-16, v24;
	(erf) = vrcp.f32 v10;
	v10 =	vpop (erf);
	v25 =	vadd.f32 $1.000000020e-16, v25  }
0x338: {  	[tilespmem:s0+$0xBE00] =	vst v7;
	v11 =	vmul.f32 v23, v11;
	(erf) = vrcp.f32 v8;
	v8 =	vadd.f32 $1.000000010e-07, v13;
	v13 =	vpop (erf)  }
0x339: {  	[tilespmem:s1+$0xBE50] =	vst v12;
	v12 =	vunpack.i.u.bf16.f32 v20;
	(erf) = vrcp.f32 v19;
	v7 =	vpop (erf);
	v19 =	vunpack.i.l.bf16.f32 v6  }
0x33a: {  	[tilespmem:s1+$0xBE40] =	vst v3;
	v10 =	vmul.f32 v10, v15;
	(erf) = vrcp.f32 v24;
	v61 =	vpop (erf);
	v3 =	vadd.f32 $1.000000020e-16, v19  }
0x33b: {  	v2 =	vadd.f32 $1.000000010e-07, v2;
	v11 =	vadd.f32 $1.000000010e-07, v11;
	(erf) = vrcp.f32 v25;
	v15 =	vpop (erf)  }
0x33c: {  	v10 =	vadd.f32 $1.000000010e-07, v10;
	[tilespmem:s1+$0xBE60] =	vst v8;
	(erf) = vrcp.f32 v3;
	v3 =	vmul.f32 v15, v12;
	v8 =	vpop (erf)  }
0x33d: {  	[tilespmem:s0+$0xBE10] =	vst v2;
	v2 =	vmul.f32 v8, v21  }
0x33e: {  	v5 =	vmul.f32 v7, v5;
	[tilespmem:s0+$0xBE20] =	vst v11;
	v8 =	vmul.f32 v13, v14;
	v3 =	vadd.f32 $1.000000010e-07, v3  }
0x33f: {  	[tilespmem:s0+$0xBE30] =	vst v10;
	v4 =	vmul.f32 v61, v4;
	v2 =	vadd.f32 $1.000000010e-07, v2  }
0x340: {  	v7 =	vunpack.i.u.bf16.f32 v22;
	v5 =	vadd.f32 $1.000000010e-07, v5;
	v10 =	vpop (erf);
	v8 =	vadd.f32 $1.000000010e-07, v8;
	[tilespmem:s4+$0xBE70] =	vst v3  }
0x341: {  	v4 =	vadd.f32 $1.000000010e-07, v4;
	v7 =	vmul.f32 v10, v7;
	v3 =	vunpack.i.u.bf16.f32 v9;
	v9 =	vpop (erf);
	[tilespmem:s4+$0xBE00] =	vst v2  }
0x342: {  	v2 =	vunpack.i.u.bf16.f32 v18;
	v3 =	vmul.f32 v9, v3;
	v9 =	vpop (erf);
	[tilespmem:s0+$0xBE40] =	vst v8;
	v8 =	vunpack.i.u.bf16.f32 v16  }
0x343: {  	v10 =	vpop (erf);
	[tilespmem:s0+$0xBE50] =	vst v5;
	v5 =	vadd.f32 $1.000000010e-07, v7;
	v2 =	vmul.f32 v9, v2  }
0x344: {  	v7 =	vunpack.i.u.bf16.f32 v17;
	[tilespmem:s0+$0xBE60] =	vst v4;
	v9 =	vpop (erf);
	v4 =	vmul.f32 v10, v8;
	v3 =	vadd.f32 $1.000000010e-07, v3  }
0x345: {  	v6 =	vunpack.i.u.bf16.f32 v6;
	v7 =	vmul.f32 v9, v7;
	v2 =	vadd.f32 $1.000000010e-07, v2;
	[tilespmem:s4+$0xBE10] =	vst v5;
	v8 =	vpop (erf)  }
0x346: {  	v4 =	vadd.f32 $1.000000010e-07, v4;
	[tilespmem:s4+$0xBE20] =	vst v3;
	v5 =	vmul.f32 v8, v6  }
0x347: {  	v3 =	vadd.f32 $1.000000010e-07, v7;
	[tilespmem:s4+$0xBE30] =	vst v2  }
0x348: {  	[tilespmem:s4+$0xBE40] =	vst v4;
	v2 =	vadd.f32 $1.000000010e-07, v5  }
0x349: {  	[tilespmem:s4+$0xBE50] =	vst v3  }
0x34a: {  	s22 =	simm.s32 $0x0;
	[tilespmem:s4+$0xBE60] =	vst v2  }
0x34b: {  	[hbm4b:s16+s22] =	stream.linear.scatter [tilespmem:s25], [sflag:$0x3], $0x2000, $0x38;
	[tilespmem:$0x1BA80] =	vst v63  }
0x34c: {  	_ =	swait.ge [sflag:s30], $0x1C00  }
0x34d: {  	[sflag:s30] =	ssyncset.done $0x0  }
0x34e: {  	[sflag:s30] =	ssyncadd.s32 $0xFFFFE400  }
0x34f: {  	_ =	swait.ge [sflag:s28], $0x2000  }
0x350: {  	[sflag:s28] =	ssyncset.done $0x0  }
0x351: {  	s1 =	simm.s32 $0x0;
	[sflag:s28] =	ssyncadd.s32 $0xFFFFE000  }
0x352: {  	v3 =	vld [tilespmem:s1+$0xDE70]  }
0x353: {  	v2 =	vld [tilespmem:s1+$0xDE00]  }
0x354: {  	v4 =	vld [tilespmem:s1+$0xDE10];
	_ =	sdelay $0x1  }
0x355: {  	v5 =	vld [tilespmem:s1+$0xDE20]  }
0x356: {  	v6 =	vunpack.i.l.bf16.f32 v3  }
0x357: {  	v8 =	vld [tilespmem:s1+$0xDE30];
	v7 =	vunpack.i.l.bf16.f32 v2;
	v6 =	vadd.f32 $1.000000020e-16, v6  }
0x358: {  	v11 =	vld [tilespmem:s1+$0xDE40];
	v9 =	vunpack.i.l.bf16.f32 v4;
	v7 =	vadd.f32 $1.000000020e-16, v7  }
0x359: {  	v9 =	vadd.f32 $1.000000020e-16, v9;
	(erf) = vrcp.f32 v6  }
0x35a: {  	v10 =	vunpack.i.l.bf16.f32 v5;
	(erf) = vrcp.f32 v7  }
0x35b: {  	v10 =	vadd.f32 $1.000000020e-16, v10;
	v6 =	vld [tilespmem:s1+$0xDE50];
	(erf) = vrcp.f32 v9  }
0x35c: {  	v9 =	vunpack.i.u.bf16.f32 v2  }
0x35d: {  	v7 =	vld [tilespmem:s1+$0xDE60];
	v2 =	vunpack.i.l.bf16.f32 v8;
	(erf) = vrcp.f32 v10;
	v10 =	vunpack.i.l.bf16.f32 v11  }
0x35e: {  	v2 =	vadd.f32 $1.000000020e-16, v2;
	v13 =	vadd.f32 $1.000000020e-16, v10  }
0x35f: {  	s0 =	simm.s32 $0x80;
	v4 =	vunpack.i.u.bf16.f32 v4  }
0x360: {  	v5 =	vunpack.i.u.bf16.f32 v5;
	v10 =	vld [tilespmem:s0+$0xDE70];
	v12 =	vunpack.i.l.bf16.f32 v6;
	(erf) = vrcp.f32 v2  }
0x361: {  	v2 =	vunpack.i.u.bf16.f32 v8;
	v8 =	vunpack.i.u.bf16.f32 v3;
	v12 =	vadd.f32 $1.000000020e-16, v12  }
0x362: {  	v15 =	vld [tilespmem:s0+$0xDE00];
	v3 =	vunpack.i.u.bf16.f32 v11;
	v14 =	vunpack.i.l.bf16.f32 v7;
	(erf) = vrcp.f32 v13;
	v13 =	vpop (erf)  }
0x363: {  	v16 =	vld [tilespmem:s0+$0xDE10];
	v14 =	vadd.f32 $1.000000020e-16, v14;
	(erf) = vrcp.f32 v12;
	v8 =	vmul.f32 v13, v8;
	v11 =	vpop (erf)  }
0x364: {  	v17 =	vld [tilespmem:s0+$0xDE20];
	v12 =	vunpack.i.u.bf16.f32 v6;
	v13 =	vunpack.i.u.bf16.f32 v7;
	v6 =	vmul.f32 v11, v9;
	v7 =	vpop (erf)  }
0x365: {  	v19 =	vld [tilespmem:s0+$0xDE30];
	v11 =	vunpack.i.l.bf16.f32 v10;
	v9 =	vmul.f32 v7, v4;
	v4 =	vadd.f32 $1.000000010e-07, v8  }
0x366: {  	(erf) = vrcp.f32 v14;
	v14 =	vld [tilespmem:s0+$0xDE40];
	v7 =	vpop (erf);
	v11 =	vadd.f32 $1.000000020e-16, v11;
	v20 =	vadd.f32 $1.000000010e-07, v6  }
0x367: {  	v8 =	vmul.f32 v7, v5;
	v5 =	vld [tilespmem:s0+$0xDE50];
	v7 =	vunpack.i.u.bf16.f32 v15;
	v15 =	vunpack.i.l.bf16.f32 v15;
	[tilespmem:s1+$0x9E70] =	vst v4  }
0x368: {  	v6 =	vunpack.i.u.bf16.f32 v16;
	v16 =	vunpack.i.l.bf16.f32 v16;
	v15 =	vadd.f32 $1.000000020e-16, v15;
	v4 =	vld [tilespmem:s0+$0xDE60]  }
0x369: {  	v18 =	vunpack.i.l.bf16.f32 v17;
	v16 =	vadd.f32 $1.000000020e-16, v16;
	(erf) = vrcp.f32 v11  }
0x36a: {  	v18 =	vadd.f32 $1.000000020e-16, v18;
	v11 =	vunpack.i.l.bf16.f32 v19;
	(erf) = vrcp.f32 v15  }
0x36b: {  	v11 =	vadd.f32 $1.000000020e-16, v11;
	v15 =	vunpack.i.l.bf16.f32 v14;
	(erf) = vrcp.f32 v16  }
0x36c: {  	v15 =	vadd.f32 $1.000000020e-16, v15;
	v62 =	vunpack.i.l.bf16.f32 v5;
	(erf) = vrcp.f32 v18  }
0x36d: {  	v16 =	vpop (erf);
	v21 =	vadd.f32 $1.000000020e-16, v62;
	(erf) = vrcp.f32 v11;
	v63 =	vunpack.i.l.bf16.f32 v4  }
0x36e: {  	v14 =	vunpack.i.u.bf16.f32 v14;
	v18 =	vpop (erf);
	(erf) = vrcp.f32 v15;
	v22 =	vadd.f32 $1.000000020e-16, v63  }
0x36f: {  	v5 =	vunpack.i.u.bf16.f32 v5;
	v11 =	vunpack.i.u.bf16.f32 v17;
	v17 =	vpop (erf);
	(erf) = vrcp.f32 v21  }
0x370: {  	s11 =	simm.s32 $0x600;
	s4 =	simm.s32 $0x100;
	[tilespmem:s1+$0x9E00] =	vst v20;
	v15 =	vunpack.i.u.bf16.f32 v19;
	v4 =	vunpack.i.u.bf16.f32 v4;
	v19 =	vpop (erf);
	(erf) = vrcp.f32 v22  }
.LBB2_23:
0x371: {  	p1 =	sne.s32 s11, $0x6E00;
	v20 =	vld [tilespmem:s4+$0xDE70];
	v22 =	vadd.f32 $1.000000010e-07, v9;
	v16 =	vmul.f32 v16, v2;
	v18 =	vmul.f32 v18, v3;
	v2 =	vmovc v15;
	v3 =	vmovc v14  }
0x372: {  	v10 =	vunpack.i.u.bf16.f32 v10;
	v12 =	vmul.f32 v17, v12;
	v13 =	vmul.f32 v19, v13;
	v14 =	vld [tilespmem:s4+$0xDE00];
	v15 =	vpop (erf)  }
0x373: {  	v8 =	vadd.f32 $1.000000010e-07, v8;
	v17 =	vld [tilespmem:s4+$0xDE10];
	v23 =	vmul.f32 v15, v10;
	v15 =	vpop (erf);
	v19 =	vadd.f32 $1.000000010e-07, v16;
	[tilespmem:s1+$0x9E10] =	vst v22  }
0x374: {  	v12 =	vadd.f32 $1.000000010e-07, v12;
	v21 =	vld [tilespmem:s4+$0xDE20];
	v7 =	vmul.f32 v15, v7;
	v9 =	vpop (erf);
	v15 =	vadd.f32 $1.000000010e-07, v18  }
0x375: {  	v13 =	vadd.f32 $1.000000010e-07, v13;
	v22 =	vld [tilespmem:s4+$0xDE30];
	v9 =	vmul.f32 v9, v6;
	v6 =	vadd.f32 $1.000000010e-07, v23;
	v10 =	vpop (erf);
	[tilespmem:s1+$0x9E20] =	vst v8  }
0x376: {  	v23 =	vld [tilespmem:s4+$0xDE40];
	v26 =	vunpack.i.l.bf16.f32 v20;
	v24 =	vadd.f32 $1.000000010e-07, v7;
	v8 =	vmul.f32 v10, v11;
	v16 =	vpop (erf);
	[tilespmem:s1+$0x9E30] =	vst v19  }
0x377: {  	v25 =	vld [tilespmem:s4+$0xDE50];
	v7 =	vunpack.i.u.bf16.f32 v14;
	v10 =	vunpack.i.l.bf16.f32 v14;
	v11 =	vadd.f32 $1.000000020e-16, v26;
	[tilespmem:s0+$0x9E70] =	vst v6;
	v18 =	vpop (erf)  }
0x378: {  	v26 =	vld [tilespmem:s4+$0xDE60];
	v6 =	vunpack.i.u.bf16.f32 v17;
	v14 =	vunpack.i.l.bf16.f32 v17;
	v27 =	vadd.f32 $1.000000020e-16, v10;
	[tilespmem:s0+$0x9E00] =	vst v24;
	v17 =	vpop (erf)  }
0x379: {  	v24 =	vunpack.i.l.bf16.f32 v21;
	v14 =	vadd.f32 $1.000000020e-16, v14;
	(erf) = vrcp.f32 v11;
	v19 =	vpop (erf);
	[tilespmem:s1+$0x9E40] =	vst v15  }
0x37a: {  	v11 =	vunpack.i.l.bf16.f32 v22;
	v15 =	vadd.f32 $1.000000020e-16, v24;
	(erf) = vrcp.f32 v27;
	[tilespmem:s1+$0x9E50] =	vst v12;
	v10 =	vmovc v20;
	v12 =	vmovc v5  }
0x37b: {  	v5 =	vunpack.i.l.bf16.f32 v23;
	v11 =	vadd.f32 $1.000000020e-16, v11;
	(erf) = vrcp.f32 v14;
	[tilespmem:s1+$0x9E60] =	vst v13;
	v13 =	vmovc v4;
	s1 =	smov.u32 s0;
	s0 =	smov.u32 s4  }
.Ltmp13:
0x37c: {  	v4 =	vunpack.i.l.bf16.f32 v25;
	v5 =	vadd.f32 $1.000000020e-16, v5;
	(erf) = vrcp.f32 v15;
	(pc) =	sbr.rel @p1 .LBB2_23-.Ltmp13, $4  }
0x37d: {  	v14 =	vunpack.i.l.bf16.f32 v26;
	v4 =	vadd.f32 $1.000000020e-16, v4;
	(erf) = vrcp.f32 v11  }
0x37e: {  	v11 =	vunpack.i.u.bf16.f32 v21;
	v20 =	vadd.f32 $1.000000020e-16, v14;
	(erf) = vrcp.f32 v5  }
0x37f: {  	v15 =	vunpack.i.u.bf16.f32 v22;
	v14 =	vunpack.i.u.bf16.f32 v23;
	(erf) = vrcp.f32 v4  }
0x380: {  	s4 =	sshra.s32 s11, $0x2;
	s11 =	sadd.s32 $0x200, s11;
	v5 =	vunpack.i.u.bf16.f32 v25;
	v4 =	vunpack.i.u.bf16.f32 v26;
	(erf) = vrcp.f32 v20  }
0x381: {  	v20 =	vld [tilespmem:s4+$0xDE70]  }
0x382: {  	v21 =	vld [tilespmem:s4+$0xDE00]  }
0x383: {  	v9 =	vadd.f32 $1.000000010e-07, v9  }
0x384: {  	v2 =	vmul.f32 v16, v2  }
0x385: {  	v22 =	vld [tilespmem:s4+$0xDE10];
	v8 =	vadd.f32 $1.000000010e-07, v8;
	v3 =	vmul.f32 v18, v3;
	v10 =	vunpack.i.u.bf16.f32 v10;
	v30 =	vpop (erf);
	[tilespmem:s1+$0x9E10] =	vst v9  }
0x386: {  	v10 =	vmul.f32 v30, v10;
	v2 =	vadd.f32 $1.000000010e-07, v2;
	v9 =	vld [tilespmem:s4+$0xDE20];
	v32 =	vunpack.i.l.bf16.f32 v20  }
0x387: {  	v12 =	vmul.f32 v17, v12;
	v31 =	vld [tilespmem:s4+$0xDE30];
	[tilespmem:s1+$0x9E20] =	vst v8;
	v34 =	vunpack.i.l.bf16.f32 v21;
	v8 =	vadd.f32 $1.000000020e-16, v32  }
0x388: {  	v13 =	vmul.f32 v19, v13;
	v33 =	vld [tilespmem:s4+$0xDE40];
	v10 =	vadd.f32 $1.000000010e-07, v10;
	[tilespmem:s1+$0x9E30] =	vst v2;
	v2 =	vadd.f32 $1.000000020e-16, v34  }
0x389: {  	v35 =	vpop (erf);
	v3 =	vadd.f32 $1.000000010e-07, v3;
	v12 =	vadd.f32 $1.000000010e-07, v12;
	(erf) = vrcp.f32 v8  }
0x38a: {  	v7 =	vmul.f32 v35, v7;
	v37 =	vpop (erf);
	v36 =	vld [tilespmem:s4+$0xDE50];
	v38 =	vunpack.i.l.bf16.f32 v22;
	[tilespmem:s0+$0x9E70] =	vst v10;
	(erf) = vrcp.f32 v2  }
0x38b: {  	v43 =	vadd.f32 $1.000000010e-07, v13;
	v10 =	vadd.f32 $1.000000020e-16, v38;
	v39 =	vld [tilespmem:s4+$0xDE60];
	v40 =	vunpack.i.l.bf16.f32 v9  }
0x38c: {  	v7 =	vadd.f32 $1.000000010e-07, v7;
	v41 =	vunpack.i.l.bf16.f32 v31;
	v8 =	vadd.f32 $1.000000020e-16, v40  }
0x38d: {  	v23 =	vpop (erf);
	v24 =	vunpack.i.l.bf16.f32 v33;
	v19 =	vadd.f32 $1.000000020e-16, v41;
	(erf) = vrcp.f32 v10  }
0x38e: {  	v42 =	vpop (erf);
	v11 =	vmul.f32 v23, v11;
	v24 =	vadd.f32 $1.000000020e-16, v24;
	(erf) = vrcp.f32 v8  }
0x38f: {  	v44 =	vpop (erf);
	v2 =	vmul.f32 v37, v6;
	v25 =	vunpack.i.l.bf16.f32 v36;
	(erf) = vrcp.f32 v19  }
0x390: {  	[tilespmem:s0+$0x9E00] =	vst v7;
	v45 =	vpop (erf);
	v25 =	vadd.f32 $1.000000020e-16, v25;
	v46 =	vunpack.i.l.bf16.f32 v39;
	(erf) = vrcp.f32 v24  }
0x391: {  	v21 =	vunpack.i.u.bf16.f32 v21;
	v48 =	vunpack.i.u.bf16.f32 v20;
	v47 =	vpop (erf);
	[tilespmem:s1+$0x9E40] =	vst v3;
	v3 =	vadd.f32 $1.000000020e-16, v46  }
0x392: {  	[tilespmem:s1+$0x9E50] =	vst v12;
	v10 =	vmul.f32 v42, v15;
	v2 =	vadd.f32 $1.000000010e-07, v2;
	(erf) = vrcp.f32 v25;
	v49 =	vpop (erf)  }
0x393: {  	v11 =	vadd.f32 $1.000000010e-07, v11;
	[tilespmem:s1+$0x9E60] =	vst v43;
	(erf) = vrcp.f32 v3;
	v3 =	vmul.f32 v49, v48;
	v50 =	vpop (erf)  }
0x394: {  	v10 =	vadd.f32 $1.000000010e-07, v10;
	[tilespmem:s0+$0x9E10] =	vst v2;
	v2 =	vmul.f32 v50, v21  }
0x395: {  	v51 =	vmul.f32 v44, v14;
	[tilespmem:s0+$0x9E20] =	vst v11;
	v3 =	vadd.f32 $1.000000010e-07, v3  }
0x396: {  	v5 =	vmul.f32 v45, v5;
	[tilespmem:s0+$0x9E30] =	vst v10;
	v53 =	vpop (erf);
	v2 =	vadd.f32 $1.000000010e-07, v2  }
0x397: {  	v52 =	vunpack.i.u.bf16.f32 v22;
	v4 =	vmul.f32 v47, v4;
	v8 =	vadd.f32 $1.000000010e-07, v51;
	v54 =	vpop (erf);
	[tilespmem:s4+$0x9E70] =	vst v3  }
0x398: {  	v5 =	vadd.f32 $1.000000010e-07, v5;
	v7 =	vmul.f32 v53, v52;
	v55 =	vpop (erf);
	v3 =	vunpack.i.u.bf16.f32 v9;
	[tilespmem:s4+$0x9E00] =	vst v2  }
0x399: {  	v56 =	vunpack.i.u.bf16.f32 v33;
	v4 =	vadd.f32 $1.000000010e-07, v4;
	v57 =	vpop (erf);
	v3 =	vmul.f32 v54, v3;
	[tilespmem:s0+$0x9E40] =	vst v8  }
0x39a: {  	v58 =	vadd.f32 $1.000000010e-07, v7;
	v2 =	vunpack.i.u.bf16.f32 v31;
	v61 =	vmul.f32 v57, v56;
	[tilespmem:s0+$0x9E50] =	vst v5  }
0x39b: {  	v59 =	vunpack.i.u.bf16.f32 v36;
	v60 =	vpop (erf);
	v2 =	vmul.f32 v55, v2;
	[tilespmem:s0+$0x9E60] =	vst v4;
	v3 =	vadd.f32 $1.000000010e-07, v3  }
0x39c: {  	v6 =	vunpack.i.u.bf16.f32 v39;
	v7 =	vmul.f32 v60, v59;
	[tilespmem:s4+$0x9E10] =	vst v58;
	v4 =	vadd.f32 $1.000000010e-07, v61;
	v62 =	vpop (erf)  }
0x39d: {  	v2 =	vadd.f32 $1.000000010e-07, v2;
	v63 =	vmul.f32 v62, v6;
	[tilespmem:s4+$0x9E20] =	vst v3  }
0x39e: {  	v3 =	vadd.f32 $1.000000010e-07, v7;
	[tilespmem:s4+$0x9E40] =	vst v4  }
0x39f: {  	[tilespmem:s4+$0x9E30] =	vst v2;
	v2 =	vadd.f32 $1.000000010e-07, v63  }
0x3a0: {  	[tilespmem:s4+$0x9E50] =	vst v3  }
0x3a1: {  	s22 =	simm.s32 $0x0;
	[tilespmem:s4+$0x9E60] =	vst v2  }
0x3a2: {  	[hbm4b:s17+s22] =	stream.linear.scatter [tilespmem:s24], [sflag:$0x3], $0x1C00, $0x38;
	[tilespmem:$0x1BA80] =	vst v63  }
0x3a3: {  	_ =	swait.ge [sflag:s28], $0x2000  }
.Ltmp14:
0x3a4: {  	[sflag:s28] =	ssyncset.done $0x0;
	(pc) =	sbr.rel @p0 .LBB2_28-.Ltmp14, $4  }
0x3a5: {  	[sflag:s28] =	ssyncadd.s32 $0xFFFFE000  }
0x3a6: {  	_ =	swait.ge [sflag:s28], $0x1C00  }
0x3a7: {  	[sflag:s28] =	ssyncset.done $0x0  }
0x3a8: {  	[sflag:s28] =	ssyncadd.s32 $0xFFFFE400  }
0x3a9: {  	[tilespmem:s20], [sflag:$0x1] =	stream.linear.gather [spmem:s10], $0x400, $0x38;
	[tilespmem:$0x1BA80] =	vst v63  }
0x3aa: {  	_ =	swait.ge [sflag:s30], $0x400  }
0x3ab: {  	[sflag:s30] =	ssyncset.done $0x0  }
0x3ac: {  	s1 =	simm.s32 $0x0;
	[sflag:s30] =	ssyncadd.s32 $0xFFFFFC00  }
0x3ad: {  	v3 =	vld [tilespmem:s1+$0xDE70]  }
0x3ae: {  	v2 =	vld [tilespmem:s1+$0xDE00]  }
0x3af: {  	v4 =	vld [tilespmem:s1+$0xDE10];
	_ =	sdelay $0x1  }
0x3b0: {  	v5 =	vld [tilespmem:s1+$0xDE20]  }
0x3b1: {  	v6 =	vunpack.i.l.bf16.f32 v3  }
0x3b2: {  	v8 =	vld [tilespmem:s1+$0xDE30];
	v7 =	vunpack.i.l.bf16.f32 v2;
	v6 =	vadd.f32 $1.000000020e-16, v6  }
0x3b3: {  	v11 =	vld [tilespmem:s1+$0xDE40];
	v9 =	vunpack.i.l.bf16.f32 v4;
	v7 =	vadd.f32 $1.000000020e-16, v7  }
0x3b4: {  	v9 =	vadd.f32 $1.000000020e-16, v9;
	(erf) = vrcp.f32 v6  }
0x3b5: {  	v10 =	vunpack.i.l.bf16.f32 v5;
	(erf) = vrcp.f32 v7  }
0x3b6: {  	v10 =	vadd.f32 $1.000000020e-16, v10;
	v6 =	vld [tilespmem:s1+$0xDE50];
	(erf) = vrcp.f32 v9  }
0x3b7: {  	v9 =	vunpack.i.u.bf16.f32 v2  }
0x3b8: {  	v7 =	vld [tilespmem:s1+$0xDE60];
	v2 =	vunpack.i.l.bf16.f32 v8;
	(erf) = vrcp.f32 v10;
	v10 =	vunpack.i.l.bf16.f32 v11  }
0x3b9: {  	v2 =	vadd.f32 $1.000000020e-16, v2;
	v13 =	vadd.f32 $1.000000020e-16, v10  }
0x3ba: {  	s0 =	simm.s32 $0x80;
	v4 =	vunpack.i.u.bf16.f32 v4  }
0x3bb: {  	v5 =	vunpack.i.u.bf16.f32 v5;
	v10 =	vld [tilespmem:s0+$0xDE70];
	v12 =	vunpack.i.l.bf16.f32 v6;
	(erf) = vrcp.f32 v2  }
0x3bc: {  	v2 =	vunpack.i.u.bf16.f32 v8;
	v8 =	vunpack.i.u.bf16.f32 v3;
	v12 =	vadd.f32 $1.000000020e-16, v12  }
0x3bd: {  	v15 =	vld [tilespmem:s0+$0xDE00];
	v3 =	vunpack.i.u.bf16.f32 v11;
	v14 =	vunpack.i.l.bf16.f32 v7;
	(erf) = vrcp.f32 v13;
	v13 =	vpop (erf)  }
0x3be: {  	v16 =	vld [tilespmem:s0+$0xDE10];
	v14 =	vadd.f32 $1.000000020e-16, v14;
	(erf) = vrcp.f32 v12;
	v8 =	vmul.f32 v13, v8;
	v11 =	vpop (erf)  }
0x3bf: {  	v17 =	vld [tilespmem:s0+$0xDE20];
	v12 =	vunpack.i.u.bf16.f32 v6;
	v13 =	vunpack.i.u.bf16.f32 v7;
	v6 =	vmul.f32 v11, v9;
	v7 =	vpop (erf)  }
0x3c0: {  	v19 =	vld [tilespmem:s0+$0xDE30];
	v11 =	vunpack.i.l.bf16.f32 v10;
	v9 =	vmul.f32 v7, v4;
	v4 =	vadd.f32 $1.000000010e-07, v8  }
0x3c1: {  	(erf) = vrcp.f32 v14;
	v14 =	vld [tilespmem:s0+$0xDE40];
	v7 =	vpop (erf);
	v11 =	vadd.f32 $1.000000020e-16, v11;
	v20 =	vadd.f32 $1.000000010e-07, v6  }
0x3c2: {  	v8 =	vmul.f32 v7, v5;
	v5 =	vld [tilespmem:s0+$0xDE50];
	v7 =	vunpack.i.u.bf16.f32 v15;
	v15 =	vunpack.i.l.bf16.f32 v15;
	[tilespmem:s1+$0x9E70] =	vst v4  }
0x3c3: {  	v6 =	vunpack.i.u.bf16.f32 v16;
	v16 =	vunpack.i.l.bf16.f32 v16;
	v15 =	vadd.f32 $1.000000020e-16, v15;
	v4 =	vld [tilespmem:s0+$0xDE60]  }
0x3c4: {  	v18 =	vunpack.i.l.bf16.f32 v17;
	v16 =	vadd.f32 $1.000000020e-16, v16;
	(erf) = vrcp.f32 v11  }
0x3c5: {  	v18 =	vadd.f32 $1.000000020e-16, v18;
	v11 =	vunpack.i.l.bf16.f32 v19;
	(erf) = vrcp.f32 v15  }
0x3c6: {  	v11 =	vadd.f32 $1.000000020e-16, v11;
	v15 =	vunpack.i.l.bf16.f32 v14;
	(erf) = vrcp.f32 v16  }
0x3c7: {  	v15 =	vadd.f32 $1.000000020e-16, v15;
	v21 =	vunpack.i.l.bf16.f32 v5;
	(erf) = vrcp.f32 v18  }
0x3c8: {  	v16 =	vpop (erf);
	v21 =	vadd.f32 $1.000000020e-16, v21;
	(erf) = vrcp.f32 v11;
	v22 =	vunpack.i.l.bf16.f32 v4  }
0x3c9: {  	v14 =	vunpack.i.u.bf16.f32 v14;
	v18 =	vpop (erf);
	(erf) = vrcp.f32 v15;
	v22 =	vadd.f32 $1.000000020e-16, v22  }
0x3ca: {  	v5 =	vunpack.i.u.bf16.f32 v5;
	v11 =	vunpack.i.u.bf16.f32 v17;
	v17 =	vpop (erf);
	(erf) = vrcp.f32 v21  }
0x3cb: {  	s4 =	simm.s32 $0x100;
	s11 =	simm.s32 $0x600;
	[tilespmem:s1+$0x9E00] =	vst v20;
	v15 =	vunpack.i.u.bf16.f32 v19;
	v4 =	vunpack.i.u.bf16.f32 v4;
	v19 =	vpop (erf);
	(erf) = vrcp.f32 v22  }
.LBB2_26:
0x3cc: {  	p1 =	sne.s32 s11, $0xE00;
	v20 =	vld [tilespmem:s4+$0xDE70];
	v22 =	vadd.f32 $1.000000010e-07, v9;
	v16 =	vmul.f32 v16, v2;
	v18 =	vmul.f32 v18, v3;
	v2 =	vmovc v15;
	v3 =	vmovc v14  }
0x3cd: {  	v10 =	vunpack.i.u.bf16.f32 v10;
	v12 =	vmul.f32 v17, v12;
	v13 =	vmul.f32 v19, v13;
	v14 =	vld [tilespmem:s4+$0xDE00];
	v15 =	vpop (erf)  }
0x3ce: {  	v8 =	vadd.f32 $1.000000010e-07, v8;
	v17 =	vld [tilespmem:s4+$0xDE10];
	v23 =	vmul.f32 v15, v10;
	v15 =	vpop (erf);
	v19 =	vadd.f32 $1.000000010e-07, v16;
	[tilespmem:s1+$0x9E10] =	vst v22  }
0x3cf: {  	v12 =	vadd.f32 $1.000000010e-07, v12;
	v21 =	vld [tilespmem:s4+$0xDE20];
	v7 =	vmul.f32 v15, v7;
	v9 =	vpop (erf);
	v15 =	vadd.f32 $1.000000010e-07, v18  }
0x3d0: {  	v13 =	vadd.f32 $1.000000010e-07, v13;
	v22 =	vld [tilespmem:s4+$0xDE30];
	v9 =	vmul.f32 v9, v6;
	v6 =	vadd.f32 $1.000000010e-07, v23;
	v10 =	vpop (erf);
	[tilespmem:s1+$0x9E20] =	vst v8  }
0x3d1: {  	v23 =	vld [tilespmem:s4+$0xDE40];
	v26 =	vunpack.i.l.bf16.f32 v20;
	v24 =	vadd.f32 $1.000000010e-07, v7;
	v8 =	vmul.f32 v10, v11;
	v16 =	vpop (erf);
	[tilespmem:s1+$0x9E30] =	vst v19  }
0x3d2: {  	v25 =	vld [tilespmem:s4+$0xDE50];
	v7 =	vunpack.i.u.bf16.f32 v14;
	v10 =	vunpack.i.l.bf16.f32 v14;
	v11 =	vadd.f32 $1.000000020e-16, v26;
	[tilespmem:s0+$0x9E70] =	vst v6;
	v18 =	vpop (erf)  }
0x3d3: {  	v26 =	vld [tilespmem:s4+$0xDE60];
	v6 =	vunpack.i.u.bf16.f32 v17;
	v14 =	vunpack.i.l.bf16.f32 v17;
	v27 =	vadd.f32 $1.000000020e-16, v10;
	[tilespmem:s0+$0x9E00] =	vst v24;
	v17 =	vpop (erf)  }
0x3d4: {  	v24 =	vunpack.i.l.bf16.f32 v21;
	v14 =	vadd.f32 $1.000000020e-16, v14;
	(erf) = vrcp.f32 v11;
	v19 =	vpop (erf);
	[tilespmem:s1+$0x9E40] =	vst v15  }
0x3d5: {  	v11 =	vunpack.i.l.bf16.f32 v22;
	v15 =	vadd.f32 $1.000000020e-16, v24;
	(erf) = vrcp.f32 v27;
	[tilespmem:s1+$0x9E50] =	vst v12;
	v10 =	vmovc v20;
	v12 =	vmovc v5  }
0x3d6: {  	v5 =	vunpack.i.l.bf16.f32 v23;
	v11 =	vadd.f32 $1.000000020e-16, v11;
	(erf) = vrcp.f32 v14;
	[tilespmem:s1+$0x9E60] =	vst v13;
	v13 =	vmovc v4;
	s1 =	smov.u32 s0;
	s0 =	smov.u32 s4  }
.Ltmp15:
0x3d7: {  	v4 =	vunpack.i.l.bf16.f32 v25;
	v5 =	vadd.f32 $1.000000020e-16, v5;
	(erf) = vrcp.f32 v15;
	(pc) =	sbr.rel @p1 .LBB2_26-.Ltmp15, $4  }
0x3d8: {  	v14 =	vunpack.i.l.bf16.f32 v26;
	v4 =	vadd.f32 $1.000000020e-16, v4;
	(erf) = vrcp.f32 v11  }
0x3d9: {  	v11 =	vunpack.i.u.bf16.f32 v21;
	v20 =	vadd.f32 $1.000000020e-16, v14;
	(erf) = vrcp.f32 v5  }
0x3da: {  	v15 =	vunpack.i.u.bf16.f32 v22;
	v14 =	vunpack.i.u.bf16.f32 v23;
	(erf) = vrcp.f32 v4  }
0x3db: {  	s4 =	sshra.s32 s11, $0x2;
	s11 =	sadd.s32 $0x200, s11;
	v5 =	vunpack.i.u.bf16.f32 v25;
	v4 =	vunpack.i.u.bf16.f32 v26;
	(erf) = vrcp.f32 v20  }
0x3dc: {  	v20 =	vld [tilespmem:s4+$0xDE70]  }
0x3dd: {  	v21 =	vld [tilespmem:s4+$0xDE00]  }
0x3de: {  	v9 =	vadd.f32 $1.000000010e-07, v9  }
0x3df: {  	v2 =	vmul.f32 v16, v2  }
0x3e0: {  	v22 =	vld [tilespmem:s4+$0xDE10];
	v8 =	vadd.f32 $1.000000010e-07, v8;
	v3 =	vmul.f32 v18, v3;
	v10 =	vunpack.i.u.bf16.f32 v10;
	v30 =	vpop (erf);
	[tilespmem:s1+$0x9E10] =	vst v9  }
0x3e1: {  	v10 =	vmul.f32 v30, v10;
	v2 =	vadd.f32 $1.000000010e-07, v2;
	v9 =	vld [tilespmem:s4+$0xDE20];
	v32 =	vunpack.i.l.bf16.f32 v20  }
0x3e2: {  	v12 =	vmul.f32 v17, v12;
	v31 =	vld [tilespmem:s4+$0xDE30];
	[tilespmem:s1+$0x9E20] =	vst v8;
	v34 =	vunpack.i.l.bf16.f32 v21;
	v8 =	vadd.f32 $1.000000020e-16, v32  }
0x3e3: {  	v13 =	vmul.f32 v19, v13;
	v33 =	vld [tilespmem:s4+$0xDE40];
	v10 =	vadd.f32 $1.000000010e-07, v10;
	[tilespmem:s1+$0x9E30] =	vst v2;
	v2 =	vadd.f32 $1.000000020e-16, v34  }
0x3e4: {  	v35 =	vpop (erf);
	v3 =	vadd.f32 $1.000000010e-07, v3;
	v12 =	vadd.f32 $1.000000010e-07, v12;
	(erf) = vrcp.f32 v8  }
0x3e5: {  	v7 =	vmul.f32 v35, v7;
	v37 =	vpop (erf);
	v36 =	vld [tilespmem:s4+$0xDE50];
	v38 =	vunpack.i.l.bf16.f32 v22;
	[tilespmem:s0+$0x9E70] =	vst v10;
	(erf) = vrcp.f32 v2  }
0x3e6: {  	v43 =	vadd.f32 $1.000000010e-07, v13;
	v10 =	vadd.f32 $1.000000020e-16, v38;
	v39 =	vld [tilespmem:s4+$0xDE60];
	v40 =	vunpack.i.l.bf16.f32 v9  }
0x3e7: {  	v7 =	vadd.f32 $1.000000010e-07, v7;
	v41 =	vunpack.i.l.bf16.f32 v31;
	v8 =	vadd.f32 $1.000000020e-16, v40  }
0x3e8: {  	v23 =	vpop (erf);
	v24 =	vunpack.i.l.bf16.f32 v33;
	v19 =	vadd.f32 $1.000000020e-16, v41;
	(erf) = vrcp.f32 v10  }
0x3e9: {  	v42 =	vpop (erf);
	v11 =	vmul.f32 v23, v11;
	v24 =	vadd.f32 $1.000000020e-16, v24;
	(erf) = vrcp.f32 v8  }
0x3ea: {  	v44 =	vpop (erf);
	v2 =	vmul.f32 v37, v6;
	v25 =	vunpack.i.l.bf16.f32 v36;
	(erf) = vrcp.f32 v19  }
0x3eb: {  	[tilespmem:s0+$0x9E00] =	vst v7;
	v45 =	vpop (erf);
	v25 =	vadd.f32 $1.000000020e-16, v25;
	v46 =	vunpack.i.l.bf16.f32 v39;
	(erf) = vrcp.f32 v24  }
0x3ec: {  	v21 =	vunpack.i.u.bf16.f32 v21;
	v48 =	vunpack.i.u.bf16.f32 v20;
	v47 =	vpop (erf);
	[tilespmem:s1+$0x9E40] =	vst v3;
	v3 =	vadd.f32 $1.000000020e-16, v46  }
0x3ed: {  	[tilespmem:s1+$0x9E50] =	vst v12;
	v10 =	vmul.f32 v42, v15;
	v2 =	vadd.f32 $1.000000010e-07, v2;
	(erf) = vrcp.f32 v25;
	v49 =	vpop (erf)  }
0x3ee: {  	v11 =	vadd.f32 $1.000000010e-07, v11;
	[tilespmem:s1+$0x9E60] =	vst v43;
	(erf) = vrcp.f32 v3;
	v3 =	vmul.f32 v49, v48;
	v50 =	vpop (erf)  }
0x3ef: {  	v10 =	vadd.f32 $1.000000010e-07, v10;
	[tilespmem:s0+$0x9E10] =	vst v2;
	v2 =	vmul.f32 v50, v21  }
0x3f0: {  	v51 =	vmul.f32 v44, v14;
	[tilespmem:s0+$0x9E20] =	vst v11;
	v3 =	vadd.f32 $1.000000010e-07, v3  }
0x3f1: {  	v5 =	vmul.f32 v45, v5;
	[tilespmem:s0+$0x9E30] =	vst v10;
	v53 =	vpop (erf);
	v2 =	vadd.f32 $1.000000010e-07, v2  }
0x3f2: {  	v52 =	vunpack.i.u.bf16.f32 v22;
	v4 =	vmul.f32 v47, v4;
	v8 =	vadd.f32 $1.000000010e-07, v51;
	v54 =	vpop (erf);
	[tilespmem:s4+$0x9E70] =	vst v3  }
0x3f3: {  	v5 =	vadd.f32 $1.000000010e-07, v5;
	v7 =	vmul.f32 v53, v52;
	v55 =	vpop (erf);
	v3 =	vunpack.i.u.bf16.f32 v9;
	[tilespmem:s4+$0x9E00] =	vst v2  }
0x3f4: {  	v56 =	vunpack.i.u.bf16.f32 v33;
	v4 =	vadd.f32 $1.000000010e-07, v4;
	v57 =	vpop (erf);
	v3 =	vmul.f32 v54, v3;
	[tilespmem:s0+$0x9E40] =	vst v8  }
0x3f5: {  	v58 =	vadd.f32 $1.000000010e-07, v7;
	v2 =	vunpack.i.u.bf16.f32 v31;
	v61 =	vmul.f32 v57, v56;
	[tilespmem:s0+$0x9E50] =	vst v5  }
0x3f6: {  	v59 =	vunpack.i.u.bf16.f32 v36;
	v60 =	vpop (erf);
	v2 =	vmul.f32 v55, v2;
	[tilespmem:s0+$0x9E60] =	vst v4;
	v3 =	vadd.f32 $1.000000010e-07, v3  }
0x3f7: {  	v6 =	vunpack.i.u.bf16.f32 v39;
	v7 =	vmul.f32 v60, v59;
	[tilespmem:s4+$0x9E10] =	vst v58;
	v4 =	vadd.f32 $1.000000010e-07, v61;
	v62 =	vpop (erf)  }
0x3f8: {  	v2 =	vadd.f32 $1.000000010e-07, v2;
	v63 =	vmul.f32 v62, v6;
	[tilespmem:s4+$0x9E20] =	vst v3  }
0x3f9: {  	v3 =	vadd.f32 $1.000000010e-07, v7;
	[tilespmem:s4+$0x9E40] =	vst v4  }
0x3fa: {  	[tilespmem:s4+$0x9E30] =	vst v2;
	v2 =	vadd.f32 $1.000000010e-07, v63  }
0x3fb: {  	[tilespmem:s4+$0x9E50] =	vst v3  }
.Ltmp16:
0x3fc: {  	s18 =	simm.s32 $0x0;
	s22 =	rddreg [dreg:$0x6];
	[tilespmem:s4+$0x9E60] =	vst v2;
	(pc) =	sbr.rel .LBB2_28-.Ltmp16, $4  }
0x3fd: {  	[hbm4b:s22+s18] =	stream.linear.scatter [tilespmem:s24], [sflag:$0x3], $0x400, $0x38;
	[tilespmem:$0x1BA80] =	vst v63  }
0x3fe: {  	_ =	swait.ge [sflag:s28], $0x400  }
0x3ff: {  	[sflag:s28] =	ssyncset.done $0x0  }
0x400: {  	[sflag:s28] =	ssyncadd.s32 $0xFFFFFC00  }
.LBB2_29:
0x401: {  	_ =	sfence.sel $0x180000  }
0x402: {  	[bflag:$0x0] =	sbarrier.arrive $0xFFFF  }
0x403: {  	_ =	strace $0x90000047  }
0x404: {  	s0 =	stileid.u32;
	[bflag:$0x2] =	sbarrier.arrive $0xFFFF  }
0x405: {  	p0 =	sne.s32 s0, $0x0;
	s0 =	rddreg [dreg:$0x4]  }
0x406: {  	s0 =	sadd.s32 @!p0 $0x100000, s0  }
0x407: {  	[sflag:s0] =	ssyncadd.tile.s32 @!p0 $0x1;
	_ =	shalt  }
.Lfunc_end2:
_tile_overlayer_lowered:
.L_overlay_start_2:
0x408: {  	(tag) =	ssettag $0x2  }
0x409: {  	s0 =	rddreg [dreg:$0x0];
	s2 =	stileid.u32  }
0x40a: {  	s1 =	rddreg [dreg:$0x1];
	p0 =	sne.s32 s2, $0x0  }
0x40b: {  	s3 =	rddreg [dreg:$0x2];
	[bflag:$0x3] =	sbarrier.arrive $0xFFFF;
	s2 =	simm.s32 @!p0 $0x1C04  }
0x40c: {  	[timem:s3], [sflag:s2] =	dma.local @!p0 [hbm:s0], s1  }
0x40d: {  	s0 =	simm.s32 @!p0 $0x4  }
0x40e: {  	_ =	swait.ge @!p0 [sflag:s0], s1  }
0x40f: {  	s1 =	ssub.s32 @!p0 $0x0, s1;
	[sflag:s0] =	ssyncset.done @!p0 $0x0  }
0x410: {  	[sflag:s0] =	ssyncadd.s32 @!p0 s1  }
0x411: {  	[bflag:$0x3] =	sbarrier.arrive $0xFFFF  }
0x412: {  	_ =	shalt  }

</sc_bundles>
